<compile_context>
chip_gen: v7x
topology: tpu7x:2x2x1
jax: 0.10.2.dev20260603
libtpu: 0.0.44.dev20260713+nightly
codegen_flags: <defaults>
</compile_context>

<pallas_src>
import functools

import numpy as np

import jax
import jax.numpy as jnp
from jax import lax
from jax.experimental import pallas as pl
from jax.experimental.pallas import tpu as pltpu
from jax.experimental.pallas import tpu_sc as plsc

N = 10000
E = 320000
D = 128
G = 64

NC = 2
NS = 16
NW = NC * NS
EPW = E // NW
K = 128
CPW = 80
CPH = CPW // 2
E_PAD = NW * CPW * K
RPT = 624
NP = 15 * RPT + 664


def _segsum_body(h_hbm, se_hbm, out_hbm, idx, rowsb, acc, g0, g1):
    c = lax.axis_index("c")
    s = lax.axis_index("s")
    wid = s * NC + c

    rows0 = rowsb.at[0]
    rows1 = rowsb.at[1]

    zv = jnp.zeros((16,), jnp.float32)

    def zrow(r, carry):
        for j in range(D // 16):
            rowsb[0, r, pl.ds(j * 16, 16)] = zv
        return carry

    lax.fori_loop(0, K, zrow, 0)

    base = s * RPT

    @pl.when(s < NS - 1)
    def _():
        for off, size in ((0, 128), (128, 128), (256, 128), (384, 128), (512, 112)):
            pltpu.sync_copy(rowsb.at[0, pl.ds(0, size)], acc.at[pl.ds(base + off, size)])

    @pl.when(s == NS - 1)
    def _():
        for off, size in ((0, 128), (128, 128), (256, 128), (384, 128), (512, 128), (640, 24)):
            pltpu.sync_copy(rowsb.at[0, pl.ds(0, size)], acc.at[pl.ds(base + off, size)])

    for half in range(2):
        pltpu.sync_copy(se_hbm.at[:, pl.ds(wid * CPW + half * CPH, CPH)], idx)
        pltpu.async_copy(h_hbm.at[idx.at[0, 0]], rows0, g0)
        if half == 0:
            plsc.subcore_barrier()

        def body(jj, carry):
            j0 = 2 * jj
            j1 = j0 + 1
            pltpu.async_copy(h_hbm.at[idx.at[0, j1]], rows1, g1)
            pltpu.make_async_copy(h_hbm.at[idx.at[0, j0]], rows0, g0).wait()
            pltpu.sync_copy(rows0, acc.at[idx.at[1, j0]], add=True)

            @pl.when(j0 + 2 < CPH)
            def _():
                pltpu.async_copy(h_hbm.at[idx.at[0, j0 + 2]], rows0, g0)

            pltpu.make_async_copy(h_hbm.at[idx.at[0, j1]], rows1, g1).wait()
            pltpu.sync_copy(rows1, acc.at[idx.at[1, j1]], add=True)
            return carry

        lax.fori_loop(0, CPH // 2, body, 0)

    plsc.subcore_barrier()

    @pl.when(s < NS - 1)
    def _():
        pltpu.sync_copy(acc.at[pl.ds(base, RPT)], out_hbm.at[c, pl.ds(base, RPT)])

    @pl.when(s == NS - 1)
    def _():
        pltpu.sync_copy(acc.at[pl.ds(base, 664)], out_hbm.at[c, pl.ds(base, 664)])


@functools.cache
def _make_segsum():
    return pl.kernel(
        _segsum_body,
        out_type=jax.ShapeDtypeStruct((NC, NP, D), jnp.float32),
        mesh=plsc.VectorSubcoreMesh(
            core_axis_name="c", subcore_axis_name="s", num_cores=NC, num_subcores=NS
        ),
        scratch_types=[
            pltpu.VMEM((2, CPH, K), jnp.int32),
            pltpu.VMEM((2, K, D), jnp.float32),
            pltpu.VMEM_SHARED((NP, D), jnp.float32),
            pltpu.SemaphoreType.DMA,
            pltpu.SemaphoreType.DMA,
        ],
    )


def _segsum(h, se):
    return _make_segsum()(h, se)


R = 2000
NB = N // R


def _mlp_bn_body(h_ref, p_ref, w1_ref, b1_ref, w2_ref, b2_ref, g_ref, b_ref,
                 o_ref, m_s, st_s):
    ph = pl.program_id(0)
    i = pl.program_id(1)

    @pl.when(ph == 0)
    def _():
        z = h_ref[...] + p_ref[0] + p_ref[1]
        a = jnp.maximum(
            jnp.dot(z, w1_ref[...], preferred_element_type=jnp.float32) + b1_ref[...],
            0.0,
        )
        m = jnp.dot(a, w2_ref[...], preferred_element_type=jnp.float32) + b2_ref[...]
        m_s[pl.ds(i * R, R), :] = m
        st = jnp.concatenate(
            [jnp.sum(m, axis=0, keepdims=True), jnp.sum(m * m, axis=0, keepdims=True)],
            axis=0,
        )

        @pl.when(i == 0)
        def _():
            st_s[...] = jnp.zeros_like(st_s)

        st_s[...] += st
        o_ref[...] = m

    @pl.when(ph == 1)
    def _():
        mu = st_s[0:1, :] * (1.0 / N)
        ex2 = st_s[1:2, :] * (1.0 / N)
        var = ex2 - mu * mu
        m = m_s[pl.ds(i * R, R), :]
        v = (m - mu) * lax.rsqrt(var + 1e-5) * g_ref[...] + b_ref[...]
        o_ref[...] = jnp.maximum(v, 0.0)


def _mlp_bn(h, p, w1, b1, w2, b2, g, b):
    return pl.pallas_call(
        _mlp_bn_body,
        grid=(2, NB),
        in_specs=[
            pl.BlockSpec((R, D), lambda ph, i: (i, 0)),
            pl.BlockSpec((NC, R, D), lambda ph, i: (0, i, 0)),
            pl.BlockSpec((D, D), lambda ph, i: (0, 0)),
            pl.BlockSpec((1, D), lambda ph, i: (0, 0)),
            pl.BlockSpec((D, D), lambda ph, i: (0, 0)),
            pl.BlockSpec((1, D), lambda ph, i: (0, 0)),
            pl.BlockSpec((1, D), lambda ph, i: (0, 0)),
            pl.BlockSpec((1, D), lambda ph, i: (0, 0)),
        ],
        out_specs=pl.BlockSpec((R, D), lambda ph, i: (i, 0)),
        out_shape=jax.ShapeDtypeStruct((N, D), jnp.float32),
        scratch_shapes=[
            pltpu.VMEM((N, D), jnp.float32),
            pltpu.VMEM((2, D), jnp.float32),
        ],
    )(h, p, w1, b1, w2, b2, g, b)


def _mlp_soft_body(h_ref, p_ref, w1_ref, b1_ref, w2_ref, b2_ref, g_ref, b_ref,
                   batch_ref, o_ref, m_s, st_s):
    ph = pl.program_id(0)
    i = pl.program_id(1)

    @pl.when(ph == 0)
    def _():
        z = h_ref[...] + p_ref[0] + p_ref[1]
        a = jnp.maximum(
            jnp.dot(z, w1_ref[...], preferred_element_type=jnp.float32) + b1_ref[...],
            0.0,
        )
        m = jnp.dot(a, w2_ref[...], preferred_element_type=jnp.float32) + b2_ref[...]
        m_s[pl.ds(i * R, R), :] = m
        st = jnp.concatenate(
            [jnp.sum(m, axis=0, keepdims=True), jnp.sum(m * m, axis=0, keepdims=True)],
            axis=0,
        )

        @pl.when(i == 0)
        def _():
            st_s[...] = jnp.zeros_like(st_s)

        st_s[...] += st

    @pl.when((ph == 1) & (i == 0))
    def _():
        mu = st_s[0:1, 0:1] * (1.0 / N)
        ex2 = st_s[1:2, 0:1] * (1.0 / N)
        var = ex2 - mu * mu
        v = (m_s[...] - mu) * lax.rsqrt(var + 1e-5) * g_ref[...] + b_ref[...]
        s1 = v * (1.0 / 5.0)
        s0 = jnp.broadcast_to(s1, (N, D))
        gid = lax.broadcasted_iota(jnp.int32, (N, D), 1)
        onehot = batch_ref[...] == gid
        neg = jnp.full((N, D), -jnp.inf, jnp.float32)
        mx_g = jnp.max(jnp.where(onehot, s0, neg), axis=0, keepdims=True)
        mxb = jnp.sum(
            jnp.where(onehot, jnp.broadcast_to(mx_g, (N, D)), 0.0),
            axis=1, keepdims=True,
        )
        e1 = jnp.exp(s1 - mxb)
        den_g = jnp.sum(
            jnp.where(onehot, jnp.broadcast_to(e1, (N, D)), 0.0), axis=0, keepdims=True
        )
        denb = jnp.sum(
            jnp.where(onehot, jnp.broadcast_to(den_g, (N, D)), 0.0),
            axis=1, keepdims=True,
        )
        o_ref[...] = e1 / (denb + 1e-16)


def _mlp_soft(h, p, w1, b1, w2, b2, g, b, batch2d):
    return pl.pallas_call(
        _mlp_soft_body,
        grid=(2, NB),
        in_specs=[
            pl.BlockSpec((R, D), lambda ph, i: (i, 0)),
            pl.BlockSpec((NC, R, D), lambda ph, i: (0, i, 0)),
            pl.BlockSpec((D, D), lambda ph, i: (0, 0)),
            pl.BlockSpec((1, D), lambda ph, i: (0, 0)),
            pl.BlockSpec((D, 1), lambda ph, i: (0, 0)),
            pl.BlockSpec((1, 1), lambda ph, i: (0, 0)),
            pl.BlockSpec((1, 1), lambda ph, i: (0, 0)),
            pl.BlockSpec((1, 1), lambda ph, i: (0, 0)),
            pl.BlockSpec((N, 1), lambda ph, i: (0, 0)),
        ],
        out_specs=pl.BlockSpec((N, 1), lambda ph, i: (0, 0)),
        out_shape=jax.ShapeDtypeStruct((N, 1), jnp.float32),
        scratch_shapes=[
            pltpu.VMEM((N, 1), jnp.float32),
            pltpu.VMEM((2, 1), jnp.float32),
        ],
    )(h, p, w1, b1, w2, b2, g, b, batch2d)


_PAD_EDGES = np.stack([
    (np.arange(E_PAD - E, dtype=np.int32) * 13) % N,
    N + np.arange(E_PAD - E, dtype=np.int32) % (NP - N),
])


def kernel(x, edge_index, batch,
           l0_w1, l0_b1, l0_w2, l0_b2,
           l1_w1, l1_b1, l1_w2, l1_b2,
           l2_w1, l2_b1, l2_w2, l2_b2,
           bn0_g, bn0_b, bn1_g, bn1_b, bn2_g, bn2_b):
    se = jnp.concatenate([edge_index, _PAD_EDGES], axis=1).reshape(2, E_PAD // K, K)

    def row(a):
        return a.reshape(1, -1)

    p = _segsum(x, se)
    h = _mlp_bn(x, p, l0_w1, row(l0_b1), l0_w2, row(l0_b2), row(bn0_g), row(bn0_b))
    p = _segsum(h, se)
    h = _mlp_bn(h, p, l1_w1, row(l1_b1), l1_w2, row(l1_b2), row(bn1_g), row(bn1_b))
    p = _segsum(h, se)
    return _mlp_soft(h, p, l2_w1, row(l2_b1), l2_w2, l2_b2.reshape(1, 1),
                     bn2_g.reshape(1, 1), bn2_b.reshape(1, 1), batch.reshape(N, 1))

# --- scband reference (transcript-rebuilt; emitter-appended) ---
"""Pipeline reference for scband-translator-26474178412961 (READ-ONLY COPY).

The authoritative reference and input builder live on the scoring server;
editing this copy changes nothing except your own understanding.
"""

import jax, jax.numpy as jnp
import numpy as np

N = 10000
E = 320000
F = 128
D = 128
G = 64


def _mlp(h, w1, b1, w2, b2):
    return jnp.maximum(h @ w1 + b1, 0.0) @ w2 + b2


def _bn(h, g, b):
    mu = jnp.mean(h, axis=0)
    var = jnp.var(h, axis=0)
    return (h - mu) * jax.lax.rsqrt(var + 1e-5) * g + b


def _gin(x, src, dst, w1, b1, w2, b2):
    # GINConv with eps=0: MLP(x_i + sum_{j->i} x_j)
    agg = jax.ops.segment_sum(x[src], dst, num_segments=x.shape[0])
    return _mlp(x + agg, w1, b1, w2, b2)


def setup_inputs(seed: int = 0) -> dict:
    key = jax.random.key(seed)
    ks = jax.random.split(key, 16)
    inp = {}
    inp['x'] = jax.random.normal(ks[0], (N, F), dtype=jnp.float32)
    inp['edge_index'] = jax.random.randint(ks[1], (2, E), 0, N, dtype=jnp.int32)
    inp['batch'] = jnp.sort(jax.random.randint(ks[2], (N,), 0, G, dtype=jnp.int32))

    def w(k, shape):
        return jax.random.normal(k, shape, dtype=jnp.float32) * 0.05

    inp['l0_w1'] = w(ks[3], (F, D)); inp['l0_b1'] = jnp.zeros((D,), jnp.float32)
    inp['l0_w2'] = w(ks[4], (D, D)); inp['l0_b2'] = jnp.zeros((D,), jnp.float32)
    inp['l1_w1'] = w(ks[5], (D, D)); inp['l1_b1'] = jnp.zeros((D,), jnp.float32)
    inp['l1_w2'] = w(ks[6], (D, D)); inp['l1_b2'] = jnp.zeros((D,), jnp.float32)
    inp['l2_w1'] = w(ks[7], (D, D)); inp['l2_b1'] = jnp.zeros((D,), jnp.float32)
    inp['l2_w2'] = w(ks[8], (D, 1)); inp['l2_b2'] = jnp.zeros((1,), jnp.float32)
    inp['bn0_g'] = jnp.ones((D,), jnp.float32); inp['bn0_b'] = jnp.zeros((D,), jnp.float32)
    inp['bn1_g'] = jnp.ones((D,), jnp.float32); inp['bn1_b'] = jnp.zeros((D,), jnp.float32)
    inp['bn2_g'] = jnp.ones((1,), jnp.float32); inp['bn2_b'] = jnp.zeros((1,), jnp.float32)
    return inp


def reference(x, edge_index, batch,
              l0_w1, l0_b1, l0_w2, l0_b2,
              l1_w1, l1_b1, l1_w2, l1_b2,
              l2_w1, l2_b1, l2_w2, l2_b2,
              bn0_g, bn0_b, bn1_g, bn1_b, bn2_g, bn2_b):
    src = edge_index[0]
    dst = edge_index[1]
    # layer 0: GIN -> BN -> ReLU
    h = _gin(x, src, dst, l0_w1, l0_b1, l0_w2, l0_b2)
    h = jnp.maximum(_bn(h, bn0_g, bn0_b), 0.0)
    # layer 1: GIN -> BN -> ReLU
    h = _gin(h, src, dst, l1_w1, l1_b1, l1_w2, l1_b2)
    h = jnp.maximum(_bn(h, bn1_g, bn1_b), 0.0)
    # layer 2 (last): GIN -> BN (no ReLU)
    h = _gin(h, src, dst, l2_w1, l2_b1, l2_w2, l2_b2)
    h = _bn(h, bn2_g, bn2_b)
    # segment softmax over graphs: softmax(node_prob / 5.0, batch)
    s = h / 5.0
    mx = jax.ops.segment_max(s, batch, num_segments=G)
    e = jnp.exp(s - mx[batch])
    den = jax.ops.segment_sum(e, batch, num_segments=G)
    return e / (den[batch] + 1e-16)

if __name__ == "__main__":
    import jax
    _d = setup_inputs()
    print(jax.jit(kernel)(*tuple(_d.values())))

</pallas_src>

<mosaic_0001>
#map = affine_map<(d0, d1) -> (0, 0)>
#map1 = affine_map<(d0, d1) -> (0, 0, 0)>
module attributes {stable_mosaic.version = 14 : i64} {
  func.func @_segsum_body(%arg0: i32, %arg1: i32, %arg2: memref<10000x128xf32, #tpu.memory_space<hbm>>, %arg3: memref<2x2560x128xi32, #tpu.memory_space<hbm>>, %arg4: memref<2x10024x128xf32, #tpu.memory_space<hbm>>, %arg5: memref<2x40x128xi32, #tpu.memory_space<vmem>>, %arg6: memref<2x128x128xf32, #tpu.memory_space<vmem>>, %arg7: memref<10024x128xf32, #tpu.memory_space<vmem_shared>>, %arg8: memref<!tpu.dma_semaphore, #tpu.memory_space<semaphore_mem>>, %arg9: memref<!tpu.dma_semaphore, #tpu.memory_space<semaphore_mem>>) attributes {dimension_semantics = [#tpu.dimension_semantics<core_parallel>, #tpu.dimension_semantics<subcore_parallel>], iteration_bounds = array<i64: 2, 16>, scalar_prefetch = 0 : i64, scratch_operands = 5 : i64, tpu.core_type = #tpu.core_type<sc_vector_subcore>, window_params = [{transform_indices = #map}, {transform_indices = #map1}, {transform_indices = #map1}]} {
    %mul3A = arith.constant 2 : i32
    %mul3A_0 = arith.muli %arg1, %mul3A : i32
    %add3A = arith.addi %mul3A_0, %arg0 : i32
    %broadcast_in_dim3A = arith.constant 0.000000e+00 : f32
    %broadcast_in_dim3A_1 = vector.broadcast %broadcast_in_dim3A : f32 to vector<16xf32>
    %scan3A = arith.constant 0 : i32
    %scan3A_2 = arith.constant 0 : i32
    %scan3A_3 = arith.constant 128 : i32
    %scan3A_4 = arith.addi %scan3A_2, %scan3A_3 : i32
    %scan3A_5 = arith.constant 1 : i32
    scf.for %scan3A_75 = %scan3A_2 to %scan3A_4 step %scan3A_5  : i32 {
      %swap3A = arith.constant 0 : i32
      %swap3A_76 = arith.index_cast %swap3A : i32 to index
      %swap3A_77 = arith.index_cast %scan3A_75 : i32 to index
      %swap3A_78 = arith.constant 0 : index
      %swap3A_79 = tpu.vector_load %arg6[%swap3A_76, %swap3A_77, %swap3A_78] {strides = array<i32>} : memref<2x128x128xf32, #tpu.memory_space<vmem>>, vector<1x1x16xf32>,
      %swap3A_80 = vector.shape_cast %swap3A_79 : vector<1x1x16xf32> to vector<16xf32>
      %swap3A_81 = vector.shape_cast %broadcast_in_dim3A_1 : vector<16xf32> to vector<1x1x16xf32>
      tpu.vector_store %arg6[%swap3A_76, %swap3A_77, %swap3A_78], %swap3A_81 {strides = array<i32>} : memref<2x128x128xf32, #tpu.memory_space<vmem>>, vector<1x1x16xf32>,
      %swap3A_82 = arith.constant 0 : i32
      %swap3A_83 = arith.index_cast %swap3A_82 : i32 to index
      %swap3A_84 = arith.index_cast %scan3A_75 : i32 to index
      %swap3A_85 = arith.constant 16 : index
      %swap3A_86 = tpu.vector_load %arg6[%swap3A_83, %swap3A_84, %swap3A_85] {strides = array<i32>} : memref<2x128x128xf32, #tpu.memory_space<vmem>>, vector<1x1x16xf32>,
      %swap3A_87 = vector.shape_cast %swap3A_86 : vector<1x1x16xf32> to vector<16xf32>
      %swap3A_88 = vector.shape_cast %broadcast_in_dim3A_1 : vector<16xf32> to vector<1x1x16xf32>
      tpu.vector_store %arg6[%swap3A_83, %swap3A_84, %swap3A_85], %swap3A_88 {strides = array<i32>} : memref<2x128x128xf32, #tpu.memory_space<vmem>>, vector<1x1x16xf32>,
      %swap3A_89 = arith.constant 0 : i32
      %swap3A_90 = arith.index_cast %swap3A_89 : i32 to index
      %swap3A_91 = arith.index_cast %scan3A_75 : i32 to index
      %swap3A_92 = arith.constant 32 : index
      %swap3A_93 = tpu.vector_load %arg6[%swap3A_90, %swap3A_91, %swap3A_92] {strides = array<i32>} : memref<2x128x128xf32, #tpu.memory_space<vmem>>, vector<1x1x16xf32>,
      %swap3A_94 = vector.shape_cast %swap3A_93 : vector<1x1x16xf32> to vector<16xf32>
      %swap3A_95 = vector.shape_cast %broadcast_in_dim3A_1 : vector<16xf32> to vector<1x1x16xf32>
      tpu.vector_store %arg6[%swap3A_90, %swap3A_91, %swap3A_92], %swap3A_95 {strides = array<i32>} : memref<2x128x128xf32, #tpu.memory_space<vmem>>, vector<1x1x16xf32>,
      %swap3A_96 = arith.constant 0 : i32
      %swap3A_97 = arith.index_cast %swap3A_96 : i32 to index
      %swap3A_98 = arith.index_cast %scan3A_75 : i32 to index
      %swap3A_99 = arith.constant 48 : index
      %swap3A_100 = tpu.vector_load %arg6[%swap3A_97, %swap3A_98, %swap3A_99] {strides = array<i32>} : memref<2x128x128xf32, #tpu.memory_space<vmem>>, vector<1x1x16xf32>,
      %swap3A_101 = vector.shape_cast %swap3A_100 : vector<1x1x16xf32> to vector<16xf32>
      %swap3A_102 = vector.shape_cast %broadcast_in_dim3A_1 : vector<16xf32> to vector<1x1x16xf32>
      tpu.vector_store %arg6[%swap3A_97, %swap3A_98, %swap3A_99], %swap3A_102 {strides = array<i32>} : memref<2x128x128xf32, #tpu.memory_space<vmem>>, vector<1x1x16xf32>,
      %swap3A_103 = arith.constant 0 : i32
      %swap3A_104 = arith.index_cast %swap3A_103 : i32 to index
      %swap3A_105 = arith.index_cast %scan3A_75 : i32 to index
      %swap3A_106 = arith.constant 64 : index
      %swap3A_107 = tpu.vector_load %arg6[%swap3A_104, %swap3A_105, %swap3A_106] {strides = array<i32>} : memref<2x128x128xf32, #tpu.memory_space<vmem>>, vector<1x1x16xf32>,
      %swap3A_108 = vector.shape_cast %swap3A_107 : vector<1x1x16xf32> to vector<16xf32>
      %swap3A_109 = vector.shape_cast %broadcast_in_dim3A_1 : vector<16xf32> to vector<1x1x16xf32>
      tpu.vector_store %arg6[%swap3A_104, %swap3A_105, %swap3A_106], %swap3A_109 {strides = array<i32>} : memref<2x128x128xf32, #tpu.memory_space<vmem>>, vector<1x1x16xf32>,
      %swap3A_110 = arith.constant 0 : i32
      %swap3A_111 = arith.index_cast %swap3A_110 : i32 to index
      %swap3A_112 = arith.index_cast %scan3A_75 : i32 to index
      %swap3A_113 = arith.constant 80 : index
      %swap3A_114 = tpu.vector_load %arg6[%swap3A_111, %swap3A_112, %swap3A_113] {strides = array<i32>} : memref<2x128x128xf32, #tpu.memory_space<vmem>>, vector<1x1x16xf32>,
      %swap3A_115 = vector.shape_cast %swap3A_114 : vector<1x1x16xf32> to vector<16xf32>
      %swap3A_116 = vector.shape_cast %broadcast_in_dim3A_1 : vector<16xf32> to vector<1x1x16xf32>
      tpu.vector_store %arg6[%swap3A_111, %swap3A_112, %swap3A_113], %swap3A_116 {strides = array<i32>} : memref<2x128x128xf32, #tpu.memory_space<vmem>>, vector<1x1x16xf32>,
      %swap3A_117 = arith.constant 0 : i32
      %swap3A_118 = arith.index_cast %swap3A_117 : i32 to index
      %swap3A_119 = arith.index_cast %scan3A_75 : i32 to index
      %swap3A_120 = arith.constant 96 : index
      %swap3A_121 = tpu.vector_load %arg6[%swap3A_118, %swap3A_119, %swap3A_120] {strides = array<i32>} : memref<2x128x128xf32, #tpu.memory_space<vmem>>, vector<1x1x16xf32>,
      %swap3A_122 = vector.shape_cast %swap3A_121 : vector<1x1x16xf32> to vector<16xf32>
      %swap3A_123 = vector.shape_cast %broadcast_in_dim3A_1 : vector<16xf32> to vector<1x1x16xf32>
      tpu.vector_store %arg6[%swap3A_118, %swap3A_119, %swap3A_120], %swap3A_123 {strides = array<i32>} : memref<2x128x128xf32, #tpu.memory_space<vmem>>, vector<1x1x16xf32>,
      %swap3A_124 = arith.constant 0 : i32
      %swap3A_125 = arith.index_cast %swap3A_124 : i32 to index
      %swap3A_126 = arith.index_cast %scan3A_75 : i32 to index
      %swap3A_127 = arith.constant 112 : index
      %swap3A_128 = tpu.vector_load %arg6[%swap3A_125, %swap3A_126, %swap3A_127] {strides = array<i32>} : memref<2x128x128xf32, #tpu.memory_space<vmem>>, vector<1x1x16xf32>,
      %swap3A_129 = vector.shape_cast %swap3A_128 : vector<1x1x16xf32> to vector<16xf32>
      %swap3A_130 = vector.shape_cast %broadcast_in_dim3A_1 : vector<16xf32> to vector<1x1x16xf32>
      tpu.vector_store %arg6[%swap3A_125, %swap3A_126, %swap3A_127], %swap3A_130 {strides = array<i32>} : memref<2x128x128xf32, #tpu.memory_space<vmem>>, vector<1x1x16xf32>,
    }
    %scan3A_6 = arith.constant 128 : i32
    %mul3A_7 = arith.constant 624 : i32
    %mul3A_8 = arith.muli %arg1, %mul3A_7 : i32
    %lt3A = arith.constant 15 : i32
    %lt3A_9 = arith.cmpi slt, %arg1, %lt3A : i32
    %convert_element_type3A = arith.extui %lt3A_9 : i1 to i32
    %cond3A = arith.constant 0 : i32
    %cond3A_10 = arith.cmpi ne, %convert_element_type3A, %cond3A : i32
    scf.if %cond3A_10 {
      %add3A_75 = arith.constant 0 : i32
      %add3A_76 = arith.addi %mul3A_8, %add3A_75 : i32
      %run_scoped3A = arith.constant 0 : i32
      "tpu.region"() ({
        %run_scoped3A_89 = tpu.sem_alloc : memref<!tpu.dma_semaphore, #tpu.memory_space<semaphore_mem>>
        %dma_start3A_90 = arith.constant 0 : i32
        %dma_start3A_91 = arith.constant 0 : i32
        %dma_start3A_92 = tpu.memref_slice %arg6[%run_scoped3A, %dma_start3A_90, %dma_start3A_91] : memref<2x128x128xf32, #tpu.memory_space<vmem>> -> memref<1x128x128xf32, #tpu.memory_space<vmem>>
        %dma_start3A_93 = tpu.memref_squeeze %dma_start3A_92 : memref<1x128x128xf32, #tpu.memory_space<vmem>> -> memref<128x128xf32, #tpu.memory_space<vmem>>
        %dma_start3A_94 = arith.constant 0 : i32
        %dma_start3A_95 = tpu.memref_slice %arg7[%add3A_76, %dma_start3A_94] : memref<10024x128xf32, #tpu.memory_space<vmem_shared>> -> memref<128x128xf32, #tpu.memory_space<vmem_shared>>
        %dma_start3A_96 = arith.constant 0 : i32
        %dma_start3A_97 = tpu.memref_slice %arg7[%add3A_76, %dma_start3A_96] : memref<10024x128xf32, #tpu.memory_space<vmem_shared>> -> memref<128x128xf32, #tpu.memory_space<vmem_shared>>
        %dma_start3A_98 = arith.constant 0 : i32
        %dma_start3A_99 = arith.constant 0 : i32
        %dma_start3A_100 = tpu.memref_slice %arg6[%run_scoped3A, %dma_start3A_98, %dma_start3A_99] : memref<2x128x128xf32, #tpu.memory_space<vmem>> -> memref<1x128x128xf32, #tpu.memory_space<vmem>>
        %dma_start3A_101 = tpu.memref_squeeze %dma_start3A_100 : memref<1x128x128xf32, #tpu.memory_space<vmem>> -> memref<128x128xf32, #tpu.memory_space<vmem>>
        tpu.enqueue_dma source(%dma_start3A_101 : memref<128x128xf32, #tpu.memory_space<vmem>>) target(%dma_start3A_97 : memref<128x128xf32, #tpu.memory_space<vmem_shared>>) target_semaphore(%run_scoped3A_89 : memref<!tpu.dma_semaphore, #tpu.memory_space<semaphore_mem>>)
        %dma_wait3A = arith.constant 0 : i32
        %dma_wait3A_102 = arith.constant 0 : i32
        %dma_wait3A_103 = tpu.memref_slice %arg6[%run_scoped3A, %dma_wait3A, %dma_wait3A_102] : memref<2x128x128xf32, #tpu.memory_space<vmem>> -> memref<1x128x128xf32, #tpu.memory_space<vmem>>
        %dma_wait3A_104 = tpu.memref_squeeze %dma_wait3A_103 : memref<1x128x128xf32, #tpu.memory_space<vmem>> -> memref<128x128xf32, #tpu.memory_space<vmem>>
        %dma_wait3A_105 = arith.constant 0 : i32
        %dma_wait3A_106 = tpu.memref_slice %arg7[%add3A_76, %dma_wait3A_105] : memref<10024x128xf32, #tpu.memory_space<vmem_shared>> -> memref<128x128xf32, #tpu.memory_space<vmem_shared>>
        %dma_wait3A_107 = arith.constant 0 : i32
        %dma_wait3A_108 = tpu.memref_slice %arg7[%add3A_76, %dma_wait3A_107] : memref<10024x128xf32, #tpu.memory_space<vmem_shared>> -> memref<128x128xf32, #tpu.memory_space<vmem_shared>>
        %dma_wait3A_109 = arith.constant 0 : i32
        %dma_wait3A_110 = arith.constant 0 : i32
        %dma_wait3A_111 = tpu.memref_slice %arg6[%run_scoped3A, %dma_wait3A_109, %dma_wait3A_110] : memref<2x128x128xf32, #tpu.memory_space<vmem>> -> memref<1x128x128xf32, #tpu.memory_space<vmem>>
        %dma_wait3A_112 = tpu.memref_squeeze %dma_wait3A_111 : memref<1x128x128xf32, #tpu.memory_space<vmem>> -> memref<128x128xf32, #tpu.memory_space<vmem>>
        tpu.wait_dma2 semaphore(%run_scoped3A_89 : memref<!tpu.dma_semaphore, #tpu.memory_space<semaphore_mem>>) src(%dma_wait3A_112 : memref<128x128xf32, #tpu.memory_space<vmem>>) dst(%dma_wait3A_108 : memref<128x128xf32, #tpu.memory_space<vmem_shared>>)
        tpu.yield
      }) : () -> ()
      %add3A_77 = arith.constant 128 : i32
      %add3A_78 = arith.addi %mul3A_8, %add3A_77 : i32
      %run_scoped3A_79 = arith.constant 0 : i32
      "tpu.region"() ({
        %run_scoped3A_89 = tpu.sem_alloc : memref<!tpu.dma_semaphore, #tpu.memory_space<semaphore_mem>>
        %dma_start3A_90 = arith.constant 0 : i32
        %dma_start3A_91 = arith.constant 0 : i32
        %dma_start3A_92 = tpu.memref_slice %arg6[%run_scoped3A_79, %dma_start3A_90, %dma_start3A_91] : memref<2x128x128xf32, #tpu.memory_space<vmem>> -> memref<1x128x128xf32, #tpu.memory_space<vmem>>
        %dma_start3A_93 = tpu.memref_squeeze %dma_start3A_92 : memref<1x128x128xf32, #tpu.memory_space<vmem>> -> memref<128x128xf32, #tpu.memory_space<vmem>>
        %dma_start3A_94 = arith.constant 0 : i32
        %dma_start3A_95 = tpu.memref_slice %arg7[%add3A_78, %dma_start3A_94] : memref<10024x128xf32, #tpu.memory_space<vmem_shared>> -> memref<128x128xf32, #tpu.memory_space<vmem_shared>>
        %dma_start3A_96 = arith.constant 0 : i32
        %dma_start3A_97 = tpu.memref_slice %arg7[%add3A_78, %dma_start3A_96] : memref<10024x128xf32, #tpu.memory_space<vmem_shared>> -> memref<128x128xf32, #tpu.memory_space<vmem_shared>>
        %dma_start3A_98 = arith.constant 0 : i32
        %dma_start3A_99 = arith.constant 0 : i32
        %dma_start3A_100 = tpu.memref_slice %arg6[%run_scoped3A_79, %dma_start3A_98, %dma_start3A_99] : memref<2x128x128xf32, #tpu.memory_space<vmem>> -> memref<1x128x128xf32, #tpu.memory_space<vmem>>
        %dma_start3A_101 = tpu.memref_squeeze %dma_start3A_100 : memref<1x128x128xf32, #tpu.memory_space<vmem>> -> memref<128x128xf32, #tpu.memory_space<vmem>>
        tpu.enqueue_dma source(%dma_start3A_101 : memref<128x128xf32, #tpu.memory_space<vmem>>) target(%dma_start3A_97 : memref<128x128xf32, #tpu.memory_space<vmem_shared>>) target_semaphore(%run_scoped3A_89 : memref<!tpu.dma_semaphore, #tpu.memory_space<semaphore_mem>>)
        %dma_wait3A = arith.constant 0 : i32
        %dma_wait3A_102 = arith.constant 0 : i32
        %dma_wait3A_103 = tpu.memref_slice %arg6[%run_scoped3A_79, %dma_wait3A, %dma_wait3A_102] : memref<2x128x128xf32, #tpu.memory_space<vmem>> -> memref<1x128x128xf32, #tpu.memory_space<vmem>>
        %dma_wait3A_104 = tpu.memref_squeeze %dma_wait3A_103 : memref<1x128x128xf32, #tpu.memory_space<vmem>> -> memref<128x128xf32, #tpu.memory_space<vmem>>
        %dma_wait3A_105 = arith.constant 0 : i32
        %dma_wait3A_106 = tpu.memref_slice %arg7[%add3A_78, %dma_wait3A_105] : memref<10024x128xf32, #tpu.memory_space<vmem_shared>> -> memref<128x128xf32, #tpu.memory_space<vmem_shared>>
        %dma_wait3A_107 = arith.constant 0 : i32
        %dma_wait3A_108 = tpu.memref_slice %arg7[%add3A_78, %dma_wait3A_107] : memref<10024x128xf32, #tpu.memory_space<vmem_shared>> -> memref<128x128xf32, #tpu.memory_space<vmem_shared>>
        %dma_wait3A_109 = arith.constant 0 : i32
        %dma_wait3A_110 = arith.constant 0 : i32
        %dma_wait3A_111 = tpu.memref_slice %arg6[%run_scoped3A_79, %dma_wait3A_109, %dma_wait3A_110] : memref<2x128x128xf32, #tpu.memory_space<vmem>> -> memref<1x128x128xf32, #tpu.memory_space<vmem>>
        %dma_wait3A_112 = tpu.memref_squeeze %dma_wait3A_111 : memref<1x128x128xf32, #tpu.memory_space<vmem>> -> memref<128x128xf32, #tpu.memory_space<vmem>>
        tpu.wait_dma2 semaphore(%run_scoped3A_89 : memref<!tpu.dma_semaphore, #tpu.memory_space<semaphore_mem>>) src(%dma_wait3A_112 : memref<128x128xf32, #tpu.memory_space<vmem>>) dst(%dma_wait3A_108 : memref<128x128xf32, #tpu.memory_space<vmem_shared>>)
        tpu.yield
      }) : () -> ()
      %add3A_80 = arith.constant 256 : i32
      %add3A_81 = arith.addi %mul3A_8, %add3A_80 : i32
      %run_scoped3A_82 = arith.constant 0 : i32
      "tpu.region"() ({
        %run_scoped3A_89 = tpu.sem_alloc : memref<!tpu.dma_semaphore, #tpu.memory_space<semaphore_mem>>
        %dma_start3A_90 = arith.constant 0 : i32
        %dma_start3A_91 = arith.constant 0 : i32
        %dma_start3A_92 = tpu.memref_slice %arg6[%run_scoped3A_82, %dma_start3A_90, %dma_start3A_91] : memref<2x128x128xf32, #tpu.memory_space<vmem>> -> memref<1x128x128xf32, #tpu.memory_space<vmem>>
        %dma_start3A_93 = tpu.memref_squeeze %dma_start3A_92 : memref<1x128x128xf32, #tpu.memory_space<vmem>> -> memref<128x128xf32, #tpu.memory_space<vmem>>
        %dma_start3A_94 = arith.constant 0 : i32
        %dma_start3A_95 = tpu.memref_slice %arg7[%add3A_81, %dma_start3A_94] : memref<10024x128xf32, #tpu.memory_space<vmem_shared>> -> memref<128x128xf32, #tpu.memory_space<vmem_shared>>
        %dma_start3A_96 = arith.constant 0 : i32
        %dma_start3A_97 = tpu.memref_slice %arg7[%add3A_81, %dma_start3A_96] : memref<10024x128xf32, #tpu.memory_space<vmem_shared>> -> memref<128x128xf32, #tpu.memory_space<vmem_shared>>
        %dma_start3A_98 = arith.constant 0 : i32
        %dma_start3A_99 = arith.constant 0 : i32
        %dma_start3A_100 = tpu.memref_slice %arg6[%run_scoped3A_82, %dma_start3A_98, %dma_start3A_99] : memref<2x128x128xf32, #tpu.memory_space<vmem>> -> memref<1x128x128xf32, #tpu.memory_space<vmem>>
        %dma_start3A_101 = tpu.memref_squeeze %dma_start3A_100 : memref<1x128x128xf32, #tpu.memory_space<vmem>> -> memref<128x128xf32, #tpu.memory_space<vmem>>
        tpu.enqueue_dma source(%dma_start3A_101 : memref<128x128xf32, #tpu.memory_space<vmem>>) target(%dma_start3A_97 : memref<128x128xf32, #tpu.memory_space<vmem_shared>>) target_semaphore(%run_scoped3A_89 : memref<!tpu.dma_semaphore, #tpu.memory_space<semaphore_mem>>)
        %dma_wait3A = arith.constant 0 : i32
        %dma_wait3A_102 = arith.constant 0 : i32
        %dma_wait3A_103 = tpu.memref_slice %arg6[%run_scoped3A_82, %dma_wait3A, %dma_wait3A_102] : memref<2x128x128xf32, #tpu.memory_space<vmem>> -> memref<1x128x128xf32, #tpu.memory_space<vmem>>
        %dma_wait3A_104 = tpu.memref_squeeze %dma_wait3A_103 : memref<1x128x128xf32, #tpu.memory_space<vmem>> -> memref<128x128xf32, #tpu.memory_space<vmem>>
        %dma_wait3A_105 = arith.constant 0 : i32
        %dma_wait3A_106 = tpu.memref_slice %arg7[%add3A_81, %dma_wait3A_105] : memref<10024x128xf32, #tpu.memory_space<vmem_shared>> -> memref<128x128xf32, #tpu.memory_space<vmem_shared>>
        %dma_wait3A_107 = arith.constant 0 : i32
        %dma_wait3A_108 = tpu.memref_slice %arg7[%add3A_81, %dma_wait3A_107] : memref<10024x128xf32, #tpu.memory_space<vmem_shared>> -> memref<128x128xf32, #tpu.memory_space<vmem_shared>>
        %dma_wait3A_109 = arith.constant 0 : i32
        %dma_wait3A_110 = arith.constant 0 : i32
        %dma_wait3A_111 = tpu.memref_slice %arg6[%run_scoped3A_82, %dma_wait3A_109, %dma_wait3A_110] : memref<2x128x128xf32, #tpu.memory_space<vmem>> -> memref<1x128x128xf32, #tpu.memory_space<vmem>>
        %dma_wait3A_112 = tpu.memref_squeeze %dma_wait3A_111 : memref<1x128x128xf32, #tpu.memory_space<vmem>> -> memref<128x128xf32, #tpu.memory_space<vmem>>
        tpu.wait_dma2 semaphore(%run_scoped3A_89 : memref<!tpu.dma_semaphore, #tpu.memory_space<semaphore_mem>>) src(%dma_wait3A_112 : memref<128x128xf32, #tpu.memory_space<vmem>>) dst(%dma_wait3A_108 : memref<128x128xf32, #tpu.memory_space<vmem_shared>>)
        tpu.yield
      }) : () -> ()
      %add3A_83 = arith.constant 384 : i32
      %add3A_84 = arith.addi %mul3A_8, %add3A_83 : i32
      %run_scoped3A_85 = arith.constant 0 : i32
      "tpu.region"() ({
        %run_scoped3A_89 = tpu.sem_alloc : memref<!tpu.dma_semaphore, #tpu.memory_space<semaphore_mem>>
        %dma_start3A_90 = arith.constant 0 : i32
        %dma_start3A_91 = arith.constant 0 : i32
        %dma_start3A_92 = tpu.memref_slice %arg6[%run_scoped3A_85, %dma_start3A_90, %dma_start3A_91] : memref<2x128x128xf32, #tpu.memory_space<vmem>> -> memref<1x128x128xf32, #tpu.memory_space<vmem>>
        %dma_start3A_93 = tpu.memref_squeeze %dma_start3A_92 : memref<1x128x128xf32, #tpu.memory_space<vmem>> -> memref<128x128xf32, #tpu.memory_space<vmem>>
        %dma_start3A_94 = arith.constant 0 : i32
        %dma_start3A_95 = tpu.memref_slice %arg7[%add3A_84, %dma_start3A_94] : memref<10024x128xf32, #tpu.memory_space<vmem_shared>> -> memref<128x128xf32, #tpu.memory_space<vmem_shared>>
        %dma_start3A_96 = arith.constant 0 : i32
        %dma_start3A_97 = tpu.memref_slice %arg7[%add3A_84, %dma_start3A_96] : memref<10024x128xf32, #tpu.memory_space<vmem_shared>> -> memref<128x128xf32, #tpu.memory_space<vmem_shared>>
        %dma_start3A_98 = arith.constant 0 : i32
        %dma_start3A_99 = arith.constant 0 : i32
        %dma_start3A_100 = tpu.memref_slice %arg6[%run_scoped3A_85, %dma_start3A_98, %dma_start3A_99] : memref<2x128x128xf32, #tpu.memory_space<vmem>> -> memref<1x128x128xf32, #tpu.memory_space<vmem>>
        %dma_start3A_101 = tpu.memref_squeeze %dma_start3A_100 : memref<1x128x128xf32, #tpu.memory_space<vmem>> -> memref<128x128xf32, #tpu.memory_space<vmem>>
        tpu.enqueue_dma source(%dma_start3A_101 : memref<128x128xf32, #tpu.memory_space<vmem>>) target(%dma_start3A_97 : memref<128x128xf32, #tpu.memory_space<vmem_shared>>) target_semaphore(%run_scoped3A_89 : memref<!tpu.dma_semaphore, #tpu.memory_space<semaphore_mem>>)
        %dma_wait3A = arith.constant 0 : i32
        %dma_wait3A_102 = arith.constant 0 : i32
        %dma_wait3A_103 = tpu.memref_slice %arg6[%run_scoped3A_85, %dma_wait3A, %dma_wait3A_102] : memref<2x128x128xf32, #tpu.memory_space<vmem>> -> memref<1x128x128xf32, #tpu.memory_space<vmem>>
        %dma_wait3A_104 = tpu.memref_squeeze %dma_wait3A_103 : memref<1x128x128xf32, #tpu.memory_space<vmem>> -> memref<128x128xf32, #tpu.memory_space<vmem>>
        %dma_wait3A_105 = arith.constant 0 : i32
        %dma_wait3A_106 = tpu.memref_slice %arg7[%add3A_84, %dma_wait3A_105] : memref<10024x128xf32, #tpu.memory_space<vmem_shared>> -> memref<128x128xf32, #tpu.memory_space<vmem_shared>>
        %dma_wait3A_107 = arith.constant 0 : i32
        %dma_wait3A_108 = tpu.memref_slice %arg7[%add3A_84, %dma_wait3A_107] : memref<10024x128xf32, #tpu.memory_space<vmem_shared>> -> memref<128x128xf32, #tpu.memory_space<vmem_shared>>
        %dma_wait3A_109 = arith.constant 0 : i32
        %dma_wait3A_110 = arith.constant 0 : i32
        %dma_wait3A_111 = tpu.memref_slice %arg6[%run_scoped3A_85, %dma_wait3A_109, %dma_wait3A_110] : memref<2x128x128xf32, #tpu.memory_space<vmem>> -> memref<1x128x128xf32, #tpu.memory_space<vmem>>
        %dma_wait3A_112 = tpu.memref_squeeze %dma_wait3A_111 : memref<1x128x128xf32, #tpu.memory_space<vmem>> -> memref<128x128xf32, #tpu.memory_space<vmem>>
        tpu.wait_dma2 semaphore(%run_scoped3A_89 : memref<!tpu.dma_semaphore, #tpu.memory_space<semaphore_mem>>) src(%dma_wait3A_112 : memref<128x128xf32, #tpu.memory_space<vmem>>) dst(%dma_wait3A_108 : memref<128x128xf32, #tpu.memory_space<vmem_shared>>)
        tpu.yield
      }) : () -> ()
      %add3A_86 = arith.constant 512 : i32
      %add3A_87 = arith.addi %mul3A_8, %add3A_86 : i32
      %run_scoped3A_88 = arith.constant 0 : i32
      "tpu.region"() ({
        %run_scoped3A_89 = tpu.sem_alloc : memref<!tpu.dma_semaphore, #tpu.memory_space<semaphore_mem>>
        %dma_start3A_90 = arith.constant 0 : i32
        %dma_start3A_91 = arith.constant 0 : i32
        %dma_start3A_92 = tpu.memref_slice %arg6[%run_scoped3A_88, %dma_start3A_90, %dma_start3A_91] : memref<2x128x128xf32, #tpu.memory_space<vmem>> -> memref<1x112x128xf32, #tpu.memory_space<vmem>>
        %dma_start3A_93 = tpu.memref_squeeze %dma_start3A_92 : memref<1x112x128xf32, #tpu.memory_space<vmem>> -> memref<112x128xf32, #tpu.memory_space<vmem>>
        %dma_start3A_94 = arith.constant 0 : i32
        %dma_start3A_95 = tpu.memref_slice %arg7[%add3A_87, %dma_start3A_94] : memref<10024x128xf32, #tpu.memory_space<vmem_shared>> -> memref<112x128xf32, #tpu.memory_space<vmem_shared>>
        %dma_start3A_96 = arith.constant 0 : i32
        %dma_start3A_97 = tpu.memref_slice %arg7[%add3A_87, %dma_start3A_96] : memref<10024x128xf32, #tpu.memory_space<vmem_shared>> -> memref<112x128xf32, #tpu.memory_space<vmem_shared>>
        %dma_start3A_98 = arith.constant 0 : i32
        %dma_start3A_99 = arith.constant 0 : i32
        %dma_start3A_100 = tpu.memref_slice %arg6[%run_scoped3A_88, %dma_start3A_98, %dma_start3A_99] : memref<2x128x128xf32, #tpu.memory_space<vmem>> -> memref<1x112x128xf32, #tpu.memory_space<vmem>>
        %dma_start3A_101 = tpu.memref_squeeze %dma_start3A_100 : memref<1x112x128xf32, #tpu.memory_space<vmem>> -> memref<112x128xf32, #tpu.memory_space<vmem>>
        tpu.enqueue_dma source(%dma_start3A_101 : memref<112x128xf32, #tpu.memory_space<vmem>>) target(%dma_start3A_97 : memref<112x128xf32, #tpu.memory_space<vmem_shared>>) target_semaphore(%run_scoped3A_89 : memref<!tpu.dma_semaphore, #tpu.memory_space<semaphore_mem>>)
        %dma_wait3A = arith.constant 0 : i32
        %dma_wait3A_102 = arith.constant 0 : i32
        %dma_wait3A_103 = tpu.memref_slice %arg6[%run_scoped3A_88, %dma_wait3A, %dma_wait3A_102] : memref<2x128x128xf32, #tpu.memory_space<vmem>> -> memref<1x112x128xf32, #tpu.memory_space<vmem>>
        %dma_wait3A_104 = tpu.memref_squeeze %dma_wait3A_103 : memref<1x112x128xf32, #tpu.memory_space<vmem>> -> memref<112x128xf32, #tpu.memory_space<vmem>>
        %dma_wait3A_105 = arith.constant 0 : i32
        %dma_wait3A_106 = tpu.memref_slice %arg7[%add3A_87, %dma_wait3A_105] : memref<10024x128xf32, #tpu.memory_space<vmem_shared>> -> memref<112x128xf32, #tpu.memory_space<vmem_shared>>
        %dma_wait3A_107 = arith.constant 0 : i32
        %dma_wait3A_108 = tpu.memref_slice %arg7[%add3A_87, %dma_wait3A_107] : memref<10024x128xf32, #tpu.memory_space<vmem_shared>> -> memref<112x128xf32, #tpu.memory_space<vmem_shared>>
        %dma_wait3A_109 = arith.constant 0 : i32
        %dma_wait3A_110 = arith.constant 0 : i32
        %dma_wait3A_111 = tpu.memref_slice %arg6[%run_scoped3A_88, %dma_wait3A_109, %dma_wait3A_110] : memref<2x128x128xf32, #tpu.memory_space<vmem>> -> memref<1x112x128xf32, #tpu.memory_space<vmem>>
        %dma_wait3A_112 = tpu.memref_squeeze %dma_wait3A_111 : memref<1x112x128xf32, #tpu.memory_space<vmem>> -> memref<112x128xf32, #tpu.memory_space<vmem>>
        tpu.wait_dma2 semaphore(%run_scoped3A_89 : memref<!tpu.dma_semaphore, #tpu.memory_space<semaphore_mem>>) src(%dma_wait3A_112 : memref<112x128xf32, #tpu.memory_space<vmem>>) dst(%dma_wait3A_108 : memref<112x128xf32, #tpu.memory_space<vmem_shared>>)
        tpu.yield
      }) : () -> ()
    } else {
    }
    %eq3A = arith.constant 15 : i32
    %eq3A_11 = arith.cmpi eq, %arg1, %eq3A : i32
    %convert_element_type3A_12 = arith.extui %eq3A_11 : i1 to i32
    %cond3A_13 = arith.constant 0 : i32
    %cond3A_14 = arith.cmpi ne, %convert_element_type3A_12, %cond3A_13 : i32
    scf.if %cond3A_14 {
      %add3A_75 = arith.constant 0 : i32
      %add3A_76 = arith.addi %mul3A_8, %add3A_75 : i32
      %run_scoped3A = arith.constant 0 : i32
      "tpu.region"() ({
        %run_scoped3A_92 = tpu.sem_alloc : memref<!tpu.dma_semaphore, #tpu.memory_space<semaphore_mem>>
        %dma_start3A_93 = arith.constant 0 : i32
        %dma_start3A_94 = arith.constant 0 : i32
        %dma_start3A_95 = tpu.memref_slice %arg6[%run_scoped3A, %dma_start3A_93, %dma_start3A_94] : memref<2x128x128xf32, #tpu.memory_space<vmem>> -> memref<1x128x128xf32, #tpu.memory_space<vmem>>
        %dma_start3A_96 = tpu.memref_squeeze %dma_start3A_95 : memref<1x128x128xf32, #tpu.memory_space<vmem>> -> memref<128x128xf32, #tpu.memory_space<vmem>>
        %dma_start3A_97 = arith.constant 0 : i32
        %dma_start3A_98 = tpu.memref_slice %arg7[%add3A_76, %dma_start3A_97] : memref<10024x128xf32, #tpu.memory_space<vmem_shared>> -> memref<128x128xf32, #tpu.memory_space<vmem_shared>>
        %dma_start3A_99 = arith.constant 0 : i32
        %dma_start3A_100 = tpu.memref_slice %arg7[%add3A_76, %dma_start3A_99] : memref<10024x128xf32, #tpu.memory_space<vmem_shared>> -> memref<128x128xf32, #tpu.memory_space<vmem_shared>>
        %dma_start3A_101 = arith.constant 0 : i32
        %dma_start3A_102 = arith.constant 0 : i32
        %dma_start3A_103 = tpu.memref_slice %arg6[%run_scoped3A, %dma_start3A_101, %dma_start3A_102] : memref<2x128x128xf32, #tpu.memory_space<vmem>> -> memref<1x128x128xf32, #tpu.memory_space<vmem>>
        %dma_start3A_104 = tpu.memref_squeeze %dma_start3A_103 : memref<1x128x128xf32, #tpu.memory_space<vmem>> -> memref<128x128xf32, #tpu.memory_space<vmem>>
        tpu.enqueue_dma source(%dma_start3A_104 : memref<128x128xf32, #tpu.memory_space<vmem>>) target(%dma_start3A_100 : memref<128x128xf32, #tpu.memory_space<vmem_shared>>) target_semaphore(%run_scoped3A_92 : memref<!tpu.dma_semaphore, #tpu.memory_space<semaphore_mem>>)
        %dma_wait3A = arith.constant 0 : i32
        %dma_wait3A_105 = arith.constant 0 : i32
        %dma_wait3A_106 = tpu.memref_slice %arg6[%run_scoped3A, %dma_wait3A, %dma_wait3A_105] : memref<2x128x128xf32, #tpu.memory_space<vmem>> -> memref<1x128x128xf32, #tpu.memory_space<vmem>>
        %dma_wait3A_107 = tpu.memref_squeeze %dma_wait3A_106 : memref<1x128x128xf32, #tpu.memory_space<vmem>> -> memref<128x128xf32, #tpu.memory_space<vmem>>
        %dma_wait3A_108 = arith.constant 0 : i32
        %dma_wait3A_109 = tpu.memref_slice %arg7[%add3A_76, %dma_wait3A_108] : memref<10024x128xf32, #tpu.memory_space<vmem_shared>> -> memref<128x128xf32, #tpu.memory_space<vmem_shared>>
        %dma_wait3A_110 = arith.constant 0 : i32
        %dma_wait3A_111 = tpu.memref_slice %arg7[%add3A_76, %dma_wait3A_110] : memref<10024x128xf32, #tpu.memory_space<vmem_shared>> -> memref<128x128xf32, #tpu.memory_space<vmem_shared>>
        %dma_wait3A_112 = arith.constant 0 : i32
        %dma_wait3A_113 = arith.constant 0 : i32
        %dma_wait3A_114 = tpu.memref_slice %arg6[%run_scoped3A, %dma_wait3A_112, %dma_wait3A_113] : memref<2x128x128xf32, #tpu.memory_space<vmem>> -> memref<1x128x128xf32, #tpu.memory_space<vmem>>
        %dma_wait3A_115 = tpu.memref_squeeze %dma_wait3A_114 : memref<1x128x128xf32, #tpu.memory_space<vmem>> -> memref<128x128xf32, #tpu.memory_space<vmem>>
        tpu.wait_dma2 semaphore(%run_scoped3A_92 : memref<!tpu.dma_semaphore, #tpu.memory_space<semaphore_mem>>) src(%dma_wait3A_115 : memref<128x128xf32, #tpu.memory_space<vmem>>) dst(%dma_wait3A_111 : memref<128x128xf32, #tpu.memory_space<vmem_shared>>)
        tpu.yield
      }) : () -> ()
      %add3A_77 = arith.constant 128 : i32
      %add3A_78 = arith.addi %mul3A_8, %add3A_77 : i32
      %run_scoped3A_79 = arith.constant 0 : i32
      "tpu.region"() ({
        %run_scoped3A_92 = tpu.sem_alloc : memref<!tpu.dma_semaphore, #tpu.memory_space<semaphore_mem>>
        %dma_start3A_93 = arith.constant 0 : i32
        %dma_start3A_94 = arith.constant 0 : i32
        %dma_start3A_95 = tpu.memref_slice %arg6[%run_scoped3A_79, %dma_start3A_93, %dma_start3A_94] : memref<2x128x128xf32, #tpu.memory_space<vmem>> -> memref<1x128x128xf32, #tpu.memory_space<vmem>>
        %dma_start3A_96 = tpu.memref_squeeze %dma_start3A_95 : memref<1x128x128xf32, #tpu.memory_space<vmem>> -> memref<128x128xf32, #tpu.memory_space<vmem>>
        %dma_start3A_97 = arith.constant 0 : i32
        %dma_start3A_98 = tpu.memref_slice %arg7[%add3A_78, %dma_start3A_97] : memref<10024x128xf32, #tpu.memory_space<vmem_shared>> -> memref<128x128xf32, #tpu.memory_space<vmem_shared>>
        %dma_start3A_99 = arith.constant 0 : i32
        %dma_start3A_100 = tpu.memref_slice %arg7[%add3A_78, %dma_start3A_99] : memref<10024x128xf32, #tpu.memory_space<vmem_shared>> -> memref<128x128xf32, #tpu.memory_space<vmem_shared>>
        %dma_start3A_101 = arith.constant 0 : i32
        %dma_start3A_102 = arith.constant 0 : i32
        %dma_start3A_103 = tpu.memref_slice %arg6[%run_scoped3A_79, %dma_start3A_101, %dma_start3A_102] : memref<2x128x128xf32, #tpu.memory_space<vmem>> -> memref<1x128x128xf32, #tpu.memory_space<vmem>>
        %dma_start3A_104 = tpu.memref_squeeze %dma_start3A_103 : memref<1x128x128xf32, #tpu.memory_space<vmem>> -> memref<128x128xf32, #tpu.memory_space<vmem>>
        tpu.enqueue_dma source(%dma_start3A_104 : memref<128x128xf32, #tpu.memory_space<vmem>>) target(%dma_start3A_100 : memref<128x128xf32, #tpu.memory_space<vmem_shared>>) target_semaphore(%run_scoped3A_92 : memref<!tpu.dma_semaphore, #tpu.memory_space<semaphore_mem>>)
        %dma_wait3A = arith.constant 0 : i32
        %dma_wait3A_105 = arith.constant 0 : i32
        %dma_wait3A_106 = tpu.memref_slice %arg6[%run_scoped3A_79, %dma_wait3A, %dma_wait3A_105] : memref<2x128x128xf32, #tpu.memory_space<vmem>> -> memref<1x128x128xf32, #tpu.memory_space<vmem>>
        %dma_wait3A_107 = tpu.memref_squeeze %dma_wait3A_106 : memref<1x128x128xf32, #tpu.memory_space<vmem>> -> memref<128x128xf32, #tpu.memory_space<vmem>>
        %dma_wait3A_108 = arith.constant 0 : i32
        %dma_wait3A_109 = tpu.memref_slice %arg7[%add3A_78, %dma_wait3A_108] : memref<10024x128xf32, #tpu.memory_space<vmem_shared>> -> memref<128x128xf32, #tpu.memory_space<vmem_shared>>
        %dma_wait3A_110 = arith.constant 0 : i32
        %dma_wait3A_111 = tpu.memref_slice %arg7[%add3A_78, %dma_wait3A_110] : memref<10024x128xf32, #tpu.memory_space<vmem_shared>> -> memref<128x128xf32, #tpu.memory_space<vmem_shared>>
        %dma_wait3A_112 = arith.constant 0 : i32
        %dma_wait3A_113 = arith.constant 0 : i32
        %dma_wait3A_114 = tpu.memref_slice %arg6[%run_scoped3A_79, %dma_wait3A_112, %dma_wait3A_113] : memref<2x128x128xf32, #tpu.memory_space<vmem>> -> memref<1x128x128xf32, #tpu.memory_space<vmem>>
        %dma_wait3A_115 = tpu.memref_squeeze %dma_wait3A_114 : memref<1x128x128xf32, #tpu.memory_space<vmem>> -> memref<128x128xf32, #tpu.memory_space<vmem>>
        tpu.wait_dma2 semaphore(%run_scoped3A_92 : memref<!tpu.dma_semaphore, #tpu.memory_space<semaphore_mem>>) src(%dma_wait3A_115 : memref<128x128xf32, #tpu.memory_space<vmem>>) dst(%dma_wait3A_111 : memref<128x128xf32, #tpu.memory_space<vmem_shared>>)
        tpu.yield
      }) : () -> ()
      %add3A_80 = arith.constant 256 : i32
      %add3A_81 = arith.addi %mul3A_8, %add3A_80 : i32
      %run_scoped3A_82 = arith.constant 0 : i32
      "tpu.region"() ({
        %run_scoped3A_92 = tpu.sem_alloc : memref<!tpu.dma_semaphore, #tpu.memory_space<semaphore_mem>>
        %dma_start3A_93 = arith.constant 0 : i32
        %dma_start3A_94 = arith.constant 0 : i32
        %dma_start3A_95 = tpu.memref_slice %arg6[%run_scoped3A_82, %dma_start3A_93, %dma_start3A_94] : memref<2x128x128xf32, #tpu.memory_space<vmem>> -> memref<1x128x128xf32, #tpu.memory_space<vmem>>
        %dma_start3A_96 = tpu.memref_squeeze %dma_start3A_95 : memref<1x128x128xf32, #tpu.memory_space<vmem>> -> memref<128x128xf32, #tpu.memory_space<vmem>>
        %dma_start3A_97 = arith.constant 0 : i32
        %dma_start3A_98 = tpu.memref_slice %arg7[%add3A_81, %dma_start3A_97] : memref<10024x128xf32, #tpu.memory_space<vmem_shared>> -> memref<128x128xf32, #tpu.memory_space<vmem_shared>>
        %dma_start3A_99 = arith.constant 0 : i32
        %dma_start3A_100 = tpu.memref_slice %arg7[%add3A_81, %dma_start3A_99] : memref<10024x128xf32, #tpu.memory_space<vmem_shared>> -> memref<128x128xf32, #tpu.memory_space<vmem_shared>>
        %dma_start3A_101 = arith.constant 0 : i32
        %dma_start3A_102 = arith.constant 0 : i32
        %dma_start3A_103 = tpu.memref_slice %arg6[%run_scoped3A_82, %dma_start3A_101, %dma_start3A_102] : memref<2x128x128xf32, #tpu.memory_space<vmem>> -> memref<1x128x128xf32, #tpu.memory_space<vmem>>
        %dma_start3A_104 = tpu.memref_squeeze %dma_start3A_103 : memref<1x128x128xf32, #tpu.memory_space<vmem>> -> memref<128x128xf32, #tpu.memory_space<vmem>>
        tpu.enqueue_dma source(%dma_start3A_104 : memref<128x128xf32, #tpu.memory_space<vmem>>) target(%dma_start3A_100 : memref<128x128xf32, #tpu.memory_space<vmem_shared>>) target_semaphore(%run_scoped3A_92 : memref<!tpu.dma_semaphore, #tpu.memory_space<semaphore_mem>>)
        %dma_wait3A = arith.constant 0 : i32
        %dma_wait3A_105 = arith.constant 0 : i32
        %dma_wait3A_106 = tpu.memref_slice %arg6[%run_scoped3A_82, %dma_wait3A, %dma_wait3A_105] : memref<2x128x128xf32, #tpu.memory_space<vmem>> -> memref<1x128x128xf32, #tpu.memory_space<vmem>>
        %dma_wait3A_107 = tpu.memref_squeeze %dma_wait3A_106 : memref<1x128x128xf32, #tpu.memory_space<vmem>> -> memref<128x128xf32, #tpu.memory_space<vmem>>
        %dma_wait3A_108 = arith.constant 0 : i32
        %dma_wait3A_109 = tpu.memref_slice %arg7[%add3A_81, %dma_wait3A_108] : memref<10024x128xf32, #tpu.memory_space<vmem_shared>> -> memref<128x128xf32, #tpu.memory_space<vmem_shared>>
        %dma_wait3A_110 = arith.constant 0 : i32
        %dma_wait3A_111 = tpu.memref_slice %arg7[%add3A_81, %dma_wait3A_110] : memref<10024x128xf32, #tpu.memory_space<vmem_shared>> -> memref<128x128xf32, #tpu.memory_space<vmem_shared>>
        %dma_wait3A_112 = arith.constant 0 : i32
        %dma_wait3A_113 = arith.constant 0 : i32
        %dma_wait3A_114 = tpu.memref_slice %arg6[%run_scoped3A_82, %dma_wait3A_112, %dma_wait3A_113] : memref<2x128x128xf32, #tpu.memory_space<vmem>> -> memref<1x128x128xf32, #tpu.memory_space<vmem>>
        %dma_wait3A_115 = tpu.memref_squeeze %dma_wait3A_114 : memref<1x128x128xf32, #tpu.memory_space<vmem>> -> memref<128x128xf32, #tpu.memory_space<vmem>>
        tpu.wait_dma2 semaphore(%run_scoped3A_92 : memref<!tpu.dma_semaphore, #tpu.memory_space<semaphore_mem>>) src(%dma_wait3A_115 : memref<128x128xf32, #tpu.memory_space<vmem>>) dst(%dma_wait3A_111 : memref<128x128xf32, #tpu.memory_space<vmem_shared>>)
        tpu.yield
      }) : () -> ()
      %add3A_83 = arith.constant 384 : i32
      %add3A_84 = arith.addi %mul3A_8, %add3A_83 : i32
      %run_scoped3A_85 = arith.constant 0 : i32
      "tpu.region"() ({
        %run_scoped3A_92 = tpu.sem_alloc : memref<!tpu.dma_semaphore, #tpu.memory_space<semaphore_mem>>
        %dma_start3A_93 = arith.constant 0 : i32
        %dma_start3A_94 = arith.constant 0 : i32
        %dma_start3A_95 = tpu.memref_slice %arg6[%run_scoped3A_85, %dma_start3A_93, %dma_start3A_94] : memref<2x128x128xf32, #tpu.memory_space<vmem>> -> memref<1x128x128xf32, #tpu.memory_space<vmem>>
        %dma_start3A_96 = tpu.memref_squeeze %dma_start3A_95 : memref<1x128x128xf32, #tpu.memory_space<vmem>> -> memref<128x128xf32, #tpu.memory_space<vmem>>
        %dma_start3A_97 = arith.constant 0 : i32
        %dma_start3A_98 = tpu.memref_slice %arg7[%add3A_84, %dma_start3A_97] : memref<10024x128xf32, #tpu.memory_space<vmem_shared>> -> memref<128x128xf32, #tpu.memory_space<vmem_shared>>
        %dma_start3A_99 = arith.constant 0 : i32
        %dma_start3A_100 = tpu.memref_slice %arg7[%add3A_84, %dma_start3A_99] : memref<10024x128xf32, #tpu.memory_space<vmem_shared>> -> memref<128x128xf32, #tpu.memory_space<vmem_shared>>
        %dma_start3A_101 = arith.constant 0 : i32
        %dma_start3A_102 = arith.constant 0 : i32
        %dma_start3A_103 = tpu.memref_slice %arg6[%run_scoped3A_85, %dma_start3A_101, %dma_start3A_102] : memref<2x128x128xf32, #tpu.memory_space<vmem>> -> memref<1x128x128xf32, #tpu.memory_space<vmem>>
        %dma_start3A_104 = tpu.memref_squeeze %dma_start3A_103 : memref<1x128x128xf32, #tpu.memory_space<vmem>> -> memref<128x128xf32, #tpu.memory_space<vmem>>
        tpu.enqueue_dma source(%dma_start3A_104 : memref<128x128xf32, #tpu.memory_space<vmem>>) target(%dma_start3A_100 : memref<128x128xf32, #tpu.memory_space<vmem_shared>>) target_semaphore(%run_scoped3A_92 : memref<!tpu.dma_semaphore, #tpu.memory_space<semaphore_mem>>)
        %dma_wait3A = arith.constant 0 : i32
        %dma_wait3A_105 = arith.constant 0 : i32
        %dma_wait3A_106 = tpu.memref_slice %arg6[%run_scoped3A_85, %dma_wait3A, %dma_wait3A_105] : memref<2x128x128xf32, #tpu.memory_space<vmem>> -> memref<1x128x128xf32, #tpu.memory_space<vmem>>
        %dma_wait3A_107 = tpu.memref_squeeze %dma_wait3A_106 : memref<1x128x128xf32, #tpu.memory_space<vmem>> -> memref<128x128xf32, #tpu.memory_space<vmem>>
        %dma_wait3A_108 = arith.constant 0 : i32
        %dma_wait3A_109 = tpu.memref_slice %arg7[%add3A_84, %dma_wait3A_108] : memref<10024x128xf32, #tpu.memory_space<vmem_shared>> -> memref<128x128xf32, #tpu.memory_space<vmem_shared>>
        %dma_wait3A_110 = arith.constant 0 : i32
        %dma_wait3A_111 = tpu.memref_slice %arg7[%add3A_84, %dma_wait3A_110] : memref<10024x128xf32, #tpu.memory_space<vmem_shared>> -> memref<128x128xf32, #tpu.memory_space<vmem_shared>>
        %dma_wait3A_112 = arith.constant 0 : i32
        %dma_wait3A_113 = arith.constant 0 : i32
        %dma_wait3A_114 = tpu.memref_slice %arg6[%run_scoped3A_85, %dma_wait3A_112, %dma_wait3A_113] : memref<2x128x128xf32, #tpu.memory_space<vmem>> -> memref<1x128x128xf32, #tpu.memory_space<vmem>>
        %dma_wait3A_115 = tpu.memref_squeeze %dma_wait3A_114 : memref<1x128x128xf32, #tpu.memory_space<vmem>> -> memref<128x128xf32, #tpu.memory_space<vmem>>
        tpu.wait_dma2 semaphore(%run_scoped3A_92 : memref<!tpu.dma_semaphore, #tpu.memory_space<semaphore_mem>>) src(%dma_wait3A_115 : memref<128x128xf32, #tpu.memory_space<vmem>>) dst(%dma_wait3A_111 : memref<128x128xf32, #tpu.memory_space<vmem_shared>>)
        tpu.yield
      }) : () -> ()
      %add3A_86 = arith.constant 512 : i32
      %add3A_87 = arith.addi %mul3A_8, %add3A_86 : i32
      %run_scoped3A_88 = arith.constant 0 : i32
      "tpu.region"() ({
        %run_scoped3A_92 = tpu.sem_alloc : memref<!tpu.dma_semaphore, #tpu.memory_space<semaphore_mem>>
        %dma_start3A_93 = arith.constant 0 : i32
        %dma_start3A_94 = arith.constant 0 : i32
        %dma_start3A_95 = tpu.memref_slice %arg6[%run_scoped3A_88, %dma_start3A_93, %dma_start3A_94] : memref<2x128x128xf32, #tpu.memory_space<vmem>> -> memref<1x128x128xf32, #tpu.memory_space<vmem>>
        %dma_start3A_96 = tpu.memref_squeeze %dma_start3A_95 : memref<1x128x128xf32, #tpu.memory_space<vmem>> -> memref<128x128xf32, #tpu.memory_space<vmem>>
        %dma_start3A_97 = arith.constant 0 : i32
        %dma_start3A_98 = tpu.memref_slice %arg7[%add3A_87, %dma_start3A_97] : memref<10024x128xf32, #tpu.memory_space<vmem_shared>> -> memref<128x128xf32, #tpu.memory_space<vmem_shared>>
        %dma_start3A_99 = arith.constant 0 : i32
        %dma_start3A_100 = tpu.memref_slice %arg7[%add3A_87, %dma_start3A_99] : memref<10024x128xf32, #tpu.memory_space<vmem_shared>> -> memref<128x128xf32, #tpu.memory_space<vmem_shared>>
        %dma_start3A_101 = arith.constant 0 : i32
        %dma_start3A_102 = arith.constant 0 : i32
        %dma_start3A_103 = tpu.memref_slice %arg6[%run_scoped3A_88, %dma_start3A_101, %dma_start3A_102] : memref<2x128x128xf32, #tpu.memory_space<vmem>> -> memref<1x128x128xf32, #tpu.memory_space<vmem>>
        %dma_start3A_104 = tpu.memref_squeeze %dma_start3A_103 : memref<1x128x128xf32, #tpu.memory_space<vmem>> -> memref<128x128xf32, #tpu.memory_space<vmem>>
        tpu.enqueue_dma source(%dma_start3A_104 : memref<128x128xf32, #tpu.memory_space<vmem>>) target(%dma_start3A_100 : memref<128x128xf32, #tpu.memory_space<vmem_shared>>) target_semaphore(%run_scoped3A_92 : memref<!tpu.dma_semaphore, #tpu.memory_space<semaphore_mem>>)
        %dma_wait3A = arith.constant 0 : i32
        %dma_wait3A_105 = arith.constant 0 : i32
        %dma_wait3A_106 = tpu.memref_slice %arg6[%run_scoped3A_88, %dma_wait3A, %dma_wait3A_105] : memref<2x128x128xf32, #tpu.memory_space<vmem>> -> memref<1x128x128xf32, #tpu.memory_space<vmem>>
        %dma_wait3A_107 = tpu.memref_squeeze %dma_wait3A_106 : memref<1x128x128xf32, #tpu.memory_space<vmem>> -> memref<128x128xf32, #tpu.memory_space<vmem>>
        %dma_wait3A_108 = arith.constant 0 : i32
        %dma_wait3A_109 = tpu.memref_slice %arg7[%add3A_87, %dma_wait3A_108] : memref<10024x128xf32, #tpu.memory_space<vmem_shared>> -> memref<128x128xf32, #tpu.memory_space<vmem_shared>>
        %dma_wait3A_110 = arith.constant 0 : i32
        %dma_wait3A_111 = tpu.memref_slice %arg7[%add3A_87, %dma_wait3A_110] : memref<10024x128xf32, #tpu.memory_space<vmem_shared>> -> memref<128x128xf32, #tpu.memory_space<vmem_shared>>
        %dma_wait3A_112 = arith.constant 0 : i32
        %dma_wait3A_113 = arith.constant 0 : i32
        %dma_wait3A_114 = tpu.memref_slice %arg6[%run_scoped3A_88, %dma_wait3A_112, %dma_wait3A_113] : memref<2x128x128xf32, #tpu.memory_space<vmem>> -> memref<1x128x128xf32, #tpu.memory_space<vmem>>
        %dma_wait3A_115 = tpu.memref_squeeze %dma_wait3A_114 : memref<1x128x128xf32, #tpu.memory_space<vmem>> -> memref<128x128xf32, #tpu.memory_space<vmem>>
        tpu.wait_dma2 semaphore(%run_scoped3A_92 : memref<!tpu.dma_semaphore, #tpu.memory_space<semaphore_mem>>) src(%dma_wait3A_115 : memref<128x128xf32, #tpu.memory_space<vmem>>) dst(%dma_wait3A_111 : memref<128x128xf32, #tpu.memory_space<vmem_shared>>)
        tpu.yield
      }) : () -> ()
      %add3A_89 = arith.constant 640 : i32
      %add3A_90 = arith.addi %mul3A_8, %add3A_89 : i32
      %run_scoped3A_91 = arith.constant 0 : i32
      "tpu.region"() ({
        %run_scoped3A_92 = tpu.sem_alloc : memref<!tpu.dma_semaphore, #tpu.memory_space<semaphore_mem>>
        %dma_start3A_93 = arith.constant 0 : i32
        %dma_start3A_94 = arith.constant 0 : i32
        %dma_start3A_95 = tpu.memref_slice %arg6[%run_scoped3A_91, %dma_start3A_93, %dma_start3A_94] : memref<2x128x128xf32, #tpu.memory_space<vmem>> -> memref<1x24x128xf32, #tpu.memory_space<vmem>>
        %dma_start3A_96 = tpu.memref_squeeze %dma_start3A_95 : memref<1x24x128xf32, #tpu.memory_space<vmem>> -> memref<24x128xf32, #tpu.memory_space<vmem>>
        %dma_start3A_97 = arith.constant 0 : i32
        %dma_start3A_98 = tpu.memref_slice %arg7[%add3A_90, %dma_start3A_97] : memref<10024x128xf32, #tpu.memory_space<vmem_shared>> -> memref<24x128xf32, #tpu.memory_space<vmem_shared>>
        %dma_start3A_99 = arith.constant 0 : i32
        %dma_start3A_100 = tpu.memref_slice %arg7[%add3A_90, %dma_start3A_99] : memref<10024x128xf32, #tpu.memory_space<vmem_shared>> -> memref<24x128xf32, #tpu.memory_space<vmem_shared>>
        %dma_start3A_101 = arith.constant 0 : i32
        %dma_start3A_102 = arith.constant 0 : i32
        %dma_start3A_103 = tpu.memref_slice %arg6[%run_scoped3A_91, %dma_start3A_101, %dma_start3A_102] : memref<2x128x128xf32, #tpu.memory_space<vmem>> -> memref<1x24x128xf32, #tpu.memory_space<vmem>>
        %dma_start3A_104 = tpu.memref_squeeze %dma_start3A_103 : memref<1x24x128xf32, #tpu.memory_space<vmem>> -> memref<24x128xf32, #tpu.memory_space<vmem>>
        tpu.enqueue_dma source(%dma_start3A_104 : memref<24x128xf32, #tpu.memory_space<vmem>>) target(%dma_start3A_100 : memref<24x128xf32, #tpu.memory_space<vmem_shared>>) target_semaphore(%run_scoped3A_92 : memref<!tpu.dma_semaphore, #tpu.memory_space<semaphore_mem>>)
        %dma_wait3A = arith.constant 0 : i32
        %dma_wait3A_105 = arith.constant 0 : i32
        %dma_wait3A_106 = tpu.memref_slice %arg6[%run_scoped3A_91, %dma_wait3A, %dma_wait3A_105] : memref<2x128x128xf32, #tpu.memory_space<vmem>> -> memref<1x24x128xf32, #tpu.memory_space<vmem>>
        %dma_wait3A_107 = tpu.memref_squeeze %dma_wait3A_106 : memref<1x24x128xf32, #tpu.memory_space<vmem>> -> memref<24x128xf32, #tpu.memory_space<vmem>>
        %dma_wait3A_108 = arith.constant 0 : i32
        %dma_wait3A_109 = tpu.memref_slice %arg7[%add3A_90, %dma_wait3A_108] : memref<10024x128xf32, #tpu.memory_space<vmem_shared>> -> memref<24x128xf32, #tpu.memory_space<vmem_shared>>
        %dma_wait3A_110 = arith.constant 0 : i32
        %dma_wait3A_111 = tpu.memref_slice %arg7[%add3A_90, %dma_wait3A_110] : memref<10024x128xf32, #tpu.memory_space<vmem_shared>> -> memref<24x128xf32, #tpu.memory_space<vmem_shared>>
        %dma_wait3A_112 = arith.constant 0 : i32
        %dma_wait3A_113 = arith.constant 0 : i32
        %dma_wait3A_114 = tpu.memref_slice %arg6[%run_scoped3A_91, %dma_wait3A_112, %dma_wait3A_113] : memref<2x128x128xf32, #tpu.memory_space<vmem>> -> memref<1x24x128xf32, #tpu.memory_space<vmem>>
        %dma_wait3A_115 = tpu.memref_squeeze %dma_wait3A_114 : memref<1x24x128xf32, #tpu.memory_space<vmem>> -> memref<24x128xf32, #tpu.memory_space<vmem>>
        tpu.wait_dma2 semaphore(%run_scoped3A_92 : memref<!tpu.dma_semaphore, #tpu.memory_space<semaphore_mem>>) src(%dma_wait3A_115 : memref<24x128xf32, #tpu.memory_space<vmem>>) dst(%dma_wait3A_111 : memref<24x128xf32, #tpu.memory_space<vmem_shared>>)
        tpu.yield
      }) : () -> ()
    } else {
    }
    %mul3A_15 = arith.constant 80 : i32
    %mul3A_16 = arith.muli %add3A, %mul3A_15 : i32
    %add3A_17 = arith.constant 0 : i32
    %add3A_18 = arith.addi %mul3A_16, %add3A_17 : i32
    "tpu.region"() ({
      %run_scoped3A = tpu.sem_alloc : memref<!tpu.dma_semaphore, #tpu.memory_space<semaphore_mem>>
      %dma_start3A_75 = arith.constant 0 : i32
      %dma_start3A_76 = arith.constant 0 : i32
      %dma_start3A_77 = tpu.memref_slice %arg3[%dma_start3A_75, %add3A_18, %dma_start3A_76] : memref<2x2560x128xi32, #tpu.memory_space<hbm>> -> memref<2x40x128xi32, #tpu.memory_space<hbm>>
      %dma_start3A_78 = arith.constant 0 : i32
      %dma_start3A_79 = arith.constant 0 : i32
      %dma_start3A_80 = tpu.memref_slice %arg3[%dma_start3A_78, %add3A_18, %dma_start3A_79] : memref<2x2560x128xi32, #tpu.memory_space<hbm>> -> memref<2x40x128xi32, #tpu.memory_space<hbm>>
      tpu.enqueue_dma source(%dma_start3A_80 : memref<2x40x128xi32, #tpu.memory_space<hbm>>) target(%arg5 : memref<2x40x128xi32, #tpu.memory_space<vmem>>) target_semaphore(%run_scoped3A : memref<!tpu.dma_semaphore, #tpu.memory_space<semaphore_mem>>)
      %dma_wait3A = arith.constant 0 : i32
      %dma_wait3A_81 = arith.constant 0 : i32
      %dma_wait3A_82 = tpu.memref_slice %arg3[%dma_wait3A, %add3A_18, %dma_wait3A_81] : memref<2x2560x128xi32, #tpu.memory_space<hbm>> -> memref<2x40x128xi32, #tpu.memory_space<hbm>>
      %dma_wait3A_83 = arith.constant 0 : i32
      %dma_wait3A_84 = arith.constant 0 : i32
      %dma_wait3A_85 = tpu.memref_slice %arg3[%dma_wait3A_83, %add3A_18, %dma_wait3A_84] : memref<2x2560x128xi32, #tpu.memory_space<hbm>> -> memref<2x40x128xi32, #tpu.memory_space<hbm>>
      tpu.wait_dma2 semaphore(%run_scoped3A : memref<!tpu.dma_semaphore, #tpu.memory_space<semaphore_mem>>) src(%dma_wait3A_85 : memref<2x40x128xi32, #tpu.memory_space<hbm>>) dst(%arg5 : memref<2x40x128xi32, #tpu.memory_space<vmem>>)
      tpu.yield
    }) : () -> ()
    %dma_start3A = arith.constant 0 : i32
    %dma_start3A_19 = arith.constant 0 : i32
    %dma_start3A_20 = arith.constant 0 : i32
    %dma_start3A_21 = arith.constant 0 : i32
    %dma_start3A_22 = arith.constant 0 : i32
    %dma_start3A_23 = tpu.memref_slice %arg6[%dma_start3A_20, %dma_start3A_21, %dma_start3A_22] : memref<2x128x128xf32, #tpu.memory_space<vmem>> -> memref<1x128x128xf32, #tpu.memory_space<vmem>>
    %dma_start3A_24 = tpu.memref_squeeze %dma_start3A_23 : memref<1x128x128xf32, #tpu.memory_space<vmem>> -> memref<128x128xf32, #tpu.memory_space<vmem>>
    %dma_start3A_25 = arith.constant 0 : i32
    %dma_start3A_26 = tpu.memref_slice %arg5[%dma_start3A, %dma_start3A_19, %dma_start3A_25] : memref<2x40x128xi32, #tpu.memory_space<vmem>> -> memref<1x1x128xi32, #tpu.memory_space<vmem>>
    %dma_start3A_27 = tpu.memref_squeeze %dma_start3A_26 : memref<1x1x128xi32, #tpu.memory_space<vmem>> -> memref<128xi32, #tpu.memory_space<vmem>>
    %dma_start3A_28 = arith.constant 0 : i32
    %dma_start3A_29 = arith.constant 0 : i32
    %dma_start3A_30 = tpu.memref_slice %arg2[%dma_start3A_28, %dma_start3A_29] : memref<10000x128xf32, #tpu.memory_space<hbm>> -> memref<10000x128xf32, #tpu.memory_space<hbm>>
    tpu.enqueue_indirect_dma source(%dma_start3A_30 : memref<10000x128xf32, #tpu.memory_space<hbm>>) target(%dma_start3A_24 : memref<128x128xf32, #tpu.memory_space<vmem>>) offsets(%dma_start3A_27 : memref<128xi32, #tpu.memory_space<vmem>>) semaphore(%arg8 : memref<!tpu.dma_semaphore, #tpu.memory_space<semaphore_mem>>)
    %barrier3A = arith.constant 0 : index
    tpu.barrier barrier_id(%barrier3A)
    %scan3A_31 = arith.constant 0 : i32
    %scan3A_32 = arith.constant 1 : i32
    %scan3A_33 = arith.constant 0 : i32
    %scan3A_34 = arith.constant 0 : i32
    %scan3A_35 = arith.constant 20 : i32
    %scan3A_36 = arith.addi %scan3A_34, %scan3A_35 : i32
    %scan3A_37 = arith.constant 1 : i32
    scf.for %scan3A_75 = %scan3A_34 to %scan3A_36 step %scan3A_37  : i32 {
      %mul3A_76 = arith.constant 2 : i32
      %mul3A_77 = arith.muli %mul3A_76, %scan3A_75 : i32
      %add3A_78 = arith.constant 1 : i32
      %add3A_79 = arith.addi %mul3A_77, %add3A_78 : i32
      %dma_start3A_80 = arith.constant 0 : i32
      %dma_start3A_81 = arith.constant 0 : i32
      %dma_start3A_82 = arith.constant 0 : i32
      %dma_start3A_83 = tpu.memref_slice %arg6[%scan3A_32, %dma_start3A_81, %dma_start3A_82] : memref<2x128x128xf32, #tpu.memory_space<vmem>> -> memref<1x128x128xf32, #tpu.memory_space<vmem>>
      %dma_start3A_84 = tpu.memref_squeeze %dma_start3A_83 : memref<1x128x128xf32, #tpu.memory_space<vmem>> -> memref<128x128xf32, #tpu.memory_space<vmem>>
      %dma_start3A_85 = arith.constant 0 : i32
      %dma_start3A_86 = tpu.memref_slice %arg5[%dma_start3A_80, %add3A_79, %dma_start3A_85] : memref<2x40x128xi32, #tpu.memory_space<vmem>> -> memref<1x1x128xi32, #tpu.memory_space<vmem>>
      %dma_start3A_87 = tpu.memref_squeeze %dma_start3A_86 : memref<1x1x128xi32, #tpu.memory_space<vmem>> -> memref<128xi32, #tpu.memory_space<vmem>>
      %dma_start3A_88 = arith.constant 0 : i32
      %dma_start3A_89 = arith.constant 0 : i32
      %dma_start3A_90 = tpu.memref_slice %arg2[%dma_start3A_88, %dma_start3A_89] : memref<10000x128xf32, #tpu.memory_space<hbm>> -> memref<10000x128xf32, #tpu.memory_space<hbm>>
      tpu.enqueue_indirect_dma source(%dma_start3A_90 : memref<10000x128xf32, #tpu.memory_space<hbm>>) target(%dma_start3A_84 : memref<128x128xf32, #tpu.memory_space<vmem>>) offsets(%dma_start3A_87 : memref<128xi32, #tpu.memory_space<vmem>>) semaphore(%arg9 : memref<!tpu.dma_semaphore, #tpu.memory_space<semaphore_mem>>)
      %dma_wait3A = arith.constant 0 : i32
      %dma_wait3A_91 = arith.constant 0 : i32
      %dma_wait3A_92 = arith.constant 0 : i32
      %dma_wait3A_93 = tpu.memref_slice %arg6[%scan3A_33, %dma_wait3A_91, %dma_wait3A_92] : memref<2x128x128xf32, #tpu.memory_space<vmem>> -> memref<1x128x128xf32, #tpu.memory_space<vmem>>
      %dma_wait3A_94 = tpu.memref_squeeze %dma_wait3A_93 : memref<1x128x128xf32, #tpu.memory_space<vmem>> -> memref<128x128xf32, #tpu.memory_space<vmem>>
      %dma_wait3A_95 = arith.constant 0 : i32
      %dma_wait3A_96 = tpu.memref_slice %arg5[%dma_wait3A, %mul3A_77, %dma_wait3A_95] : memref<2x40x128xi32, #tpu.memory_space<vmem>> -> memref<1x1x128xi32, #tpu.memory_space<vmem>>
      %dma_wait3A_97 = tpu.memref_squeeze %dma_wait3A_96 : memref<1x1x128xi32, #tpu.memory_space<vmem>> -> memref<128xi32, #tpu.memory_space<vmem>>
      %dma_wait3A_98 = arith.constant 0 : i32
      %dma_wait3A_99 = arith.constant 0 : i32
      %dma_wait3A_100 = tpu.memref_slice %arg2[%dma_wait3A_98, %dma_wait3A_99] : memref<10000x128xf32, #tpu.memory_space<hbm>> -> memref<10000x128xf32, #tpu.memory_space<hbm>>
      tpu.wait_indirect_dma semaphore(%arg8 : memref<!tpu.dma_semaphore, #tpu.memory_space<semaphore_mem>>) src(%dma_wait3A_100 : memref<10000x128xf32, #tpu.memory_space<hbm>>) dst(%dma_wait3A_94 : memref<128x128xf32, #tpu.memory_space<vmem>>)
      %run_scoped3A = arith.constant 1 : i32
      "tpu.region"() ({
        %run_scoped3A_120 = tpu.sem_alloc : memref<!tpu.dma_semaphore, #tpu.memory_space<semaphore_mem>>
        %dma_start3A_121 = arith.constant 0 : i32
        %dma_start3A_122 = arith.constant 0 : i32
        %dma_start3A_123 = tpu.memref_slice %arg6[%scan3A_33, %dma_start3A_121, %dma_start3A_122] : memref<2x128x128xf32, #tpu.memory_space<vmem>> -> memref<1x128x128xf32, #tpu.memory_space<vmem>>
        %dma_start3A_124 = tpu.memref_squeeze %dma_start3A_123 : memref<1x128x128xf32, #tpu.memory_space<vmem>> -> memref<128x128xf32, #tpu.memory_space<vmem>>
        %dma_start3A_125 = arith.constant 0 : i32
        %dma_start3A_126 = tpu.memref_slice %arg5[%run_scoped3A, %mul3A_77, %dma_start3A_125] : memref<2x40x128xi32, #tpu.memory_space<vmem>> -> memref<1x1x128xi32, #tpu.memory_space<vmem>>
        %dma_start3A_127 = tpu.memref_squeeze %dma_start3A_126 : memref<1x1x128xi32, #tpu.memory_space<vmem>> -> memref<128xi32, #tpu.memory_space<vmem>>
        %dma_start3A_128 = arith.constant 0 : i32
        %dma_start3A_129 = arith.constant 0 : i32
        %dma_start3A_130 = tpu.memref_slice %arg7[%dma_start3A_128, %dma_start3A_129] : memref<10024x128xf32, #tpu.memory_space<vmem_shared>> -> memref<10024x128xf32, #tpu.memory_space<vmem_shared>>
        tpu.enqueue_indirect_dma source(%dma_start3A_124 : memref<128x128xf32, #tpu.memory_space<vmem>>) target(%dma_start3A_130 : memref<10024x128xf32, #tpu.memory_space<vmem_shared>>) offsets(%dma_start3A_127 : memref<128xi32, #tpu.memory_space<vmem>>) semaphore(%run_scoped3A_120 : memref<!tpu.dma_semaphore, #tpu.memory_space<semaphore_mem>>) {add = true}
        %dma_wait3A_131 = arith.constant 0 : i32
        %dma_wait3A_132 = arith.constant 0 : i32
        %dma_wait3A_133 = tpu.memref_slice %arg6[%scan3A_33, %dma_wait3A_131, %dma_wait3A_132] : memref<2x128x128xf32, #tpu.memory_space<vmem>> -> memref<1x128x128xf32, #tpu.memory_space<vmem>>
        %dma_wait3A_134 = tpu.memref_squeeze %dma_wait3A_133 : memref<1x128x128xf32, #tpu.memory_space<vmem>> -> memref<128x128xf32, #tpu.memory_space<vmem>>
        %dma_wait3A_135 = arith.constant 0 : i32
        %dma_wait3A_136 = tpu.memref_slice %arg5[%run_scoped3A, %mul3A_77, %dma_wait3A_135] : memref<2x40x128xi32, #tpu.memory_space<vmem>> -> memref<1x1x128xi32, #tpu.memory_space<vmem>>
        %dma_wait3A_137 = tpu.memref_squeeze %dma_wait3A_136 : memref<1x1x128xi32, #tpu.memory_space<vmem>> -> memref<128xi32, #tpu.memory_space<vmem>>
        %dma_wait3A_138 = arith.constant 0 : i32
        %dma_wait3A_139 = arith.constant 0 : i32
        %dma_wait3A_140 = tpu.memref_slice %arg7[%dma_wait3A_138, %dma_wait3A_139] : memref<10024x128xf32, #tpu.memory_space<vmem_shared>> -> memref<10024x128xf32, #tpu.memory_space<vmem_shared>>
        tpu.wait_indirect_dma semaphore(%run_scoped3A_120 : memref<!tpu.dma_semaphore, #tpu.memory_space<semaphore_mem>>) src(%dma_wait3A_134 : memref<128x128xf32, #tpu.memory_space<vmem>>) dst(%dma_wait3A_140 : memref<10024x128xf32, #tpu.memory_space<vmem_shared>>)
        tpu.yield
      }) : () -> ()
      %add3A_101 = arith.constant 2 : i32
      %add3A_102 = arith.addi %mul3A_77, %add3A_101 : i32
      %lt3A_103 = arith.constant 40 : i32
      %lt3A_104 = arith.cmpi slt, %add3A_102, %lt3A_103 : i32
      %convert_element_type3A_105 = arith.extui %lt3A_104 : i1 to i32
      %cond3A_106 = arith.constant 0 : i32
      %cond3A_107 = arith.cmpi ne, %convert_element_type3A_105, %cond3A_106 : i32
      scf.if %cond3A_107 {
        %add3A_120 = arith.constant 2 : i32
        %add3A_121 = arith.addi %mul3A_77, %add3A_120 : i32
        %dma_start3A_122 = arith.constant 0 : i32
        %dma_start3A_123 = arith.constant 0 : i32
        %dma_start3A_124 = arith.constant 0 : i32
        %dma_start3A_125 = tpu.memref_slice %arg6[%scan3A_33, %dma_start3A_123, %dma_start3A_124] : memref<2x128x128xf32, #tpu.memory_space<vmem>> -> memref<1x128x128xf32, #tpu.memory_space<vmem>>
        %dma_start3A_126 = tpu.memref_squeeze %dma_start3A_125 : memref<1x128x128xf32, #tpu.memory_space<vmem>> -> memref<128x128xf32, #tpu.memory_space<vmem>>
        %dma_start3A_127 = arith.constant 0 : i32
        %dma_start3A_128 = tpu.memref_slice %arg5[%dma_start3A_122, %add3A_121, %dma_start3A_127] : memref<2x40x128xi32, #tpu.memory_space<vmem>> -> memref<1x1x128xi32, #tpu.memory_space<vmem>>
        %dma_start3A_129 = tpu.memref_squeeze %dma_start3A_128 : memref<1x1x128xi32, #tpu.memory_space<vmem>> -> memref<128xi32, #tpu.memory_space<vmem>>
        %dma_start3A_130 = arith.constant 0 : i32
        %dma_start3A_131 = arith.constant 0 : i32
        %dma_start3A_132 = tpu.memref_slice %arg2[%dma_start3A_130, %dma_start3A_131] : memref<10000x128xf32, #tpu.memory_space<hbm>> -> memref<10000x128xf32, #tpu.memory_space<hbm>>
        tpu.enqueue_indirect_dma source(%dma_start3A_132 : memref<10000x128xf32, #tpu.memory_space<hbm>>) target(%dma_start3A_126 : memref<128x128xf32, #tpu.memory_space<vmem>>) offsets(%dma_start3A_129 : memref<128xi32, #tpu.memory_space<vmem>>) semaphore(%arg8 : memref<!tpu.dma_semaphore, #tpu.memory_space<semaphore_mem>>)
      } else {
      }
      %dma_wait3A_108 = arith.constant 0 : i32
      %dma_wait3A_109 = arith.constant 0 : i32
      %dma_wait3A_110 = arith.constant 0 : i32
      %dma_wait3A_111 = tpu.memref_slice %arg6[%scan3A_32, %dma_wait3A_109, %dma_wait3A_110] : memref<2x128x128xf32, #tpu.memory_space<vmem>> -> memref<1x128x128xf32, #tpu.memory_space<vmem>>
      %dma_wait3A_112 = tpu.memref_squeeze %dma_wait3A_111 : memref<1x128x128xf32, #tpu.memory_space<vmem>> -> memref<128x128xf32, #tpu.memory_space<vmem>>
      %dma_wait3A_113 = arith.constant 0 : i32
      %dma_wait3A_114 = tpu.memref_slice %arg5[%dma_wait3A_108, %add3A_79, %dma_wait3A_113] : memref<2x40x128xi32, #tpu.memory_space<vmem>> -> memref<1x1x128xi32, #tpu.memory_space<vmem>>
      %dma_wait3A_115 = tpu.memref_squeeze %dma_wait3A_114 : memref<1x1x128xi32, #tpu.memory_space<vmem>> -> memref<128xi32, #tpu.memory_space<vmem>>
      %dma_wait3A_116 = arith.constant 0 : i32
      %dma_wait3A_117 = arith.constant 0 : i32
      %dma_wait3A_118 = tpu.memref_slice %arg2[%dma_wait3A_116, %dma_wait3A_117] : memref<10000x128xf32, #tpu.memory_space<hbm>> -> memref<10000x128xf32, #tpu.memory_space<hbm>>
      tpu.wait_indirect_dma semaphore(%arg9 : memref<!tpu.dma_semaphore, #tpu.memory_space<semaphore_mem>>) src(%dma_wait3A_118 : memref<10000x128xf32, #tpu.memory_space<hbm>>) dst(%dma_wait3A_112 : memref<128x128xf32, #tpu.memory_space<vmem>>)
      %run_scoped3A_119 = arith.constant 1 : i32
      "tpu.region"() ({
        %run_scoped3A_120 = tpu.sem_alloc : memref<!tpu.dma_semaphore, #tpu.memory_space<semaphore_mem>>
        %dma_start3A_121 = arith.constant 0 : i32
        %dma_start3A_122 = arith.constant 0 : i32
        %dma_start3A_123 = tpu.memref_slice %arg6[%scan3A_32, %dma_start3A_121, %dma_start3A_122] : memref<2x128x128xf32, #tpu.memory_space<vmem>> -> memref<1x128x128xf32, #tpu.memory_space<vmem>>
        %dma_start3A_124 = tpu.memref_squeeze %dma_start3A_123 : memref<1x128x128xf32, #tpu.memory_space<vmem>> -> memref<128x128xf32, #tpu.memory_space<vmem>>
        %dma_start3A_125 = arith.constant 0 : i32
        %dma_start3A_126 = tpu.memref_slice %arg5[%run_scoped3A_119, %add3A_79, %dma_start3A_125] : memref<2x40x128xi32, #tpu.memory_space<vmem>> -> memref<1x1x128xi32, #tpu.memory_space<vmem>>
        %dma_start3A_127 = tpu.memref_squeeze %dma_start3A_126 : memref<1x1x128xi32, #tpu.memory_space<vmem>> -> memref<128xi32, #tpu.memory_space<vmem>>
        %dma_start3A_128 = arith.constant 0 : i32
        %dma_start3A_129 = arith.constant 0 : i32
        %dma_start3A_130 = tpu.memref_slice %arg7[%dma_start3A_128, %dma_start3A_129] : memref<10024x128xf32, #tpu.memory_space<vmem_shared>> -> memref<10024x128xf32, #tpu.memory_space<vmem_shared>>
        tpu.enqueue_indirect_dma source(%dma_start3A_124 : memref<128x128xf32, #tpu.memory_space<vmem>>) target(%dma_start3A_130 : memref<10024x128xf32, #tpu.memory_space<vmem_shared>>) offsets(%dma_start3A_127 : memref<128xi32, #tpu.memory_space<vmem>>) semaphore(%run_scoped3A_120 : memref<!tpu.dma_semaphore, #tpu.memory_space<semaphore_mem>>) {add = true}
        %dma_wait3A_131 = arith.constant 0 : i32
        %dma_wait3A_132 = arith.constant 0 : i32
        %dma_wait3A_133 = tpu.memref_slice %arg6[%scan3A_32, %dma_wait3A_131, %dma_wait3A_132] : memref<2x128x128xf32, #tpu.memory_space<vmem>> -> memref<1x128x128xf32, #tpu.memory_space<vmem>>
        %dma_wait3A_134 = tpu.memref_squeeze %dma_wait3A_133 : memref<1x128x128xf32, #tpu.memory_space<vmem>> -> memref<128x128xf32, #tpu.memory_space<vmem>>
        %dma_wait3A_135 = arith.constant 0 : i32
        %dma_wait3A_136 = tpu.memref_slice %arg5[%run_scoped3A_119, %add3A_79, %dma_wait3A_135] : memref<2x40x128xi32, #tpu.memory_space<vmem>> -> memref<1x1x128xi32, #tpu.memory_space<vmem>>
        %dma_wait3A_137 = tpu.memref_squeeze %dma_wait3A_136 : memref<1x1x128xi32, #tpu.memory_space<vmem>> -> memref<128xi32, #tpu.memory_space<vmem>>
        %dma_wait3A_138 = arith.constant 0 : i32
        %dma_wait3A_139 = arith.constant 0 : i32
        %dma_wait3A_140 = tpu.memref_slice %arg7[%dma_wait3A_138, %dma_wait3A_139] : memref<10024x128xf32, #tpu.memory_space<vmem_shared>> -> memref<10024x128xf32, #tpu.memory_space<vmem_shared>>
        tpu.wait_indirect_dma semaphore(%run_scoped3A_120 : memref<!tpu.dma_semaphore, #tpu.memory_space<semaphore_mem>>) src(%dma_wait3A_134 : memref<128x128xf32, #tpu.memory_space<vmem>>) dst(%dma_wait3A_140 : memref<10024x128xf32, #tpu.memory_space<vmem_shared>>)
        tpu.yield
      }) : () -> ()
    }
    %scan3A_38 = arith.constant 20 : i32
    %mul3A_39 = arith.constant 80 : i32
    %mul3A_40 = arith.muli %add3A, %mul3A_39 : i32
    %add3A_41 = arith.constant 40 : i32
    %add3A_42 = arith.addi %mul3A_40, %add3A_41 : i32
    "tpu.region"() ({
      %run_scoped3A = tpu.sem_alloc : memref<!tpu.dma_semaphore, #tpu.memory_space<semaphore_mem>>
      %dma_start3A_75 = arith.constant 0 : i32
      %dma_start3A_76 = arith.constant 0 : i32
      %dma_start3A_77 = tpu.memref_slice %arg3[%dma_start3A_75, %add3A_42, %dma_start3A_76] : memref<2x2560x128xi32, #tpu.memory_space<hbm>> -> memref<2x40x128xi32, #tpu.memory_space<hbm>>
      %dma_start3A_78 = arith.constant 0 : i32
      %dma_start3A_79 = arith.constant 0 : i32
      %dma_start3A_80 = tpu.memref_slice %arg3[%dma_start3A_78, %add3A_42, %dma_start3A_79] : memref<2x2560x128xi32, #tpu.memory_space<hbm>> -> memref<2x40x128xi32, #tpu.memory_space<hbm>>
      tpu.enqueue_dma source(%dma_start3A_80 : memref<2x40x128xi32, #tpu.memory_space<hbm>>) target(%arg5 : memref<2x40x128xi32, #tpu.memory_space<vmem>>) target_semaphore(%run_scoped3A : memref<!tpu.dma_semaphore, #tpu.memory_space<semaphore_mem>>)
      %dma_wait3A = arith.constant 0 : i32
      %dma_wait3A_81 = arith.constant 0 : i32
      %dma_wait3A_82 = tpu.memref_slice %arg3[%dma_wait3A, %add3A_42, %dma_wait3A_81] : memref<2x2560x128xi32, #tpu.memory_space<hbm>> -> memref<2x40x128xi32, #tpu.memory_space<hbm>>
      %dma_wait3A_83 = arith.constant 0 : i32
      %dma_wait3A_84 = arith.constant 0 : i32
      %dma_wait3A_85 = tpu.memref_slice %arg3[%dma_wait3A_83, %add3A_42, %dma_wait3A_84] : memref<2x2560x128xi32, #tpu.memory_space<hbm>> -> memref<2x40x128xi32, #tpu.memory_space<hbm>>
      tpu.wait_dma2 semaphore(%run_scoped3A : memref<!tpu.dma_semaphore, #tpu.memory_space<semaphore_mem>>) src(%dma_wait3A_85 : memref<2x40x128xi32, #tpu.memory_space<hbm>>) dst(%arg5 : memref<2x40x128xi32, #tpu.memory_space<vmem>>)
      tpu.yield
    }) : () -> ()
    %dma_start3A_43 = arith.constant 0 : i32
    %dma_start3A_44 = arith.constant 0 : i32
    %dma_start3A_45 = arith.constant 0 : i32
    %dma_start3A_46 = arith.constant 0 : i32
    %dma_start3A_47 = arith.constant 0 : i32
    %dma_start3A_48 = tpu.memref_slice %arg6[%dma_start3A_45, %dma_start3A_46, %dma_start3A_47] : memref<2x128x128xf32, #tpu.memory_space<vmem>> -> memref<1x128x128xf32, #tpu.memory_space<vmem>>
    %dma_start3A_49 = tpu.memref_squeeze %dma_start3A_48 : memref<1x128x128xf32, #tpu.memory_space<vmem>> -> memref<128x128xf32, #tpu.memory_space<vmem>>
    %dma_start3A_50 = arith.constant 0 : i32
    %dma_start3A_51 = tpu.memref_slice %arg5[%dma_start3A_43, %dma_start3A_44, %dma_start3A_50] : memref<2x40x128xi32, #tpu.memory_space<vmem>> -> memref<1x1x128xi32, #tpu.memory_space<vmem>>
    %dma_start3A_52 = tpu.memref_squeeze %dma_start3A_51 : memref<1x1x128xi32, #tpu.memory_space<vmem>> -> memref<128xi32, #tpu.memory_space<vmem>>
    %dma_start3A_53 = arith.constant 0 : i32
    %dma_start3A_54 = arith.constant 0 : i32
    %dma_start3A_55 = tpu.memref_slice %arg2[%dma_start3A_53, %dma_start3A_54] : memref<10000x128xf32, #tpu.memory_space<hbm>> -> memref<10000x128xf32, #tpu.memory_space<hbm>>
    tpu.enqueue_indirect_dma source(%dma_start3A_55 : memref<10000x128xf32, #tpu.memory_space<hbm>>) target(%dma_start3A_49 : memref<128x128xf32, #tpu.memory_space<vmem>>) offsets(%dma_start3A_52 : memref<128xi32, #tpu.memory_space<vmem>>) semaphore(%arg8 : memref<!tpu.dma_semaphore, #tpu.memory_space<semaphore_mem>>)
    %scan3A_56 = arith.constant 0 : i32
    %scan3A_57 = arith.constant 1 : i32
    %scan3A_58 = arith.constant 0 : i32
    %scan3A_59 = arith.constant 0 : i32
    %scan3A_60 = arith.constant 20 : i32
    %scan3A_61 = arith.addi %scan3A_59, %scan3A_60 : i32
    %scan3A_62 = arith.constant 1 : i32
    scf.for %scan3A_75 = %scan3A_59 to %scan3A_61 step %scan3A_62  : i32 {
      %mul3A_76 = arith.constant 2 : i32
      %mul3A_77 = arith.muli %mul3A_76, %scan3A_75 : i32
      %add3A_78 = arith.constant 1 : i32
      %add3A_79 = arith.addi %mul3A_77, %add3A_78 : i32
      %dma_start3A_80 = arith.constant 0 : i32
      %dma_start3A_81 = arith.constant 0 : i32
      %dma_start3A_82 = arith.constant 0 : i32
      %dma_start3A_83 = tpu.memref_slice %arg6[%scan3A_57, %dma_start3A_81, %dma_start3A_82] : memref<2x128x128xf32, #tpu.memory_space<vmem>> -> memref<1x128x128xf32, #tpu.memory_space<vmem>>
      %dma_start3A_84 = tpu.memref_squeeze %dma_start3A_83 : memref<1x128x128xf32, #tpu.memory_space<vmem>> -> memref<128x128xf32, #tpu.memory_space<vmem>>
      %dma_start3A_85 = arith.constant 0 : i32
      %dma_start3A_86 = tpu.memref_slice %arg5[%dma_start3A_80, %add3A_79, %dma_start3A_85] : memref<2x40x128xi32, #tpu.memory_space<vmem>> -> memref<1x1x128xi32, #tpu.memory_space<vmem>>
      %dma_start3A_87 = tpu.memref_squeeze %dma_start3A_86 : memref<1x1x128xi32, #tpu.memory_space<vmem>> -> memref<128xi32, #tpu.memory_space<vmem>>
      %dma_start3A_88 = arith.constant 0 : i32
      %dma_start3A_89 = arith.constant 0 : i32
      %dma_start3A_90 = tpu.memref_slice %arg2[%dma_start3A_88, %dma_start3A_89] : memref<10000x128xf32, #tpu.memory_space<hbm>> -> memref<10000x128xf32, #tpu.memory_space<hbm>>
      tpu.enqueue_indirect_dma source(%dma_start3A_90 : memref<10000x128xf32, #tpu.memory_space<hbm>>) target(%dma_start3A_84 : memref<128x128xf32, #tpu.memory_space<vmem>>) offsets(%dma_start3A_87 : memref<128xi32, #tpu.memory_space<vmem>>) semaphore(%arg9 : memref<!tpu.dma_semaphore, #tpu.memory_space<semaphore_mem>>)
      %dma_wait3A = arith.constant 0 : i32
      %dma_wait3A_91 = arith.constant 0 : i32
      %dma_wait3A_92 = arith.constant 0 : i32
      %dma_wait3A_93 = tpu.memref_slice %arg6[%scan3A_58, %dma_wait3A_91, %dma_wait3A_92] : memref<2x128x128xf32, #tpu.memory_space<vmem>> -> memref<1x128x128xf32, #tpu.memory_space<vmem>>
      %dma_wait3A_94 = tpu.memref_squeeze %dma_wait3A_93 : memref<1x128x128xf32, #tpu.memory_space<vmem>> -> memref<128x128xf32, #tpu.memory_space<vmem>>
      %dma_wait3A_95 = arith.constant 0 : i32
      %dma_wait3A_96 = tpu.memref_slice %arg5[%dma_wait3A, %mul3A_77, %dma_wait3A_95] : memref<2x40x128xi32, #tpu.memory_space<vmem>> -> memref<1x1x128xi32, #tpu.memory_space<vmem>>
      %dma_wait3A_97 = tpu.memref_squeeze %dma_wait3A_96 : memref<1x1x128xi32, #tpu.memory_space<vmem>> -> memref<128xi32, #tpu.memory_space<vmem>>
      %dma_wait3A_98 = arith.constant 0 : i32
      %dma_wait3A_99 = arith.constant 0 : i32
      %dma_wait3A_100 = tpu.memref_slice %arg2[%dma_wait3A_98, %dma_wait3A_99] : memref<10000x128xf32, #tpu.memory_space<hbm>> -> memref<10000x128xf32, #tpu.memory_space<hbm>>
      tpu.wait_indirect_dma semaphore(%arg8 : memref<!tpu.dma_semaphore, #tpu.memory_space<semaphore_mem>>) src(%dma_wait3A_100 : memref<10000x128xf32, #tpu.memory_space<hbm>>) dst(%dma_wait3A_94 : memref<128x128xf32, #tpu.memory_space<vmem>>)
      %run_scoped3A = arith.constant 1 : i32
      "tpu.region"() ({
        %run_scoped3A_120 = tpu.sem_alloc : memref<!tpu.dma_semaphore, #tpu.memory_space<semaphore_mem>>
        %dma_start3A_121 = arith.constant 0 : i32
        %dma_start3A_122 = arith.constant 0 : i32
        %dma_start3A_123 = tpu.memref_slice %arg6[%scan3A_58, %dma_start3A_121, %dma_start3A_122] : memref<2x128x128xf32, #tpu.memory_space<vmem>> -> memref<1x128x128xf32, #tpu.memory_space<vmem>>
        %dma_start3A_124 = tpu.memref_squeeze %dma_start3A_123 : memref<1x128x128xf32, #tpu.memory_space<vmem>> -> memref<128x128xf32, #tpu.memory_space<vmem>>
        %dma_start3A_125 = arith.constant 0 : i32
        %dma_start3A_126 = tpu.memref_slice %arg5[%run_scoped3A, %mul3A_77, %dma_start3A_125] : memref<2x40x128xi32, #tpu.memory_space<vmem>> -> memref<1x1x128xi32, #tpu.memory_space<vmem>>
        %dma_start3A_127 = tpu.memref_squeeze %dma_start3A_126 : memref<1x1x128xi32, #tpu.memory_space<vmem>> -> memref<128xi32, #tpu.memory_space<vmem>>
        %dma_start3A_128 = arith.constant 0 : i32
        %dma_start3A_129 = arith.constant 0 : i32
        %dma_start3A_130 = tpu.memref_slice %arg7[%dma_start3A_128, %dma_start3A_129] : memref<10024x128xf32, #tpu.memory_space<vmem_shared>> -> memref<10024x128xf32, #tpu.memory_space<vmem_shared>>
        tpu.enqueue_indirect_dma source(%dma_start3A_124 : memref<128x128xf32, #tpu.memory_space<vmem>>) target(%dma_start3A_130 : memref<10024x128xf32, #tpu.memory_space<vmem_shared>>) offsets(%dma_start3A_127 : memref<128xi32, #tpu.memory_space<vmem>>) semaphore(%run_scoped3A_120 : memref<!tpu.dma_semaphore, #tpu.memory_space<semaphore_mem>>) {add = true}
        %dma_wait3A_131 = arith.constant 0 : i32
        %dma_wait3A_132 = arith.constant 0 : i32
        %dma_wait3A_133 = tpu.memref_slice %arg6[%scan3A_58, %dma_wait3A_131, %dma_wait3A_132] : memref<2x128x128xf32, #tpu.memory_space<vmem>> -> memref<1x128x128xf32, #tpu.memory_space<vmem>>
        %dma_wait3A_134 = tpu.memref_squeeze %dma_wait3A_133 : memref<1x128x128xf32, #tpu.memory_space<vmem>> -> memref<128x128xf32, #tpu.memory_space<vmem>>
        %dma_wait3A_135 = arith.constant 0 : i32
        %dma_wait3A_136 = tpu.memref_slice %arg5[%run_scoped3A, %mul3A_77, %dma_wait3A_135] : memref<2x40x128xi32, #tpu.memory_space<vmem>> -> memref<1x1x128xi32, #tpu.memory_space<vmem>>
        %dma_wait3A_137 = tpu.memref_squeeze %dma_wait3A_136 : memref<1x1x128xi32, #tpu.memory_space<vmem>> -> memref<128xi32, #tpu.memory_space<vmem>>
        %dma_wait3A_138 = arith.constant 0 : i32
        %dma_wait3A_139 = arith.constant 0 : i32
        %dma_wait3A_140 = tpu.memref_slice %arg7[%dma_wait3A_138, %dma_wait3A_139] : memref<10024x128xf32, #tpu.memory_space<vmem_shared>> -> memref<10024x128xf32, #tpu.memory_space<vmem_shared>>
        tpu.wait_indirect_dma semaphore(%run_scoped3A_120 : memref<!tpu.dma_semaphore, #tpu.memory_space<semaphore_mem>>) src(%dma_wait3A_134 : memref<128x128xf32, #tpu.memory_space<vmem>>) dst(%dma_wait3A_140 : memref<10024x128xf32, #tpu.memory_space<vmem_shared>>)
        tpu.yield
      }) : () -> ()
      %add3A_101 = arith.constant 2 : i32
      %add3A_102 = arith.addi %mul3A_77, %add3A_101 : i32
      %lt3A_103 = arith.constant 40 : i32
      %lt3A_104 = arith.cmpi slt, %add3A_102, %lt3A_103 : i32
      %convert_element_type3A_105 = arith.extui %lt3A_104 : i1 to i32
      %cond3A_106 = arith.constant 0 : i32
      %cond3A_107 = arith.cmpi ne, %convert_element_type3A_105, %cond3A_106 : i32
      scf.if %cond3A_107 {
        %add3A_120 = arith.constant 2 : i32
        %add3A_121 = arith.addi %mul3A_77, %add3A_120 : i32
        %dma_start3A_122 = arith.constant 0 : i32
        %dma_start3A_123 = arith.constant 0 : i32
        %dma_start3A_124 = arith.constant 0 : i32
        %dma_start3A_125 = tpu.memref_slice %arg6[%scan3A_58, %dma_start3A_123, %dma_start3A_124] : memref<2x128x128xf32, #tpu.memory_space<vmem>> -> memref<1x128x128xf32, #tpu.memory_space<vmem>>
        %dma_start3A_126 = tpu.memref_squeeze %dma_start3A_125 : memref<1x128x128xf32, #tpu.memory_space<vmem>> -> memref<128x128xf32, #tpu.memory_space<vmem>>
        %dma_start3A_127 = arith.constant 0 : i32
        %dma_start3A_128 = tpu.memref_slice %arg5[%dma_start3A_122, %add3A_121, %dma_start3A_127] : memref<2x40x128xi32, #tpu.memory_space<vmem>> -> memref<1x1x128xi32, #tpu.memory_space<vmem>>
        %dma_start3A_129 = tpu.memref_squeeze %dma_start3A_128 : memref<1x1x128xi32, #tpu.memory_space<vmem>> -> memref<128xi32, #tpu.memory_space<vmem>>
        %dma_start3A_130 = arith.constant 0 : i32
        %dma_start3A_131 = arith.constant 0 : i32
        %dma_start3A_132 = tpu.memref_slice %arg2[%dma_start3A_130, %dma_start3A_131] : memref<10000x128xf32, #tpu.memory_space<hbm>> -> memref<10000x128xf32, #tpu.memory_space<hbm>>
        tpu.enqueue_indirect_dma source(%dma_start3A_132 : memref<10000x128xf32, #tpu.memory_space<hbm>>) target(%dma_start3A_126 : memref<128x128xf32, #tpu.memory_space<vmem>>) offsets(%dma_start3A_129 : memref<128xi32, #tpu.memory_space<vmem>>) semaphore(%arg8 : memref<!tpu.dma_semaphore, #tpu.memory_space<semaphore_mem>>)
      } else {
      }
      %dma_wait3A_108 = arith.constant 0 : i32
      %dma_wait3A_109 = arith.constant 0 : i32
      %dma_wait3A_110 = arith.constant 0 : i32
      %dma_wait3A_111 = tpu.memref_slice %arg6[%scan3A_57, %dma_wait3A_109, %dma_wait3A_110] : memref<2x128x128xf32, #tpu.memory_space<vmem>> -> memref<1x128x128xf32, #tpu.memory_space<vmem>>
      %dma_wait3A_112 = tpu.memref_squeeze %dma_wait3A_111 : memref<1x128x128xf32, #tpu.memory_space<vmem>> -> memref<128x128xf32, #tpu.memory_space<vmem>>
      %dma_wait3A_113 = arith.constant 0 : i32
      %dma_wait3A_114 = tpu.memref_slice %arg5[%dma_wait3A_108, %add3A_79, %dma_wait3A_113] : memref<2x40x128xi32, #tpu.memory_space<vmem>> -> memref<1x1x128xi32, #tpu.memory_space<vmem>>
      %dma_wait3A_115 = tpu.memref_squeeze %dma_wait3A_114 : memref<1x1x128xi32, #tpu.memory_space<vmem>> -> memref<128xi32, #tpu.memory_space<vmem>>
      %dma_wait3A_116 = arith.constant 0 : i32
      %dma_wait3A_117 = arith.constant 0 : i32
      %dma_wait3A_118 = tpu.memref_slice %arg2[%dma_wait3A_116, %dma_wait3A_117] : memref<10000x128xf32, #tpu.memory_space<hbm>> -> memref<10000x128xf32, #tpu.memory_space<hbm>>
      tpu.wait_indirect_dma semaphore(%arg9 : memref<!tpu.dma_semaphore, #tpu.memory_space<semaphore_mem>>) src(%dma_wait3A_118 : memref<10000x128xf32, #tpu.memory_space<hbm>>) dst(%dma_wait3A_112 : memref<128x128xf32, #tpu.memory_space<vmem>>)
      %run_scoped3A_119 = arith.constant 1 : i32
      "tpu.region"() ({
        %run_scoped3A_120 = tpu.sem_alloc : memref<!tpu.dma_semaphore, #tpu.memory_space<semaphore_mem>>
        %dma_start3A_121 = arith.constant 0 : i32
        %dma_start3A_122 = arith.constant 0 : i32
        %dma_start3A_123 = tpu.memref_slice %arg6[%scan3A_57, %dma_start3A_121, %dma_start3A_122] : memref<2x128x128xf32, #tpu.memory_space<vmem>> -> memref<1x128x128xf32, #tpu.memory_space<vmem>>
        %dma_start3A_124 = tpu.memref_squeeze %dma_start3A_123 : memref<1x128x128xf32, #tpu.memory_space<vmem>> -> memref<128x128xf32, #tpu.memory_space<vmem>>
        %dma_start3A_125 = arith.constant 0 : i32
        %dma_start3A_126 = tpu.memref_slice %arg5[%run_scoped3A_119, %add3A_79, %dma_start3A_125] : memref<2x40x128xi32, #tpu.memory_space<vmem>> -> memref<1x1x128xi32, #tpu.memory_space<vmem>>
        %dma_start3A_127 = tpu.memref_squeeze %dma_start3A_126 : memref<1x1x128xi32, #tpu.memory_space<vmem>> -> memref<128xi32, #tpu.memory_space<vmem>>
        %dma_start3A_128 = arith.constant 0 : i32
        %dma_start3A_129 = arith.constant 0 : i32
        %dma_start3A_130 = tpu.memref_slice %arg7[%dma_start3A_128, %dma_start3A_129] : memref<10024x128xf32, #tpu.memory_space<vmem_shared>> -> memref<10024x128xf32, #tpu.memory_space<vmem_shared>>
        tpu.enqueue_indirect_dma source(%dma_start3A_124 : memref<128x128xf32, #tpu.memory_space<vmem>>) target(%dma_start3A_130 : memref<10024x128xf32, #tpu.memory_space<vmem_shared>>) offsets(%dma_start3A_127 : memref<128xi32, #tpu.memory_space<vmem>>) semaphore(%run_scoped3A_120 : memref<!tpu.dma_semaphore, #tpu.memory_space<semaphore_mem>>) {add = true}
        %dma_wait3A_131 = arith.constant 0 : i32
        %dma_wait3A_132 = arith.constant 0 : i32
        %dma_wait3A_133 = tpu.memref_slice %arg6[%scan3A_57, %dma_wait3A_131, %dma_wait3A_132] : memref<2x128x128xf32, #tpu.memory_space<vmem>> -> memref<1x128x128xf32, #tpu.memory_space<vmem>>
        %dma_wait3A_134 = tpu.memref_squeeze %dma_wait3A_133 : memref<1x128x128xf32, #tpu.memory_space<vmem>> -> memref<128x128xf32, #tpu.memory_space<vmem>>
        %dma_wait3A_135 = arith.constant 0 : i32
        %dma_wait3A_136 = tpu.memref_slice %arg5[%run_scoped3A_119, %add3A_79, %dma_wait3A_135] : memref<2x40x128xi32, #tpu.memory_space<vmem>> -> memref<1x1x128xi32, #tpu.memory_space<vmem>>
        %dma_wait3A_137 = tpu.memref_squeeze %dma_wait3A_136 : memref<1x1x128xi32, #tpu.memory_space<vmem>> -> memref<128xi32, #tpu.memory_space<vmem>>
        %dma_wait3A_138 = arith.constant 0 : i32
        %dma_wait3A_139 = arith.constant 0 : i32
        %dma_wait3A_140 = tpu.memref_slice %arg7[%dma_wait3A_138, %dma_wait3A_139] : memref<10024x128xf32, #tpu.memory_space<vmem_shared>> -> memref<10024x128xf32, #tpu.memory_space<vmem_shared>>
        tpu.wait_indirect_dma semaphore(%run_scoped3A_120 : memref<!tpu.dma_semaphore, #tpu.memory_space<semaphore_mem>>) src(%dma_wait3A_134 : memref<128x128xf32, #tpu.memory_space<vmem>>) dst(%dma_wait3A_140 : memref<10024x128xf32, #tpu.memory_space<vmem_shared>>)
        tpu.yield
      }) : () -> ()
    }
    %scan3A_63 = arith.constant 20 : i32
    %barrier3A_64 = arith.constant 0 : index
    tpu.barrier barrier_id(%barrier3A_64)
    %lt3A_65 = arith.constant 15 : i32
    %lt3A_66 = arith.cmpi slt, %arg1, %lt3A_65 : i32
    %convert_element_type3A_67 = arith.extui %lt3A_66 : i1 to i32
    %cond3A_68 = arith.constant 0 : i32
    %cond3A_69 = arith.cmpi ne, %convert_element_type3A_67, %cond3A_68 : i32
    scf.if %cond3A_69 {
      "tpu.region"() ({
        %run_scoped3A = tpu.sem_alloc : memref<!tpu.dma_semaphore, #tpu.memory_space<semaphore_mem>>
        %dma_start3A_75 = arith.constant 0 : i32
        %dma_start3A_76 = tpu.memref_slice %arg4[%arg0, %mul3A_8, %dma_start3A_75] : memref<2x10024x128xf32, #tpu.memory_space<hbm>> -> memref<1x624x128xf32, #tpu.memory_space<hbm>>
        %dma_start3A_77 = tpu.memref_squeeze %dma_start3A_76 : memref<1x624x128xf32, #tpu.memory_space<hbm>> -> memref<624x128xf32, #tpu.memory_space<hbm>>
        %dma_start3A_78 = arith.constant 0 : i32
        %dma_start3A_79 = tpu.memref_slice %arg7[%mul3A_8, %dma_start3A_78] : memref<10024x128xf32, #tpu.memory_space<vmem_shared>> -> memref<624x128xf32, #tpu.memory_space<vmem_shared>>
        tpu.enqueue_dma source(%dma_start3A_79 : memref<624x128xf32, #tpu.memory_space<vmem_shared>>) target(%dma_start3A_77 : memref<624x128xf32, #tpu.memory_space<hbm>>) target_semaphore(%run_scoped3A : memref<!tpu.dma_semaphore, #tpu.memory_space<semaphore_mem>>)
        %dma_wait3A = arith.constant 0 : i32
        %dma_wait3A_80 = tpu.memref_slice %arg4[%arg0, %mul3A_8, %dma_wait3A] : memref<2x10024x128xf32, #tpu.memory_space<hbm>> -> memref<1x624x128xf32, #tpu.memory_space<hbm>>
        %dma_wait3A_81 = tpu.memref_squeeze %dma_wait3A_80 : memref<1x624x128xf32, #tpu.memory_space<hbm>> -> memref<624x128xf32, #tpu.memory_space<hbm>>
        %dma_wait3A_82 = arith.constant 0 : i32
        %dma_wait3A_83 = tpu.memref_slice %arg7[%mul3A_8, %dma_wait3A_82] : memref<10024x128xf32, #tpu.memory_space<vmem_shared>> -> memref<624x128xf32, #tpu.memory_space<vmem_shared>>
        tpu.wait_dma2 semaphore(%run_scoped3A : memref<!tpu.dma_semaphore, #tpu.memory_space<semaphore_mem>>) src(%dma_wait3A_83 : memref<624x128xf32, #tpu.memory_space<vmem_shared>>) dst(%dma_wait3A_81 : memref<624x128xf32, #tpu.memory_space<hbm>>)
        tpu.yield
      }) : () -> ()
    } else {
    }
    %eq3A_70 = arith.constant 15 : i32
    %eq3A_71 = arith.cmpi eq, %arg1, %eq3A_70 : i32
    %convert_element_type3A_72 = arith.extui %eq3A_71 : i1 to i32
    %cond3A_73 = arith.constant 0 : i32
    %cond3A_74 = arith.cmpi ne, %convert_element_type3A_72, %cond3A_73 : i32
    scf.if %cond3A_74 {
      "tpu.region"() ({
        %run_scoped3A = tpu.sem_alloc : memref<!tpu.dma_semaphore, #tpu.memory_space<semaphore_mem>>
        %dma_start3A_75 = arith.constant 0 : i32
        %dma_start3A_76 = tpu.memref_slice %arg4[%arg0, %mul3A_8, %dma_start3A_75] : memref<2x10024x128xf32, #tpu.memory_space<hbm>> -> memref<1x664x128xf32, #tpu.memory_space<hbm>>
        %dma_start3A_77 = tpu.memref_squeeze %dma_start3A_76 : memref<1x664x128xf32, #tpu.memory_space<hbm>> -> memref<664x128xf32, #tpu.memory_space<hbm>>
        %dma_start3A_78 = arith.constant 0 : i32
        %dma_start3A_79 = tpu.memref_slice %arg7[%mul3A_8, %dma_start3A_78] : memref<10024x128xf32, #tpu.memory_space<vmem_shared>> -> memref<664x128xf32, #tpu.memory_space<vmem_shared>>
        tpu.enqueue_dma source(%dma_start3A_79 : memref<664x128xf32, #tpu.memory_space<vmem_shared>>) target(%dma_start3A_77 : memref<664x128xf32, #tpu.memory_space<hbm>>) target_semaphore(%run_scoped3A : memref<!tpu.dma_semaphore, #tpu.memory_space<semaphore_mem>>)
        %dma_wait3A = arith.constant 0 : i32
        %dma_wait3A_80 = tpu.memref_slice %arg4[%arg0, %mul3A_8, %dma_wait3A] : memref<2x10024x128xf32, #tpu.memory_space<hbm>> -> memref<1x664x128xf32, #tpu.memory_space<hbm>>
        %dma_wait3A_81 = tpu.memref_squeeze %dma_wait3A_80 : memref<1x664x128xf32, #tpu.memory_space<hbm>> -> memref<664x128xf32, #tpu.memory_space<hbm>>
        %dma_wait3A_82 = arith.constant 0 : i32
        %dma_wait3A_83 = tpu.memref_slice %arg7[%mul3A_8, %dma_wait3A_82] : memref<10024x128xf32, #tpu.memory_space<vmem_shared>> -> memref<664x128xf32, #tpu.memory_space<vmem_shared>>
        tpu.wait_dma2 semaphore(%run_scoped3A : memref<!tpu.dma_semaphore, #tpu.memory_space<semaphore_mem>>) src(%dma_wait3A_83 : memref<664x128xf32, #tpu.memory_space<vmem_shared>>) dst(%dma_wait3A_81 : memref<664x128xf32, #tpu.memory_space<hbm>>)
        tpu.yield
      }) : () -> ()
    } else {
    }
    return
  }
}

#map = affine_map<(d0, d1) -> (0, 0)>
#map1 = affine_map<(d0, d1) -> (0, 0, 0)>
module attributes {stable_mosaic.version = 14 : i64} {
  func.func @_segsum_body(%arg0: i32, %arg1: i32, %arg2: memref<10000x128xf32, #tpu.memory_space<hbm>>, %arg3: memref<2x2560x128xi32, #tpu.memory_space<hbm>>, %arg4: memref<2x10024x128xf32, #tpu.memory_space<hbm>>, %arg5: memref<2x40x128xi32, #tpu.memory_space<vmem>>, %arg6: memref<2x128x128xf32, #tpu.memory_space<vmem>>, %arg7: memref<10024x128xf32, #tpu.memory_space<vmem_shared>>, %arg8: memref<!tpu.dma_semaphore, #tpu.memory_space<semaphore_mem>>, %arg9: memref<!tpu.dma_semaphore, #tpu.memory_space<semaphore_mem>>) attributes {dimension_semantics = [#tpu.dimension_semantics<core_parallel>, #tpu.dimension_semantics<subcore_parallel>], iteration_bounds = array<i64: 2, 16>, scalar_prefetch = 0 : i64, scratch_operands = 5 : i64, tpu.core_type = #tpu.core_type<sc_vector_subcore>, window_params = [{transform_indices = #map}, {transform_indices = #map1}, {transform_indices = #map1}]} {
    %mul3A = arith.constant 2 : i32
    %mul3A_0 = arith.muli %arg1, %mul3A : i32
    %add3A = arith.addi %mul3A_0, %arg0 : i32
    %broadcast_in_dim3A = arith.constant 0.000000e+00 : f32
    %broadcast_in_dim3A_1 = vector.broadcast %broadcast_in_dim3A : f32 to vector<16xf32>
    %scan3A = arith.constant 0 : i32
    %scan3A_2 = arith.constant 0 : i32
    %scan3A_3 = arith.constant 128 : i32
    %scan3A_4 = arith.addi %scan3A_2, %scan3A_3 : i32
    %scan3A_5 = arith.constant 1 : i32
    scf.for %scan3A_75 = %scan3A_2 to %scan3A_4 step %scan3A_5  : i32 {
      %swap3A = arith.constant 0 : i32
      %swap3A_76 = arith.index_cast %swap3A : i32 to index
      %swap3A_77 = arith.index_cast %scan3A_75 : i32 to index
      %swap3A_78 = arith.constant 0 : index
      %swap3A_79 = tpu.vector_load %arg6[%swap3A_76, %swap3A_77, %swap3A_78] {strides = array<i32>} : memref<2x128x128xf32, #tpu.memory_space<vmem>>, vector<1x1x16xf32>,
      %swap3A_80 = vector.shape_cast %swap3A_79 : vector<1x1x16xf32> to vector<16xf32>
      %swap3A_81 = vector.shape_cast %broadcast_in_dim3A_1 : vector<16xf32> to vector<1x1x16xf32>
      tpu.vector_store %arg6[%swap3A_76, %swap3A_77, %swap3A_78], %swap3A_81 {strides = array<i32>} : memref<2x128x128xf32, #tpu.memory_space<vmem>>, vector<1x1x16xf32>,
      %swap3A_82 = arith.constant 0 : i32
      %swap3A_83 = arith.index_cast %swap3A_82 : i32 to index
      %swap3A_84 = arith.index_cast %scan3A_75 : i32 to index
      %swap3A_85 = arith.constant 16 : index
      %swap3A_86 = tpu.vector_load %arg6[%swap3A_83, %swap3A_84, %swap3A_85] {strides = array<i32>} : memref<2x128x128xf32, #tpu.memory_space<vmem>>, vector<1x1x16xf32>,
      %swap3A_87 = vector.shape_cast %swap3A_86 : vector<1x1x16xf32> to vector<16xf32>
      %swap3A_88 = vector.shape_cast %broadcast_in_dim3A_1 : vector<16xf32> to vector<1x1x16xf32>
      tpu.vector_store %arg6[%swap3A_83, %swap3A_84, %swap3A_85], %swap3A_88 {strides = array<i32>} : memref<2x128x128xf32, #tpu.memory_space<vmem>>, vector<1x1x16xf32>,
      %swap3A_89 = arith.constant 0 : i32
      %swap3A_90 = arith.index_cast %swap3A_89 : i32 to index
      %swap3A_91 = arith.index_cast %scan3A_75 : i32 to index
      %swap3A_92 = arith.constant 32 : index
      %swap3A_93 = tpu.vector_load %arg6[%swap3A_90, %swap3A_91, %swap3A_92] {strides = array<i32>} : memref<2x128x128xf32, #tpu.memory_space<vmem>>, vector<1x1x16xf32>,
      %swap3A_94 = vector.shape_cast %swap3A_93 : vector<1x1x16xf32> to vector<16xf32>
      %swap3A_95 = vector.shape_cast %broadcast_in_dim3A_1 : vector<16xf32> to vector<1x1x16xf32>
      tpu.vector_store %arg6[%swap3A_90, %swap3A_91, %swap3A_92], %swap3A_95 {strides = array<i32>} : memref<2x128x128xf32, #tpu.memory_space<vmem>>, vector<1x1x16xf32>,
      %swap3A_96 = arith.constant 0 : i32
      %swap3A_97 = arith.index_cast %swap3A_96 : i32 to index
      %swap3A_98 = arith.index_cast %scan3A_75 : i32 to index
      %swap3A_99 = arith.constant 48 : index
      %swap3A_100 = tpu.vector_load %arg6[%swap3A_97, %swap3A_98, %swap3A_99] {strides = array<i32>} : memref<2x128x128xf32, #tpu.memory_space<vmem>>, vector<1x1x16xf32>,
      %swap3A_101 = vector.shape_cast %swap3A_100 : vector<1x1x16xf32> to vector<16xf32>
      %swap3A_102 = vector.shape_cast %broadcast_in_dim3A_1 : vector<16xf32> to vector<1x1x16xf32>
      tpu.vector_store %arg6[%swap3A_97, %swap3A_98, %swap3A_99], %swap3A_102 {strides = array<i32>} : memref<2x128x128xf32, #tpu.memory_space<vmem>>, vector<1x1x16xf32>,
      %swap3A_103 = arith.constant 0 : i32
      %swap3A_104 = arith.index_cast %swap3A_103 : i32 to index
      %swap3A_105 = arith.index_cast %scan3A_75 : i32 to index
      %swap3A_106 = arith.constant 64 : index
      %swap3A_107 = tpu.vector_load %arg6[%swap3A_104, %swap3A_105, %swap3A_106] {strides = array<i32>} : memref<2x128x128xf32, #tpu.memory_space<vmem>>, vector<1x1x16xf32>,
      %swap3A_108 = vector.shape_cast %swap3A_107 : vector<1x1x16xf32> to vector<16xf32>
      %swap3A_109 = vector.shape_cast %broadcast_in_dim3A_1 : vector<16xf32> to vector<1x1x16xf32>
      tpu.vector_store %arg6[%swap3A_104, %swap3A_105, %swap3A_106], %swap3A_109 {strides = array<i32>} : memref<2x128x128xf32, #tpu.memory_space<vmem>>, vector<1x1x16xf32>,
      %swap3A_110 = arith.constant 0 : i32
      %swap3A_111 = arith.index_cast %swap3A_110 : i32 to index
      %swap3A_112 = arith.index_cast %scan3A_75 : i32 to index
      %swap3A_113 = arith.constant 80 : index
      %swap3A_114 = tpu.vector_load %arg6[%swap3A_111, %swap3A_112, %swap3A_113] {strides = array<i32>} : memref<2x128x128xf32, #tpu.memory_space<vmem>>, vector<1x1x16xf32>,
      %swap3A_115 = vector.shape_cast %swap3A_114 : vector<1x1x16xf32> to vector<16xf32>
      %swap3A_116 = vector.shape_cast %broadcast_in_dim3A_1 : vector<16xf32> to vector<1x1x16xf32>
      tpu.vector_store %arg6[%swap3A_111, %swap3A_112, %swap3A_113], %swap3A_116 {strides = array<i32>} : memref<2x128x128xf32, #tpu.memory_space<vmem>>, vector<1x1x16xf32>,
      %swap3A_117 = arith.constant 0 : i32
      %swap3A_118 = arith.index_cast %swap3A_117 : i32 to index
      %swap3A_119 = arith.index_cast %scan3A_75 : i32 to index
      %swap3A_120 = arith.constant 96 : index
      %swap3A_121 = tpu.vector_load %arg6[%swap3A_118, %swap3A_119, %swap3A_120] {strides = array<i32>} : memref<2x128x128xf32, #tpu.memory_space<vmem>>, vector<1x1x16xf32>,
      %swap3A_122 = vector.shape_cast %swap3A_121 : vector<1x1x16xf32> to vector<16xf32>
      %swap3A_123 = vector.shape_cast %broadcast_in_dim3A_1 : vector<16xf32> to vector<1x1x16xf32>
      tpu.vector_store %arg6[%swap3A_118, %swap3A_119, %swap3A_120], %swap3A_123 {strides = array<i32>} : memref<2x128x128xf32, #tpu.memory_space<vmem>>, vector<1x1x16xf32>,
      %swap3A_124 = arith.constant 0 : i32
      %swap3A_125 = arith.index_cast %swap3A_124 : i32 to index
      %swap3A_126 = arith.index_cast %scan3A_75 : i32 to index
      %swap3A_127 = arith.constant 112 : index
      %swap3A_128 = tpu.vector_load %arg6[%swap3A_125, %swap3A_126, %swap3A_127] {strides = array<i32>} : memref<2x128x128xf32, #tpu.memory_space<vmem>>, vector<1x1x16xf32>,
      %swap3A_129 = vector.shape_cast %swap3A_128 : vector<1x1x16xf32> to vector<16xf32>
      %swap3A_130 = vector.shape_cast %broadcast_in_dim3A_1 : vector<16xf32> to vector<1x1x16xf32>
      tpu.vector_store %arg6[%swap3A_125, %swap3A_126, %swap3A_127], %swap3A_130 {strides = array<i32>} : memref<2x128x128xf32, #tpu.memory_space<vmem>>, vector<1x1x16xf32>,
    }
    %scan3A_6 = arith.constant 128 : i32
    %mul3A_7 = arith.constant 624 : i32
    %mul3A_8 = arith.muli %arg1, %mul3A_7 : i32
    %lt3A = arith.constant 15 : i32
    %lt3A_9 = arith.cmpi slt, %arg1, %lt3A : i32
    %convert_element_type3A = arith.extui %lt3A_9 : i1 to i32
    %cond3A = arith.constant 0 : i32
    %cond3A_10 = arith.cmpi ne, %convert_element_type3A, %cond3A : i32
    scf.if %cond3A_10 {
      %add3A_75 = arith.constant 0 : i32
      %add3A_76 = arith.addi %mul3A_8, %add3A_75 : i32
      %run_scoped3A = arith.constant 0 : i32
      "tpu.region"() ({
        %run_scoped3A_89 = tpu.sem_alloc : memref<!tpu.dma_semaphore, #tpu.memory_space<semaphore_mem>>
        %dma_start3A_90 = arith.constant 0 : i32
        %dma_start3A_91 = arith.constant 0 : i32
        %dma_start3A_92 = tpu.memref_slice %arg6[%run_scoped3A, %dma_start3A_90, %dma_start3A_91] : memref<2x128x128xf32, #tpu.memory_space<vmem>> -> memref<1x128x128xf32, #tpu.memory_space<vmem>>
        %dma_start3A_93 = tpu.memref_squeeze %dma_start3A_92 : memref<1x128x128xf32, #tpu.memory_space<vmem>> -> memref<128x128xf32, #tpu.memory_space<vmem>>
        %dma_start3A_94 = arith.constant 0 : i32
        %dma_start3A_95 = tpu.memref_slice %arg7[%add3A_76, %dma_start3A_94] : memref<10024x128xf32, #tpu.memory_space<vmem_shared>> -> memref<128x128xf32, #tpu.memory_space<vmem_shared>>
        %dma_start3A_96 = arith.constant 0 : i32
        %dma_start3A_97 = tpu.memref_slice %arg7[%add3A_76, %dma_start3A_96] : memref<10024x128xf32, #tpu.memory_space<vmem_shared>> -> memref<128x128xf32, #tpu.memory_space<vmem_shared>>
        %dma_start3A_98 = arith.constant 0 : i32
        %dma_start3A_99 = arith.constant 0 : i32
        %dma_start3A_100 = tpu.memref_slice %arg6[%run_scoped3A, %dma_start3A_98, %dma_start3A_99] : memref<2x128x128xf32, #tpu.memory_space<vmem>> -> memref<1x128x128xf32, #tpu.memory_space<vmem>>
        %dma_start3A_101 = tpu.memref_squeeze %dma_start3A_100 : memref<1x128x128xf32, #tpu.memory_space<vmem>> -> memref<128x128xf32, #tpu.memory_space<vmem>>
        tpu.enqueue_dma source(%dma_start3A_101 : memref<128x128xf32, #tpu.memory_space<vmem>>) target(%dma_start3A_97 : memref<128x128xf32, #tpu.memory_space<vmem_shared>>) target_semaphore(%run_scoped3A_89 : memref<!tpu.dma_semaphore, #tpu.memory_space<semaphore_mem>>)
        %dma_wait3A = arith.constant 0 : i32
        %dma_wait3A_102 = arith.constant 0 : i32
        %dma_wait3A_103 = tpu.memref_slice %arg6[%run_scoped3A, %dma_wait3A, %dma_wait3A_102] : memref<2x128x128xf32, #tpu.memory_space<vmem>> -> memref<1x128x128xf32, #tpu.memory_space<vmem>>
        %dma_wait3A_104 = tpu.memref_squeeze %dma_wait3A_103 : memref<1x128x128xf32, #tpu.memory_space<vmem>> -> memref<128x128xf32, #tpu.memory_space<vmem>>
        %dma_wait3A_105 = arith.constant 0 : i32
        %dma_wait3A_106 = tpu.memref_slice %arg7[%add3A_76, %dma_wait3A_105] : memref<10024x128xf32, #tpu.memory_space<vmem_shared>> -> memref<128x128xf32, #tpu.memory_space<vmem_shared>>
        %dma_wait3A_107 = arith.constant 0 : i32
        %dma_wait3A_108 = tpu.memref_slice %arg7[%add3A_76, %dma_wait3A_107] : memref<10024x128xf32, #tpu.memory_space<vmem_shared>> -> memref<128x128xf32, #tpu.memory_space<vmem_shared>>
        %dma_wait3A_109 = arith.constant 0 : i32
        %dma_wait3A_110 = arith.constant 0 : i32
        %dma_wait3A_111 = tpu.memref_slice %arg6[%run_scoped3A, %dma_wait3A_109, %dma_wait3A_110] : memref<2x128x128xf32, #tpu.memory_space<vmem>> -> memref<1x128x128xf32, #tpu.memory_space<vmem>>
        %dma_wait3A_112 = tpu.memref_squeeze %dma_wait3A_111 : memref<1x128x128xf32, #tpu.memory_space<vmem>> -> memref<128x128xf32, #tpu.memory_space<vmem>>
        tpu.wait_dma2 semaphore(%run_scoped3A_89 : memref<!tpu.dma_semaphore, #tpu.memory_space<semaphore_mem>>) src(%dma_wait3A_112 : memref<128x128xf32, #tpu.memory_space<vmem>>) dst(%dma_wait3A_108 : memref<128x128xf32, #tpu.memory_space<vmem_shared>>)
        tpu.yield
      }) : () -> ()
      %add3A_77 = arith.constant 128 : i32
      %add3A_78 = arith.addi %mul3A_8, %add3A_77 : i32
      %run_scoped3A_79 = arith.constant 0 : i32
      "tpu.region"() ({
        %run_scoped3A_89 = tpu.sem_alloc : memref<!tpu.dma_semaphore, #tpu.memory_space<semaphore_mem>>
        %dma_start3A_90 = arith.constant 0 : i32
        %dma_start3A_91 = arith.constant 0 : i32
        %dma_start3A_92 = tpu.memref_slice %arg6[%run_scoped3A_79, %dma_start3A_90, %dma_start3A_91] : memref<2x128x128xf32, #tpu.memory_space<vmem>> -> memref<1x128x128xf32, #tpu.memory_space<vmem>>
        %dma_start3A_93 = tpu.memref_squeeze %dma_start3A_92 : memref<1x128x128xf32, #tpu.memory_space<vmem>> -> memref<128x128xf32, #tpu.memory_space<vmem>>
        %dma_start3A_94 = arith.constant 0 : i32
        %dma_start3A_95 = tpu.memref_slice %arg7[%add3A_78, %dma_start3A_94] : memref<10024x128xf32, #tpu.memory_space<vmem_shared>> -> memref<128x128xf32, #tpu.memory_space<vmem_shared>>
        %dma_start3A_96 = arith.constant 0 : i32
        %dma_start3A_97 = tpu.memref_slice %arg7[%add3A_78, %dma_start3A_96] : memref<10024x128xf32, #tpu.memory_space<vmem_shared>> -> memref<128x128xf32, #tpu.memory_space<vmem_shared>>
        %dma_start3A_98 = arith.constant 0 : i32
        %dma_start3A_99 = arith.constant 0 : i32
        %dma_start3A_100 = tpu.memref_slice %arg6[%run_scoped3A_79, %dma_start3A_98, %dma_start3A_99] : memref<2x128x128xf32, #tpu.memory_space<vmem>> -> memref<1x128x128xf32, #tpu.memory_space<vmem>>
        %dma_start3A_101 = tpu.memref_squeeze %dma_start3A_100 : memref<1x128x128xf32, #tpu.memory_space<vmem>> -> memref<128x128xf32, #tpu.memory_space<vmem>>
        tpu.enqueue_dma source(%dma_start3A_101 : memref<128x128xf32, #tpu.memory_space<vmem>>) target(%dma_start3A_97 : memref<128x128xf32, #tpu.memory_space<vmem_shared>>) target_semaphore(%run_scoped3A_89 : memref<!tpu.dma_semaphore, #tpu.memory_space<semaphore_mem>>)
        %dma_wait3A = arith.constant 0 : i32
        %dma_wait3A_102 = arith.constant 0 : i32
        %dma_wait3A_103 = tpu.memref_slice %arg6[%run_scoped3A_79, %dma_wait3A, %dma_wait3A_102] : memref<2x128x128xf32, #tpu.memory_space<vmem>> -> memref<1x128x128xf32, #tpu.memory_space<vmem>>
        %dma_wait3A_104 = tpu.memref_squeeze %dma_wait3A_103 : memref<1x128x128xf32, #tpu.memory_space<vmem>> -> memref<128x128xf32, #tpu.memory_space<vmem>>
        %dma_wait3A_105 = arith.constant 0 : i32
        %dma_wait3A_106 = tpu.memref_slice %arg7[%add3A_78, %dma_wait3A_105] : memref<10024x128xf32, #tpu.memory_space<vmem_shared>> -> memref<128x128xf32, #tpu.memory_space<vmem_shared>>
        %dma_wait3A_107 = arith.constant 0 : i32
        %dma_wait3A_108 = tpu.memref_slice %arg7[%add3A_78, %dma_wait3A_107] : memref<10024x128xf32, #tpu.memory_space<vmem_shared>> -> memref<128x128xf32, #tpu.memory_space<vmem_shared>>
        %dma_wait3A_109 = arith.constant 0 : i32
        %dma_wait3A_110 = arith.constant 0 : i32
        %dma_wait3A_111 = tpu.memref_slice %arg6[%run_scoped3A_79, %dma_wait3A_109, %dma_wait3A_110] : memref<2x128x128xf32, #tpu.memory_space<vmem>> -> memref<1x128x128xf32, #tpu.memory_space<vmem>>
        %dma_wait3A_112 = tpu.memref_squeeze %dma_wait3A_111 : memref<1x128x128xf32, #tpu.memory_space<vmem>> -> memref<128x128xf32, #tpu.memory_space<vmem>>
        tpu.wait_dma2 semaphore(%run_scoped3A_89 : memref<!tpu.dma_semaphore, #tpu.memory_space<semaphore_mem>>) src(%dma_wait3A_112 : memref<128x128xf32, #tpu.memory_space<vmem>>) dst(%dma_wait3A_108 : memref<128x128xf32, #tpu.memory_space<vmem_shared>>)
        tpu.yield
      }) : () -> ()
      %add3A_80 = arith.constant 256 : i32
      %add3A_81 = arith.addi %mul3A_8, %add3A_80 : i32
      %run_scoped3A_82 = arith.constant 0 : i32
      "tpu.region"() ({
        %run_scoped3A_89 = tpu.sem_alloc : memref<!tpu.dma_semaphore, #tpu.memory_space<semaphore_mem>>
        %dma_start3A_90 = arith.constant 0 : i32
        %dma_start3A_91 = arith.constant 0 : i32
        %dma_start3A_92 = tpu.memref_slice %arg6[%run_scoped3A_82, %dma_start3A_90, %dma_start3A_91] : memref<2x128x128xf32, #tpu.memory_space<vmem>> -> memref<1x128x128xf32, #tpu.memory_space<vmem>>
        %dma_start3A_93 = tpu.memref_squeeze %dma_start3A_92 : memref<1x128x128xf32, #tpu.memory_space<vmem>> -> memref<128x128xf32, #tpu.memory_space<vmem>>
        %dma_start3A_94 = arith.constant 0 : i32
        %dma_start3A_95 = tpu.memref_slice %arg7[%add3A_81, %dma_start3A_94] : memref<10024x128xf32, #tpu.memory_space<vmem_shared>> -> memref<128x128xf32, #tpu.memory_space<vmem_shared>>
        %dma_start3A_96 = arith.constant 0 : i32
        %dma_start3A_97 = tpu.memref_slice %arg7[%add3A_81, %dma_start3A_96] : memref<10024x128xf32, #tpu.memory_space<vmem_shared>> -> memref<128x128xf32, #tpu.memory_space<vmem_shared>>
        %dma_start3A_98 = arith.constant 0 : i32
        %dma_start3A_99 = arith.constant 0 : i32
        %dma_start3A_100 = tpu.memref_slice %arg6[%run_scoped3A_82, %dma_start3A_98, %dma_start3A_99] : memref<2x128x128xf32, #tpu.memory_space<vmem>> -> memref<1x128x128xf32, #tpu.memory_space<vmem>>
        %dma_start3A_101 = tpu.memref_squeeze %dma_start3A_100 : memref<1x128x128xf32, #tpu.memory_space<vmem>> -> memref<128x128xf32, #tpu.memory_space<vmem>>
        tpu.enqueue_dma source(%dma_start3A_101 : memref<128x128xf32, #tpu.memory_space<vmem>>) target(%dma_start3A_97 : memref<128x128xf32, #tpu.memory_space<vmem_shared>>) target_semaphore(%run_scoped3A_89 : memref<!tpu.dma_semaphore, #tpu.memory_space<semaphore_mem>>)
        %dma_wait3A = arith.constant 0 : i32
        %dma_wait3A_102 = arith.constant 0 : i32
        %dma_wait3A_103 = tpu.memref_slice %arg6[%run_scoped3A_82, %dma_wait3A, %dma_wait3A_102] : memref<2x128x128xf32, #tpu.memory_space<vmem>> -> memref<1x128x128xf32, #tpu.memory_space<vmem>>
        %dma_wait3A_104 = tpu.memref_squeeze %dma_wait3A_103 : memref<1x128x128xf32, #tpu.memory_space<vmem>> -> memref<128x128xf32, #tpu.memory_space<vmem>>
        %dma_wait3A_105 = arith.constant 0 : i32
        %dma_wait3A_106 = tpu.memref_slice %arg7[%add3A_81, %dma_wait3A_105] : memref<10024x128xf32, #tpu.memory_space<vmem_shared>> -> memref<128x128xf32, #tpu.memory_space<vmem_shared>>
        %dma_wait3A_107 = arith.constant 0 : i32
        %dma_wait3A_108 = tpu.memref_slice %arg7[%add3A_81, %dma_wait3A_107] : memref<10024x128xf32, #tpu.memory_space<vmem_shared>> -> memref<128x128xf32, #tpu.memory_space<vmem_shared>>
        %dma_wait3A_109 = arith.constant 0 : i32
        %dma_wait3A_110 = arith.constant 0 : i32
        %dma_wait3A_111 = tpu.memref_slice %arg6[%run_scoped3A_82, %dma_wait3A_109, %dma_wait3A_110] : memref<2x128x128xf32, #tpu.memory_space<vmem>> -> memref<1x128x128xf32, #tpu.memory_space<vmem>>
        %dma_wait3A_112 = tpu.memref_squeeze %dma_wait3A_111 : memref<1x128x128xf32, #tpu.memory_space<vmem>> -> memref<128x128xf32, #tpu.memory_space<vmem>>
        tpu.wait_dma2 semaphore(%run_scoped3A_89 : memref<!tpu.dma_semaphore, #tpu.memory_space<semaphore_mem>>) src(%dma_wait3A_112 : memref<128x128xf32, #tpu.memory_space<vmem>>) dst(%dma_wait3A_108 : memref<128x128xf32, #tpu.memory_space<vmem_shared>>)
        tpu.yield
      }) : () -> ()
      %add3A_83 = arith.constant 384 : i32
      %add3A_84 = arith.addi %mul3A_8, %add3A_83 : i32
      %run_scoped3A_85 = arith.constant 0 : i32
      "tpu.region"() ({
        %run_scoped3A_89 = tpu.sem_alloc : memref<!tpu.dma_semaphore, #tpu.memory_space<semaphore_mem>>
        %dma_start3A_90 = arith.constant 0 : i32
        %dma_start3A_91 = arith.constant 0 : i32
        %dma_start3A_92 = tpu.memref_slice %arg6[%run_scoped3A_85, %dma_start3A_90, %dma_start3A_91] : memref<2x128x128xf32, #tpu.memory_space<vmem>> -> memref<1x128x128xf32, #tpu.memory_space<vmem>>
        %dma_start3A_93 = tpu.memref_squeeze %dma_start3A_92 : memref<1x128x128xf32, #tpu.memory_space<vmem>> -> memref<128x128xf32, #tpu.memory_space<vmem>>
        %dma_start3A_94 = arith.constant 0 : i32
        %dma_start3A_95 = tpu.memref_slice %arg7[%add3A_84, %dma_start3A_94] : memref<10024x128xf32, #tpu.memory_space<vmem_shared>> -> memref<128x128xf32, #tpu.memory_space<vmem_shared>>
        %dma_start3A_96 = arith.constant 0 : i32
        %dma_start3A_97 = tpu.memref_slice %arg7[%add3A_84, %dma_start3A_96] : memref<10024x128xf32, #tpu.memory_space<vmem_shared>> -> memref<128x128xf32, #tpu.memory_space<vmem_shared>>
        %dma_start3A_98 = arith.constant 0 : i32
        %dma_start3A_99 = arith.constant 0 : i32
        %dma_start3A_100 = tpu.memref_slice %arg6[%run_scoped3A_85, %dma_start3A_98, %dma_start3A_99] : memref<2x128x128xf32, #tpu.memory_space<vmem>> -> memref<1x128x128xf32, #tpu.memory_space<vmem>>
        %dma_start3A_101 = tpu.memref_squeeze %dma_start3A_100 : memref<1x128x128xf32, #tpu.memory_space<vmem>> -> memref<128x128xf32, #tpu.memory_space<vmem>>
        tpu.enqueue_dma source(%dma_start3A_101 : memref<128x128xf32, #tpu.memory_space<vmem>>) target(%dma_start3A_97 : memref<128x128xf32, #tpu.memory_space<vmem_shared>>) target_semaphore(%run_scoped3A_89 : memref<!tpu.dma_semaphore, #tpu.memory_space<semaphore_mem>>)
        %dma_wait3A = arith.constant 0 : i32
        %dma_wait3A_102 = arith.constant 0 : i32
        %dma_wait3A_103 = tpu.memref_slice %arg6[%run_scoped3A_85, %dma_wait3A, %dma_wait3A_102] : memref<2x128x128xf32, #tpu.memory_space<vmem>> -> memref<1x128x128xf32, #tpu.memory_space<vmem>>
        %dma_wait3A_104 = tpu.memref_squeeze %dma_wait3A_103 : memref<1x128x128xf32, #tpu.memory_space<vmem>> -> memref<128x128xf32, #tpu.memory_space<vmem>>
        %dma_wait3A_105 = arith.constant 0 : i32
        %dma_wait3A_106 = tpu.memref_slice %arg7[%add3A_84, %dma_wait3A_105] : memref<10024x128xf32, #tpu.memory_space<vmem_shared>> -> memref<128x128xf32, #tpu.memory_space<vmem_shared>>
        %dma_wait3A_107 = arith.constant 0 : i32
        %dma_wait3A_108 = tpu.memref_slice %arg7[%add3A_84, %dma_wait3A_107] : memref<10024x128xf32, #tpu.memory_space<vmem_shared>> -> memref<128x128xf32, #tpu.memory_space<vmem_shared>>
        %dma_wait3A_109 = arith.constant 0 : i32
        %dma_wait3A_110 = arith.constant 0 : i32
        %dma_wait3A_111 = tpu.memref_slice %arg6[%run_scoped3A_85, %dma_wait3A_109, %dma_wait3A_110] : memref<2x128x128xf32, #tpu.memory_space<vmem>> -> memref<1x128x128xf32, #tpu.memory_space<vmem>>
        %dma_wait3A_112 = tpu.memref_squeeze %dma_wait3A_111 : memref<1x128x128xf32, #tpu.memory_space<vmem>> -> memref<128x128xf32, #tpu.memory_space<vmem>>
        tpu.wait_dma2 semaphore(%run_scoped3A_89 : memref<!tpu.dma_semaphore, #tpu.memory_space<semaphore_mem>>) src(%dma_wait3A_112 : memref<128x128xf32, #tpu.memory_space<vmem>>) dst(%dma_wait3A_108 : memref<128x128xf32, #tpu.memory_space<vmem_shared>>)
        tpu.yield
      }) : () -> ()
      %add3A_86 = arith.constant 512 : i32
      %add3A_87 = arith.addi %mul3A_8, %add3A_86 : i32
      %run_scoped3A_88 = arith.constant 0 : i32
      "tpu.region"() ({
        %run_scoped3A_89 = tpu.sem_alloc : memref<!tpu.dma_semaphore, #tpu.memory_space<semaphore_mem>>
        %dma_start3A_90 = arith.constant 0 : i32
        %dma_start3A_91 = arith.constant 0 : i32
        %dma_start3A_92 = tpu.memref_slice %arg6[%run_scoped3A_88, %dma_start3A_90, %dma_start3A_91] : memref<2x128x128xf32, #tpu.memory_space<vmem>> -> memref<1x112x128xf32, #tpu.memory_space<vmem>>
        %dma_start3A_93 = tpu.memref_squeeze %dma_start3A_92 : memref<1x112x128xf32, #tpu.memory_space<vmem>> -> memref<112x128xf32, #tpu.memory_space<vmem>>
        %dma_start3A_94 = arith.constant 0 : i32
        %dma_start3A_95 = tpu.memref_slice %arg7[%add3A_87, %dma_start3A_94] : memref<10024x128xf32, #tpu.memory_space<vmem_shared>> -> memref<112x128xf32, #tpu.memory_space<vmem_shared>>
        %dma_start3A_96 = arith.constant 0 : i32
        %dma_start3A_97 = tpu.memref_slice %arg7[%add3A_87, %dma_start3A_96] : memref<10024x128xf32, #tpu.memory_space<vmem_shared>> -> memref<112x128xf32, #tpu.memory_space<vmem_shared>>
        %dma_start3A_98 = arith.constant 0 : i32
        %dma_start3A_99 = arith.constant 0 : i32
        %dma_start3A_100 = tpu.memref_slice %arg6[%run_scoped3A_88, %dma_start3A_98, %dma_start3A_99] : memref<2x128x128xf32, #tpu.memory_space<vmem>> -> memref<1x112x128xf32, #tpu.memory_space<vmem>>
        %dma_start3A_101 = tpu.memref_squeeze %dma_start3A_100 : memref<1x112x128xf32, #tpu.memory_space<vmem>> -> memref<112x128xf32, #tpu.memory_space<vmem>>
        tpu.enqueue_dma source(%dma_start3A_101 : memref<112x128xf32, #tpu.memory_space<vmem>>) target(%dma_start3A_97 : memref<112x128xf32, #tpu.memory_space<vmem_shared>>) target_semaphore(%run_scoped3A_89 : memref<!tpu.dma_semaphore, #tpu.memory_space<semaphore_mem>>)
        %dma_wait3A = arith.constant 0 : i32
        %dma_wait3A_102 = arith.constant 0 : i32
        %dma_wait3A_103 = tpu.memref_slice %arg6[%run_scoped3A_88, %dma_wait3A, %dma_wait3A_102] : memref<2x128x128xf32, #tpu.memory_space<vmem>> -> memref<1x112x128xf32, #tpu.memory_space<vmem>>
        %dma_wait3A_104 = tpu.memref_squeeze %dma_wait3A_103 : memref<1x112x128xf32, #tpu.memory_space<vmem>> -> memref<112x128xf32, #tpu.memory_space<vmem>>
        %dma_wait3A_105 = arith.constant 0 : i32
        %dma_wait3A_106 = tpu.memref_slice %arg7[%add3A_87, %dma_wait3A_105] : memref<10024x128xf32, #tpu.memory_space<vmem_shared>> -> memref<112x128xf32, #tpu.memory_space<vmem_shared>>
        %dma_wait3A_107 = arith.constant 0 : i32
        %dma_wait3A_108 = tpu.memref_slice %arg7[%add3A_87, %dma_wait3A_107] : memref<10024x128xf32, #tpu.memory_space<vmem_shared>> -> memref<112x128xf32, #tpu.memory_space<vmem_shared>>
        %dma_wait3A_109 = arith.constant 0 : i32
        %dma_wait3A_110 = arith.constant 0 : i32
        %dma_wait3A_111 = tpu.memref_slice %arg6[%run_scoped3A_88, %dma_wait3A_109, %dma_wait3A_110] : memref<2x128x128xf32, #tpu.memory_space<vmem>> -> memref<1x112x128xf32, #tpu.memory_space<vmem>>
        %dma_wait3A_112 = tpu.memref_squeeze %dma_wait3A_111 : memref<1x112x128xf32, #tpu.memory_space<vmem>> -> memref<112x128xf32, #tpu.memory_space<vmem>>
        tpu.wait_dma2 semaphore(%run_scoped3A_89 : memref<!tpu.dma_semaphore, #tpu.memory_space<semaphore_mem>>) src(%dma_wait3A_112 : memref<112x128xf32, #tpu.memory_space<vmem>>) dst(%dma_wait3A_108 : memref<112x128xf32, #tpu.memory_space<vmem_shared>>)
        tpu.yield
      }) : () -> ()
    } else {
    }
    %eq3A = arith.constant 15 : i32
    %eq3A_11 = arith.cmpi eq, %arg1, %eq3A : i32
    %convert_element_type3A_12 = arith.extui %eq3A_11 : i1 to i32
    %cond3A_13 = arith.constant 0 : i32
    %cond3A_14 = arith.cmpi ne, %convert_element_type3A_12, %cond3A_13 : i32
    scf.if %cond3A_14 {
      %add3A_75 = arith.constant 0 : i32
      %add3A_76 = arith.addi %mul3A_8, %add3A_75 : i32
      %run_scoped3A = arith.constant 0 : i32
      "tpu.region"() ({
        %run_scoped3A_92 = tpu.sem_alloc : memref<!tpu.dma_semaphore, #tpu.memory_space<semaphore_mem>>
        %dma_start3A_93 = arith.constant 0 : i32
        %dma_start3A_94 = arith.constant 0 : i32
        %dma_start3A_95 = tpu.memref_slice %arg6[%run_scoped3A, %dma_start3A_93, %dma_start3A_94] : memref<2x128x128xf32, #tpu.memory_space<vmem>> -> memref<1x128x128xf32, #tpu.memory_space<vmem>>
        %dma_start3A_96 = tpu.memref_squeeze %dma_start3A_95 : memref<1x128x128xf32, #tpu.memory_space<vmem>> -> memref<128x128xf32, #tpu.memory_space<vmem>>
        %dma_start3A_97 = arith.constant 0 : i32
        %dma_start3A_98 = tpu.memref_slice %arg7[%add3A_76, %dma_start3A_97] : memref<10024x128xf32, #tpu.memory_space<vmem_shared>> -> memref<128x128xf32, #tpu.memory_space<vmem_shared>>
        %dma_start3A_99 = arith.constant 0 : i32
        %dma_start3A_100 = tpu.memref_slice %arg7[%add3A_76, %dma_start3A_99] : memref<10024x128xf32, #tpu.memory_space<vmem_shared>> -> memref<128x128xf32, #tpu.memory_space<vmem_shared>>
        %dma_start3A_101 = arith.constant 0 : i32
        %dma_start3A_102 = arith.constant 0 : i32
        %dma_start3A_103 = tpu.memref_slice %arg6[%run_scoped3A, %dma_start3A_101, %dma_start3A_102] : memref<2x128x128xf32, #tpu.memory_space<vmem>> -> memref<1x128x128xf32, #tpu.memory_space<vmem>>
        %dma_start3A_104 = tpu.memref_squeeze %dma_start3A_103 : memref<1x128x128xf32, #tpu.memory_space<vmem>> -> memref<128x128xf32, #tpu.memory_space<vmem>>
        tpu.enqueue_dma source(%dma_start3A_104 : memref<128x128xf32, #tpu.memory_space<vmem>>) target(%dma_start3A_100 : memref<128x128xf32, #tpu.memory_space<vmem_shared>>) target_semaphore(%run_scoped3A_92 : memref<!tpu.dma_semaphore, #tpu.memory_space<semaphore_mem>>)
        %dma_wait3A = arith.constant 0 : i32
        %dma_wait3A_105 = arith.constant 0 : i32
        %dma_wait3A_106 = tpu.memref_slice %arg6[%run_scoped3A, %dma_wait3A, %dma_wait3A_105] : memref<2x128x128xf32, #tpu.memory_space<vmem>> -> memref<1x128x128xf32, #tpu.memory_space<vmem>>
        %dma_wait3A_107 = tpu.memref_squeeze %dma_wait3A_106 : memref<1x128x128xf32, #tpu.memory_space<vmem>> -> memref<128x128xf32, #tpu.memory_space<vmem>>
        %dma_wait3A_108 = arith.constant 0 : i32
        %dma_wait3A_109 = tpu.memref_slice %arg7[%add3A_76, %dma_wait3A_108] : memref<10024x128xf32, #tpu.memory_space<vmem_shared>> -> memref<128x128xf32, #tpu.memory_space<vmem_shared>>
        %dma_wait3A_110 = arith.constant 0 : i32
        %dma_wait3A_111 = tpu.memref_slice %arg7[%add3A_76, %dma_wait3A_110] : memref<10024x128xf32, #tpu.memory_space<vmem_shared>> -> memref<128x128xf32, #tpu.memory_space<vmem_shared>>
        %dma_wait3A_112 = arith.constant 0 : i32
        %dma_wait3A_113 = arith.constant 0 : i32
        %dma_wait3A_114 = tpu.memref_slice %arg6[%run_scoped3A, %dma_wait3A_112, %dma_wait3A_113] : memref<2x128x128xf32, #tpu.memory_space<vmem>> -> memref<1x128x128xf32, #tpu.memory_space<vmem>>
        %dma_wait3A_115 = tpu.memref_squeeze %dma_wait3A_114 : memref<1x128x128xf32, #tpu.memory_space<vmem>> -> memref<128x128xf32, #tpu.memory_space<vmem>>
        tpu.wait_dma2 semaphore(%run_scoped3A_92 : memref<!tpu.dma_semaphore, #tpu.memory_space<semaphore_mem>>) src(%dma_wait3A_115 : memref<128x128xf32, #tpu.memory_space<vmem>>) dst(%dma_wait3A_111 : memref<128x128xf32, #tpu.memory_space<vmem_shared>>)
        tpu.yield
      }) : () -> ()
      %add3A_77 = arith.constant 128 : i32
      %add3A_78 = arith.addi %mul3A_8, %add3A_77 : i32
      %run_scoped3A_79 = arith.constant 0 : i32
      "tpu.region"() ({
        %run_scoped3A_92 = tpu.sem_alloc : memref<!tpu.dma_semaphore, #tpu.memory_space<semaphore_mem>>
        %dma_start3A_93 = arith.constant 0 : i32
        %dma_start3A_94 = arith.constant 0 : i32
        %dma_start3A_95 = tpu.memref_slice %arg6[%run_scoped3A_79, %dma_start3A_93, %dma_start3A_94] : memref<2x128x128xf32, #tpu.memory_space<vmem>> -> memref<1x128x128xf32, #tpu.memory_space<vmem>>
        %dma_start3A_96 = tpu.memref_squeeze %dma_start3A_95 : memref<1x128x128xf32, #tpu.memory_space<vmem>> -> memref<128x128xf32, #tpu.memory_space<vmem>>
        %dma_start3A_97 = arith.constant 0 : i32
        %dma_start3A_98 = tpu.memref_slice %arg7[%add3A_78, %dma_start3A_97] : memref<10024x128xf32, #tpu.memory_space<vmem_shared>> -> memref<128x128xf32, #tpu.memory_space<vmem_shared>>
        %dma_start3A_99 = arith.constant 0 : i32
        %dma_start3A_100 = tpu.memref_slice %arg7[%add3A_78, %dma_start3A_99] : memref<10024x128xf32, #tpu.memory_space<vmem_shared>> -> memref<128x128xf32, #tpu.memory_space<vmem_shared>>
        %dma_start3A_101 = arith.constant 0 : i32
        %dma_start3A_102 = arith.constant 0 : i32
        %dma_start3A_103 = tpu.memref_slice %arg6[%run_scoped3A_79, %dma_start3A_101, %dma_start3A_102] : memref<2x128x128xf32, #tpu.memory_space<vmem>> -> memref<1x128x128xf32, #tpu.memory_space<vmem>>
        %dma_start3A_104 = tpu.memref_squeeze %dma_start3A_103 : memref<1x128x128xf32, #tpu.memory_space<vmem>> -> memref<128x128xf32, #tpu.memory_space<vmem>>
        tpu.enqueue_dma source(%dma_start3A_104 : memref<128x128xf32, #tpu.memory_space<vmem>>) target(%dma_start3A_100 : memref<128x128xf32, #tpu.memory_space<vmem_shared>>) target_semaphore(%run_scoped3A_92 : memref<!tpu.dma_semaphore, #tpu.memory_space<semaphore_mem>>)
        %dma_wait3A = arith.constant 0 : i32
        %dma_wait3A_105 = arith.constant 0 : i32
        %dma_wait3A_106 = tpu.memref_slice %arg6[%run_scoped3A_79, %dma_wait3A, %dma_wait3A_105] : memref<2x128x128xf32, #tpu.memory_space<vmem>> -> memref<1x128x128xf32, #tpu.memory_space<vmem>>
        %dma_wait3A_107 = tpu.memref_squeeze %dma_wait3A_106 : memref<1x128x128xf32, #tpu.memory_space<vmem>> -> memref<128x128xf32, #tpu.memory_space<vmem>>
        %dma_wait3A_108 = arith.constant 0 : i32
        %dma_wait3A_109 = tpu.memref_slice %arg7[%add3A_78, %dma_wait3A_108] : memref<10024x128xf32, #tpu.memory_space<vmem_shared>> -> memref<128x128xf32, #tpu.memory_space<vmem_shared>>
        %dma_wait3A_110 = arith.constant 0 : i32
        %dma_wait3A_111 = tpu.memref_slice %arg7[%add3A_78, %dma_wait3A_110] : memref<10024x128xf32, #tpu.memory_space<vmem_shared>> -> memref<128x128xf32, #tpu.memory_space<vmem_shared>>
        %dma_wait3A_112 = arith.constant 0 : i32
        %dma_wait3A_113 = arith.constant 0 : i32
        %dma_wait3A_114 = tpu.memref_slice %arg6[%run_scoped3A_79, %dma_wait3A_112, %dma_wait3A_113] : memref<2x128x128xf32, #tpu.memory_space<vmem>> -> memref<1x128x128xf32, #tpu.memory_space<vmem>>
        %dma_wait3A_115 = tpu.memref_squeeze %dma_wait3A_114 : memref<1x128x128xf32, #tpu.memory_space<vmem>> -> memref<128x128xf32, #tpu.memory_space<vmem>>
        tpu.wait_dma2 semaphore(%run_scoped3A_92 : memref<!tpu.dma_semaphore, #tpu.memory_space<semaphore_mem>>) src(%dma_wait3A_115 : memref<128x128xf32, #tpu.memory_space<vmem>>) dst(%dma_wait3A_111 : memref<128x128xf32, #tpu.memory_space<vmem_shared>>)
        tpu.yield
      }) : () -> ()
      %add3A_80 = arith.constant 256 : i32
      %add3A_81 = arith.addi %mul3A_8, %add3A_80 : i32
      %run_scoped3A_82 = arith.constant 0 : i32
      "tpu.region"() ({
        %run_scoped3A_92 = tpu.sem_alloc : memref<!tpu.dma_semaphore, #tpu.memory_space<semaphore_mem>>
        %dma_start3A_93 = arith.constant 0 : i32
        %dma_start3A_94 = arith.constant 0 : i32
        %dma_start3A_95 = tpu.memref_slice %arg6[%run_scoped3A_82, %dma_start3A_93, %dma_start3A_94] : memref<2x128x128xf32, #tpu.memory_space<vmem>> -> memref<1x128x128xf32, #tpu.memory_space<vmem>>
        %dma_start3A_96 = tpu.memref_squeeze %dma_start3A_95 : memref<1x128x128xf32, #tpu.memory_space<vmem>> -> memref<128x128xf32, #tpu.memory_space<vmem>>
        %dma_start3A_97 = arith.constant 0 : i32
        %dma_start3A_98 = tpu.memref_slice %arg7[%add3A_81, %dma_start3A_97] : memref<10024x128xf32, #tpu.memory_space<vmem_shared>> -> memref<128x128xf32, #tpu.memory_space<vmem_shared>>
        %dma_start3A_99 = arith.constant 0 : i32
        %dma_start3A_100 = tpu.memref_slice %arg7[%add3A_81, %dma_start3A_99] : memref<10024x128xf32, #tpu.memory_space<vmem_shared>> -> memref<128x128xf32, #tpu.memory_space<vmem_shared>>
        %dma_start3A_101 = arith.constant 0 : i32
        %dma_start3A_102 = arith.constant 0 : i32
        %dma_start3A_103 = tpu.memref_slice %arg6[%run_scoped3A_82, %dma_start3A_101, %dma_start3A_102] : memref<2x128x128xf32, #tpu.memory_space<vmem>> -> memref<1x128x128xf32, #tpu.memory_space<vmem>>
        %dma_start3A_104 = tpu.memref_squeeze %dma_start3A_103 : memref<1x128x128xf32, #tpu.memory_space<vmem>> -> memref<128x128xf32, #tpu.memory_space<vmem>>
        tpu.enqueue_dma source(%dma_start3A_104 : memref<128x128xf32, #tpu.memory_space<vmem>>) target(%dma_start3A_100 : memref<128x128xf32, #tpu.memory_space<vmem_shared>>) target_semaphore(%run_scoped3A_92 : memref<!tpu.dma_semaphore, #tpu.memory_space<semaphore_mem>>)
        %dma_wait3A = arith.constant 0 : i32
        %dma_wait3A_105 = arith.constant 0 : i32
        %dma_wait3A_106 = tpu.memref_slice %arg6[%run_scoped3A_82, %dma_wait3A, %dma_wait3A_105] : memref<2x128x128xf32, #tpu.memory_space<vmem>> -> memref<1x128x128xf32, #tpu.memory_space<vmem>>
        %dma_wait3A_107 = tpu.memref_squeeze %dma_wait3A_106 : memref<1x128x128xf32, #tpu.memory_space<vmem>> -> memref<128x128xf32, #tpu.memory_space<vmem>>
        %dma_wait3A_108 = arith.constant 0 : i32
        %dma_wait3A_109 = tpu.memref_slice %arg7[%add3A_81, %dma_wait3A_108] : memref<10024x128xf32, #tpu.memory_space<vmem_shared>> -> memref<128x128xf32, #tpu.memory_space<vmem_shared>>
        %dma_wait3A_110 = arith.constant 0 : i32
        %dma_wait3A_111 = tpu.memref_slice %arg7[%add3A_81, %dma_wait3A_110] : memref<10024x128xf32, #tpu.memory_space<vmem_shared>> -> memref<128x128xf32, #tpu.memory_space<vmem_shared>>
        %dma_wait3A_112 = arith.constant 0 : i32
        %dma_wait3A_113 = arith.constant 0 : i32
        %dma_wait3A_114 = tpu.memref_slice %arg6[%run_scoped3A_82, %dma_wait3A_112, %dma_wait3A_113] : memref<2x128x128xf32, #tpu.memory_space<vmem>> -> memref<1x128x128xf32, #tpu.memory_space<vmem>>
        %dma_wait3A_115 = tpu.memref_squeeze %dma_wait3A_114 : memref<1x128x128xf32, #tpu.memory_space<vmem>> -> memref<128x128xf32, #tpu.memory_space<vmem>>
        tpu.wait_dma2 semaphore(%run_scoped3A_92 : memref<!tpu.dma_semaphore, #tpu.memory_space<semaphore_mem>>) src(%dma_wait3A_115 : memref<128x128xf32, #tpu.memory_space<vmem>>) dst(%dma_wait3A_111 : memref<128x128xf32, #tpu.memory_space<vmem_shared>>)
        tpu.yield
      }) : () -> ()
      %add3A_83 = arith.constant 384 : i32
      %add3A_84 = arith.addi %mul3A_8, %add3A_83 : i32
      %run_scoped3A_85 = arith.constant 0 : i32
      "tpu.region"() ({
        %run_scoped3A_92 = tpu.sem_alloc : memref<!tpu.dma_semaphore, #tpu.memory_space<semaphore_mem>>
        %dma_start3A_93 = arith.constant 0 : i32
        %dma_start3A_94 = arith.constant 0 : i32
        %dma_start3A_95 = tpu.memref_slice %arg6[%run_scoped3A_85, %dma_start3A_93, %dma_start3A_94] : memref<2x128x128xf32, #tpu.memory_space<vmem>> -> memref<1x128x128xf32, #tpu.memory_space<vmem>>
        %dma_start3A_96 = tpu.memref_squeeze %dma_start3A_95 : memref<1x128x128xf32, #tpu.memory_space<vmem>> -> memref<128x128xf32, #tpu.memory_space<vmem>>
        %dma_start3A_97 = arith.constant 0 : i32
        %dma_start3A_98 = tpu.memref_slice %arg7[%add3A_84, %dma_start3A_97] : memref<10024x128xf32, #tpu.memory_space<vmem_shared>> -> memref<128x128xf32, #tpu.memory_space<vmem_shared>>
        %dma_start3A_99 = arith.constant 0 : i32
        %dma_start3A_100 = tpu.memref_slice %arg7[%add3A_84, %dma_start3A_99] : memref<10024x128xf32, #tpu.memory_space<vmem_shared>> -> memref<128x128xf32, #tpu.memory_space<vmem_shared>>
        %dma_start3A_101 = arith.constant 0 : i32
        %dma_start3A_102 = arith.constant 0 : i32
        %dma_start3A_103 = tpu.memref_slice %arg6[%run_scoped3A_85, %dma_start3A_101, %dma_start3A_102] : memref<2x128x128xf32, #tpu.memory_space<vmem>> -> memref<1x128x128xf32, #tpu.memory_space<vmem>>
        %dma_start3A_104 = tpu.memref_squeeze %dma_start3A_103 : memref<1x128x128xf32, #tpu.memory_space<vmem>> -> memref<128x128xf32, #tpu.memory_space<vmem>>
        tpu.enqueue_dma source(%dma_start3A_104 : memref<128x128xf32, #tpu.memory_space<vmem>>) target(%dma_start3A_100 : memref<128x128xf32, #tpu.memory_space<vmem_shared>>) target_semaphore(%run_scoped3A_92 : memref<!tpu.dma_semaphore, #tpu.memory_space<semaphore_mem>>)
        %dma_wait3A = arith.constant 0 : i32
        %dma_wait3A_105 = arith.constant 0 : i32
        %dma_wait3A_106 = tpu.memref_slice %arg6[%run_scoped3A_85, %dma_wait3A, %dma_wait3A_105] : memref<2x128x128xf32, #tpu.memory_space<vmem>> -> memref<1x128x128xf32, #tpu.memory_space<vmem>>
        %dma_wait3A_107 = tpu.memref_squeeze %dma_wait3A_106 : memref<1x128x128xf32, #tpu.memory_space<vmem>> -> memref<128x128xf32, #tpu.memory_space<vmem>>
        %dma_wait3A_108 = arith.constant 0 : i32
        %dma_wait3A_109 = tpu.memref_slice %arg7[%add3A_84, %dma_wait3A_108] : memref<10024x128xf32, #tpu.memory_space<vmem_shared>> -> memref<128x128xf32, #tpu.memory_space<vmem_shared>>
        %dma_wait3A_110 = arith.constant 0 : i32
        %dma_wait3A_111 = tpu.memref_slice %arg7[%add3A_84, %dma_wait3A_110] : memref<10024x128xf32, #tpu.memory_space<vmem_shared>> -> memref<128x128xf32, #tpu.memory_space<vmem_shared>>
        %dma_wait3A_112 = arith.constant 0 : i32
        %dma_wait3A_113 = arith.constant 0 : i32
        %dma_wait3A_114 = tpu.memref_slice %arg6[%run_scoped3A_85, %dma_wait3A_112, %dma_wait3A_113] : memref<2x128x128xf32, #tpu.memory_space<vmem>> -> memref<1x128x128xf32, #tpu.memory_space<vmem>>
        %dma_wait3A_115 = tpu.memref_squeeze %dma_wait3A_114 : memref<1x128x128xf32, #tpu.memory_space<vmem>> -> memref<128x128xf32, #tpu.memory_space<vmem>>
        tpu.wait_dma2 semaphore(%run_scoped3A_92 : memref<!tpu.dma_semaphore, #tpu.memory_space<semaphore_mem>>) src(%dma_wait3A_115 : memref<128x128xf32, #tpu.memory_space<vmem>>) dst(%dma_wait3A_111 : memref<128x128xf32, #tpu.memory_space<vmem_shared>>)
        tpu.yield
      }) : () -> ()
      %add3A_86 = arith.constant 512 : i32
      %add3A_87 = arith.addi %mul3A_8, %add3A_86 : i32
      %run_scoped3A_88 = arith.constant 0 : i32
      "tpu.region"() ({
        %run_scoped3A_92 = tpu.sem_alloc : memref<!tpu.dma_semaphore, #tpu.memory_space<semaphore_mem>>
        %dma_start3A_93 = arith.constant 0 : i32
        %dma_start3A_94 = arith.constant 0 : i32
        %dma_start3A_95 = tpu.memref_slice %arg6[%run_scoped3A_88, %dma_start3A_93, %dma_start3A_94] : memref<2x128x128xf32, #tpu.memory_space<vmem>> -> memref<1x128x128xf32, #tpu.memory_space<vmem>>
        %dma_start3A_96 = tpu.memref_squeeze %dma_start3A_95 : memref<1x128x128xf32, #tpu.memory_space<vmem>> -> memref<128x128xf32, #tpu.memory_space<vmem>>
        %dma_start3A_97 = arith.constant 0 : i32
        %dma_start3A_98 = tpu.memref_slice %arg7[%add3A_87, %dma_start3A_97] : memref<10024x128xf32, #tpu.memory_space<vmem_shared>> -> memref<128x128xf32, #tpu.memory_space<vmem_shared>>
        %dma_start3A_99 = arith.constant 0 : i32
        %dma_start3A_100 = tpu.memref_slice %arg7[%add3A_87, %dma_start3A_99] : memref<10024x128xf32, #tpu.memory_space<vmem_shared>> -> memref<128x128xf32, #tpu.memory_space<vmem_shared>>
        %dma_start3A_101 = arith.constant 0 : i32
        %dma_start3A_102 = arith.constant 0 : i32
        %dma_start3A_103 = tpu.memref_slice %arg6[%run_scoped3A_88, %dma_start3A_101, %dma_start3A_102] : memref<2x128x128xf32, #tpu.memory_space<vmem>> -> memref<1x128x128xf32, #tpu.memory_space<vmem>>
        %dma_start3A_104 = tpu.memref_squeeze %dma_start3A_103 : memref<1x128x128xf32, #tpu.memory_space<vmem>> -> memref<128x128xf32, #tpu.memory_space<vmem>>
        tpu.enqueue_dma source(%dma_start3A_104 : memref<128x128xf32, #tpu.memory_space<vmem>>) target(%dma_start3A_100 : memref<128x128xf32, #tpu.memory_space<vmem_shared>>) target_semaphore(%run_scoped3A_92 : memref<!tpu.dma_semaphore, #tpu.memory_space<semaphore_mem>>)
        %dma_wait3A = arith.constant 0 : i32
        %dma_wait3A_105 = arith.constant 0 : i32
        %dma_wait3A_106 = tpu.memref_slice %arg6[%run_scoped3A_88, %dma_wait3A, %dma_wait3A_105] : memref<2x128x128xf32, #tpu.memory_space<vmem>> -> memref<1x128x128xf32, #tpu.memory_space<vmem>>
        %dma_wait3A_107 = tpu.memref_squeeze %dma_wait3A_106 : memref<1x128x128xf32, #tpu.memory_space<vmem>> -> memref<128x128xf32, #tpu.memory_space<vmem>>
        %dma_wait3A_108 = arith.constant 0 : i32
        %dma_wait3A_109 = tpu.memref_slice %arg7[%add3A_87, %dma_wait3A_108] : memref<10024x128xf32, #tpu.memory_space<vmem_shared>> -> memref<128x128xf32, #tpu.memory_space<vmem_shared>>
        %dma_wait3A_110 = arith.constant 0 : i32
        %dma_wait3A_111 = tpu.memref_slice %arg7[%add3A_87, %dma_wait3A_110] : memref<10024x128xf32, #tpu.memory_space<vmem_shared>> -> memref<128x128xf32, #tpu.memory_space<vmem_shared>>
        %dma_wait3A_112 = arith.constant 0 : i32
        %dma_wait3A_113 = arith.constant 0 : i32
        %dma_wait3A_114 = tpu.memref_slice %arg6[%run_scoped3A_88, %dma_wait3A_112, %dma_wait3A_113] : memref<2x128x128xf32, #tpu.memory_space<vmem>> -> memref<1x128x128xf32, #tpu.memory_space<vmem>>
        %dma_wait3A_115 = tpu.memref_squeeze %dma_wait3A_114 : memref<1x128x128xf32, #tpu.memory_space<vmem>> -> memref<128x128xf32, #tpu.memory_space<vmem>>
        tpu.wait_dma2 semaphore(%run_scoped3A_92 : memref<!tpu.dma_semaphore, #tpu.memory_space<semaphore_mem>>) src(%dma_wait3A_115 : memref<128x128xf32, #tpu.memory_space<vmem>>) dst(%dma_wait3A_111 : memref<128x128xf32, #tpu.memory_space<vmem_shared>>)
        tpu.yield
      }) : () -> ()
      %add3A_89 = arith.constant 640 : i32
      %add3A_90 = arith.addi %mul3A_8, %add3A_89 : i32
      %run_scoped3A_91 = arith.constant 0 : i32
      "tpu.region"() ({
        %run_scoped3A_92 = tpu.sem_alloc : memref<!tpu.dma_semaphore, #tpu.memory_space<semaphore_mem>>
        %dma_start3A_93 = arith.constant 0 : i32
        %dma_start3A_94 = arith.constant 0 : i32
        %dma_start3A_95 = tpu.memref_slice %arg6[%run_scoped3A_91, %dma_start3A_93, %dma_start3A_94] : memref<2x128x128xf32, #tpu.memory_space<vmem>> -> memref<1x24x128xf32, #tpu.memory_space<vmem>>
        %dma_start3A_96 = tpu.memref_squeeze %dma_start3A_95 : memref<1x24x128xf32, #tpu.memory_space<vmem>> -> memref<24x128xf32, #tpu.memory_space<vmem>>
        %dma_start3A_97 = arith.constant 0 : i32
        %dma_start3A_98 = tpu.memref_slice %arg7[%add3A_90, %dma_start3A_97] : memref<10024x128xf32, #tpu.memory_space<vmem_shared>> -> memref<24x128xf32, #tpu.memory_space<vmem_shared>>
        %dma_start3A_99 = arith.constant 0 : i32
        %dma_start3A_100 = tpu.memref_slice %arg7[%add3A_90, %dma_start3A_99] : memref<10024x128xf32, #tpu.memory_space<vmem_shared>> -> memref<24x128xf32, #tpu.memory_space<vmem_shared>>
        %dma_start3A_101 = arith.constant 0 : i32
        %dma_start3A_102 = arith.constant 0 : i32
        %dma_start3A_103 = tpu.memref_slice %arg6[%run_scoped3A_91, %dma_start3A_101, %dma_start3A_102] : memref<2x128x128xf32, #tpu.memory_space<vmem>> -> memref<1x24x128xf32, #tpu.memory_space<vmem>>
        %dma_start3A_104 = tpu.memref_squeeze %dma_start3A_103 : memref<1x24x128xf32, #tpu.memory_space<vmem>> -> memref<24x128xf32, #tpu.memory_space<vmem>>
        tpu.enqueue_dma source(%dma_start3A_104 : memref<24x128xf32, #tpu.memory_space<vmem>>) target(%dma_start3A_100 : memref<24x128xf32, #tpu.memory_space<vmem_shared>>) target_semaphore(%run_scoped3A_92 : memref<!tpu.dma_semaphore, #tpu.memory_space<semaphore_mem>>)
        %dma_wait3A = arith.constant 0 : i32
        %dma_wait3A_105 = arith.constant 0 : i32
        %dma_wait3A_106 = tpu.memref_slice %arg6[%run_scoped3A_91, %dma_wait3A, %dma_wait3A_105] : memref<2x128x128xf32, #tpu.memory_space<vmem>> -> memref<1x24x128xf32, #tpu.memory_space<vmem>>
        %dma_wait3A_107 = tpu.memref_squeeze %dma_wait3A_106 : memref<1x24x128xf32, #tpu.memory_space<vmem>> -> memref<24x128xf32, #tpu.memory_space<vmem>>
        %dma_wait3A_108 = arith.constant 0 : i32
        %dma_wait3A_109 = tpu.memref_slice %arg7[%add3A_90, %dma_wait3A_108] : memref<10024x128xf32, #tpu.memory_space<vmem_shared>> -> memref<24x128xf32, #tpu.memory_space<vmem_shared>>
        %dma_wait3A_110 = arith.constant 0 : i32
        %dma_wait3A_111 = tpu.memref_slice %arg7[%add3A_90, %dma_wait3A_110] : memref<10024x128xf32, #tpu.memory_space<vmem_shared>> -> memref<24x128xf32, #tpu.memory_space<vmem_shared>>
        %dma_wait3A_112 = arith.constant 0 : i32
        %dma_wait3A_113 = arith.constant 0 : i32
        %dma_wait3A_114 = tpu.memref_slice %arg6[%run_scoped3A_91, %dma_wait3A_112, %dma_wait3A_113] : memref<2x128x128xf32, #tpu.memory_space<vmem>> -> memref<1x24x128xf32, #tpu.memory_space<vmem>>
        %dma_wait3A_115 = tpu.memref_squeeze %dma_wait3A_114 : memref<1x24x128xf32, #tpu.memory_space<vmem>> -> memref<24x128xf32, #tpu.memory_space<vmem>>
        tpu.wait_dma2 semaphore(%run_scoped3A_92 : memref<!tpu.dma_semaphore, #tpu.memory_space<semaphore_mem>>) src(%dma_wait3A_115 : memref<24x128xf32, #tpu.memory_space<vmem>>) dst(%dma_wait3A_111 : memref<24x128xf32, #tpu.memory_space<vmem_shared>>)
        tpu.yield
      }) : () -> ()
    } else {
    }
    %mul3A_15 = arith.constant 80 : i32
    %mul3A_16 = arith.muli %add3A, %mul3A_15 : i32
    %add3A_17 = arith.constant 0 : i32
    %add3A_18 = arith.addi %mul3A_16, %add3A_17 : i32
    "tpu.region"() ({
      %run_scoped3A = tpu.sem_alloc : memref<!tpu.dma_semaphore, #tpu.memory_space<semaphore_mem>>
      %dma_start3A_75 = arith.constant 0 : i32
      %dma_start3A_76 = arith.constant 0 : i32
      %dma_start3A_77 = tpu.memref_slice %arg3[%dma_start3A_75, %add3A_18, %dma_start3A_76] : memref<2x2560x128xi32, #tpu.memory_space<hbm>> -> memref<2x40x128xi32, #tpu.memory_space<hbm>>
      %dma_start3A_78 = arith.constant 0 : i32
      %dma_start3A_79 = arith.constant 0 : i32
      %dma_start3A_80 = tpu.memref_slice %arg3[%dma_start3A_78, %add3A_18, %dma_start3A_79] : memref<2x2560x128xi32, #tpu.memory_space<hbm>> -> memref<2x40x128xi32, #tpu.memory_space<hbm>>
      tpu.enqueue_dma source(%dma_start3A_80 : memref<2x40x128xi32, #tpu.memory_space<hbm>>) target(%arg5 : memref<2x40x128xi32, #tpu.memory_space<vmem>>) target_semaphore(%run_scoped3A : memref<!tpu.dma_semaphore, #tpu.memory_space<semaphore_mem>>)
      %dma_wait3A = arith.constant 0 : i32
      %dma_wait3A_81 = arith.constant 0 : i32
      %dma_wait3A_82 = tpu.memref_slice %arg3[%dma_wait3A, %add3A_18, %dma_wait3A_81] : memref<2x2560x128xi32, #tpu.memory_space<hbm>> -> memref<2x40x128xi32, #tpu.memory_space<hbm>>
      %dma_wait3A_83 = arith.constant 0 : i32
      %dma_wait3A_84 = arith.constant 0 : i32
      %dma_wait3A_85 = tpu.memref_slice %arg3[%dma_wait3A_83, %add3A_18, %dma_wait3A_84] : memref<2x2560x128xi32, #tpu.memory_space<hbm>> -> memref<2x40x128xi32, #tpu.memory_space<hbm>>
      tpu.wait_dma2 semaphore(%run_scoped3A : memref<!tpu.dma_semaphore, #tpu.memory_space<semaphore_mem>>) src(%dma_wait3A_85 : memref<2x40x128xi32, #tpu.memory_space<hbm>>) dst(%arg5 : memref<2x40x128xi32, #tpu.memory_space<vmem>>)
      tpu.yield
    }) : () -> ()
    %dma_start3A = arith.constant 0 : i32
    %dma_start3A_19 = arith.constant 0 : i32
    %dma_start3A_20 = arith.constant 0 : i32
    %dma_start3A_21 = arith.constant 0 : i32
    %dma_start3A_22 = arith.constant 0 : i32
    %dma_start3A_23 = tpu.memref_slice %arg6[%dma_start3A_20, %dma_start3A_21, %dma_start3A_22] : memref<2x128x128xf32, #tpu.memory_space<vmem>> -> memref<1x128x128xf32, #tpu.memory_space<vmem>>
    %dma_start3A_24 = tpu.memref_squeeze %dma_start3A_23 : memref<1x128x128xf32, #tpu.memory_space<vmem>> -> memref<128x128xf32, #tpu.memory_space<vmem>>
    %dma_start3A_25 = arith.constant 0 : i32
    %dma_start3A_26 = tpu.memref_slice %arg5[%dma_start3A, %dma_start3A_19, %dma_start3A_25] : memref<2x40x128xi32, #tpu.memory_space<vmem>> -> memref<1x1x128xi32, #tpu.memory_space<vmem>>
    %dma_start3A_27 = tpu.memref_squeeze %dma_start3A_26 : memref<1x1x128xi32, #tpu.memory_space<vmem>> -> memref<128xi32, #tpu.memory_space<vmem>>
    %dma_start3A_28 = arith.constant 0 : i32
    %dma_start3A_29 = arith.constant 0 : i32
    %dma_start3A_30 = tpu.memref_slice %arg2[%dma_start3A_28, %dma_start3A_29] : memref<10000x128xf32, #tpu.memory_space<hbm>> -> memref<10000x128xf32, #tpu.memory_space<hbm>>
    tpu.enqueue_indirect_dma source(%dma_start3A_30 : memref<10000x128xf32, #tpu.memory_space<hbm>>) target(%dma_start3A_24 : memref<128x128xf32, #tpu.memory_space<vmem>>) offsets(%dma_start3A_27 : memref<128xi32, #tpu.memory_space<vmem>>) semaphore(%arg8 : memref<!tpu.dma_semaphore, #tpu.memory_space<semaphore_mem>>)
    %barrier3A = arith.constant 0 : index
    tpu.barrier barrier_id(%barrier3A)
    %scan3A_31 = arith.constant 0 : i32
    %scan3A_32 = arith.constant 1 : i32
    %scan3A_33 = arith.constant 0 : i32
    %scan3A_34 = arith.constant 0 : i32
    %scan3A_35 = arith.constant 20 : i32
    %scan3A_36 = arith.addi %scan3A_34, %scan3A_35 : i32
    %scan3A_37 = arith.constant 1 : i32
    scf.for %scan3A_75 = %scan3A_34 to %scan3A_36 step %scan3A_37  : i32 {
      %mul3A_76 = arith.constant 2 : i32
      %mul3A_77 = arith.muli %mul3A_76, %scan3A_75 : i32
      %add3A_78 = arith.constant 1 : i32
      %add3A_79 = arith.addi %mul3A_77, %add3A_78 : i32
      %dma_start3A_80 = arith.constant 0 : i32
      %dma_start3A_81 = arith.constant 0 : i32
      %dma_start3A_82 = arith.constant 0 : i32
      %dma_start3A_83 = tpu.memref_slice %arg6[%scan3A_32, %dma_start3A_81, %dma_start3A_82] : memref<2x128x128xf32, #tpu.memory_space<vmem>> -> memref<1x128x128xf32, #tpu.memory_space<vmem>>
      %dma_start3A_84 = tpu.memref_squeeze %dma_start3A_83 : memref<1x128x128xf32, #tpu.memory_space<vmem>> -> memref<128x128xf32, #tpu.memory_space<vmem>>
      %dma_start3A_85 = arith.constant 0 : i32
      %dma_start3A_86 = tpu.memref_slice %arg5[%dma_start3A_80, %add3A_79, %dma_start3A_85] : memref<2x40x128xi32, #tpu.memory_space<vmem>> -> memref<1x1x128xi32, #tpu.memory_space<vmem>>
      %dma_start3A_87 = tpu.memref_squeeze %dma_start3A_86 : memref<1x1x128xi32, #tpu.memory_space<vmem>> -> memref<128xi32, #tpu.memory_space<vmem>>
      %dma_start3A_88 = arith.constant 0 : i32
      %dma_start3A_89 = arith.constant 0 : i32
      %dma_start3A_90 = tpu.memref_slice %arg2[%dma_start3A_88, %dma_start3A_89] : memref<10000x128xf32, #tpu.memory_space<hbm>> -> memref<10000x128xf32, #tpu.memory_space<hbm>>
      tpu.enqueue_indirect_dma source(%dma_start3A_90 : memref<10000x128xf32, #tpu.memory_space<hbm>>) target(%dma_start3A_84 : memref<128x128xf32, #tpu.memory_space<vmem>>) offsets(%dma_start3A_87 : memref<128xi32, #tpu.memory_space<vmem>>) semaphore(%arg9 : memref<!tpu.dma_semaphore, #tpu.memory_space<semaphore_mem>>)
      %dma_wait3A = arith.constant 0 : i32
      %dma_wait3A_91 = arith.constant 0 : i32
      %dma_wait3A_92 = arith.constant 0 : i32
      %dma_wait3A_93 = tpu.memref_slice %arg6[%scan3A_33, %dma_wait3A_91, %dma_wait3A_92] : memref<2x128x128xf32, #tpu.memory_space<vmem>> -> memref<1x128x128xf32, #tpu.memory_space<vmem>>
      %dma_wait3A_94 = tpu.memref_squeeze %dma_wait3A_93 : memref<1x128x128xf32, #tpu.memory_space<vmem>> -> memref<128x128xf32, #tpu.memory_space<vmem>>
      %dma_wait3A_95 = arith.constant 0 : i32
      %dma_wait3A_96 = tpu.memref_slice %arg5[%dma_wait3A, %mul3A_77, %dma_wait3A_95] : memref<2x40x128xi32, #tpu.memory_space<vmem>> -> memref<1x1x128xi32, #tpu.memory_space<vmem>>
      %dma_wait3A_97 = tpu.memref_squeeze %dma_wait3A_96 : memref<1x1x128xi32, #tpu.memory_space<vmem>> -> memref<128xi32, #tpu.memory_space<vmem>>
      %dma_wait3A_98 = arith.constant 0 : i32
      %dma_wait3A_99 = arith.constant 0 : i32
      %dma_wait3A_100 = tpu.memref_slice %arg2[%dma_wait3A_98, %dma_wait3A_99] : memref<10000x128xf32, #tpu.memory_space<hbm>> -> memref<10000x128xf32, #tpu.memory_space<hbm>>
      tpu.wait_indirect_dma semaphore(%arg8 : memref<!tpu.dma_semaphore, #tpu.memory_space<semaphore_mem>>) src(%dma_wait3A_100 : memref<10000x128xf32, #tpu.memory_space<hbm>>) dst(%dma_wait3A_94 : memref<128x128xf32, #tpu.memory_space<vmem>>)
      %run_scoped3A = arith.constant 1 : i32
      "tpu.region"() ({
        %run_scoped3A_120 = tpu.sem_alloc : memref<!tpu.dma_semaphore, #tpu.memory_space<semaphore_mem>>
        %dma_start3A_121 = arith.constant 0 : i32
        %dma_start3A_122 = arith.constant 0 : i32
        %dma_start3A_123 = tpu.memref_slice %arg6[%scan3A_33, %dma_start3A_121, %dma_start3A_122] : memref<2x128x128xf32, #tpu.memory_space<vmem>> -> memref<1x128x128xf32, #tpu.memory_space<vmem>>
        %dma_start3A_124 = tpu.memref_squeeze %dma_start3A_123 : memref<1x128x128xf32, #tpu.memory_space<vmem>> -> memref<128x128xf32, #tpu.memory_space<vmem>>
        %dma_start3A_125 = arith.constant 0 : i32
        %dma_start3A_126 = tpu.memref_slice %arg5[%run_scoped3A, %mul3A_77, %dma_start3A_125] : memref<2x40x128xi32, #tpu.memory_space<vmem>> -> memref<1x1x128xi32, #tpu.memory_space<vmem>>
        %dma_start3A_127 = tpu.memref_squeeze %dma_start3A_126 : memref<1x1x128xi32, #tpu.memory_space<vmem>> -> memref<128xi32, #tpu.memory_space<vmem>>
        %dma_start3A_128 = arith.constant 0 : i32
        %dma_start3A_129 = arith.constant 0 : i32
        %dma_start3A_130 = tpu.memref_slice %arg7[%dma_start3A_128, %dma_start3A_129] : memref<10024x128xf32, #tpu.memory_space<vmem_shared>> -> memref<10024x128xf32, #tpu.memory_space<vmem_shared>>
        tpu.enqueue_indirect_dma source(%dma_start3A_124 : memref<128x128xf32, #tpu.memory_space<vmem>>) target(%dma_start3A_130 : memref<10024x128xf32, #tpu.memory_space<vmem_shared>>) offsets(%dma_start3A_127 : memref<128xi32, #tpu.memory_space<vmem>>) semaphore(%run_scoped3A_120 : memref<!tpu.dma_semaphore, #tpu.memory_space<semaphore_mem>>) {add = true}
        %dma_wait3A_131 = arith.constant 0 : i32
        %dma_wait3A_132 = arith.constant 0 : i32
        %dma_wait3A_133 = tpu.memref_slice %arg6[%scan3A_33, %dma_wait3A_131, %dma_wait3A_132] : memref<2x128x128xf32, #tpu.memory_space<vmem>> -> memref<1x128x128xf32, #tpu.memory_space<vmem>>
        %dma_wait3A_134 = tpu.memref_squeeze %dma_wait3A_133 : memref<1x128x128xf32, #tpu.memory_space<vmem>> -> memref<128x128xf32, #tpu.memory_space<vmem>>
        %dma_wait3A_135 = arith.constant 0 : i32
        %dma_wait3A_136 = tpu.memref_slice %arg5[%run_scoped3A, %mul3A_77, %dma_wait3A_135] : memref<2x40x128xi32, #tpu.memory_space<vmem>> -> memref<1x1x128xi32, #tpu.memory_space<vmem>>
        %dma_wait3A_137 = tpu.memref_squeeze %dma_wait3A_136 : memref<1x1x128xi32, #tpu.memory_space<vmem>> -> memref<128xi32, #tpu.memory_space<vmem>>
        %dma_wait3A_138 = arith.constant 0 : i32
        %dma_wait3A_139 = arith.constant 0 : i32
        %dma_wait3A_140 = tpu.memref_slice %arg7[%dma_wait3A_138, %dma_wait3A_139] : memref<10024x128xf32, #tpu.memory_space<vmem_shared>> -> memref<10024x128xf32, #tpu.memory_space<vmem_shared>>
        tpu.wait_indirect_dma semaphore(%run_scoped3A_120 : memref<!tpu.dma_semaphore, #tpu.memory_space<semaphore_mem>>) src(%dma_wait3A_134 : memref<128x128xf32, #tpu.memory_space<vmem>>) dst(%dma_wait3A_140 : memref<10024x128xf32, #tpu.memory_space<vmem_shared>>)
        tpu.yield
      }) : () -> ()
      %add3A_101 = arith.constant 2 : i32
      %add3A_102 = arith.addi %mul3A_77, %add3A_101 : i32
      %lt3A_103 = arith.constant 40 : i32
      %lt3A_104 = arith.cmpi slt, %add3A_102, %lt3A_103 : i32
      %convert_element_type3A_105 = arith.extui %lt3A_104 : i1 to i32
      %cond3A_106 = arith.constant 0 : i32
      %cond3A_107 = arith.cmpi ne, %convert_element_type3A_105, %cond3A_106 : i32
      scf.if %cond3A_107 {
        %add3A_120 = arith.constant 2 : i32
        %add3A_121 = arith.addi %mul3A_77, %add3A_120 : i32
        %dma_start3A_122 = arith.constant 0 : i32
        %dma_start3A_123 = arith.constant 0 : i32
        %dma_start3A_124 = arith.constant 0 : i32
        %dma_start3A_125 = tpu.memref_slice %arg6[%scan3A_33, %dma_start3A_123, %dma_start3A_124] : memref<2x128x128xf32, #tpu.memory_space<vmem>> -> memref<1x128x128xf32, #tpu.memory_space<vmem>>
        %dma_start3A_126 = tpu.memref_squeeze %dma_start3A_125 : memref<1x128x128xf32, #tpu.memory_space<vmem>> -> memref<128x128xf32, #tpu.memory_space<vmem>>
        %dma_start3A_127 = arith.constant 0 : i32
        %dma_start3A_128 = tpu.memref_slice %arg5[%dma_start3A_122, %add3A_121, %dma_start3A_127] : memref<2x40x128xi32, #tpu.memory_space<vmem>> -> memref<1x1x128xi32, #tpu.memory_space<vmem>>
        %dma_start3A_129 = tpu.memref_squeeze %dma_start3A_128 : memref<1x1x128xi32, #tpu.memory_space<vmem>> -> memref<128xi32, #tpu.memory_space<vmem>>
        %dma_start3A_130 = arith.constant 0 : i32
        %dma_start3A_131 = arith.constant 0 : i32
        %dma_start3A_132 = tpu.memref_slice %arg2[%dma_start3A_130, %dma_start3A_131] : memref<10000x128xf32, #tpu.memory_space<hbm>> -> memref<10000x128xf32, #tpu.memory_space<hbm>>
        tpu.enqueue_indirect_dma source(%dma_start3A_132 : memref<10000x128xf32, #tpu.memory_space<hbm>>) target(%dma_start3A_126 : memref<128x128xf32, #tpu.memory_space<vmem>>) offsets(%dma_start3A_129 : memref<128xi32, #tpu.memory_space<vmem>>) semaphore(%arg8 : memref<!tpu.dma_semaphore, #tpu.memory_space<semaphore_mem>>)
      } else {
      }
      %dma_wait3A_108 = arith.constant 0 : i32
      %dma_wait3A_109 = arith.constant 0 : i32
      %dma_wait3A_110 = arith.constant 0 : i32
      %dma_wait3A_111 = tpu.memref_slice %arg6[%scan3A_32, %dma_wait3A_109, %dma_wait3A_110] : memref<2x128x128xf32, #tpu.memory_space<vmem>> -> memref<1x128x128xf32, #tpu.memory_space<vmem>>
      %dma_wait3A_112 = tpu.memref_squeeze %dma_wait3A_111 : memref<1x128x128xf32, #tpu.memory_space<vmem>> -> memref<128x128xf32, #tpu.memory_space<vmem>>
      %dma_wait3A_113 = arith.constant 0 : i32
      %dma_wait3A_114 = tpu.memref_slice %arg5[%dma_wait3A_108, %add3A_79, %dma_wait3A_113] : memref<2x40x128xi32, #tpu.memory_space<vmem>> -> memref<1x1x128xi32, #tpu.memory_space<vmem>>
      %dma_wait3A_115 = tpu.memref_squeeze %dma_wait3A_114 : memref<1x1x128xi32, #tpu.memory_space<vmem>> -> memref<128xi32, #tpu.memory_space<vmem>>
      %dma_wait3A_116 = arith.constant 0 : i32
      %dma_wait3A_117 = arith.constant 0 : i32
      %dma_wait3A_118 = tpu.memref_slice %arg2[%dma_wait3A_116, %dma_wait3A_117] : memref<10000x128xf32, #tpu.memory_space<hbm>> -> memref<10000x128xf32, #tpu.memory_space<hbm>>
      tpu.wait_indirect_dma semaphore(%arg9 : memref<!tpu.dma_semaphore, #tpu.memory_space<semaphore_mem>>) src(%dma_wait3A_118 : memref<10000x128xf32, #tpu.memory_space<hbm>>) dst(%dma_wait3A_112 : memref<128x128xf32, #tpu.memory_space<vmem>>)
      %run_scoped3A_119 = arith.constant 1 : i32
      "tpu.region"() ({
        %run_scoped3A_120 = tpu.sem_alloc : memref<!tpu.dma_semaphore, #tpu.memory_space<semaphore_mem>>
        %dma_start3A_121 = arith.constant 0 : i32
        %dma_start3A_122 = arith.constant 0 : i32
        %dma_start3A_123 = tpu.memref_slice %arg6[%scan3A_32, %dma_start3A_121, %dma_start3A_122] : memref<2x128x128xf32, #tpu.memory_space<vmem>> -> memref<1x128x128xf32, #tpu.memory_space<vmem>>
        %dma_start3A_124 = tpu.memref_squeeze %dma_start3A_123 : memref<1x128x128xf32, #tpu.memory_space<vmem>> -> memref<128x128xf32, #tpu.memory_space<vmem>>
        %dma_start3A_125 = arith.constant 0 : i32
        %dma_start3A_126 = tpu.memref_slice %arg5[%run_scoped3A_119, %add3A_79, %dma_start3A_125] : memref<2x40x128xi32, #tpu.memory_space<vmem>> -> memref<1x1x128xi32, #tpu.memory_space<vmem>>
        %dma_start3A_127 = tpu.memref_squeeze %dma_start3A_126 : memref<1x1x128xi32, #tpu.memory_space<vmem>> -> memref<128xi32, #tpu.memory_space<vmem>>
        %dma_start3A_128 = arith.constant 0 : i32
        %dma_start3A_129 = arith.constant 0 : i32
        %dma_start3A_130 = tpu.memref_slice %arg7[%dma_start3A_128, %dma_start3A_129] : memref<10024x128xf32, #tpu.memory_space<vmem_shared>> -> memref<10024x128xf32, #tpu.memory_space<vmem_shared>>
        tpu.enqueue_indirect_dma source(%dma_start3A_124 : memref<128x128xf32, #tpu.memory_space<vmem>>) target(%dma_start3A_130 : memref<10024x128xf32, #tpu.memory_space<vmem_shared>>) offsets(%dma_start3A_127 : memref<128xi32, #tpu.memory_space<vmem>>) semaphore(%run_scoped3A_120 : memref<!tpu.dma_semaphore, #tpu.memory_space<semaphore_mem>>) {add = true}
        %dma_wait3A_131 = arith.constant 0 : i32
        %dma_wait3A_132 = arith.constant 0 : i32
        %dma_wait3A_133 = tpu.memref_slice %arg6[%scan3A_32, %dma_wait3A_131, %dma_wait3A_132] : memref<2x128x128xf32, #tpu.memory_space<vmem>> -> memref<1x128x128xf32, #tpu.memory_space<vmem>>
        %dma_wait3A_134 = tpu.memref_squeeze %dma_wait3A_133 : memref<1x128x128xf32, #tpu.memory_space<vmem>> -> memref<128x128xf32, #tpu.memory_space<vmem>>
        %dma_wait3A_135 = arith.constant 0 : i32
        %dma_wait3A_136 = tpu.memref_slice %arg5[%run_scoped3A_119, %add3A_79, %dma_wait3A_135] : memref<2x40x128xi32, #tpu.memory_space<vmem>> -> memref<1x1x128xi32, #tpu.memory_space<vmem>>
        %dma_wait3A_137 = tpu.memref_squeeze %dma_wait3A_136 : memref<1x1x128xi32, #tpu.memory_space<vmem>> -> memref<128xi32, #tpu.memory_space<vmem>>
        %dma_wait3A_138 = arith.constant 0 : i32
        %dma_wait3A_139 = arith.constant 0 : i32
        %dma_wait3A_140 = tpu.memref_slice %arg7[%dma_wait3A_138, %dma_wait3A_139] : memref<10024x128xf32, #tpu.memory_space<vmem_shared>> -> memref<10024x128xf32, #tpu.memory_space<vmem_shared>>
        tpu.wait_indirect_dma semaphore(%run_scoped3A_120 : memref<!tpu.dma_semaphore, #tpu.memory_space<semaphore_mem>>) src(%dma_wait3A_134 : memref<128x128xf32, #tpu.memory_space<vmem>>) dst(%dma_wait3A_140 : memref<10024x128xf32, #tpu.memory_space<vmem_shared>>)
        tpu.yield
      }) : () -> ()
    }
    %scan3A_38 = arith.constant 20 : i32
    %mul3A_39 = arith.constant 80 : i32
    %mul3A_40 = arith.muli %add3A, %mul3A_39 : i32
    %add3A_41 = arith.constant 40 : i32
    %add3A_42 = arith.addi %mul3A_40, %add3A_41 : i32
    "tpu.region"() ({
      %run_scoped3A = tpu.sem_alloc : memref<!tpu.dma_semaphore, #tpu.memory_space<semaphore_mem>>
      %dma_start3A_75 = arith.constant 0 : i32
      %dma_start3A_76 = arith.constant 0 : i32
      %dma_start3A_77 = tpu.memref_slice %arg3[%dma_start3A_75, %add3A_42, %dma_start3A_76] : memref<2x2560x128xi32, #tpu.memory_space<hbm>> -> memref<2x40x128xi32, #tpu.memory_space<hbm>>
      %dma_start3A_78 = arith.constant 0 : i32
      %dma_start3A_79 = arith.constant 0 : i32
      %dma_start3A_80 = tpu.memref_slice %arg3[%dma_start3A_78, %add3A_42, %dma_start3A_79] : memref<2x2560x128xi32, #tpu.memory_space<hbm>> -> memref<2x40x128xi32, #tpu.memory_space<hbm>>
      tpu.enqueue_dma source(%dma_start3A_80 : memref<2x40x128xi32, #tpu.memory_space<hbm>>) target(%arg5 : memref<2x40x128xi32, #tpu.memory_space<vmem>>) target_semaphore(%run_scoped3A : memref<!tpu.dma_semaphore, #tpu.memory_space<semaphore_mem>>)
      %dma_wait3A = arith.constant 0 : i32
      %dma_wait3A_81 = arith.constant 0 : i32
      %dma_wait3A_82 = tpu.memref_slice %arg3[%dma_wait3A, %add3A_42, %dma_wait3A_81] : memref<2x2560x128xi32, #tpu.memory_space<hbm>> -> memref<2x40x128xi32, #tpu.memory_space<hbm>>
      %dma_wait3A_83 = arith.constant 0 : i32
      %dma_wait3A_84 = arith.constant 0 : i32
      %dma_wait3A_85 = tpu.memref_slice %arg3[%dma_wait3A_83, %add3A_42, %dma_wait3A_84] : memref<2x2560x128xi32, #tpu.memory_space<hbm>> -> memref<2x40x128xi32, #tpu.memory_space<hbm>>
      tpu.wait_dma2 semaphore(%run_scoped3A : memref<!tpu.dma_semaphore, #tpu.memory_space<semaphore_mem>>) src(%dma_wait3A_85 : memref<2x40x128xi32, #tpu.memory_space<hbm>>) dst(%arg5 : memref<2x40x128xi32, #tpu.memory_space<vmem>>)
      tpu.yield
    }) : () -> ()
    %dma_start3A_43 = arith.constant 0 : i32
    %dma_start3A_44 = arith.constant 0 : i32
    %dma_start3A_45 = arith.constant 0 : i32
    %dma_start3A_46 = arith.constant 0 : i32
    %dma_start3A_47 = arith.constant 0 : i32
    %dma_start3A_48 = tpu.memref_slice %arg6[%dma_start3A_45, %dma_start3A_46, %dma_start3A_47] : memref<2x128x128xf32, #tpu.memory_space<vmem>> -> memref<1x128x128xf32, #tpu.memory_space<vmem>>
    %dma_start3A_49 = tpu.memref_squeeze %dma_start3A_48 : memref<1x128x128xf32, #tpu.memory_space<vmem>> -> memref<128x128xf32, #tpu.memory_space<vmem>>
    %dma_start3A_50 = arith.constant 0 : i32
    %dma_start3A_51 = tpu.memref_slice %arg5[%dma_start3A_43, %dma_start3A_44, %dma_start3A_50] : memref<2x40x128xi32, #tpu.memory_space<vmem>> -> memref<1x1x128xi32, #tpu.memory_space<vmem>>
    %dma_start3A_52 = tpu.memref_squeeze %dma_start3A_51 : memref<1x1x128xi32, #tpu.memory_space<vmem>> -> memref<128xi32, #tpu.memory_space<vmem>>
    %dma_start3A_53 = arith.constant 0 : i32
    %dma_start3A_54 = arith.constant 0 : i32
    %dma_start3A_55 = tpu.memref_slice %arg2[%dma_start3A_53, %dma_start3A_54] : memref<10000x128xf32, #tpu.memory_space<hbm>> -> memref<10000x128xf32, #tpu.memory_space<hbm>>
    tpu.enqueue_indirect_dma source(%dma_start3A_55 : memref<10000x128xf32, #tpu.memory_space<hbm>>) target(%dma_start3A_49 : memref<128x128xf32, #tpu.memory_space<vmem>>) offsets(%dma_start3A_52 : memref<128xi32, #tpu.memory_space<vmem>>) semaphore(%arg8 : memref<!tpu.dma_semaphore, #tpu.memory_space<semaphore_mem>>)
    %scan3A_56 = arith.constant 0 : i32
    %scan3A_57 = arith.constant 1 : i32
    %scan3A_58 = arith.constant 0 : i32
    %scan3A_59 = arith.constant 0 : i32
    %scan3A_60 = arith.constant 20 : i32
    %scan3A_61 = arith.addi %scan3A_59, %scan3A_60 : i32
    %scan3A_62 = arith.constant 1 : i32
    scf.for %scan3A_75 = %scan3A_59 to %scan3A_61 step %scan3A_62  : i32 {
      %mul3A_76 = arith.constant 2 : i32
      %mul3A_77 = arith.muli %mul3A_76, %scan3A_75 : i32
      %add3A_78 = arith.constant 1 : i32
      %add3A_79 = arith.addi %mul3A_77, %add3A_78 : i32
      %dma_start3A_80 = arith.constant 0 : i32
      %dma_start3A_81 = arith.constant 0 : i32
      %dma_start3A_82 = arith.constant 0 : i32
      %dma_start3A_83 = tpu.memref_slice %arg6[%scan3A_57, %dma_start3A_81, %dma_start3A_82] : memref<2x128x128xf32, #tpu.memory_space<vmem>> -> memref<1x128x128xf32, #tpu.memory_space<vmem>>
      %dma_start3A_84 = tpu.memref_squeeze %dma_start3A_83 : memref<1x128x128xf32, #tpu.memory_space<vmem>> -> memref<128x128xf32, #tpu.memory_space<vmem>>
      %dma_start3A_85 = arith.constant 0 : i32
      %dma_start3A_86 = tpu.memref_slice %arg5[%dma_start3A_80, %add3A_79, %dma_start3A_85] : memref<2x40x128xi32, #tpu.memory_space<vmem>> -> memref<1x1x128xi32, #tpu.memory_space<vmem>>
      %dma_start3A_87 = tpu.memref_squeeze %dma_start3A_86 : memref<1x1x128xi32, #tpu.memory_space<vmem>> -> memref<128xi32, #tpu.memory_space<vmem>>
      %dma_start3A_88 = arith.constant 0 : i32
      %dma_start3A_89 = arith.constant 0 : i32
      %dma_start3A_90 = tpu.memref_slice %arg2[%dma_start3A_88, %dma_start3A_89] : memref<10000x128xf32, #tpu.memory_space<hbm>> -> memref<10000x128xf32, #tpu.memory_space<hbm>>
      tpu.enqueue_indirect_dma source(%dma_start3A_90 : memref<10000x128xf32, #tpu.memory_space<hbm>>) target(%dma_start3A_84 : memref<128x128xf32, #tpu.memory_space<vmem>>) offsets(%dma_start3A_87 : memref<128xi32, #tpu.memory_space<vmem>>) semaphore(%arg9 : memref<!tpu.dma_semaphore, #tpu.memory_space<semaphore_mem>>)
      %dma_wait3A = arith.constant 0 : i32
      %dma_wait3A_91 = arith.constant 0 : i32
      %dma_wait3A_92 = arith.constant 0 : i32
      %dma_wait3A_93 = tpu.memref_slice %arg6[%scan3A_58, %dma_wait3A_91, %dma_wait3A_92] : memref<2x128x128xf32, #tpu.memory_space<vmem>> -> memref<1x128x128xf32, #tpu.memory_space<vmem>>
      %dma_wait3A_94 = tpu.memref_squeeze %dma_wait3A_93 : memref<1x128x128xf32, #tpu.memory_space<vmem>> -> memref<128x128xf32, #tpu.memory_space<vmem>>
      %dma_wait3A_95 = arith.constant 0 : i32
      %dma_wait3A_96 = tpu.memref_slice %arg5[%dma_wait3A, %mul3A_77, %dma_wait3A_95] : memref<2x40x128xi32, #tpu.memory_space<vmem>> -> memref<1x1x128xi32, #tpu.memory_space<vmem>>
      %dma_wait3A_97 = tpu.memref_squeeze %dma_wait3A_96 : memref<1x1x128xi32, #tpu.memory_space<vmem>> -> memref<128xi32, #tpu.memory_space<vmem>>
      %dma_wait3A_98 = arith.constant 0 : i32
      %dma_wait3A_99 = arith.constant 0 : i32
      %dma_wait3A_100 = tpu.memref_slice %arg2[%dma_wait3A_98, %dma_wait3A_99] : memref<10000x128xf32, #tpu.memory_space<hbm>> -> memref<10000x128xf32, #tpu.memory_space<hbm>>
      tpu.wait_indirect_dma semaphore(%arg8 : memref<!tpu.dma_semaphore, #tpu.memory_space<semaphore_mem>>) src(%dma_wait3A_100 : memref<10000x128xf32, #tpu.memory_space<hbm>>) dst(%dma_wait3A_94 : memref<128x128xf32, #tpu.memory_space<vmem>>)
      %run_scoped3A = arith.constant 1 : i32
      "tpu.region"() ({
        %run_scoped3A_120 = tpu.sem_alloc : memref<!tpu.dma_semaphore, #tpu.memory_space<semaphore_mem>>
        %dma_start3A_121 = arith.constant 0 : i32
        %dma_start3A_122 = arith.constant 0 : i32
        %dma_start3A_123 = tpu.memref_slice %arg6[%scan3A_58, %dma_start3A_121, %dma_start3A_122] : memref<2x128x128xf32, #tpu.memory_space<vmem>> -> memref<1x128x128xf32, #tpu.memory_space<vmem>>
        %dma_start3A_124 = tpu.memref_squeeze %dma_start3A_123 : memref<1x128x128xf32, #tpu.memory_space<vmem>> -> memref<128x128xf32, #tpu.memory_space<vmem>>
        %dma_start3A_125 = arith.constant 0 : i32
        %dma_start3A_126 = tpu.memref_slice %arg5[%run_scoped3A, %mul3A_77, %dma_start3A_125] : memref<2x40x128xi32, #tpu.memory_space<vmem>> -> memref<1x1x128xi32, #tpu.memory_space<vmem>>
        %dma_start3A_127 = tpu.memref_squeeze %dma_start3A_126 : memref<1x1x128xi32, #tpu.memory_space<vmem>> -> memref<128xi32, #tpu.memory_space<vmem>>
        %dma_start3A_128 = arith.constant 0 : i32
        %dma_start3A_129 = arith.constant 0 : i32
        %dma_start3A_130 = tpu.memref_slice %arg7[%dma_start3A_128, %dma_start3A_129] : memref<10024x128xf32, #tpu.memory_space<vmem_shared>> -> memref<10024x128xf32, #tpu.memory_space<vmem_shared>>
        tpu.enqueue_indirect_dma source(%dma_start3A_124 : memref<128x128xf32, #tpu.memory_space<vmem>>) target(%dma_start3A_130 : memref<10024x128xf32, #tpu.memory_space<vmem_shared>>) offsets(%dma_start3A_127 : memref<128xi32, #tpu.memory_space<vmem>>) semaphore(%run_scoped3A_120 : memref<!tpu.dma_semaphore, #tpu.memory_space<semaphore_mem>>) {add = true}
        %dma_wait3A_131 = arith.constant 0 : i32
        %dma_wait3A_132 = arith.constant 0 : i32
        %dma_wait3A_133 = tpu.memref_slice %arg6[%scan3A_58, %dma_wait3A_131, %dma_wait3A_132] : memref<2x128x128xf32, #tpu.memory_space<vmem>> -> memref<1x128x128xf32, #tpu.memory_space<vmem>>
        %dma_wait3A_134 = tpu.memref_squeeze %dma_wait3A_133 : memref<1x128x128xf32, #tpu.memory_space<vmem>> -> memref<128x128xf32, #tpu.memory_space<vmem>>
        %dma_wait3A_135 = arith.constant 0 : i32
        %dma_wait3A_136 = tpu.memref_slice %arg5[%run_scoped3A, %mul3A_77, %dma_wait3A_135] : memref<2x40x128xi32, #tpu.memory_space<vmem>> -> memref<1x1x128xi32, #tpu.memory_space<vmem>>
        %dma_wait3A_137 = tpu.memref_squeeze %dma_wait3A_136 : memref<1x1x128xi32, #tpu.memory_space<vmem>> -> memref<128xi32, #tpu.memory_space<vmem>>
        %dma_wait3A_138 = arith.constant 0 : i32
        %dma_wait3A_139 = arith.constant 0 : i32
        %dma_wait3A_140 = tpu.memref_slice %arg7[%dma_wait3A_138, %dma_wait3A_139] : memref<10024x128xf32, #tpu.memory_space<vmem_shared>> -> memref<10024x128xf32, #tpu.memory_space<vmem_shared>>
        tpu.wait_indirect_dma semaphore(%run_scoped3A_120 : memref<!tpu.dma_semaphore, #tpu.memory_space<semaphore_mem>>) src(%dma_wait3A_134 : memref<128x128xf32, #tpu.memory_space<vmem>>) dst(%dma_wait3A_140 : memref<10024x128xf32, #tpu.memory_space<vmem_shared>>)
        tpu.yield
      }) : () -> ()
      %add3A_101 = arith.constant 2 : i32
      %add3A_102 = arith.addi %mul3A_77, %add3A_101 : i32
      %lt3A_103 = arith.constant 40 : i32
      %lt3A_104 = arith.cmpi slt, %add3A_102, %lt3A_103 : i32
      %convert_element_type3A_105 = arith.extui %lt3A_104 : i1 to i32
      %cond3A_106 = arith.constant 0 : i32
      %cond3A_107 = arith.cmpi ne, %convert_element_type3A_105, %cond3A_106 : i32
      scf.if %cond3A_107 {
        %add3A_120 = arith.constant 2 : i32
        %add3A_121 = arith.addi %mul3A_77, %add3A_120 : i32
        %dma_start3A_122 = arith.constant 0 : i32
        %dma_start3A_123 = arith.constant 0 : i32
        %dma_start3A_124 = arith.constant 0 : i32
        %dma_start3A_125 = tpu.memref_slice %arg6[%scan3A_58, %dma_start3A_123, %dma_start3A_124] : memref<2x128x128xf32, #tpu.memory_space<vmem>> -> memref<1x128x128xf32, #tpu.memory_space<vmem>>
        %dma_start3A_126 = tpu.memref_squeeze %dma_start3A_125 : memref<1x128x128xf32, #tpu.memory_space<vmem>> -> memref<128x128xf32, #tpu.memory_space<vmem>>
        %dma_start3A_127 = arith.constant 0 : i32
        %dma_start3A_128 = tpu.memref_slice %arg5[%dma_start3A_122, %add3A_121, %dma_start3A_127] : memref<2x40x128xi32, #tpu.memory_space<vmem>> -> memref<1x1x128xi32, #tpu.memory_space<vmem>>
        %dma_start3A_129 = tpu.memref_squeeze %dma_start3A_128 : memref<1x1x128xi32, #tpu.memory_space<vmem>> -> memref<128xi32, #tpu.memory_space<vmem>>
        %dma_start3A_130 = arith.constant 0 : i32
        %dma_start3A_131 = arith.constant 0 : i32
        %dma_start3A_132 = tpu.memref_slice %arg2[%dma_start3A_130, %dma_start3A_131] : memref<10000x128xf32, #tpu.memory_space<hbm>> -> memref<10000x128xf32, #tpu.memory_space<hbm>>
        tpu.enqueue_indirect_dma source(%dma_start3A_132 : memref<10000x128xf32, #tpu.memory_space<hbm>>) target(%dma_start3A_126 : memref<128x128xf32, #tpu.memory_space<vmem>>) offsets(%dma_start3A_129 : memref<128xi32, #tpu.memory_space<vmem>>) semaphore(%arg8 : memref<!tpu.dma_semaphore, #tpu.memory_space<semaphore_mem>>)
      } else {
      }
      %dma_wait3A_108 = arith.constant 0 : i32
      %dma_wait3A_109 = arith.constant 0 : i32
      %dma_wait3A_110 = arith.constant 0 : i32
      %dma_wait3A_111 = tpu.memref_slice %arg6[%scan3A_57, %dma_wait3A_109, %dma_wait3A_110] : memref<2x128x128xf32, #tpu.memory_space<vmem>> -> memref<1x128x128xf32, #tpu.memory_space<vmem>>
      %dma_wait3A_112 = tpu.memref_squeeze %dma_wait3A_111 : memref<1x128x128xf32, #tpu.memory_space<vmem>> -> memref<128x128xf32, #tpu.memory_space<vmem>>
      %dma_wait3A_113 = arith.constant 0 : i32
      %dma_wait3A_114 = tpu.memref_slice %arg5[%dma_wait3A_108, %add3A_79, %dma_wait3A_113] : memref<2x40x128xi32, #tpu.memory_space<vmem>> -> memref<1x1x128xi32, #tpu.memory_space<vmem>>
      %dma_wait3A_115 = tpu.memref_squeeze %dma_wait3A_114 : memref<1x1x128xi32, #tpu.memory_space<vmem>> -> memref<128xi32, #tpu.memory_space<vmem>>
      %dma_wait3A_116 = arith.constant 0 : i32
      %dma_wait3A_117 = arith.constant 0 : i32
      %dma_wait3A_118 = tpu.memref_slice %arg2[%dma_wait3A_116, %dma_wait3A_117] : memref<10000x128xf32, #tpu.memory_space<hbm>> -> memref<10000x128xf32, #tpu.memory_space<hbm>>
      tpu.wait_indirect_dma semaphore(%arg9 : memref<!tpu.dma_semaphore, #tpu.memory_space<semaphore_mem>>) src(%dma_wait3A_118 : memref<10000x128xf32, #tpu.memory_space<hbm>>) dst(%dma_wait3A_112 : memref<128x128xf32, #tpu.memory_space<vmem>>)
      %run_scoped3A_119 = arith.constant 1 : i32
      "tpu.region"() ({
        %run_scoped3A_120 = tpu.sem_alloc : memref<!tpu.dma_semaphore, #tpu.memory_space<semaphore_mem>>
        %dma_start3A_121 = arith.constant 0 : i32
        %dma_start3A_122 = arith.constant 0 : i32
        %dma_start3A_123 = tpu.memref_slice %arg6[%scan3A_57, %dma_start3A_121, %dma_start3A_122] : memref<2x128x128xf32, #tpu.memory_space<vmem>> -> memref<1x128x128xf32, #tpu.memory_space<vmem>>
        %dma_start3A_124 = tpu.memref_squeeze %dma_start3A_123 : memref<1x128x128xf32, #tpu.memory_space<vmem>> -> memref<128x128xf32, #tpu.memory_space<vmem>>
        %dma_start3A_125 = arith.constant 0 : i32
        %dma_start3A_126 = tpu.memref_slice %arg5[%run_scoped3A_119, %add3A_79, %dma_start3A_125] : memref<2x40x128xi32, #tpu.memory_space<vmem>> -> memref<1x1x128xi32, #tpu.memory_space<vmem>>
        %dma_start3A_127 = tpu.memref_squeeze %dma_start3A_126 : memref<1x1x128xi32, #tpu.memory_space<vmem>> -> memref<128xi32, #tpu.memory_space<vmem>>
        %dma_start3A_128 = arith.constant 0 : i32
        %dma_start3A_129 = arith.constant 0 : i32
        %dma_start3A_130 = tpu.memref_slice %arg7[%dma_start3A_128, %dma_start3A_129] : memref<10024x128xf32, #tpu.memory_space<vmem_shared>> -> memref<10024x128xf32, #tpu.memory_space<vmem_shared>>
        tpu.enqueue_indirect_dma source(%dma_start3A_124 : memref<128x128xf32, #tpu.memory_space<vmem>>) target(%dma_start3A_130 : memref<10024x128xf32, #tpu.memory_space<vmem_shared>>) offsets(%dma_start3A_127 : memref<128xi32, #tpu.memory_space<vmem>>) semaphore(%run_scoped3A_120 : memref<!tpu.dma_semaphore, #tpu.memory_space<semaphore_mem>>) {add = true}
        %dma_wait3A_131 = arith.constant 0 : i32
        %dma_wait3A_132 = arith.constant 0 : i32
        %dma_wait3A_133 = tpu.memref_slice %arg6[%scan3A_57, %dma_wait3A_131, %dma_wait3A_132] : memref<2x128x128xf32, #tpu.memory_space<vmem>> -> memref<1x128x128xf32, #tpu.memory_space<vmem>>
        %dma_wait3A_134 = tpu.memref_squeeze %dma_wait3A_133 : memref<1x128x128xf32, #tpu.memory_space<vmem>> -> memref<128x128xf32, #tpu.memory_space<vmem>>
        %dma_wait3A_135 = arith.constant 0 : i32
        %dma_wait3A_136 = tpu.memref_slice %arg5[%run_scoped3A_119, %add3A_79, %dma_wait3A_135] : memref<2x40x128xi32, #tpu.memory_space<vmem>> -> memref<1x1x128xi32, #tpu.memory_space<vmem>>
        %dma_wait3A_137 = tpu.memref_squeeze %dma_wait3A_136 : memref<1x1x128xi32, #tpu.memory_space<vmem>> -> memref<128xi32, #tpu.memory_space<vmem>>
        %dma_wait3A_138 = arith.constant 0 : i32
        %dma_wait3A_139 = arith.constant 0 : i32
        %dma_wait3A_140 = tpu.memref_slice %arg7[%dma_wait3A_138, %dma_wait3A_139] : memref<10024x128xf32, #tpu.memory_space<vmem_shared>> -> memref<10024x128xf32, #tpu.memory_space<vmem_shared>>
        tpu.wait_indirect_dma semaphore(%run_scoped3A_120 : memref<!tpu.dma_semaphore, #tpu.memory_space<semaphore_mem>>) src(%dma_wait3A_134 : memref<128x128xf32, #tpu.memory_space<vmem>>) dst(%dma_wait3A_140 : memref<10024x128xf32, #tpu.memory_space<vmem_shared>>)
        tpu.yield
      }) : () -> ()
    }
    %scan3A_63 = arith.constant 20 : i32
    %barrier3A_64 = arith.constant 0 : index
    tpu.barrier barrier_id(%barrier3A_64)
    %lt3A_65 = arith.constant 15 : i32
    %lt3A_66 = arith.cmpi slt, %arg1, %lt3A_65 : i32
    %convert_element_type3A_67 = arith.extui %lt3A_66 : i1 to i32
    %cond3A_68 = arith.constant 0 : i32
    %cond3A_69 = arith.cmpi ne, %convert_element_type3A_67, %cond3A_68 : i32
    scf.if %cond3A_69 {
      "tpu.region"() ({
        %run_scoped3A = tpu.sem_alloc : memref<!tpu.dma_semaphore, #tpu.memory_space<semaphore_mem>>
        %dma_start3A_75 = arith.constant 0 : i32
        %dma_start3A_76 = tpu.memref_slice %arg4[%arg0, %mul3A_8, %dma_start3A_75] : memref<2x10024x128xf32, #tpu.memory_space<hbm>> -> memref<1x624x128xf32, #tpu.memory_space<hbm>>
        %dma_start3A_77 = tpu.memref_squeeze %dma_start3A_76 : memref<1x624x128xf32, #tpu.memory_space<hbm>> -> memref<624x128xf32, #tpu.memory_space<hbm>>
        %dma_start3A_78 = arith.constant 0 : i32
        %dma_start3A_79 = tpu.memref_slice %arg7[%mul3A_8, %dma_start3A_78] : memref<10024x128xf32, #tpu.memory_space<vmem_shared>> -> memref<624x128xf32, #tpu.memory_space<vmem_shared>>
        tpu.enqueue_dma source(%dma_start3A_79 : memref<624x128xf32, #tpu.memory_space<vmem_shared>>) target(%dma_start3A_77 : memref<624x128xf32, #tpu.memory_space<hbm>>) target_semaphore(%run_scoped3A : memref<!tpu.dma_semaphore, #tpu.memory_space<semaphore_mem>>)
        %dma_wait3A = arith.constant 0 : i32
        %dma_wait3A_80 = tpu.memref_slice %arg4[%arg0, %mul3A_8, %dma_wait3A] : memref<2x10024x128xf32, #tpu.memory_space<hbm>> -> memref<1x624x128xf32, #tpu.memory_space<hbm>>
        %dma_wait3A_81 = tpu.memref_squeeze %dma_wait3A_80 : memref<1x624x128xf32, #tpu.memory_space<hbm>> -> memref<624x128xf32, #tpu.memory_space<hbm>>
        %dma_wait3A_82 = arith.constant 0 : i32
        %dma_wait3A_83 = tpu.memref_slice %arg7[%mul3A_8, %dma_wait3A_82] : memref<10024x128xf32, #tpu.memory_space<vmem_shared>> -> memref<624x128xf32, #tpu.memory_space<vmem_shared>>
        tpu.wait_dma2 semaphore(%run_scoped3A : memref<!tpu.dma_semaphore, #tpu.memory_space<semaphore_mem>>) src(%dma_wait3A_83 : memref<624x128xf32, #tpu.memory_space<vmem_shared>>) dst(%dma_wait3A_81 : memref<624x128xf32, #tpu.memory_space<hbm>>)
        tpu.yield
      }) : () -> ()
    } else {
    }
    %eq3A_70 = arith.constant 15 : i32
    %eq3A_71 = arith.cmpi eq, %arg1, %eq3A_70 : i32
    %convert_element_type3A_72 = arith.extui %eq3A_71 : i1 to i32
    %cond3A_73 = arith.constant 0 : i32
    %cond3A_74 = arith.cmpi ne, %convert_element_type3A_72, %cond3A_73 : i32
    scf.if %cond3A_74 {
      "tpu.region"() ({
        %run_scoped3A = tpu.sem_alloc : memref<!tpu.dma_semaphore, #tpu.memory_space<semaphore_mem>>
        %dma_start3A_75 = arith.constant 0 : i32
        %dma_start3A_76 = tpu.memref_slice %arg4[%arg0, %mul3A_8, %dma_start3A_75] : memref<2x10024x128xf32, #tpu.memory_space<hbm>> -> memref<1x664x128xf32, #tpu.memory_space<hbm>>
        %dma_start3A_77 = tpu.memref_squeeze %dma_start3A_76 : memref<1x664x128xf32, #tpu.memory_space<hbm>> -> memref<664x128xf32, #tpu.memory_space<hbm>>
        %dma_start3A_78 = arith.constant 0 : i32
        %dma_start3A_79 = tpu.memref_slice %arg7[%mul3A_8, %dma_start3A_78] : memref<10024x128xf32, #tpu.memory_space<vmem_shared>> -> memref<664x128xf32, #tpu.memory_space<vmem_shared>>
        tpu.enqueue_dma source(%dma_start3A_79 : memref<664x128xf32, #tpu.memory_space<vmem_shared>>) target(%dma_start3A_77 : memref<664x128xf32, #tpu.memory_space<hbm>>) target_semaphore(%run_scoped3A : memref<!tpu.dma_semaphore, #tpu.memory_space<semaphore_mem>>)
        %dma_wait3A = arith.constant 0 : i32
        %dma_wait3A_80 = tpu.memref_slice %arg4[%arg0, %mul3A_8, %dma_wait3A] : memref<2x10024x128xf32, #tpu.memory_space<hbm>> -> memref<1x664x128xf32, #tpu.memory_space<hbm>>
        %dma_wait3A_81 = tpu.memref_squeeze %dma_wait3A_80 : memref<1x664x128xf32, #tpu.memory_space<hbm>> -> memref<664x128xf32, #tpu.memory_space<hbm>>
        %dma_wait3A_82 = arith.constant 0 : i32
        %dma_wait3A_83 = tpu.memref_slice %arg7[%mul3A_8, %dma_wait3A_82] : memref<10024x128xf32, #tpu.memory_space<vmem_shared>> -> memref<664x128xf32, #tpu.memory_space<vmem_shared>>
        tpu.wait_dma2 semaphore(%run_scoped3A : memref<!tpu.dma_semaphore, #tpu.memory_space<semaphore_mem>>) src(%dma_wait3A_83 : memref<664x128xf32, #tpu.memory_space<vmem_shared>>) dst(%dma_wait3A_81 : memref<664x128xf32, #tpu.memory_space<hbm>>)
        tpu.yield
      }) : () -> ()
    } else {
    }
    return
  }
}

#map = affine_map<(d0, d1) -> (0, 0)>
#map1 = affine_map<(d0, d1) -> (0, 0, 0)>
module attributes {stable_mosaic.version = 14 : i64} {
  func.func @_segsum_body(%arg0: i32, %arg1: i32, %arg2: memref<10000x128xf32, #tpu.memory_space<hbm>>, %arg3: memref<2x2560x128xi32, #tpu.memory_space<hbm>>, %arg4: memref<2x10024x128xf32, #tpu.memory_space<hbm>>, %arg5: memref<2x40x128xi32, #tpu.memory_space<vmem>>, %arg6: memref<2x128x128xf32, #tpu.memory_space<vmem>>, %arg7: memref<10024x128xf32, #tpu.memory_space<vmem_shared>>, %arg8: memref<!tpu.dma_semaphore, #tpu.memory_space<semaphore_mem>>, %arg9: memref<!tpu.dma_semaphore, #tpu.memory_space<semaphore_mem>>) attributes {dimension_semantics = [#tpu.dimension_semantics<core_parallel>, #tpu.dimension_semantics<subcore_parallel>], iteration_bounds = array<i64: 2, 16>, scalar_prefetch = 0 : i64, scratch_operands = 5 : i64, tpu.core_type = #tpu.core_type<sc_vector_subcore>, window_params = [{transform_indices = #map}, {transform_indices = #map1}, {transform_indices = #map1}]} {
    %mul3A = arith.constant 2 : i32
    %mul3A_0 = arith.muli %arg1, %mul3A : i32
    %add3A = arith.addi %mul3A_0, %arg0 : i32
    %broadcast_in_dim3A = arith.constant 0.000000e+00 : f32
    %broadcast_in_dim3A_1 = vector.broadcast %broadcast_in_dim3A : f32 to vector<16xf32>
    %scan3A = arith.constant 0 : i32
    %scan3A_2 = arith.constant 0 : i32
    %scan3A_3 = arith.constant 128 : i32
    %scan3A_4 = arith.addi %scan3A_2, %scan3A_3 : i32
    %scan3A_5 = arith.constant 1 : i32
    scf.for %scan3A_75 = %scan3A_2 to %scan3A_4 step %scan3A_5  : i32 {
      %swap3A = arith.constant 0 : i32
      %swap3A_76 = arith.index_cast %swap3A : i32 to index
      %swap3A_77 = arith.index_cast %scan3A_75 : i32 to index
      %swap3A_78 = arith.constant 0 : index
      %swap3A_79 = tpu.vector_load %arg6[%swap3A_76, %swap3A_77, %swap3A_78] {strides = array<i32>} : memref<2x128x128xf32, #tpu.memory_space<vmem>>, vector<1x1x16xf32>,
      %swap3A_80 = vector.shape_cast %swap3A_79 : vector<1x1x16xf32> to vector<16xf32>
      %swap3A_81 = vector.shape_cast %broadcast_in_dim3A_1 : vector<16xf32> to vector<1x1x16xf32>
      tpu.vector_store %arg6[%swap3A_76, %swap3A_77, %swap3A_78], %swap3A_81 {strides = array<i32>} : memref<2x128x128xf32, #tpu.memory_space<vmem>>, vector<1x1x16xf32>,
      %swap3A_82 = arith.constant 0 : i32
      %swap3A_83 = arith.index_cast %swap3A_82 : i32 to index
      %swap3A_84 = arith.index_cast %scan3A_75 : i32 to index
      %swap3A_85 = arith.constant 16 : index
      %swap3A_86 = tpu.vector_load %arg6[%swap3A_83, %swap3A_84, %swap3A_85] {strides = array<i32>} : memref<2x128x128xf32, #tpu.memory_space<vmem>>, vector<1x1x16xf32>,
      %swap3A_87 = vector.shape_cast %swap3A_86 : vector<1x1x16xf32> to vector<16xf32>
      %swap3A_88 = vector.shape_cast %broadcast_in_dim3A_1 : vector<16xf32> to vector<1x1x16xf32>
      tpu.vector_store %arg6[%swap3A_83, %swap3A_84, %swap3A_85], %swap3A_88 {strides = array<i32>} : memref<2x128x128xf32, #tpu.memory_space<vmem>>, vector<1x1x16xf32>,
      %swap3A_89 = arith.constant 0 : i32
      %swap3A_90 = arith.index_cast %swap3A_89 : i32 to index
      %swap3A_91 = arith.index_cast %scan3A_75 : i32 to index
      %swap3A_92 = arith.constant 32 : index
      %swap3A_93 = tpu.vector_load %arg6[%swap3A_90, %swap3A_91, %swap3A_92] {strides = array<i32>} : memref<2x128x128xf32, #tpu.memory_space<vmem>>, vector<1x1x16xf32>,
      %swap3A_94 = vector.shape_cast %swap3A_93 : vector<1x1x16xf32> to vector<16xf32>
      %swap3A_95 = vector.shape_cast %broadcast_in_dim3A_1 : vector<16xf32> to vector<1x1x16xf32>
      tpu.vector_store %arg6[%swap3A_90, %swap3A_91, %swap3A_92], %swap3A_95 {strides = array<i32>} : memref<2x128x128xf32, #tpu.memory_space<vmem>>, vector<1x1x16xf32>,
      %swap3A_96 = arith.constant 0 : i32
      %swap3A_97 = arith.index_cast %swap3A_96 : i32 to index
      %swap3A_98 = arith.index_cast %scan3A_75 : i32 to index
      %swap3A_99 = arith.constant 48 : index
      %swap3A_100 = tpu.vector_load %arg6[%swap3A_97, %swap3A_98, %swap3A_99] {strides = array<i32>} : memref<2x128x128xf32, #tpu.memory_space<vmem>>, vector<1x1x16xf32>,
      %swap3A_101 = vector.shape_cast %swap3A_100 : vector<1x1x16xf32> to vector<16xf32>
      %swap3A_102 = vector.shape_cast %broadcast_in_dim3A_1 : vector<16xf32> to vector<1x1x16xf32>
      tpu.vector_store %arg6[%swap3A_97, %swap3A_98, %swap3A_99], %swap3A_102 {strides = array<i32>} : memref<2x128x128xf32, #tpu.memory_space<vmem>>, vector<1x1x16xf32>,
      %swap3A_103 = arith.constant 0 : i32
      %swap3A_104 = arith.index_cast %swap3A_103 : i32 to index
      %swap3A_105 = arith.index_cast %scan3A_75 : i32 to index
      %swap3A_106 = arith.constant 64 : index
      %swap3A_107 = tpu.vector_load %arg6[%swap3A_104, %swap3A_105, %swap3A_106] {strides = array<i32>} : memref<2x128x128xf32, #tpu.memory_space<vmem>>, vector<1x1x16xf32>,
      %swap3A_108 = vector.shape_cast %swap3A_107 : vector<1x1x16xf32> to vector<16xf32>
      %swap3A_109 = vector.shape_cast %broadcast_in_dim3A_1 : vector<16xf32> to vector<1x1x16xf32>
      tpu.vector_store %arg6[%swap3A_104, %swap3A_105, %swap3A_106], %swap3A_109 {strides = array<i32>} : memref<2x128x128xf32, #tpu.memory_space<vmem>>, vector<1x1x16xf32>,
      %swap3A_110 = arith.constant 0 : i32
      %swap3A_111 = arith.index_cast %swap3A_110 : i32 to index
      %swap3A_112 = arith.index_cast %scan3A_75 : i32 to index
      %swap3A_113 = arith.constant 80 : index
      %swap3A_114 = tpu.vector_load %arg6[%swap3A_111, %swap3A_112, %swap3A_113] {strides = array<i32>} : memref<2x128x128xf32, #tpu.memory_space<vmem>>, vector<1x1x16xf32>,
      %swap3A_115 = vector.shape_cast %swap3A_114 : vector<1x1x16xf32> to vector<16xf32>
      %swap3A_116 = vector.shape_cast %broadcast_in_dim3A_1 : vector<16xf32> to vector<1x1x16xf32>
      tpu.vector_store %arg6[%swap3A_111, %swap3A_112, %swap3A_113], %swap3A_116 {strides = array<i32>} : memref<2x128x128xf32, #tpu.memory_space<vmem>>, vector<1x1x16xf32>,
      %swap3A_117 = arith.constant 0 : i32
      %swap3A_118 = arith.index_cast %swap3A_117 : i32 to index
      %swap3A_119 = arith.index_cast %scan3A_75 : i32 to index
      %swap3A_120 = arith.constant 96 : index
      %swap3A_121 = tpu.vector_load %arg6[%swap3A_118, %swap3A_119, %swap3A_120] {strides = array<i32>} : memref<2x128x128xf32, #tpu.memory_space<vmem>>, vector<1x1x16xf32>,
      %swap3A_122 = vector.shape_cast %swap3A_121 : vector<1x1x16xf32> to vector<16xf32>
      %swap3A_123 = vector.shape_cast %broadcast_in_dim3A_1 : vector<16xf32> to vector<1x1x16xf32>
      tpu.vector_store %arg6[%swap3A_118, %swap3A_119, %swap3A_120], %swap3A_123 {strides = array<i32>} : memref<2x128x128xf32, #tpu.memory_space<vmem>>, vector<1x1x16xf32>,
      %swap3A_124 = arith.constant 0 : i32
      %swap3A_125 = arith.index_cast %swap3A_124 : i32 to index
      %swap3A_126 = arith.index_cast %scan3A_75 : i32 to index
      %swap3A_127 = arith.constant 112 : index
      %swap3A_128 = tpu.vector_load %arg6[%swap3A_125, %swap3A_126, %swap3A_127] {strides = array<i32>} : memref<2x128x128xf32, #tpu.memory_space<vmem>>, vector<1x1x16xf32>,
      %swap3A_129 = vector.shape_cast %swap3A_128 : vector<1x1x16xf32> to vector<16xf32>
      %swap3A_130 = vector.shape_cast %broadcast_in_dim3A_1 : vector<16xf32> to vector<1x1x16xf32>
      tpu.vector_store %arg6[%swap3A_125, %swap3A_126, %swap3A_127], %swap3A_130 {strides = array<i32>} : memref<2x128x128xf32, #tpu.memory_space<vmem>>, vector<1x1x16xf32>,
    }
    %scan3A_6 = arith.constant 128 : i32
    %mul3A_7 = arith.constant 624 : i32
    %mul3A_8 = arith.muli %arg1, %mul3A_7 : i32
    %lt3A = arith.constant 15 : i32
    %lt3A_9 = arith.cmpi slt, %arg1, %lt3A : i32
    %convert_element_type3A = arith.extui %lt3A_9 : i1 to i32
    %cond3A = arith.constant 0 : i32
    %cond3A_10 = arith.cmpi ne, %convert_element_type3A, %cond3A : i32
    scf.if %cond3A_10 {
      %add3A_75 = arith.constant 0 : i32
      %add3A_76 = arith.addi %mul3A_8, %add3A_75 : i32
      %run_scoped3A = arith.constant 0 : i32
      "tpu.region"() ({
        %run_scoped3A_89 = tpu.sem_alloc : memref<!tpu.dma_semaphore, #tpu.memory_space<semaphore_mem>>
        %dma_start3A_90 = arith.constant 0 : i32
        %dma_start3A_91 = arith.constant 0 : i32
        %dma_start3A_92 = tpu.memref_slice %arg6[%run_scoped3A, %dma_start3A_90, %dma_start3A_91] : memref<2x128x128xf32, #tpu.memory_space<vmem>> -> memref<1x128x128xf32, #tpu.memory_space<vmem>>
        %dma_start3A_93 = tpu.memref_squeeze %dma_start3A_92 : memref<1x128x128xf32, #tpu.memory_space<vmem>> -> memref<128x128xf32, #tpu.memory_space<vmem>>
        %dma_start3A_94 = arith.constant 0 : i32
        %dma_start3A_95 = tpu.memref_slice %arg7[%add3A_76, %dma_start3A_94] : memref<10024x128xf32, #tpu.memory_space<vmem_shared>> -> memref<128x128xf32, #tpu.memory_space<vmem_shared>>
        %dma_start3A_96 = arith.constant 0 : i32
        %dma_start3A_97 = tpu.memref_slice %arg7[%add3A_76, %dma_start3A_96] : memref<10024x128xf32, #tpu.memory_space<vmem_shared>> -> memref<128x128xf32, #tpu.memory_space<vmem_shared>>
        %dma_start3A_98 = arith.constant 0 : i32
        %dma_start3A_99 = arith.constant 0 : i32
        %dma_start3A_100 = tpu.memref_slice %arg6[%run_scoped3A, %dma_start3A_98, %dma_start3A_99] : memref<2x128x128xf32, #tpu.memory_space<vmem>> -> memref<1x128x128xf32, #tpu.memory_space<vmem>>
        %dma_start3A_101 = tpu.memref_squeeze %dma_start3A_100 : memref<1x128x128xf32, #tpu.memory_space<vmem>> -> memref<128x128xf32, #tpu.memory_space<vmem>>
        tpu.enqueue_dma source(%dma_start3A_101 : memref<128x128xf32, #tpu.memory_space<vmem>>) target(%dma_start3A_97 : memref<128x128xf32, #tpu.memory_space<vmem_shared>>) target_semaphore(%run_scoped3A_89 : memref<!tpu.dma_semaphore, #tpu.memory_space<semaphore_mem>>)
        %dma_wait3A = arith.constant 0 : i32
        %dma_wait3A_102 = arith.constant 0 : i32
        %dma_wait3A_103 = tpu.memref_slice %arg6[%run_scoped3A, %dma_wait3A, %dma_wait3A_102] : memref<2x128x128xf32, #tpu.memory_space<vmem>> -> memref<1x128x128xf32, #tpu.memory_space<vmem>>
        %dma_wait3A_104 = tpu.memref_squeeze %dma_wait3A_103 : memref<1x128x128xf32, #tpu.memory_space<vmem>> -> memref<128x128xf32, #tpu.memory_space<vmem>>
        %dma_wait3A_105 = arith.constant 0 : i32
        %dma_wait3A_106 = tpu.memref_slice %arg7[%add3A_76, %dma_wait3A_105] : memref<10024x128xf32, #tpu.memory_space<vmem_shared>> -> memref<128x128xf32, #tpu.memory_space<vmem_shared>>
        %dma_wait3A_107 = arith.constant 0 : i32
        %dma_wait3A_108 = tpu.memref_slice %arg7[%add3A_76, %dma_wait3A_107] : memref<10024x128xf32, #tpu.memory_space<vmem_shared>> -> memref<128x128xf32, #tpu.memory_space<vmem_shared>>
        %dma_wait3A_109 = arith.constant 0 : i32
        %dma_wait3A_110 = arith.constant 0 : i32
        %dma_wait3A_111 = tpu.memref_slice %arg6[%run_scoped3A, %dma_wait3A_109, %dma_wait3A_110] : memref<2x128x128xf32, #tpu.memory_space<vmem>> -> memref<1x128x128xf32, #tpu.memory_space<vmem>>
        %dma_wait3A_112 = tpu.memref_squeeze %dma_wait3A_111 : memref<1x128x128xf32, #tpu.memory_space<vmem>> -> memref<128x128xf32, #tpu.memory_space<vmem>>
        tpu.wait_dma2 semaphore(%run_scoped3A_89 : memref<!tpu.dma_semaphore, #tpu.memory_space<semaphore_mem>>) src(%dma_wait3A_112 : memref<128x128xf32, #tpu.memory_space<vmem>>) dst(%dma_wait3A_108 : memref<128x128xf32, #tpu.memory_space<vmem_shared>>)
        tpu.yield
      }) : () -> ()
      %add3A_77 = arith.constant 128 : i32
      %add3A_78 = arith.addi %mul3A_8, %add3A_77 : i32
      %run_scoped3A_79 = arith.constant 0 : i32
      "tpu.region"() ({
        %run_scoped3A_89 = tpu.sem_alloc : memref<!tpu.dma_semaphore, #tpu.memory_space<semaphore_mem>>
        %dma_start3A_90 = arith.constant 0 : i32
        %dma_start3A_91 = arith.constant 0 : i32
        %dma_start3A_92 = tpu.memref_slice %arg6[%run_scoped3A_79, %dma_start3A_90, %dma_start3A_91] : memref<2x128x128xf32, #tpu.memory_space<vmem>> -> memref<1x128x128xf32, #tpu.memory_space<vmem>>
        %dma_start3A_93 = tpu.memref_squeeze %dma_start3A_92 : memref<1x128x128xf32, #tpu.memory_space<vmem>> -> memref<128x128xf32, #tpu.memory_space<vmem>>
        %dma_start3A_94 = arith.constant 0 : i32
        %dma_start3A_95 = tpu.memref_slice %arg7[%add3A_78, %dma_start3A_94] : memref<10024x128xf32, #tpu.memory_space<vmem_shared>> -> memref<128x128xf32, #tpu.memory_space<vmem_shared>>
        %dma_start3A_96 = arith.constant 0 : i32
        %dma_start3A_97 = tpu.memref_slice %arg7[%add3A_78, %dma_start3A_96] : memref<10024x128xf32, #tpu.memory_space<vmem_shared>> -> memref<128x128xf32, #tpu.memory_space<vmem_shared>>
        %dma_start3A_98 = arith.constant 0 : i32
        %dma_start3A_99 = arith.constant 0 : i32
        %dma_start3A_100 = tpu.memref_slice %arg6[%run_scoped3A_79, %dma_start3A_98, %dma_start3A_99] : memref<2x128x128xf32, #tpu.memory_space<vmem>> -> memref<1x128x128xf32, #tpu.memory_space<vmem>>
        %dma_start3A_101 = tpu.memref_squeeze %dma_start3A_100 : memref<1x128x128xf32, #tpu.memory_space<vmem>> -> memref<128x128xf32, #tpu.memory_space<vmem>>
        tpu.enqueue_dma source(%dma_start3A_101 : memref<128x128xf32, #tpu.memory_space<vmem>>) target(%dma_start3A_97 : memref<128x128xf32, #tpu.memory_space<vmem_shared>>) target_semaphore(%run_scoped3A_89 : memref<!tpu.dma_semaphore, #tpu.memory_space<semaphore_mem>>)
        %dma_wait3A = arith.constant 0 : i32
        %dma_wait3A_102 = arith.constant 0 : i32
        %dma_wait3A_103 = tpu.memref_slice %arg6[%run_scoped3A_79, %dma_wait3A, %dma_wait3A_102] : memref<2x128x128xf32, #tpu.memory_space<vmem>> -> memref<1x128x128xf32, #tpu.memory_space<vmem>>
        %dma_wait3A_104 = tpu.memref_squeeze %dma_wait3A_103 : memref<1x128x128xf32, #tpu.memory_space<vmem>> -> memref<128x128xf32, #tpu.memory_space<vmem>>
        %dma_wait3A_105 = arith.constant 0 : i32
        %dma_wait3A_106 = tpu.memref_slice %arg7[%add3A_78, %dma_wait3A_105] : memref<10024x128xf32, #tpu.memory_space<vmem_shared>> -> memref<128x128xf32, #tpu.memory_space<vmem_shared>>
        %dma_wait3A_107 = arith.constant 0 : i32
        %dma_wait3A_108 = tpu.memref_slice %arg7[%add3A_78, %dma_wait3A_107] : memref<10024x128xf32, #tpu.memory_space<vmem_shared>> -> memref<128x128xf32, #tpu.memory_space<vmem_shared>>
        %dma_wait3A_109 = arith.constant 0 : i32
        %dma_wait3A_110 = arith.constant 0 : i32
        %dma_wait3A_111 = tpu.memref_slice %arg6[%run_scoped3A_79, %dma_wait3A_109, %dma_wait3A_110] : memref<2x128x128xf32, #tpu.memory_space<vmem>> -> memref<1x128x128xf32, #tpu.memory_space<vmem>>
        %dma_wait3A_112 = tpu.memref_squeeze %dma_wait3A_111 : memref<1x128x128xf32, #tpu.memory_space<vmem>> -> memref<128x128xf32, #tpu.memory_space<vmem>>
        tpu.wait_dma2 semaphore(%run_scoped3A_89 : memref<!tpu.dma_semaphore, #tpu.memory_space<semaphore_mem>>) src(%dma_wait3A_112 : memref<128x128xf32, #tpu.memory_space<vmem>>) dst(%dma_wait3A_108 : memref<128x128xf32, #tpu.memory_space<vmem_shared>>)
        tpu.yield
      }) : () -> ()
      %add3A_80 = arith.constant 256 : i32
      %add3A_81 = arith.addi %mul3A_8, %add3A_80 : i32
      %run_scoped3A_82 = arith.constant 0 : i32
      "tpu.region"() ({
        %run_scoped3A_89 = tpu.sem_alloc : memref<!tpu.dma_semaphore, #tpu.memory_space<semaphore_mem>>
        %dma_start3A_90 = arith.constant 0 : i32
        %dma_start3A_91 = arith.constant 0 : i32
        %dma_start3A_92 = tpu.memref_slice %arg6[%run_scoped3A_82, %dma_start3A_90, %dma_start3A_91] : memref<2x128x128xf32, #tpu.memory_space<vmem>> -> memref<1x128x128xf32, #tpu.memory_space<vmem>>
        %dma_start3A_93 = tpu.memref_squeeze %dma_start3A_92 : memref<1x128x128xf32, #tpu.memory_space<vmem>> -> memref<128x128xf32, #tpu.memory_space<vmem>>
        %dma_start3A_94 = arith.constant 0 : i32
        %dma_start3A_95 = tpu.memref_slice %arg7[%add3A_81, %dma_start3A_94] : memref<10024x128xf32, #tpu.memory_space<vmem_shared>> -> memref<128x128xf32, #tpu.memory_space<vmem_shared>>
        %dma_start3A_96 = arith.constant 0 : i32
        %dma_start3A_97 = tpu.memref_slice %arg7[%add3A_81, %dma_start3A_96] : memref<10024x128xf32, #tpu.memory_space<vmem_shared>> -> memref<128x128xf32, #tpu.memory_space<vmem_shared>>
        %dma_start3A_98 = arith.constant 0 : i32
        %dma_start3A_99 = arith.constant 0 : i32
        %dma_start3A_100 = tpu.memref_slice %arg6[%run_scoped3A_82, %dma_start3A_98, %dma_start3A_99] : memref<2x128x128xf32, #tpu.memory_space<vmem>> -> memref<1x128x128xf32, #tpu.memory_space<vmem>>
        %dma_start3A_101 = tpu.memref_squeeze %dma_start3A_100 : memref<1x128x128xf32, #tpu.memory_space<vmem>> -> memref<128x128xf32, #tpu.memory_space<vmem>>
        tpu.enqueue_dma source(%dma_start3A_101 : memref<128x128xf32, #tpu.memory_space<vmem>>) target(%dma_start3A_97 : memref<128x128xf32, #tpu.memory_space<vmem_shared>>) target_semaphore(%run_scoped3A_89 : memref<!tpu.dma_semaphore, #tpu.memory_space<semaphore_mem>>)
        %dma_wait3A = arith.constant 0 : i32
        %dma_wait3A_102 = arith.constant 0 : i32
        %dma_wait3A_103 = tpu.memref_slice %arg6[%run_scoped3A_82, %dma_wait3A, %dma_wait3A_102] : memref<2x128x128xf32, #tpu.memory_space<vmem>> -> memref<1x128x128xf32, #tpu.memory_space<vmem>>
        %dma_wait3A_104 = tpu.memref_squeeze %dma_wait3A_103 : memref<1x128x128xf32, #tpu.memory_space<vmem>> -> memref<128x128xf32, #tpu.memory_space<vmem>>
        %dma_wait3A_105 = arith.constant 0 : i32
        %dma_wait3A_106 = tpu.memref_slice %arg7[%add3A_81, %dma_wait3A_105] : memref<10024x128xf32, #tpu.memory_space<vmem_shared>> -> memref<128x128xf32, #tpu.memory_space<vmem_shared>>
        %dma_wait3A_107 = arith.constant 0 : i32
        %dma_wait3A_108 = tpu.memref_slice %arg7[%add3A_81, %dma_wait3A_107] : memref<10024x128xf32, #tpu.memory_space<vmem_shared>> -> memref<128x128xf32, #tpu.memory_space<vmem_shared>>
        %dma_wait3A_109 = arith.constant 0 : i32
        %dma_wait3A_110 = arith.constant 0 : i32
        %dma_wait3A_111 = tpu.memref_slice %arg6[%run_scoped3A_82, %dma_wait3A_109, %dma_wait3A_110] : memref<2x128x128xf32, #tpu.memory_space<vmem>> -> memref<1x128x128xf32, #tpu.memory_space<vmem>>
        %dma_wait3A_112 = tpu.memref_squeeze %dma_wait3A_111 : memref<1x128x128xf32, #tpu.memory_space<vmem>> -> memref<128x128xf32, #tpu.memory_space<vmem>>
        tpu.wait_dma2 semaphore(%run_scoped3A_89 : memref<!tpu.dma_semaphore, #tpu.memory_space<semaphore_mem>>) src(%dma_wait3A_112 : memref<128x128xf32, #tpu.memory_space<vmem>>) dst(%dma_wait3A_108 : memref<128x128xf32, #tpu.memory_space<vmem_shared>>)
        tpu.yield
      }) : () -> ()
      %add3A_83 = arith.constant 384 : i32
      %add3A_84 = arith.addi %mul3A_8, %add3A_83 : i32
      %run_scoped3A_85 = arith.constant 0 : i32
      "tpu.region"() ({
        %run_scoped3A_89 = tpu.sem_alloc : memref<!tpu.dma_semaphore, #tpu.memory_space<semaphore_mem>>
        %dma_start3A_90 = arith.constant 0 : i32
        %dma_start3A_91 = arith.constant 0 : i32
        %dma_start3A_92 = tpu.memref_slice %arg6[%run_scoped3A_85, %dma_start3A_90, %dma_start3A_91] : memref<2x128x128xf32, #tpu.memory_space<vmem>> -> memref<1x128x128xf32, #tpu.memory_space<vmem>>
        %dma_start3A_93 = tpu.memref_squeeze %dma_start3A_92 : memref<1x128x128xf32, #tpu.memory_space<vmem>> -> memref<128x128xf32, #tpu.memory_space<vmem>>
        %dma_start3A_94 = arith.constant 0 : i32
        %dma_start3A_95 = tpu.memref_slice %arg7[%add3A_84, %dma_start3A_94] : memref<10024x128xf32, #tpu.memory_space<vmem_shared>> -> memref<128x128xf32, #tpu.memory_space<vmem_shared>>
        %dma_start3A_96 = arith.constant 0 : i32
        %dma_start3A_97 = tpu.memref_slice %arg7[%add3A_84, %dma_start3A_96] : memref<10024x128xf32, #tpu.memory_space<vmem_shared>> -> memref<128x128xf32, #tpu.memory_space<vmem_shared>>
        %dma_start3A_98 = arith.constant 0 : i32
        %dma_start3A_99 = arith.constant 0 : i32
        %dma_start3A_100 = tpu.memref_slice %arg6[%run_scoped3A_85, %dma_start3A_98, %dma_start3A_99] : memref<2x128x128xf32, #tpu.memory_space<vmem>> -> memref<1x128x128xf32, #tpu.memory_space<vmem>>
        %dma_start3A_101 = tpu.memref_squeeze %dma_start3A_100 : memref<1x128x128xf32, #tpu.memory_space<vmem>> -> memref<128x128xf32, #tpu.memory_space<vmem>>
        tpu.enqueue_dma source(%dma_start3A_101 : memref<128x128xf32, #tpu.memory_space<vmem>>) target(%dma_start3A_97 : memref<128x128xf32, #tpu.memory_space<vmem_shared>>) target_semaphore(%run_scoped3A_89 : memref<!tpu.dma_semaphore, #tpu.memory_space<semaphore_mem>>)
        %dma_wait3A = arith.constant 0 : i32
        %dma_wait3A_102 = arith.constant 0 : i32
        %dma_wait3A_103 = tpu.memref_slice %arg6[%run_scoped3A_85, %dma_wait3A, %dma_wait3A_102] : memref<2x128x128xf32, #tpu.memory_space<vmem>> -> memref<1x128x128xf32, #tpu.memory_space<vmem>>
        %dma_wait3A_104 = tpu.memref_squeeze %dma_wait3A_103 : memref<1x128x128xf32, #tpu.memory_space<vmem>> -> memref<128x128xf32, #tpu.memory_space<vmem>>
        %dma_wait3A_105 = arith.constant 0 : i32
        %dma_wait3A_106 = tpu.memref_slice %arg7[%add3A_84, %dma_wait3A_105] : memref<10024x128xf32, #tpu.memory_space<vmem_shared>> -> memref<128x128xf32, #tpu.memory_space<vmem_shared>>
        %dma_wait3A_107 = arith.constant 0 : i32
        %dma_wait3A_108 = tpu.memref_slice %arg7[%add3A_84, %dma_wait3A_107] : memref<10024x128xf32, #tpu.memory_space<vmem_shared>> -> memref<128x128xf32, #tpu.memory_space<vmem_shared>>
        %dma_wait3A_109 = arith.constant 0 : i32
        %dma_wait3A_110 = arith.constant 0 : i32
        %dma_wait3A_111 = tpu.memref_slice %arg6[%run_scoped3A_85, %dma_wait3A_109, %dma_wait3A_110] : memref<2x128x128xf32, #tpu.memory_space<vmem>> -> memref<1x128x128xf32, #tpu.memory_space<vmem>>
        %dma_wait3A_112 = tpu.memref_squeeze %dma_wait3A_111 : memref<1x128x128xf32, #tpu.memory_space<vmem>> -> memref<128x128xf32, #tpu.memory_space<vmem>>
        tpu.wait_dma2 semaphore(%run_scoped3A_89 : memref<!tpu.dma_semaphore, #tpu.memory_space<semaphore_mem>>) src(%dma_wait3A_112 : memref<128x128xf32, #tpu.memory_space<vmem>>) dst(%dma_wait3A_108 : memref<128x128xf32, #tpu.memory_space<vmem_shared>>)
        tpu.yield
      }) : () -> ()
      %add3A_86 = arith.constant 512 : i32
      %add3A_87 = arith.addi %mul3A_8, %add3A_86 : i32
      %run_scoped3A_88 = arith.constant 0 : i32
      "tpu.region"() ({
        %run_scoped3A_89 = tpu.sem_alloc : memref<!tpu.dma_semaphore, #tpu.memory_space<semaphore_mem>>
        %dma_start3A_90 = arith.constant 0 : i32
        %dma_start3A_91 = arith.constant 0 : i32
        %dma_start3A_92 = tpu.memref_slice %arg6[%run_scoped3A_88, %dma_start3A_90, %dma_start3A_91] : memref<2x128x128xf32, #tpu.memory_space<vmem>> -> memref<1x112x128xf32, #tpu.memory_space<vmem>>
        %dma_start3A_93 = tpu.memref_squeeze %dma_start3A_92 : memref<1x112x128xf32, #tpu.memory_space<vmem>> -> memref<112x128xf32, #tpu.memory_space<vmem>>
        %dma_start3A_94 = arith.constant 0 : i32
        %dma_start3A_95 = tpu.memref_slice %arg7[%add3A_87, %dma_start3A_94] : memref<10024x128xf32, #tpu.memory_space<vmem_shared>> -> memref<112x128xf32, #tpu.memory_space<vmem_shared>>
        %dma_start3A_96 = arith.constant 0 : i32
        %dma_start3A_97 = tpu.memref_slice %arg7[%add3A_87, %dma_start3A_96] : memref<10024x128xf32, #tpu.memory_space<vmem_shared>> -> memref<112x128xf32, #tpu.memory_space<vmem_shared>>
        %dma_start3A_98 = arith.constant 0 : i32
        %dma_start3A_99 = arith.constant 0 : i32
        %dma_start3A_100 = tpu.memref_slice %arg6[%run_scoped3A_88, %dma_start3A_98, %dma_start3A_99] : memref<2x128x128xf32, #tpu.memory_space<vmem>> -> memref<1x112x128xf32, #tpu.memory_space<vmem>>
        %dma_start3A_101 = tpu.memref_squeeze %dma_start3A_100 : memref<1x112x128xf32, #tpu.memory_space<vmem>> -> memref<112x128xf32, #tpu.memory_space<vmem>>
        tpu.enqueue_dma source(%dma_start3A_101 : memref<112x128xf32, #tpu.memory_space<vmem>>) target(%dma_start3A_97 : memref<112x128xf32, #tpu.memory_space<vmem_shared>>) target_semaphore(%run_scoped3A_89 : memref<!tpu.dma_semaphore, #tpu.memory_space<semaphore_mem>>)
        %dma_wait3A = arith.constant 0 : i32
        %dma_wait3A_102 = arith.constant 0 : i32
        %dma_wait3A_103 = tpu.memref_slice %arg6[%run_scoped3A_88, %dma_wait3A, %dma_wait3A_102] : memref<2x128x128xf32, #tpu.memory_space<vmem>> -> memref<1x112x128xf32, #tpu.memory_space<vmem>>
        %dma_wait3A_104 = tpu.memref_squeeze %dma_wait3A_103 : memref<1x112x128xf32, #tpu.memory_space<vmem>> -> memref<112x128xf32, #tpu.memory_space<vmem>>
        %dma_wait3A_105 = arith.constant 0 : i32
        %dma_wait3A_106 = tpu.memref_slice %arg7[%add3A_87, %dma_wait3A_105] : memref<10024x128xf32, #tpu.memory_space<vmem_shared>> -> memref<112x128xf32, #tpu.memory_space<vmem_shared>>
        %dma_wait3A_107 = arith.constant 0 : i32
        %dma_wait3A_108 = tpu.memref_slice %arg7[%add3A_87, %dma_wait3A_107] : memref<10024x128xf32, #tpu.memory_space<vmem_shared>> -> memref<112x128xf32, #tpu.memory_space<vmem_shared>>
        %dma_wait3A_109 = arith.constant 0 : i32
        %dma_wait3A_110 = arith.constant 0 : i32
        %dma_wait3A_111 = tpu.memref_slice %arg6[%run_scoped3A_88, %dma_wait3A_109, %dma_wait3A_110] : memref<2x128x128xf32, #tpu.memory_space<vmem>> -> memref<1x112x128xf32, #tpu.memory_space<vmem>>
        %dma_wait3A_112 = tpu.memref_squeeze %dma_wait3A_111 : memref<1x112x128xf32, #tpu.memory_space<vmem>> -> memref<112x128xf32, #tpu.memory_space<vmem>>
        tpu.wait_dma2 semaphore(%run_scoped3A_89 : memref<!tpu.dma_semaphore, #tpu.memory_space<semaphore_mem>>) src(%dma_wait3A_112 : memref<112x128xf32, #tpu.memory_space<vmem>>) dst(%dma_wait3A_108 : memref<112x128xf32, #tpu.memory_space<vmem_shared>>)
        tpu.yield
      }) : () -> ()
    } else {
    }
    %eq3A = arith.constant 15 : i32
    %eq3A_11 = arith.cmpi eq, %arg1, %eq3A : i32
    %convert_element_type3A_12 = arith.extui %eq3A_11 : i1 to i32
    %cond3A_13 = arith.constant 0 : i32
    %cond3A_14 = arith.cmpi ne, %convert_element_type3A_12, %cond3A_13 : i32
    scf.if %cond3A_14 {
      %add3A_75 = arith.constant 0 : i32
      %add3A_76 = arith.addi %mul3A_8, %add3A_75 : i32
      %run_scoped3A = arith.constant 0 : i32
      "tpu.region"() ({
        %run_scoped3A_92 = tpu.sem_alloc : memref<!tpu.dma_semaphore, #tpu.memory_space<semaphore_mem>>
        %dma_start3A_93 = arith.constant 0 : i32
        %dma_start3A_94 = arith.constant 0 : i32
        %dma_start3A_95 = tpu.memref_slice %arg6[%run_scoped3A, %dma_start3A_93, %dma_start3A_94] : memref<2x128x128xf32, #tpu.memory_space<vmem>> -> memref<1x128x128xf32, #tpu.memory_space<vmem>>
        %dma_start3A_96 = tpu.memref_squeeze %dma_start3A_95 : memref<1x128x128xf32, #tpu.memory_space<vmem>> -> memref<128x128xf32, #tpu.memory_space<vmem>>
        %dma_start3A_97 = arith.constant 0 : i32
        %dma_start3A_98 = tpu.memref_slice %arg7[%add3A_76, %dma_start3A_97] : memref<10024x128xf32, #tpu.memory_space<vmem_shared>> -> memref<128x128xf32, #tpu.memory_space<vmem_shared>>
        %dma_start3A_99 = arith.constant 0 : i32
        %dma_start3A_100 = tpu.memref_slice %arg7[%add3A_76, %dma_start3A_99] : memref<10024x128xf32, #tpu.memory_space<vmem_shared>> -> memref<128x128xf32, #tpu.memory_space<vmem_shared>>
        %dma_start3A_101 = arith.constant 0 : i32
        %dma_start3A_102 = arith.constant 0 : i32
        %dma_start3A_103 = tpu.memref_slice %arg6[%run_scoped3A, %dma_start3A_101, %dma_start3A_102] : memref<2x128x128xf32, #tpu.memory_space<vmem>> -> memref<1x128x128xf32, #tpu.memory_space<vmem>>
        %dma_start3A_104 = tpu.memref_squeeze %dma_start3A_103 : memref<1x128x128xf32, #tpu.memory_space<vmem>> -> memref<128x128xf32, #tpu.memory_space<vmem>>
        tpu.enqueue_dma source(%dma_start3A_104 : memref<128x128xf32, #tpu.memory_space<vmem>>) target(%dma_start3A_100 : memref<128x128xf32, #tpu.memory_space<vmem_shared>>) target_semaphore(%run_scoped3A_92 : memref<!tpu.dma_semaphore, #tpu.memory_space<semaphore_mem>>)
        %dma_wait3A = arith.constant 0 : i32
        %dma_wait3A_105 = arith.constant 0 : i32
        %dma_wait3A_106 = tpu.memref_slice %arg6[%run_scoped3A, %dma_wait3A, %dma_wait3A_105] : memref<2x128x128xf32, #tpu.memory_space<vmem>> -> memref<1x128x128xf32, #tpu.memory_space<vmem>>
        %dma_wait3A_107 = tpu.memref_squeeze %dma_wait3A_106 : memref<1x128x128xf32, #tpu.memory_space<vmem>> -> memref<128x128xf32, #tpu.memory_space<vmem>>
        %dma_wait3A_108 = arith.constant 0 : i32
        %dma_wait3A_109 = tpu.memref_slice %arg7[%add3A_76, %dma_wait3A_108] : memref<10024x128xf32, #tpu.memory_space<vmem_shared>> -> memref<128x128xf32, #tpu.memory_space<vmem_shared>>
        %dma_wait3A_110 = arith.constant 0 : i32
        %dma_wait3A_111 = tpu.memref_slice %arg7[%add3A_76, %dma_wait3A_110] : memref<10024x128xf32, #tpu.memory_space<vmem_shared>> -> memref<128x128xf32, #tpu.memory_space<vmem_shared>>
        %dma_wait3A_112 = arith.constant 0 : i32
        %dma_wait3A_113 = arith.constant 0 : i32
        %dma_wait3A_114 = tpu.memref_slice %arg6[%run_scoped3A, %dma_wait3A_112, %dma_wait3A_113] : memref<2x128x128xf32, #tpu.memory_space<vmem>> -> memref<1x128x128xf32, #tpu.memory_space<vmem>>
        %dma_wait3A_115 = tpu.memref_squeeze %dma_wait3A_114 : memref<1x128x128xf32, #tpu.memory_space<vmem>> -> memref<128x128xf32, #tpu.memory_space<vmem>>
        tpu.wait_dma2 semaphore(%run_scoped3A_92 : memref<!tpu.dma_semaphore, #tpu.memory_space<semaphore_mem>>) src(%dma_wait3A_115 : memref<128x128xf32, #tpu.memory_space<vmem>>) dst(%dma_wait3A_111 : memref<128x128xf32, #tpu.memory_space<vmem_shared>>)
        tpu.yield
      }) : () -> ()
      %add3A_77 = arith.constant 128 : i32
      %add3A_78 = arith.addi %mul3A_8, %add3A_77 : i32
      %run_scoped3A_79 = arith.constant 0 : i32
      "tpu.region"() ({
        %run_scoped3A_92 = tpu.sem_alloc : memref<!tpu.dma_semaphore, #tpu.memory_space<semaphore_mem>>
        %dma_start3A_93 = arith.constant 0 : i32
        %dma_start3A_94 = arith.constant 0 : i32
        %dma_start3A_95 = tpu.memref_slice %arg6[%run_scoped3A_79, %dma_start3A_93, %dma_start3A_94] : memref<2x128x128xf32, #tpu.memory_space<vmem>> -> memref<1x128x128xf32, #tpu.memory_space<vmem>>
        %dma_start3A_96 = tpu.memref_squeeze %dma_start3A_95 : memref<1x128x128xf32, #tpu.memory_space<vmem>> -> memref<128x128xf32, #tpu.memory_space<vmem>>
        %dma_start3A_97 = arith.constant 0 : i32
        %dma_start3A_98 = tpu.memref_slice %arg7[%add3A_78, %dma_start3A_97] : memref<10024x128xf32, #tpu.memory_space<vmem_shared>> -> memref<128x128xf32, #tpu.memory_space<vmem_shared>>
        %dma_start3A_99 = arith.constant 0 : i32
        %dma_start3A_100 = tpu.memref_slice %arg7[%add3A_78, %dma_start3A_99] : memref<10024x128xf32, #tpu.memory_space<vmem_shared>> -> memref<128x128xf32, #tpu.memory_space<vmem_shared>>
        %dma_start3A_101 = arith.constant 0 : i32
        %dma_start3A_102 = arith.constant 0 : i32
        %dma_start3A_103 = tpu.memref_slice %arg6[%run_scoped3A_79, %dma_start3A_101, %dma_start3A_102] : memref<2x128x128xf32, #tpu.memory_space<vmem>> -> memref<1x128x128xf32, #tpu.memory_space<vmem>>
        %dma_start3A_104 = tpu.memref_squeeze %dma_start3A_103 : memref<1x128x128xf32, #tpu.memory_space<vmem>> -> memref<128x128xf32, #tpu.memory_space<vmem>>
        tpu.enqueue_dma source(%dma_start3A_104 : memref<128x128xf32, #tpu.memory_space<vmem>>) target(%dma_start3A_100 : memref<128x128xf32, #tpu.memory_space<vmem_shared>>) target_semaphore(%run_scoped3A_92 : memref<!tpu.dma_semaphore, #tpu.memory_space<semaphore_mem>>)
        %dma_wait3A = arith.constant 0 : i32
        %dma_wait3A_105 = arith.constant 0 : i32
        %dma_wait3A_106 = tpu.memref_slice %arg6[%run_scoped3A_79, %dma_wait3A, %dma_wait3A_105] : memref<2x128x128xf32, #tpu.memory_space<vmem>> -> memref<1x128x128xf32, #tpu.memory_space<vmem>>
        %dma_wait3A_107 = tpu.memref_squeeze %dma_wait3A_106 : memref<1x128x128xf32, #tpu.memory_space<vmem>> -> memref<128x128xf32, #tpu.memory_space<vmem>>
        %dma_wait3A_108 = arith.constant 0 : i32
        %dma_wait3A_109 = tpu.memref_slice %arg7[%add3A_78, %dma_wait3A_108] : memref<10024x128xf32, #tpu.memory_space<vmem_shared>> -> memref<128x128xf32, #tpu.memory_space<vmem_shared>>
        %dma_wait3A_110 = arith.constant 0 : i32
        %dma_wait3A_111 = tpu.memref_slice %arg7[%add3A_78, %dma_wait3A_110] : memref<10024x128xf32, #tpu.memory_space<vmem_shared>> -> memref<128x128xf32, #tpu.memory_space<vmem_shared>>
        %dma_wait3A_112 = arith.constant 0 : i32
        %dma_wait3A_113 = arith.constant 0 : i32
        %dma_wait3A_114 = tpu.memref_slice %arg6[%run_scoped3A_79, %dma_wait3A_112, %dma_wait3A_113] : memref<2x128x128xf32, #tpu.memory_space<vmem>> -> memref<1x128x128xf32, #tpu.memory_space<vmem>>
        %dma_wait3A_115 = tpu.memref_squeeze %dma_wait3A_114 : memref<1x128x128xf32, #tpu.memory_space<vmem>> -> memref<128x128xf32, #tpu.memory_space<vmem>>
        tpu.wait_dma2 semaphore(%run_scoped3A_92 : memref<!tpu.dma_semaphore, #tpu.memory_space<semaphore_mem>>) src(%dma_wait3A_115 : memref<128x128xf32, #tpu.memory_space<vmem>>) dst(%dma_wait3A_111 : memref<128x128xf32, #tpu.memory_space<vmem_shared>>)
        tpu.yield
      }) : () -> ()
      %add3A_80 = arith.constant 256 : i32
      %add3A_81 = arith.addi %mul3A_8, %add3A_80 : i32
      %run_scoped3A_82 = arith.constant 0 : i32
      "tpu.region"() ({
        %run_scoped3A_92 = tpu.sem_alloc : memref<!tpu.dma_semaphore, #tpu.memory_space<semaphore_mem>>
        %dma_start3A_93 = arith.constant 0 : i32
        %dma_start3A_94 = arith.constant 0 : i32
        %dma_start3A_95 = tpu.memref_slice %arg6[%run_scoped3A_82, %dma_start3A_93, %dma_start3A_94] : memref<2x128x128xf32, #tpu.memory_space<vmem>> -> memref<1x128x128xf32, #tpu.memory_space<vmem>>
        %dma_start3A_96 = tpu.memref_squeeze %dma_start3A_95 : memref<1x128x128xf32, #tpu.memory_space<vmem>> -> memref<128x128xf32, #tpu.memory_space<vmem>>
        %dma_start3A_97 = arith.constant 0 : i32
        %dma_start3A_98 = tpu.memref_slice %arg7[%add3A_81, %dma_start3A_97] : memref<10024x128xf32, #tpu.memory_space<vmem_shared>> -> memref<128x128xf32, #tpu.memory_space<vmem_shared>>
        %dma_start3A_99 = arith.constant 0 : i32
        %dma_start3A_100 = tpu.memref_slice %arg7[%add3A_81, %dma_start3A_99] : memref<10024x128xf32, #tpu.memory_space<vmem_shared>> -> memref<128x128xf32, #tpu.memory_space<vmem_shared>>
        %dma_start3A_101 = arith.constant 0 : i32
        %dma_start3A_102 = arith.constant 0 : i32
        %dma_start3A_103 = tpu.memref_slice %arg6[%run_scoped3A_82, %dma_start3A_101, %dma_start3A_102] : memref<2x128x128xf32, #tpu.memory_space<vmem>> -> memref<1x128x128xf32, #tpu.memory_space<vmem>>
        %dma_start3A_104 = tpu.memref_squeeze %dma_start3A_103 : memref<1x128x128xf32, #tpu.memory_space<vmem>> -> memref<128x128xf32, #tpu.memory_space<vmem>>
        tpu.enqueue_dma source(%dma_start3A_104 : memref<128x128xf32, #tpu.memory_space<vmem>>) target(%dma_start3A_100 : memref<128x128xf32, #tpu.memory_space<vmem_shared>>) target_semaphore(%run_scoped3A_92 : memref<!tpu.dma_semaphore, #tpu.memory_space<semaphore_mem>>)
        %dma_wait3A = arith.constant 0 : i32
        %dma_wait3A_105 = arith.constant 0 : i32
        %dma_wait3A_106 = tpu.memref_slice %arg6[%run_scoped3A_82, %dma_wait3A, %dma_wait3A_105] : memref<2x128x128xf32, #tpu.memory_space<vmem>> -> memref<1x128x128xf32, #tpu.memory_space<vmem>>
        %dma_wait3A_107 = tpu.memref_squeeze %dma_wait3A_106 : memref<1x128x128xf32, #tpu.memory_space<vmem>> -> memref<128x128xf32, #tpu.memory_space<vmem>>
        %dma_wait3A_108 = arith.constant 0 : i32
        %dma_wait3A_109 = tpu.memref_slice %arg7[%add3A_81, %dma_wait3A_108] : memref<10024x128xf32, #tpu.memory_space<vmem_shared>> -> memref<128x128xf32, #tpu.memory_space<vmem_shared>>
        %dma_wait3A_110 = arith.constant 0 : i32
        %dma_wait3A_111 = tpu.memref_slice %arg7[%add3A_81, %dma_wait3A_110] : memref<10024x128xf32, #tpu.memory_space<vmem_shared>> -> memref<128x128xf32, #tpu.memory_space<vmem_shared>>
        %dma_wait3A_112 = arith.constant 0 : i32
        %dma_wait3A_113 = arith.constant 0 : i32
        %dma_wait3A_114 = tpu.memref_slice %arg6[%run_scoped3A_82, %dma_wait3A_112, %dma_wait3A_113] : memref<2x128x128xf32, #tpu.memory_space<vmem>> -> memref<1x128x128xf32, #tpu.memory_space<vmem>>
        %dma_wait3A_115 = tpu.memref_squeeze %dma_wait3A_114 : memref<1x128x128xf32, #tpu.memory_space<vmem>> -> memref<128x128xf32, #tpu.memory_space<vmem>>
        tpu.wait_dma2 semaphore(%run_scoped3A_92 : memref<!tpu.dma_semaphore, #tpu.memory_space<semaphore_mem>>) src(%dma_wait3A_115 : memref<128x128xf32, #tpu.memory_space<vmem>>) dst(%dma_wait3A_111 : memref<128x128xf32, #tpu.memory_space<vmem_shared>>)
        tpu.yield
      }) : () -> ()
      %add3A_83 = arith.constant 384 : i32
      %add3A_84 = arith.addi %mul3A_8, %add3A_83 : i32
      %run_scoped3A_85 = arith.constant 0 : i32
      "tpu.region"() ({
        %run_scoped3A_92 = tpu.sem_alloc : memref<!tpu.dma_semaphore, #tpu.memory_space<semaphore_mem>>
        %dma_start3A_93 = arith.constant 0 : i32
        %dma_start3A_94 = arith.constant 0 : i32
        %dma_start3A_95 = tpu.memref_slice %arg6[%run_scoped3A_85, %dma_start3A_93, %dma_start3A_94] : memref<2x128x128xf32, #tpu.memory_space<vmem>> -> memref<1x128x128xf32, #tpu.memory_space<vmem>>
        %dma_start3A_96 = tpu.memref_squeeze %dma_start3A_95 : memref<1x128x128xf32, #tpu.memory_space<vmem>> -> memref<128x128xf32, #tpu.memory_space<vmem>>
        %dma_start3A_97 = arith.constant 0 : i32
        %dma_start3A_98 = tpu.memref_slice %arg7[%add3A_84, %dma_start3A_97] : memref<10024x128xf32, #tpu.memory_space<vmem_shared>> -> memref<128x128xf32, #tpu.memory_space<vmem_shared>>
        %dma_start3A_99 = arith.constant 0 : i32
        %dma_start3A_100 = tpu.memref_slice %arg7[%add3A_84, %dma_start3A_99] : memref<10024x128xf32, #tpu.memory_space<vmem_shared>> -> memref<128x128xf32, #tpu.memory_space<vmem_shared>>
        %dma_start3A_101 = arith.constant 0 : i32
        %dma_start3A_102 = arith.constant 0 : i32
        %dma_start3A_103 = tpu.memref_slice %arg6[%run_scoped3A_85, %dma_start3A_101, %dma_start3A_102] : memref<2x128x128xf32, #tpu.memory_space<vmem>> -> memref<1x128x128xf32, #tpu.memory_space<vmem>>
        %dma_start3A_104 = tpu.memref_squeeze %dma_start3A_103 : memref<1x128x128xf32, #tpu.memory_space<vmem>> -> memref<128x128xf32, #tpu.memory_space<vmem>>
        tpu.enqueue_dma source(%dma_start3A_104 : memref<128x128xf32, #tpu.memory_space<vmem>>) target(%dma_start3A_100 : memref<128x128xf32, #tpu.memory_space<vmem_shared>>) target_semaphore(%run_scoped3A_92 : memref<!tpu.dma_semaphore, #tpu.memory_space<semaphore_mem>>)
        %dma_wait3A = arith.constant 0 : i32
        %dma_wait3A_105 = arith.constant 0 : i32
        %dma_wait3A_106 = tpu.memref_slice %arg6[%run_scoped3A_85, %dma_wait3A, %dma_wait3A_105] : memref<2x128x128xf32, #tpu.memory_space<vmem>> -> memref<1x128x128xf32, #tpu.memory_space<vmem>>
        %dma_wait3A_107 = tpu.memref_squeeze %dma_wait3A_106 : memref<1x128x128xf32, #tpu.memory_space<vmem>> -> memref<128x128xf32, #tpu.memory_space<vmem>>
        %dma_wait3A_108 = arith.constant 0 : i32
        %dma_wait3A_109 = tpu.memref_slice %arg7[%add3A_84, %dma_wait3A_108] : memref<10024x128xf32, #tpu.memory_space<vmem_shared>> -> memref<128x128xf32, #tpu.memory_space<vmem_shared>>
        %dma_wait3A_110 = arith.constant 0 : i32
        %dma_wait3A_111 = tpu.memref_slice %arg7[%add3A_84, %dma_wait3A_110] : memref<10024x128xf32, #tpu.memory_space<vmem_shared>> -> memref<128x128xf32, #tpu.memory_space<vmem_shared>>
        %dma_wait3A_112 = arith.constant 0 : i32
        %dma_wait3A_113 = arith.constant 0 : i32
        %dma_wait3A_114 = tpu.memref_slice %arg6[%run_scoped3A_85, %dma_wait3A_112, %dma_wait3A_113] : memref<2x128x128xf32, #tpu.memory_space<vmem>> -> memref<1x128x128xf32, #tpu.memory_space<vmem>>
        %dma_wait3A_115 = tpu.memref_squeeze %dma_wait3A_114 : memref<1x128x128xf32, #tpu.memory_space<vmem>> -> memref<128x128xf32, #tpu.memory_space<vmem>>
        tpu.wait_dma2 semaphore(%run_scoped3A_92 : memref<!tpu.dma_semaphore, #tpu.memory_space<semaphore_mem>>) src(%dma_wait3A_115 : memref<128x128xf32, #tpu.memory_space<vmem>>) dst(%dma_wait3A_111 : memref<128x128xf32, #tpu.memory_space<vmem_shared>>)
        tpu.yield
      }) : () -> ()
      %add3A_86 = arith.constant 512 : i32
      %add3A_87 = arith.addi %mul3A_8, %add3A_86 : i32
      %run_scoped3A_88 = arith.constant 0 : i32
      "tpu.region"() ({
        %run_scoped3A_92 = tpu.sem_alloc : memref<!tpu.dma_semaphore, #tpu.memory_space<semaphore_mem>>
        %dma_start3A_93 = arith.constant 0 : i32
        %dma_start3A_94 = arith.constant 0 : i32
        %dma_start3A_95 = tpu.memref_slice %arg6[%run_scoped3A_88, %dma_start3A_93, %dma_start3A_94] : memref<2x128x128xf32, #tpu.memory_space<vmem>> -> memref<1x128x128xf32, #tpu.memory_space<vmem>>
        %dma_start3A_96 = tpu.memref_squeeze %dma_start3A_95 : memref<1x128x128xf32, #tpu.memory_space<vmem>> -> memref<128x128xf32, #tpu.memory_space<vmem>>
        %dma_start3A_97 = arith.constant 0 : i32
        %dma_start3A_98 = tpu.memref_slice %arg7[%add3A_87, %dma_start3A_97] : memref<10024x128xf32, #tpu.memory_space<vmem_shared>> -> memref<128x128xf32, #tpu.memory_space<vmem_shared>>
        %dma_start3A_99 = arith.constant 0 : i32
        %dma_start3A_100 = tpu.memref_slice %arg7[%add3A_87, %dma_start3A_99] : memref<10024x128xf32, #tpu.memory_space<vmem_shared>> -> memref<128x128xf32, #tpu.memory_space<vmem_shared>>
        %dma_start3A_101 = arith.constant 0 : i32
        %dma_start3A_102 = arith.constant 0 : i32
        %dma_start3A_103 = tpu.memref_slice %arg6[%run_scoped3A_88, %dma_start3A_101, %dma_start3A_102] : memref<2x128x128xf32, #tpu.memory_space<vmem>> -> memref<1x128x128xf32, #tpu.memory_space<vmem>>
        %dma_start3A_104 = tpu.memref_squeeze %dma_start3A_103 : memref<1x128x128xf32, #tpu.memory_space<vmem>> -> memref<128x128xf32, #tpu.memory_space<vmem>>
        tpu.enqueue_dma source(%dma_start3A_104 : memref<128x128xf32, #tpu.memory_space<vmem>>) target(%dma_start3A_100 : memref<128x128xf32, #tpu.memory_space<vmem_shared>>) target_semaphore(%run_scoped3A_92 : memref<!tpu.dma_semaphore, #tpu.memory_space<semaphore_mem>>)
        %dma_wait3A = arith.constant 0 : i32
        %dma_wait3A_105 = arith.constant 0 : i32
        %dma_wait3A_106 = tpu.memref_slice %arg6[%run_scoped3A_88, %dma_wait3A, %dma_wait3A_105] : memref<2x128x128xf32, #tpu.memory_space<vmem>> -> memref<1x128x128xf32, #tpu.memory_space<vmem>>
        %dma_wait3A_107 = tpu.memref_squeeze %dma_wait3A_106 : memref<1x128x128xf32, #tpu.memory_space<vmem>> -> memref<128x128xf32, #tpu.memory_space<vmem>>
        %dma_wait3A_108 = arith.constant 0 : i32
        %dma_wait3A_109 = tpu.memref_slice %arg7[%add3A_87, %dma_wait3A_108] : memref<10024x128xf32, #tpu.memory_space<vmem_shared>> -> memref<128x128xf32, #tpu.memory_space<vmem_shared>>
        %dma_wait3A_110 = arith.constant 0 : i32
        %dma_wait3A_111 = tpu.memref_slice %arg7[%add3A_87, %dma_wait3A_110] : memref<10024x128xf32, #tpu.memory_space<vmem_shared>> -> memref<128x128xf32, #tpu.memory_space<vmem_shared>>
        %dma_wait3A_112 = arith.constant 0 : i32
        %dma_wait3A_113 = arith.constant 0 : i32
        %dma_wait3A_114 = tpu.memref_slice %arg6[%run_scoped3A_88, %dma_wait3A_112, %dma_wait3A_113] : memref<2x128x128xf32, #tpu.memory_space<vmem>> -> memref<1x128x128xf32, #tpu.memory_space<vmem>>
        %dma_wait3A_115 = tpu.memref_squeeze %dma_wait3A_114 : memref<1x128x128xf32, #tpu.memory_space<vmem>> -> memref<128x128xf32, #tpu.memory_space<vmem>>
        tpu.wait_dma2 semaphore(%run_scoped3A_92 : memref<!tpu.dma_semaphore, #tpu.memory_space<semaphore_mem>>) src(%dma_wait3A_115 : memref<128x128xf32, #tpu.memory_space<vmem>>) dst(%dma_wait3A_111 : memref<128x128xf32, #tpu.memory_space<vmem_shared>>)
        tpu.yield
      }) : () -> ()
      %add3A_89 = arith.constant 640 : i32
      %add3A_90 = arith.addi %mul3A_8, %add3A_89 : i32
      %run_scoped3A_91 = arith.constant 0 : i32
      "tpu.region"() ({
        %run_scoped3A_92 = tpu.sem_alloc : memref<!tpu.dma_semaphore, #tpu.memory_space<semaphore_mem>>
        %dma_start3A_93 = arith.constant 0 : i32
        %dma_start3A_94 = arith.constant 0 : i32
        %dma_start3A_95 = tpu.memref_slice %arg6[%run_scoped3A_91, %dma_start3A_93, %dma_start3A_94] : memref<2x128x128xf32, #tpu.memory_space<vmem>> -> memref<1x24x128xf32, #tpu.memory_space<vmem>>
        %dma_start3A_96 = tpu.memref_squeeze %dma_start3A_95 : memref<1x24x128xf32, #tpu.memory_space<vmem>> -> memref<24x128xf32, #tpu.memory_space<vmem>>
        %dma_start3A_97 = arith.constant 0 : i32
        %dma_start3A_98 = tpu.memref_slice %arg7[%add3A_90, %dma_start3A_97] : memref<10024x128xf32, #tpu.memory_space<vmem_shared>> -> memref<24x128xf32, #tpu.memory_space<vmem_shared>>
        %dma_start3A_99 = arith.constant 0 : i32
        %dma_start3A_100 = tpu.memref_slice %arg7[%add3A_90, %dma_start3A_99] : memref<10024x128xf32, #tpu.memory_space<vmem_shared>> -> memref<24x128xf32, #tpu.memory_space<vmem_shared>>
        %dma_start3A_101 = arith.constant 0 : i32
        %dma_start3A_102 = arith.constant 0 : i32
        %dma_start3A_103 = tpu.memref_slice %arg6[%run_scoped3A_91, %dma_start3A_101, %dma_start3A_102] : memref<2x128x128xf32, #tpu.memory_space<vmem>> -> memref<1x24x128xf32, #tpu.memory_space<vmem>>
        %dma_start3A_104 = tpu.memref_squeeze %dma_start3A_103 : memref<1x24x128xf32, #tpu.memory_space<vmem>> -> memref<24x128xf32, #tpu.memory_space<vmem>>
        tpu.enqueue_dma source(%dma_start3A_104 : memref<24x128xf32, #tpu.memory_space<vmem>>) target(%dma_start3A_100 : memref<24x128xf32, #tpu.memory_space<vmem_shared>>) target_semaphore(%run_scoped3A_92 : memref<!tpu.dma_semaphore, #tpu.memory_space<semaphore_mem>>)
        %dma_wait3A = arith.constant 0 : i32
        %dma_wait3A_105 = arith.constant 0 : i32
        %dma_wait3A_106 = tpu.memref_slice %arg6[%run_scoped3A_91, %dma_wait3A, %dma_wait3A_105] : memref<2x128x128xf32, #tpu.memory_space<vmem>> -> memref<1x24x128xf32, #tpu.memory_space<vmem>>
        %dma_wait3A_107 = tpu.memref_squeeze %dma_wait3A_106 : memref<1x24x128xf32, #tpu.memory_space<vmem>> -> memref<24x128xf32, #tpu.memory_space<vmem>>
        %dma_wait3A_108 = arith.constant 0 : i32
        %dma_wait3A_109 = tpu.memref_slice %arg7[%add3A_90, %dma_wait3A_108] : memref<10024x128xf32, #tpu.memory_space<vmem_shared>> -> memref<24x128xf32, #tpu.memory_space<vmem_shared>>
        %dma_wait3A_110 = arith.constant 0 : i32
        %dma_wait3A_111 = tpu.memref_slice %arg7[%add3A_90, %dma_wait3A_110] : memref<10024x128xf32, #tpu.memory_space<vmem_shared>> -> memref<24x128xf32, #tpu.memory_space<vmem_shared>>
        %dma_wait3A_112 = arith.constant 0 : i32
        %dma_wait3A_113 = arith.constant 0 : i32
        %dma_wait3A_114 = tpu.memref_slice %arg6[%run_scoped3A_91, %dma_wait3A_112, %dma_wait3A_113] : memref<2x128x128xf32, #tpu.memory_space<vmem>> -> memref<1x24x128xf32, #tpu.memory_space<vmem>>
        %dma_wait3A_115 = tpu.memref_squeeze %dma_wait3A_114 : memref<1x24x128xf32, #tpu.memory_space<vmem>> -> memref<24x128xf32, #tpu.memory_space<vmem>>
        tpu.wait_dma2 semaphore(%run_scoped3A_92 : memref<!tpu.dma_semaphore, #tpu.memory_space<semaphore_mem>>) src(%dma_wait3A_115 : memref<24x128xf32, #tpu.memory_space<vmem>>) dst(%dma_wait3A_111 : memref<24x128xf32, #tpu.memory_space<vmem_shared>>)
        tpu.yield
      }) : () -> ()
    } else {
    }
    %mul3A_15 = arith.constant 80 : i32
    %mul3A_16 = arith.muli %add3A, %mul3A_15 : i32
    %add3A_17 = arith.constant 0 : i32
    %add3A_18 = arith.addi %mul3A_16, %add3A_17 : i32
    "tpu.region"() ({
      %run_scoped3A = tpu.sem_alloc : memref<!tpu.dma_semaphore, #tpu.memory_space<semaphore_mem>>
      %dma_start3A_75 = arith.constant 0 : i32
      %dma_start3A_76 = arith.constant 0 : i32
      %dma_start3A_77 = tpu.memref_slice %arg3[%dma_start3A_75, %add3A_18, %dma_start3A_76] : memref<2x2560x128xi32, #tpu.memory_space<hbm>> -> memref<2x40x128xi32, #tpu.memory_space<hbm>>
      %dma_start3A_78 = arith.constant 0 : i32
      %dma_start3A_79 = arith.constant 0 : i32
      %dma_start3A_80 = tpu.memref_slice %arg3[%dma_start3A_78, %add3A_18, %dma_start3A_79] : memref<2x2560x128xi32, #tpu.memory_space<hbm>> -> memref<2x40x128xi32, #tpu.memory_space<hbm>>
      tpu.enqueue_dma source(%dma_start3A_80 : memref<2x40x128xi32, #tpu.memory_space<hbm>>) target(%arg5 : memref<2x40x128xi32, #tpu.memory_space<vmem>>) target_semaphore(%run_scoped3A : memref<!tpu.dma_semaphore, #tpu.memory_space<semaphore_mem>>)
      %dma_wait3A = arith.constant 0 : i32
      %dma_wait3A_81 = arith.constant 0 : i32
      %dma_wait3A_82 = tpu.memref_slice %arg3[%dma_wait3A, %add3A_18, %dma_wait3A_81] : memref<2x2560x128xi32, #tpu.memory_space<hbm>> -> memref<2x40x128xi32, #tpu.memory_space<hbm>>
      %dma_wait3A_83 = arith.constant 0 : i32
      %dma_wait3A_84 = arith.constant 0 : i32
      %dma_wait3A_85 = tpu.memref_slice %arg3[%dma_wait3A_83, %add3A_18, %dma_wait3A_84] : memref<2x2560x128xi32, #tpu.memory_space<hbm>> -> memref<2x40x128xi32, #tpu.memory_space<hbm>>
      tpu.wait_dma2 semaphore(%run_scoped3A : memref<!tpu.dma_semaphore, #tpu.memory_space<semaphore_mem>>) src(%dma_wait3A_85 : memref<2x40x128xi32, #tpu.memory_space<hbm>>) dst(%arg5 : memref<2x40x128xi32, #tpu.memory_space<vmem>>)
      tpu.yield
    }) : () -> ()
    %dma_start3A = arith.constant 0 : i32
    %dma_start3A_19 = arith.constant 0 : i32
    %dma_start3A_20 = arith.constant 0 : i32
    %dma_start3A_21 = arith.constant 0 : i32
    %dma_start3A_22 = arith.constant 0 : i32
    %dma_start3A_23 = tpu.memref_slice %arg6[%dma_start3A_20, %dma_start3A_21, %dma_start3A_22] : memref<2x128x128xf32, #tpu.memory_space<vmem>> -> memref<1x128x128xf32, #tpu.memory_space<vmem>>
    %dma_start3A_24 = tpu.memref_squeeze %dma_start3A_23 : memref<1x128x128xf32, #tpu.memory_space<vmem>> -> memref<128x128xf32, #tpu.memory_space<vmem>>
    %dma_start3A_25 = arith.constant 0 : i32
    %dma_start3A_26 = tpu.memref_slice %arg5[%dma_start3A, %dma_start3A_19, %dma_start3A_25] : memref<2x40x128xi32, #tpu.memory_space<vmem>> -> memref<1x1x128xi32, #tpu.memory_space<vmem>>
    %dma_start3A_27 = tpu.memref_squeeze %dma_start3A_26 : memref<1x1x128xi32, #tpu.memory_space<vmem>> -> memref<128xi32, #tpu.memory_space<vmem>>
    %dma_start3A_28 = arith.constant 0 : i32
    %dma_start3A_29 = arith.constant 0 : i32
    %dma_start3A_30 = tpu.memref_slice %arg2[%dma_start3A_28, %dma_start3A_29] : memref<10000x128xf32, #tpu.memory_space<hbm>> -> memref<10000x128xf32, #tpu.memory_space<hbm>>
    tpu.enqueue_indirect_dma source(%dma_start3A_30 : memref<10000x128xf32, #tpu.memory_space<hbm>>) target(%dma_start3A_24 : memref<128x128xf32, #tpu.memory_space<vmem>>) offsets(%dma_start3A_27 : memref<128xi32, #tpu.memory_space<vmem>>) semaphore(%arg8 : memref<!tpu.dma_semaphore, #tpu.memory_space<semaphore_mem>>)
    %barrier3A = arith.constant 0 : index
    tpu.barrier barrier_id(%barrier3A)
    %scan3A_31 = arith.constant 0 : i32
    %scan3A_32 = arith.constant 1 : i32
    %scan3A_33 = arith.constant 0 : i32
    %scan3A_34 = arith.constant 0 : i32
    %scan3A_35 = arith.constant 20 : i32
    %scan3A_36 = arith.addi %scan3A_34, %scan3A_35 : i32
    %scan3A_37 = arith.constant 1 : i32
    scf.for %scan3A_75 = %scan3A_34 to %scan3A_36 step %scan3A_37  : i32 {
      %mul3A_76 = arith.constant 2 : i32
      %mul3A_77 = arith.muli %mul3A_76, %scan3A_75 : i32
      %add3A_78 = arith.constant 1 : i32
      %add3A_79 = arith.addi %mul3A_77, %add3A_78 : i32
      %dma_start3A_80 = arith.constant 0 : i32
      %dma_start3A_81 = arith.constant 0 : i32
      %dma_start3A_82 = arith.constant 0 : i32
      %dma_start3A_83 = tpu.memref_slice %arg6[%scan3A_32, %dma_start3A_81, %dma_start3A_82] : memref<2x128x128xf32, #tpu.memory_space<vmem>> -> memref<1x128x128xf32, #tpu.memory_space<vmem>>
      %dma_start3A_84 = tpu.memref_squeeze %dma_start3A_83 : memref<1x128x128xf32, #tpu.memory_space<vmem>> -> memref<128x128xf32, #tpu.memory_space<vmem>>
      %dma_start3A_85 = arith.constant 0 : i32
      %dma_start3A_86 = tpu.memref_slice %arg5[%dma_start3A_80, %add3A_79, %dma_start3A_85] : memref<2x40x128xi32, #tpu.memory_space<vmem>> -> memref<1x1x128xi32, #tpu.memory_space<vmem>>
      %dma_start3A_87 = tpu.memref_squeeze %dma_start3A_86 : memref<1x1x128xi32, #tpu.memory_space<vmem>> -> memref<128xi32, #tpu.memory_space<vmem>>
      %dma_start3A_88 = arith.constant 0 : i32
      %dma_start3A_89 = arith.constant 0 : i32
      %dma_start3A_90 = tpu.memref_slice %arg2[%dma_start3A_88, %dma_start3A_89] : memref<10000x128xf32, #tpu.memory_space<hbm>> -> memref<10000x128xf32, #tpu.memory_space<hbm>>
      tpu.enqueue_indirect_dma source(%dma_start3A_90 : memref<10000x128xf32, #tpu.memory_space<hbm>>) target(%dma_start3A_84 : memref<128x128xf32, #tpu.memory_space<vmem>>) offsets(%dma_start3A_87 : memref<128xi32, #tpu.memory_space<vmem>>) semaphore(%arg9 : memref<!tpu.dma_semaphore, #tpu.memory_space<semaphore_mem>>)
      %dma_wait3A = arith.constant 0 : i32
      %dma_wait3A_91 = arith.constant 0 : i32
      %dma_wait3A_92 = arith.constant 0 : i32
      %dma_wait3A_93 = tpu.memref_slice %arg6[%scan3A_33, %dma_wait3A_91, %dma_wait3A_92] : memref<2x128x128xf32, #tpu.memory_space<vmem>> -> memref<1x128x128xf32, #tpu.memory_space<vmem>>
      %dma_wait3A_94 = tpu.memref_squeeze %dma_wait3A_93 : memref<1x128x128xf32, #tpu.memory_space<vmem>> -> memref<128x128xf32, #tpu.memory_space<vmem>>
      %dma_wait3A_95 = arith.constant 0 : i32
      %dma_wait3A_96 = tpu.memref_slice %arg5[%dma_wait3A, %mul3A_77, %dma_wait3A_95] : memref<2x40x128xi32, #tpu.memory_space<vmem>> -> memref<1x1x128xi32, #tpu.memory_space<vmem>>
      %dma_wait3A_97 = tpu.memref_squeeze %dma_wait3A_96 : memref<1x1x128xi32, #tpu.memory_space<vmem>> -> memref<128xi32, #tpu.memory_space<vmem>>
      %dma_wait3A_98 = arith.constant 0 : i32
      %dma_wait3A_99 = arith.constant 0 : i32
      %dma_wait3A_100 = tpu.memref_slice %arg2[%dma_wait3A_98, %dma_wait3A_99] : memref<10000x128xf32, #tpu.memory_space<hbm>> -> memref<10000x128xf32, #tpu.memory_space<hbm>>
      tpu.wait_indirect_dma semaphore(%arg8 : memref<!tpu.dma_semaphore, #tpu.memory_space<semaphore_mem>>) src(%dma_wait3A_100 : memref<10000x128xf32, #tpu.memory_space<hbm>>) dst(%dma_wait3A_94 : memref<128x128xf32, #tpu.memory_space<vmem>>)
      %run_scoped3A = arith.constant 1 : i32
      "tpu.region"() ({
        %run_scoped3A_120 = tpu.sem_alloc : memref<!tpu.dma_semaphore, #tpu.memory_space<semaphore_mem>>
        %dma_start3A_121 = arith.constant 0 : i32
        %dma_start3A_122 = arith.constant 0 : i32
        %dma_start3A_123 = tpu.memref_slice %arg6[%scan3A_33, %dma_start3A_121, %dma_start3A_122] : memref<2x128x128xf32, #tpu.memory_space<vmem>> -> memref<1x128x128xf32, #tpu.memory_space<vmem>>
        %dma_start3A_124 = tpu.memref_squeeze %dma_start3A_123 : memref<1x128x128xf32, #tpu.memory_space<vmem>> -> memref<128x128xf32, #tpu.memory_space<vmem>>
        %dma_start3A_125 = arith.constant 0 : i32
        %dma_start3A_126 = tpu.memref_slice %arg5[%run_scoped3A, %mul3A_77, %dma_start3A_125] : memref<2x40x128xi32, #tpu.memory_space<vmem>> -> memref<1x1x128xi32, #tpu.memory_space<vmem>>
        %dma_start3A_127 = tpu.memref_squeeze %dma_start3A_126 : memref<1x1x128xi32, #tpu.memory_space<vmem>> -> memref<128xi32, #tpu.memory_space<vmem>>
        %dma_start3A_128 = arith.constant 0 : i32
        %dma_start3A_129 = arith.constant 0 : i32
        %dma_start3A_130 = tpu.memref_slice %arg7[%dma_start3A_128, %dma_start3A_129] : memref<10024x128xf32, #tpu.memory_space<vmem_shared>> -> memref<10024x128xf32, #tpu.memory_space<vmem_shared>>
        tpu.enqueue_indirect_dma source(%dma_start3A_124 : memref<128x128xf32, #tpu.memory_space<vmem>>) target(%dma_start3A_130 : memref<10024x128xf32, #tpu.memory_space<vmem_shared>>) offsets(%dma_start3A_127 : memref<128xi32, #tpu.memory_space<vmem>>) semaphore(%run_scoped3A_120 : memref<!tpu.dma_semaphore, #tpu.memory_space<semaphore_mem>>) {add = true}
        %dma_wait3A_131 = arith.constant 0 : i32
        %dma_wait3A_132 = arith.constant 0 : i32
        %dma_wait3A_133 = tpu.memref_slice %arg6[%scan3A_33, %dma_wait3A_131, %dma_wait3A_132] : memref<2x128x128xf32, #tpu.memory_space<vmem>> -> memref<1x128x128xf32, #tpu.memory_space<vmem>>
        %dma_wait3A_134 = tpu.memref_squeeze %dma_wait3A_133 : memref<1x128x128xf32, #tpu.memory_space<vmem>> -> memref<128x128xf32, #tpu.memory_space<vmem>>
        %dma_wait3A_135 = arith.constant 0 : i32
        %dma_wait3A_136 = tpu.memref_slice %arg5[%run_scoped3A, %mul3A_77, %dma_wait3A_135] : memref<2x40x128xi32, #tpu.memory_space<vmem>> -> memref<1x1x128xi32, #tpu.memory_space<vmem>>
        %dma_wait3A_137 = tpu.memref_squeeze %dma_wait3A_136 : memref<1x1x128xi32, #tpu.memory_space<vmem>> -> memref<128xi32, #tpu.memory_space<vmem>>
        %dma_wait3A_138 = arith.constant 0 : i32
        %dma_wait3A_139 = arith.constant 0 : i32
        %dma_wait3A_140 = tpu.memref_slice %arg7[%dma_wait3A_138, %dma_wait3A_139] : memref<10024x128xf32, #tpu.memory_space<vmem_shared>> -> memref<10024x128xf32, #tpu.memory_space<vmem_shared>>
        tpu.wait_indirect_dma semaphore(%run_scoped3A_120 : memref<!tpu.dma_semaphore, #tpu.memory_space<semaphore_mem>>) src(%dma_wait3A_134 : memref<128x128xf32, #tpu.memory_space<vmem>>) dst(%dma_wait3A_140 : memref<10024x128xf32, #tpu.memory_space<vmem_shared>>)
        tpu.yield
      }) : () -> ()
      %add3A_101 = arith.constant 2 : i32
      %add3A_102 = arith.addi %mul3A_77, %add3A_101 : i32
      %lt3A_103 = arith.constant 40 : i32
      %lt3A_104 = arith.cmpi slt, %add3A_102, %lt3A_103 : i32
      %convert_element_type3A_105 = arith.extui %lt3A_104 : i1 to i32
      %cond3A_106 = arith.constant 0 : i32
      %cond3A_107 = arith.cmpi ne, %convert_element_type3A_105, %cond3A_106 : i32
      scf.if %cond3A_107 {
        %add3A_120 = arith.constant 2 : i32
        %add3A_121 = arith.addi %mul3A_77, %add3A_120 : i32
        %dma_start3A_122 = arith.constant 0 : i32
        %dma_start3A_123 = arith.constant 0 : i32
        %dma_start3A_124 = arith.constant 0 : i32
        %dma_start3A_125 = tpu.memref_slice %arg6[%scan3A_33, %dma_start3A_123, %dma_start3A_124] : memref<2x128x128xf32, #tpu.memory_space<vmem>> -> memref<1x128x128xf32, #tpu.memory_space<vmem>>
        %dma_start3A_126 = tpu.memref_squeeze %dma_start3A_125 : memref<1x128x128xf32, #tpu.memory_space<vmem>> -> memref<128x128xf32, #tpu.memory_space<vmem>>
        %dma_start3A_127 = arith.constant 0 : i32
        %dma_start3A_128 = tpu.memref_slice %arg5[%dma_start3A_122, %add3A_121, %dma_start3A_127] : memref<2x40x128xi32, #tpu.memory_space<vmem>> -> memref<1x1x128xi32, #tpu.memory_space<vmem>>
        %dma_start3A_129 = tpu.memref_squeeze %dma_start3A_128 : memref<1x1x128xi32, #tpu.memory_space<vmem>> -> memref<128xi32, #tpu.memory_space<vmem>>
        %dma_start3A_130 = arith.constant 0 : i32
        %dma_start3A_131 = arith.constant 0 : i32
        %dma_start3A_132 = tpu.memref_slice %arg2[%dma_start3A_130, %dma_start3A_131] : memref<10000x128xf32, #tpu.memory_space<hbm>> -> memref<10000x128xf32, #tpu.memory_space<hbm>>
        tpu.enqueue_indirect_dma source(%dma_start3A_132 : memref<10000x128xf32, #tpu.memory_space<hbm>>) target(%dma_start3A_126 : memref<128x128xf32, #tpu.memory_space<vmem>>) offsets(%dma_start3A_129 : memref<128xi32, #tpu.memory_space<vmem>>) semaphore(%arg8 : memref<!tpu.dma_semaphore, #tpu.memory_space<semaphore_mem>>)
      } else {
      }
      %dma_wait3A_108 = arith.constant 0 : i32
      %dma_wait3A_109 = arith.constant 0 : i32
      %dma_wait3A_110 = arith.constant 0 : i32
      %dma_wait3A_111 = tpu.memref_slice %arg6[%scan3A_32, %dma_wait3A_109, %dma_wait3A_110] : memref<2x128x128xf32, #tpu.memory_space<vmem>> -> memref<1x128x128xf32, #tpu.memory_space<vmem>>
      %dma_wait3A_112 = tpu.memref_squeeze %dma_wait3A_111 : memref<1x128x128xf32, #tpu.memory_space<vmem>> -> memref<128x128xf32, #tpu.memory_space<vmem>>
      %dma_wait3A_113 = arith.constant 0 : i32
      %dma_wait3A_114 = tpu.memref_slice %arg5[%dma_wait3A_108, %add3A_79, %dma_wait3A_113] : memref<2x40x128xi32, #tpu.memory_space<vmem>> -> memref<1x1x128xi32, #tpu.memory_space<vmem>>
      %dma_wait3A_115 = tpu.memref_squeeze %dma_wait3A_114 : memref<1x1x128xi32, #tpu.memory_space<vmem>> -> memref<128xi32, #tpu.memory_space<vmem>>
      %dma_wait3A_116 = arith.constant 0 : i32
      %dma_wait3A_117 = arith.constant 0 : i32
      %dma_wait3A_118 = tpu.memref_slice %arg2[%dma_wait3A_116, %dma_wait3A_117] : memref<10000x128xf32, #tpu.memory_space<hbm>> -> memref<10000x128xf32, #tpu.memory_space<hbm>>
      tpu.wait_indirect_dma semaphore(%arg9 : memref<!tpu.dma_semaphore, #tpu.memory_space<semaphore_mem>>) src(%dma_wait3A_118 : memref<10000x128xf32, #tpu.memory_space<hbm>>) dst(%dma_wait3A_112 : memref<128x128xf32, #tpu.memory_space<vmem>>)
      %run_scoped3A_119 = arith.constant 1 : i32
      "tpu.region"() ({
        %run_scoped3A_120 = tpu.sem_alloc : memref<!tpu.dma_semaphore, #tpu.memory_space<semaphore_mem>>
        %dma_start3A_121 = arith.constant 0 : i32
        %dma_start3A_122 = arith.constant 0 : i32
        %dma_start3A_123 = tpu.memref_slice %arg6[%scan3A_32, %dma_start3A_121, %dma_start3A_122] : memref<2x128x128xf32, #tpu.memory_space<vmem>> -> memref<1x128x128xf32, #tpu.memory_space<vmem>>
        %dma_start3A_124 = tpu.memref_squeeze %dma_start3A_123 : memref<1x128x128xf32, #tpu.memory_space<vmem>> -> memref<128x128xf32, #tpu.memory_space<vmem>>
        %dma_start3A_125 = arith.constant 0 : i32
        %dma_start3A_126 = tpu.memref_slice %arg5[%run_scoped3A_119, %add3A_79, %dma_start3A_125] : memref<2x40x128xi32, #tpu.memory_space<vmem>> -> memref<1x1x128xi32, #tpu.memory_space<vmem>>
        %dma_start3A_127 = tpu.memref_squeeze %dma_start3A_126 : memref<1x1x128xi32, #tpu.memory_space<vmem>> -> memref<128xi32, #tpu.memory_space<vmem>>
        %dma_start3A_128 = arith.constant 0 : i32
        %dma_start3A_129 = arith.constant 0 : i32
        %dma_start3A_130 = tpu.memref_slice %arg7[%dma_start3A_128, %dma_start3A_129] : memref<10024x128xf32, #tpu.memory_space<vmem_shared>> -> memref<10024x128xf32, #tpu.memory_space<vmem_shared>>
        tpu.enqueue_indirect_dma source(%dma_start3A_124 : memref<128x128xf32, #tpu.memory_space<vmem>>) target(%dma_start3A_130 : memref<10024x128xf32, #tpu.memory_space<vmem_shared>>) offsets(%dma_start3A_127 : memref<128xi32, #tpu.memory_space<vmem>>) semaphore(%run_scoped3A_120 : memref<!tpu.dma_semaphore, #tpu.memory_space<semaphore_mem>>) {add = true}
        %dma_wait3A_131 = arith.constant 0 : i32
        %dma_wait3A_132 = arith.constant 0 : i32
        %dma_wait3A_133 = tpu.memref_slice %arg6[%scan3A_32, %dma_wait3A_131, %dma_wait3A_132] : memref<2x128x128xf32, #tpu.memory_space<vmem>> -> memref<1x128x128xf32, #tpu.memory_space<vmem>>
        %dma_wait3A_134 = tpu.memref_squeeze %dma_wait3A_133 : memref<1x128x128xf32, #tpu.memory_space<vmem>> -> memref<128x128xf32, #tpu.memory_space<vmem>>
        %dma_wait3A_135 = arith.constant 0 : i32
        %dma_wait3A_136 = tpu.memref_slice %arg5[%run_scoped3A_119, %add3A_79, %dma_wait3A_135] : memref<2x40x128xi32, #tpu.memory_space<vmem>> -> memref<1x1x128xi32, #tpu.memory_space<vmem>>
        %dma_wait3A_137 = tpu.memref_squeeze %dma_wait3A_136 : memref<1x1x128xi32, #tpu.memory_space<vmem>> -> memref<128xi32, #tpu.memory_space<vmem>>
        %dma_wait3A_138 = arith.constant 0 : i32
        %dma_wait3A_139 = arith.constant 0 : i32
        %dma_wait3A_140 = tpu.memref_slice %arg7[%dma_wait3A_138, %dma_wait3A_139] : memref<10024x128xf32, #tpu.memory_space<vmem_shared>> -> memref<10024x128xf32, #tpu.memory_space<vmem_shared>>
        tpu.wait_indirect_dma semaphore(%run_scoped3A_120 : memref<!tpu.dma_semaphore, #tpu.memory_space<semaphore_mem>>) src(%dma_wait3A_134 : memref<128x128xf32, #tpu.memory_space<vmem>>) dst(%dma_wait3A_140 : memref<10024x128xf32, #tpu.memory_space<vmem_shared>>)
        tpu.yield
      }) : () -> ()
    }
    %scan3A_38 = arith.constant 20 : i32
    %mul3A_39 = arith.constant 80 : i32
    %mul3A_40 = arith.muli %add3A, %mul3A_39 : i32
    %add3A_41 = arith.constant 40 : i32
    %add3A_42 = arith.addi %mul3A_40, %add3A_41 : i32
    "tpu.region"() ({
      %run_scoped3A = tpu.sem_alloc : memref<!tpu.dma_semaphore, #tpu.memory_space<semaphore_mem>>
      %dma_start3A_75 = arith.constant 0 : i32
      %dma_start3A_76 = arith.constant 0 : i32
      %dma_start3A_77 = tpu.memref_slice %arg3[%dma_start3A_75, %add3A_42, %dma_start3A_76] : memref<2x2560x128xi32, #tpu.memory_space<hbm>> -> memref<2x40x128xi32, #tpu.memory_space<hbm>>
      %dma_start3A_78 = arith.constant 0 : i32
      %dma_start3A_79 = arith.constant 0 : i32
      %dma_start3A_80 = tpu.memref_slice %arg3[%dma_start3A_78, %add3A_42, %dma_start3A_79] : memref<2x2560x128xi32, #tpu.memory_space<hbm>> -> memref<2x40x128xi32, #tpu.memory_space<hbm>>
      tpu.enqueue_dma source(%dma_start3A_80 : memref<2x40x128xi32, #tpu.memory_space<hbm>>) target(%arg5 : memref<2x40x128xi32, #tpu.memory_space<vmem>>) target_semaphore(%run_scoped3A : memref<!tpu.dma_semaphore, #tpu.memory_space<semaphore_mem>>)
      %dma_wait3A = arith.constant 0 : i32
      %dma_wait3A_81 = arith.constant 0 : i32
      %dma_wait3A_82 = tpu.memref_slice %arg3[%dma_wait3A, %add3A_42, %dma_wait3A_81] : memref<2x2560x128xi32, #tpu.memory_space<hbm>> -> memref<2x40x128xi32, #tpu.memory_space<hbm>>
      %dma_wait3A_83 = arith.constant 0 : i32
      %dma_wait3A_84 = arith.constant 0 : i32
      %dma_wait3A_85 = tpu.memref_slice %arg3[%dma_wait3A_83, %add3A_42, %dma_wait3A_84] : memref<2x2560x128xi32, #tpu.memory_space<hbm>> -> memref<2x40x128xi32, #tpu.memory_space<hbm>>
      tpu.wait_dma2 semaphore(%run_scoped3A : memref<!tpu.dma_semaphore, #tpu.memory_space<semaphore_mem>>) src(%dma_wait3A_85 : memref<2x40x128xi32, #tpu.memory_space<hbm>>) dst(%arg5 : memref<2x40x128xi32, #tpu.memory_space<vmem>>)
      tpu.yield
    }) : () -> ()
    %dma_start3A_43 = arith.constant 0 : i32
    %dma_start3A_44 = arith.constant 0 : i32
    %dma_start3A_45 = arith.constant 0 : i32
    %dma_start3A_46 = arith.constant 0 : i32
    %dma_start3A_47 = arith.constant 0 : i32
    %dma_start3A_48 = tpu.memref_slice %arg6[%dma_start3A_45, %dma_start3A_46, %dma_start3A_47] : memref<2x128x128xf32, #tpu.memory_space<vmem>> -> memref<1x128x128xf32, #tpu.memory_space<vmem>>
    %dma_start3A_49 = tpu.memref_squeeze %dma_start3A_48 : memref<1x128x128xf32, #tpu.memory_space<vmem>> -> memref<128x128xf32, #tpu.memory_space<vmem>>
    %dma_start3A_50 = arith.constant 0 : i32
    %dma_start3A_51 = tpu.memref_slice %arg5[%dma_start3A_43, %dma_start3A_44, %dma_start3A_50] : memref<2x40x128xi32, #tpu.memory_space<vmem>> -> memref<1x1x128xi32, #tpu.memory_space<vmem>>
    %dma_start3A_52 = tpu.memref_squeeze %dma_start3A_51 : memref<1x1x128xi32, #tpu.memory_space<vmem>> -> memref<128xi32, #tpu.memory_space<vmem>>
    %dma_start3A_53 = arith.constant 0 : i32
    %dma_start3A_54 = arith.constant 0 : i32
    %dma_start3A_55 = tpu.memref_slice %arg2[%dma_start3A_53, %dma_start3A_54] : memref<10000x128xf32, #tpu.memory_space<hbm>> -> memref<10000x128xf32, #tpu.memory_space<hbm>>
    tpu.enqueue_indirect_dma source(%dma_start3A_55 : memref<10000x128xf32, #tpu.memory_space<hbm>>) target(%dma_start3A_49 : memref<128x128xf32, #tpu.memory_space<vmem>>) offsets(%dma_start3A_52 : memref<128xi32, #tpu.memory_space<vmem>>) semaphore(%arg8 : memref<!tpu.dma_semaphore, #tpu.memory_space<semaphore_mem>>)
    %scan3A_56 = arith.constant 0 : i32
    %scan3A_57 = arith.constant 1 : i32
    %scan3A_58 = arith.constant 0 : i32
    %scan3A_59 = arith.constant 0 : i32
    %scan3A_60 = arith.constant 20 : i32
    %scan3A_61 = arith.addi %scan3A_59, %scan3A_60 : i32
    %scan3A_62 = arith.constant 1 : i32
    scf.for %scan3A_75 = %scan3A_59 to %scan3A_61 step %scan3A_62  : i32 {
      %mul3A_76 = arith.constant 2 : i32
      %mul3A_77 = arith.muli %mul3A_76, %scan3A_75 : i32
      %add3A_78 = arith.constant 1 : i32
      %add3A_79 = arith.addi %mul3A_77, %add3A_78 : i32
      %dma_start3A_80 = arith.constant 0 : i32
      %dma_start3A_81 = arith.constant 0 : i32
      %dma_start3A_82 = arith.constant 0 : i32
      %dma_start3A_83 = tpu.memref_slice %arg6[%scan3A_57, %dma_start3A_81, %dma_start3A_82] : memref<2x128x128xf32, #tpu.memory_space<vmem>> -> memref<1x128x128xf32, #tpu.memory_space<vmem>>
      %dma_start3A_84 = tpu.memref_squeeze %dma_start3A_83 : memref<1x128x128xf32, #tpu.memory_space<vmem>> -> memref<128x128xf32, #tpu.memory_space<vmem>>
      %dma_start3A_85 = arith.constant 0 : i32
      %dma_start3A_86 = tpu.memref_slice %arg5[%dma_start3A_80, %add3A_79, %dma_start3A_85] : memref<2x40x128xi32, #tpu.memory_space<vmem>> -> memref<1x1x128xi32, #tpu.memory_space<vmem>>
      %dma_start3A_87 = tpu.memref_squeeze %dma_start3A_86 : memref<1x1x128xi32, #tpu.memory_space<vmem>> -> memref<128xi32, #tpu.memory_space<vmem>>
      %dma_start3A_88 = arith.constant 0 : i32
      %dma_start3A_89 = arith.constant 0 : i32
      %dma_start3A_90 = tpu.memref_slice %arg2[%dma_start3A_88, %dma_start3A_89] : memref<10000x128xf32, #tpu.memory_space<hbm>> -> memref<10000x128xf32, #tpu.memory_space<hbm>>
      tpu.enqueue_indirect_dma source(%dma_start3A_90 : memref<10000x128xf32, #tpu.memory_space<hbm>>) target(%dma_start3A_84 : memref<128x128xf32, #tpu.memory_space<vmem>>) offsets(%dma_start3A_87 : memref<128xi32, #tpu.memory_space<vmem>>) semaphore(%arg9 : memref<!tpu.dma_semaphore, #tpu.memory_space<semaphore_mem>>)
      %dma_wait3A = arith.constant 0 : i32
      %dma_wait3A_91 = arith.constant 0 : i32
      %dma_wait3A_92 = arith.constant 0 : i32
      %dma_wait3A_93 = tpu.memref_slice %arg6[%scan3A_58, %dma_wait3A_91, %dma_wait3A_92] : memref<2x128x128xf32, #tpu.memory_space<vmem>> -> memref<1x128x128xf32, #tpu.memory_space<vmem>>
      %dma_wait3A_94 = tpu.memref_squeeze %dma_wait3A_93 : memref<1x128x128xf32, #tpu.memory_space<vmem>> -> memref<128x128xf32, #tpu.memory_space<vmem>>
      %dma_wait3A_95 = arith.constant 0 : i32
      %dma_wait3A_96 = tpu.memref_slice %arg5[%dma_wait3A, %mul3A_77, %dma_wait3A_95] : memref<2x40x128xi32, #tpu.memory_space<vmem>> -> memref<1x1x128xi32, #tpu.memory_space<vmem>>
      %dma_wait3A_97 = tpu.memref_squeeze %dma_wait3A_96 : memref<1x1x128xi32, #tpu.memory_space<vmem>> -> memref<128xi32, #tpu.memory_space<vmem>>
      %dma_wait3A_98 = arith.constant 0 : i32
      %dma_wait3A_99 = arith.constant 0 : i32
      %dma_wait3A_100 = tpu.memref_slice %arg2[%dma_wait3A_98, %dma_wait3A_99] : memref<10000x128xf32, #tpu.memory_space<hbm>> -> memref<10000x128xf32, #tpu.memory_space<hbm>>
      tpu.wait_indirect_dma semaphore(%arg8 : memref<!tpu.dma_semaphore, #tpu.memory_space<semaphore_mem>>) src(%dma_wait3A_100 : memref<10000x128xf32, #tpu.memory_space<hbm>>) dst(%dma_wait3A_94 : memref<128x128xf32, #tpu.memory_space<vmem>>)
      %run_scoped3A = arith.constant 1 : i32
      "tpu.region"() ({
        %run_scoped3A_120 = tpu.sem_alloc : memref<!tpu.dma_semaphore, #tpu.memory_space<semaphore_mem>>
        %dma_start3A_121 = arith.constant 0 : i32
        %dma_start3A_122 = arith.constant 0 : i32
        %dma_start3A_123 = tpu.memref_slice %arg6[%scan3A_58, %dma_start3A_121, %dma_start3A_122] : memref<2x128x128xf32, #tpu.memory_space<vmem>> -> memref<1x128x128xf32, #tpu.memory_space<vmem>>
        %dma_start3A_124 = tpu.memref_squeeze %dma_start3A_123 : memref<1x128x128xf32, #tpu.memory_space<vmem>> -> memref<128x128xf32, #tpu.memory_space<vmem>>
        %dma_start3A_125 = arith.constant 0 : i32
        %dma_start3A_126 = tpu.memref_slice %arg5[%run_scoped3A, %mul3A_77, %dma_start3A_125] : memref<2x40x128xi32, #tpu.memory_space<vmem>> -> memref<1x1x128xi32, #tpu.memory_space<vmem>>
        %dma_start3A_127 = tpu.memref_squeeze %dma_start3A_126 : memref<1x1x128xi32, #tpu.memory_space<vmem>> -> memref<128xi32, #tpu.memory_space<vmem>>
        %dma_start3A_128 = arith.constant 0 : i32
        %dma_start3A_129 = arith.constant 0 : i32
        %dma_start3A_130 = tpu.memref_slice %arg7[%dma_start3A_128, %dma_start3A_129] : memref<10024x128xf32, #tpu.memory_space<vmem_shared>> -> memref<10024x128xf32, #tpu.memory_space<vmem_shared>>
        tpu.enqueue_indirect_dma source(%dma_start3A_124 : memref<128x128xf32, #tpu.memory_space<vmem>>) target(%dma_start3A_130 : memref<10024x128xf32, #tpu.memory_space<vmem_shared>>) offsets(%dma_start3A_127 : memref<128xi32, #tpu.memory_space<vmem>>) semaphore(%run_scoped3A_120 : memref<!tpu.dma_semaphore, #tpu.memory_space<semaphore_mem>>) {add = true}
        %dma_wait3A_131 = arith.constant 0 : i32
        %dma_wait3A_132 = arith.constant 0 : i32
        %dma_wait3A_133 = tpu.memref_slice %arg6[%scan3A_58, %dma_wait3A_131, %dma_wait3A_132] : memref<2x128x128xf32, #tpu.memory_space<vmem>> -> memref<1x128x128xf32, #tpu.memory_space<vmem>>
        %dma_wait3A_134 = tpu.memref_squeeze %dma_wait3A_133 : memref<1x128x128xf32, #tpu.memory_space<vmem>> -> memref<128x128xf32, #tpu.memory_space<vmem>>
        %dma_wait3A_135 = arith.constant 0 : i32
        %dma_wait3A_136 = tpu.memref_slice %arg5[%run_scoped3A, %mul3A_77, %dma_wait3A_135] : memref<2x40x128xi32, #tpu.memory_space<vmem>> -> memref<1x1x128xi32, #tpu.memory_space<vmem>>
        %dma_wait3A_137 = tpu.memref_squeeze %dma_wait3A_136 : memref<1x1x128xi32, #tpu.memory_space<vmem>> -> memref<128xi32, #tpu.memory_space<vmem>>
        %dma_wait3A_138 = arith.constant 0 : i32
        %dma_wait3A_139 = arith.constant 0 : i32
        %dma_wait3A_140 = tpu.memref_slice %arg7[%dma_wait3A_138, %dma_wait3A_139] : memref<10024x128xf32, #tpu.memory_space<vmem_shared>> -> memref<10024x128xf32, #tpu.memory_space<vmem_shared>>
        tpu.wait_indirect_dma semaphore(%run_scoped3A_120 : memref<!tpu.dma_semaphore, #tpu.memory_space<semaphore_mem>>) src(%dma_wait3A_134 : memref<128x128xf32, #tpu.memory_space<vmem>>) dst(%dma_wait3A_140 : memref<10024x128xf32, #tpu.memory_space<vmem_shared>>)
        tpu.yield
      }) : () -> ()
      %add3A_101 = arith.constant 2 : i32
      %add3A_102 = arith.addi %mul3A_77, %add3A_101 : i32
      %lt3A_103 = arith.constant 40 : i32
      %lt3A_104 = arith.cmpi slt, %add3A_102, %lt3A_103 : i32
      %convert_element_type3A_105 = arith.extui %lt3A_104 : i1 to i32
      %cond3A_106 = arith.constant 0 : i32
      %cond3A_107 = arith.cmpi ne, %convert_element_type3A_105, %cond3A_106 : i32
      scf.if %cond3A_107 {
        %add3A_120 = arith.constant 2 : i32
        %add3A_121 = arith.addi %mul3A_77, %add3A_120 : i32
        %dma_start3A_122 = arith.constant 0 : i32
        %dma_start3A_123 = arith.constant 0 : i32
        %dma_start3A_124 = arith.constant 0 : i32
        %dma_start3A_125 = tpu.memref_slice %arg6[%scan3A_58, %dma_start3A_123, %dma_start3A_124] : memref<2x128x128xf32, #tpu.memory_space<vmem>> -> memref<1x128x128xf32, #tpu.memory_space<vmem>>
        %dma_start3A_126 = tpu.memref_squeeze %dma_start3A_125 : memref<1x128x128xf32, #tpu.memory_space<vmem>> -> memref<128x128xf32, #tpu.memory_space<vmem>>
        %dma_start3A_127 = arith.constant 0 : i32
        %dma_start3A_128 = tpu.memref_slice %arg5[%dma_start3A_122, %add3A_121, %dma_start3A_127] : memref<2x40x128xi32, #tpu.memory_space<vmem>> -> memref<1x1x128xi32, #tpu.memory_space<vmem>>
        %dma_start3A_129 = tpu.memref_squeeze %dma_start3A_128 : memref<1x1x128xi32, #tpu.memory_space<vmem>> -> memref<128xi32, #tpu.memory_space<vmem>>
        %dma_start3A_130 = arith.constant 0 : i32
        %dma_start3A_131 = arith.constant 0 : i32
        %dma_start3A_132 = tpu.memref_slice %arg2[%dma_start3A_130, %dma_start3A_131] : memref<10000x128xf32, #tpu.memory_space<hbm>> -> memref<10000x128xf32, #tpu.memory_space<hbm>>
        tpu.enqueue_indirect_dma source(%dma_start3A_132 : memref<10000x128xf32, #tpu.memory_space<hbm>>) target(%dma_start3A_126 : memref<128x128xf32, #tpu.memory_space<vmem>>) offsets(%dma_start3A_129 : memref<128xi32, #tpu.memory_space<vmem>>) semaphore(%arg8 : memref<!tpu.dma_semaphore, #tpu.memory_space<semaphore_mem>>)
      } else {
      }
      %dma_wait3A_108 = arith.constant 0 : i32
      %dma_wait3A_109 = arith.constant 0 : i32
      %dma_wait3A_110 = arith.constant 0 : i32
      %dma_wait3A_111 = tpu.memref_slice %arg6[%scan3A_57, %dma_wait3A_109, %dma_wait3A_110] : memref<2x128x128xf32, #tpu.memory_space<vmem>> -> memref<1x128x128xf32, #tpu.memory_space<vmem>>
      %dma_wait3A_112 = tpu.memref_squeeze %dma_wait3A_111 : memref<1x128x128xf32, #tpu.memory_space<vmem>> -> memref<128x128xf32, #tpu.memory_space<vmem>>
      %dma_wait3A_113 = arith.constant 0 : i32
      %dma_wait3A_114 = tpu.memref_slice %arg5[%dma_wait3A_108, %add3A_79, %dma_wait3A_113] : memref<2x40x128xi32, #tpu.memory_space<vmem>> -> memref<1x1x128xi32, #tpu.memory_space<vmem>>
      %dma_wait3A_115 = tpu.memref_squeeze %dma_wait3A_114 : memref<1x1x128xi32, #tpu.memory_space<vmem>> -> memref<128xi32, #tpu.memory_space<vmem>>
      %dma_wait3A_116 = arith.constant 0 : i32
      %dma_wait3A_117 = arith.constant 0 : i32
      %dma_wait3A_118 = tpu.memref_slice %arg2[%dma_wait3A_116, %dma_wait3A_117] : memref<10000x128xf32, #tpu.memory_space<hbm>> -> memref<10000x128xf32, #tpu.memory_space<hbm>>
      tpu.wait_indirect_dma semaphore(%arg9 : memref<!tpu.dma_semaphore, #tpu.memory_space<semaphore_mem>>) src(%dma_wait3A_118 : memref<10000x128xf32, #tpu.memory_space<hbm>>) dst(%dma_wait3A_112 : memref<128x128xf32, #tpu.memory_space<vmem>>)
      %run_scoped3A_119 = arith.constant 1 : i32
      "tpu.region"() ({
        %run_scoped3A_120 = tpu.sem_alloc : memref<!tpu.dma_semaphore, #tpu.memory_space<semaphore_mem>>
        %dma_start3A_121 = arith.constant 0 : i32
        %dma_start3A_122 = arith.constant 0 : i32
        %dma_start3A_123 = tpu.memref_slice %arg6[%scan3A_57, %dma_start3A_121, %dma_start3A_122] : memref<2x128x128xf32, #tpu.memory_space<vmem>> -> memref<1x128x128xf32, #tpu.memory_space<vmem>>
        %dma_start3A_124 = tpu.memref_squeeze %dma_start3A_123 : memref<1x128x128xf32, #tpu.memory_space<vmem>> -> memref<128x128xf32, #tpu.memory_space<vmem>>
        %dma_start3A_125 = arith.constant 0 : i32
        %dma_start3A_126 = tpu.memref_slice %arg5[%run_scoped3A_119, %add3A_79, %dma_start3A_125] : memref<2x40x128xi32, #tpu.memory_space<vmem>> -> memref<1x1x128xi32, #tpu.memory_space<vmem>>
        %dma_start3A_127 = tpu.memref_squeeze %dma_start3A_126 : memref<1x1x128xi32, #tpu.memory_space<vmem>> -> memref<128xi32, #tpu.memory_space<vmem>>
        %dma_start3A_128 = arith.constant 0 : i32
        %dma_start3A_129 = arith.constant 0 : i32
        %dma_start3A_130 = tpu.memref_slice %arg7[%dma_start3A_128, %dma_start3A_129] : memref<10024x128xf32, #tpu.memory_space<vmem_shared>> -> memref<10024x128xf32, #tpu.memory_space<vmem_shared>>
        tpu.enqueue_indirect_dma source(%dma_start3A_124 : memref<128x128xf32, #tpu.memory_space<vmem>>) target(%dma_start3A_130 : memref<10024x128xf32, #tpu.memory_space<vmem_shared>>) offsets(%dma_start3A_127 : memref<128xi32, #tpu.memory_space<vmem>>) semaphore(%run_scoped3A_120 : memref<!tpu.dma_semaphore, #tpu.memory_space<semaphore_mem>>) {add = true}
        %dma_wait3A_131 = arith.constant 0 : i32
        %dma_wait3A_132 = arith.constant 0 : i32
        %dma_wait3A_133 = tpu.memref_slice %arg6[%scan3A_57, %dma_wait3A_131, %dma_wait3A_132] : memref<2x128x128xf32, #tpu.memory_space<vmem>> -> memref<1x128x128xf32, #tpu.memory_space<vmem>>
        %dma_wait3A_134 = tpu.memref_squeeze %dma_wait3A_133 : memref<1x128x128xf32, #tpu.memory_space<vmem>> -> memref<128x128xf32, #tpu.memory_space<vmem>>
        %dma_wait3A_135 = arith.constant 0 : i32
        %dma_wait3A_136 = tpu.memref_slice %arg5[%run_scoped3A_119, %add3A_79, %dma_wait3A_135] : memref<2x40x128xi32, #tpu.memory_space<vmem>> -> memref<1x1x128xi32, #tpu.memory_space<vmem>>
        %dma_wait3A_137 = tpu.memref_squeeze %dma_wait3A_136 : memref<1x1x128xi32, #tpu.memory_space<vmem>> -> memref<128xi32, #tpu.memory_space<vmem>>
        %dma_wait3A_138 = arith.constant 0 : i32
        %dma_wait3A_139 = arith.constant 0 : i32
        %dma_wait3A_140 = tpu.memref_slice %arg7[%dma_wait3A_138, %dma_wait3A_139] : memref<10024x128xf32, #tpu.memory_space<vmem_shared>> -> memref<10024x128xf32, #tpu.memory_space<vmem_shared>>
        tpu.wait_indirect_dma semaphore(%run_scoped3A_120 : memref<!tpu.dma_semaphore, #tpu.memory_space<semaphore_mem>>) src(%dma_wait3A_134 : memref<128x128xf32, #tpu.memory_space<vmem>>) dst(%dma_wait3A_140 : memref<10024x128xf32, #tpu.memory_space<vmem_shared>>)
        tpu.yield
      }) : () -> ()
    }
    %scan3A_63 = arith.constant 20 : i32
    %barrier3A_64 = arith.constant 0 : index
    tpu.barrier barrier_id(%barrier3A_64)
    %lt3A_65 = arith.constant 15 : i32
    %lt3A_66 = arith.cmpi slt, %arg1, %lt3A_65 : i32
    %convert_element_type3A_67 = arith.extui %lt3A_66 : i1 to i32
    %cond3A_68 = arith.constant 0 : i32
    %cond3A_69 = arith.cmpi ne, %convert_element_type3A_67, %cond3A_68 : i32
    scf.if %cond3A_69 {
      "tpu.region"() ({
        %run_scoped3A = tpu.sem_alloc : memref<!tpu.dma_semaphore, #tpu.memory_space<semaphore_mem>>
        %dma_start3A_75 = arith.constant 0 : i32
        %dma_start3A_76 = tpu.memref_slice %arg4[%arg0, %mul3A_8, %dma_start3A_75] : memref<2x10024x128xf32, #tpu.memory_space<hbm>> -> memref<1x624x128xf32, #tpu.memory_space<hbm>>
        %dma_start3A_77 = tpu.memref_squeeze %dma_start3A_76 : memref<1x624x128xf32, #tpu.memory_space<hbm>> -> memref<624x128xf32, #tpu.memory_space<hbm>>
        %dma_start3A_78 = arith.constant 0 : i32
        %dma_start3A_79 = tpu.memref_slice %arg7[%mul3A_8, %dma_start3A_78] : memref<10024x128xf32, #tpu.memory_space<vmem_shared>> -> memref<624x128xf32, #tpu.memory_space<vmem_shared>>
        tpu.enqueue_dma source(%dma_start3A_79 : memref<624x128xf32, #tpu.memory_space<vmem_shared>>) target(%dma_start3A_77 : memref<624x128xf32, #tpu.memory_space<hbm>>) target_semaphore(%run_scoped3A : memref<!tpu.dma_semaphore, #tpu.memory_space<semaphore_mem>>)
        %dma_wait3A = arith.constant 0 : i32
        %dma_wait3A_80 = tpu.memref_slice %arg4[%arg0, %mul3A_8, %dma_wait3A] : memref<2x10024x128xf32, #tpu.memory_space<hbm>> -> memref<1x624x128xf32, #tpu.memory_space<hbm>>
        %dma_wait3A_81 = tpu.memref_squeeze %dma_wait3A_80 : memref<1x624x128xf32, #tpu.memory_space<hbm>> -> memref<624x128xf32, #tpu.memory_space<hbm>>
        %dma_wait3A_82 = arith.constant 0 : i32
        %dma_wait3A_83 = tpu.memref_slice %arg7[%mul3A_8, %dma_wait3A_82] : memref<10024x128xf32, #tpu.memory_space<vmem_shared>> -> memref<624x128xf32, #tpu.memory_space<vmem_shared>>
        tpu.wait_dma2 semaphore(%run_scoped3A : memref<!tpu.dma_semaphore, #tpu.memory_space<semaphore_mem>>) src(%dma_wait3A_83 : memref<624x128xf32, #tpu.memory_space<vmem_shared>>) dst(%dma_wait3A_81 : memref<624x128xf32, #tpu.memory_space<hbm>>)
        tpu.yield
      }) : () -> ()
    } else {
    }
    %eq3A_70 = arith.constant 15 : i32
    %eq3A_71 = arith.cmpi eq, %arg1, %eq3A_70 : i32
    %convert_element_type3A_72 = arith.extui %eq3A_71 : i1 to i32
    %cond3A_73 = arith.constant 0 : i32
    %cond3A_74 = arith.cmpi ne, %convert_element_type3A_72, %cond3A_73 : i32
    scf.if %cond3A_74 {
      "tpu.region"() ({
        %run_scoped3A = tpu.sem_alloc : memref<!tpu.dma_semaphore, #tpu.memory_space<semaphore_mem>>
        %dma_start3A_75 = arith.constant 0 : i32
        %dma_start3A_76 = tpu.memref_slice %arg4[%arg0, %mul3A_8, %dma_start3A_75] : memref<2x10024x128xf32, #tpu.memory_space<hbm>> -> memref<1x664x128xf32, #tpu.memory_space<hbm>>
        %dma_start3A_77 = tpu.memref_squeeze %dma_start3A_76 : memref<1x664x128xf32, #tpu.memory_space<hbm>> -> memref<664x128xf32, #tpu.memory_space<hbm>>
        %dma_start3A_78 = arith.constant 0 : i32
        %dma_start3A_79 = tpu.memref_slice %arg7[%mul3A_8, %dma_start3A_78] : memref<10024x128xf32, #tpu.memory_space<vmem_shared>> -> memref<664x128xf32, #tpu.memory_space<vmem_shared>>
        tpu.enqueue_dma source(%dma_start3A_79 : memref<664x128xf32, #tpu.memory_space<vmem_shared>>) target(%dma_start3A_77 : memref<664x128xf32, #tpu.memory_space<hbm>>) target_semaphore(%run_scoped3A : memref<!tpu.dma_semaphore, #tpu.memory_space<semaphore_mem>>)
        %dma_wait3A = arith.constant 0 : i32
        %dma_wait3A_80 = tpu.memref_slice %arg4[%arg0, %mul3A_8, %dma_wait3A] : memref<2x10024x128xf32, #tpu.memory_space<hbm>> -> memref<1x664x128xf32, #tpu.memory_space<hbm>>
        %dma_wait3A_81 = tpu.memref_squeeze %dma_wait3A_80 : memref<1x664x128xf32, #tpu.memory_space<hbm>> -> memref<664x128xf32, #tpu.memory_space<hbm>>
        %dma_wait3A_82 = arith.constant 0 : i32
        %dma_wait3A_83 = tpu.memref_slice %arg7[%mul3A_8, %dma_wait3A_82] : memref<10024x128xf32, #tpu.memory_space<vmem_shared>> -> memref<664x128xf32, #tpu.memory_space<vmem_shared>>
        tpu.wait_dma2 semaphore(%run_scoped3A : memref<!tpu.dma_semaphore, #tpu.memory_space<semaphore_mem>>) src(%dma_wait3A_83 : memref<664x128xf32, #tpu.memory_space<vmem_shared>>) dst(%dma_wait3A_81 : memref<664x128xf32, #tpu.memory_space<hbm>>)
        tpu.yield
      }) : () -> ()
    } else {
    }
    return
  }
}

module attributes {stable_mosaic.version = 14 : i64} {
  func.func @_mlp_bn_body(%arg0: i32, %arg1: i32, %arg2: memref<2000x128xf32, #tpu.memory_space<vmem>>, %arg3: memref<2x2000x128xf32, #tpu.memory_space<vmem>>, %arg4: memref<128x128xf32, #tpu.memory_space<vmem>>, %arg5: memref<1x128xf32, #tpu.memory_space<vmem>>, %arg6: memref<128x128xf32, #tpu.memory_space<vmem>>, %arg7: memref<1x128xf32, #tpu.memory_space<vmem>>, %arg8: memref<1x128xf32, #tpu.memory_space<vmem>>, %arg9: memref<1x128xf32, #tpu.memory_space<vmem>>, %arg10: memref<2000x128xf32, #tpu.memory_space<vmem>>, %arg11: memref<10000x128xf32, #tpu.memory_space<vmem>>, %arg12: memref<2x128xf32, #tpu.memory_space<vmem>>) attributes {dimension_semantics = [#tpu.dimension_semantics<arbitrary>, #tpu.dimension_semantics<arbitrary>], iteration_bounds = array<i64: 2, 5>, scalar_prefetch = 0 : i64, scratch_operands = 2 : i64, tpu.core_type = #tpu.core_type<tc>, window_params = [{transform_indices = @transform_0, window_bounds = array<i64: 2000, 128>}, {transform_indices = @transform_1, window_bounds = array<i64: 2, 2000, 128>}, {pipeline_mode = #tpu.pipeline_mode<synchronous>, transform_indices = @transform_2, window_bounds = array<i64: 128, 128>}, {pipeline_mode = #tpu.pipeline_mode<synchronous>, transform_indices = @transform_3, window_bounds = array<i64: 1, 128>}, {pipeline_mode = #tpu.pipeline_mode<synchronous>, transform_indices = @transform_4, window_bounds = array<i64: 128, 128>}, {pipeline_mode = #tpu.pipeline_mode<synchronous>, transform_indices = @transform_5, window_bounds = array<i64: 1, 128>}, {pipeline_mode = #tpu.pipeline_mode<synchronous>, transform_indices = @transform_6, window_bounds = array<i64: 1, 128>}, {pipeline_mode = #tpu.pipeline_mode<synchronous>, transform_indices = @transform_7, window_bounds = array<i64: 1, 128>}, {transform_indices = @transform_8, window_bounds = array<i64: 2000, 128>}]} {
    %eq3A = arith.constant 0 : i32
    %eq3A_0 = arith.cmpi eq, %arg0, %eq3A : i32
    %convert_element_type3A = arith.extui %eq3A_0 : i1 to i32
    %cond3A = arith.constant 0 : i32
    %cond3A_1 = arith.cmpi ne, %convert_element_type3A, %cond3A : i32
    scf.if %cond3A_1 {
      %get3A = arith.constant 0 : index
      %get3A_7 = arith.constant 0 : index
      %get3A_8 = vector.load %arg2[%get3A, %get3A_7] : memref<2000x128xf32, #tpu.memory_space<vmem>>, vector<2000x128xf32>
      %get3A_9 = arith.constant 0 : index
      %get3A_10 = arith.constant 0 : index
      %get3A_11 = arith.constant 0 : index
      %get3A_12 = vector.load %arg3[%get3A_9, %get3A_10, %get3A_11] : memref<2x2000x128xf32, #tpu.memory_space<vmem>>, vector<1x2000x128xf32>
      %get3A_13 = vector.shape_cast %get3A_12 : vector<1x2000x128xf32> to vector<2000x128xf32>
      %add3A = arith.addf %get3A_8, %get3A_13 : vector<2000x128xf32>
      %get3A_14 = arith.constant 1 : index
      %get3A_15 = arith.constant 0 : index
      %get3A_16 = arith.constant 0 : index
      %get3A_17 = vector.load %arg3[%get3A_14, %get3A_15, %get3A_16] : memref<2x2000x128xf32, #tpu.memory_space<vmem>>, vector<1x2000x128xf32>
      %get3A_18 = vector.shape_cast %get3A_17 : vector<1x2000x128xf32> to vector<2000x128xf32>
      %add3A_19 = arith.addf %add3A, %get3A_18 : vector<2000x128xf32>
      %get3A_20 = arith.constant 0 : index
      %get3A_21 = arith.constant 0 : index
      %get3A_22 = vector.load %arg4[%get3A_20, %get3A_21] : memref<128x128xf32, #tpu.memory_space<vmem>>, vector<128x128xf32>
      %dot_general3A = arith.constant dense<0.000000e+00> : vector<2000x128xf32>
      %dot_general3A_23 = tpu.matmul %add3A_19, %get3A_22, %dot_general3A {dimension_numbers = #tpu.dot_dimension_numbers<[1], [0], [0], [1], [0, 0, 1, 1], [], []>, transpose_lhs_hint = false} : vector<2000x128xf32>, vector<128x128xf32>, vector<2000x128xf32> -> vector<2000x128xf32>
      %get3A_24 = arith.constant 0 : index
      %get3A_25 = arith.constant 0 : index
      %get3A_26 = vector.load %arg5[%get3A_24, %get3A_25] : memref<1x128xf32, #tpu.memory_space<vmem>>, vector<1x128xf32>
      %add3A_27 = vector.broadcast %get3A_26 : vector<1x128xf32> to vector<2000x128xf32>
      %add3A_28 = arith.addf %dot_general3A_23, %add3A_27 : vector<2000x128xf32>
      %max3A = arith.constant 0.000000e+00 : f32
      %max3A_29 = vector.broadcast %max3A : f32 to vector<2000x128xf32>
      %max3A_30 = arith.maximumf %add3A_28, %max3A_29 : vector<2000x128xf32>
      %get3A_31 = arith.constant 0 : index
      %get3A_32 = arith.constant 0 : index
      %get3A_33 = vector.load %arg6[%get3A_31, %get3A_32] : memref<128x128xf32, #tpu.memory_space<vmem>>, vector<128x128xf32>
      %dot_general3A_34 = arith.constant dense<0.000000e+00> : vector<2000x128xf32>
      %dot_general3A_35 = tpu.matmul %max3A_30, %get3A_33, %dot_general3A_34 {dimension_numbers = #tpu.dot_dimension_numbers<[1], [0], [0], [1], [0, 0, 1, 1], [], []>, transpose_lhs_hint = false} : vector<2000x128xf32>, vector<128x128xf32>, vector<2000x128xf32> -> vector<2000x128xf32>
      %get3A_36 = arith.constant 0 : index
      %get3A_37 = arith.constant 0 : index
      %get3A_38 = vector.load %arg7[%get3A_36, %get3A_37] : memref<1x128xf32, #tpu.memory_space<vmem>>, vector<1x128xf32>
      %add3A_39 = vector.broadcast %get3A_38 : vector<1x128xf32> to vector<2000x128xf32>
      %add3A_40 = arith.addf %dot_general3A_35, %add3A_39 : vector<2000x128xf32>
      %mul3A = arith.constant 2000 : i32
      %mul3A_41 = arith.muli %arg1, %mul3A : i32
      %swap3A = arith.index_cast %mul3A_41 : i32 to index
      %swap3A_42 = arith.constant 0 : index
      %swap3A_43 = vector.load %arg11[%swap3A, %swap3A_42] : memref<10000x128xf32, #tpu.memory_space<vmem>>, vector<2000x128xf32>
      tpu.vector_store %arg11[%swap3A, %swap3A_42], %add3A_40 {strides = array<i32>} : memref<10000x128xf32, #tpu.memory_space<vmem>>, vector<2000x128xf32>,
      %reduce_sum3A = arith.constant dense<0.000000e+00> : vector<128xf32>
      %reduce_sum3A_44 = vector.multi_reduction <add>, %add3A_40, %reduce_sum3A [0] : vector<2000x128xf32> to vector<128xf32>
      %broadcast_in_dim3A = vector.shape_cast %reduce_sum3A_44 : vector<128xf32> to vector<1x128xf32>
      %mul3A_45 = arith.mulf %add3A_40, %add3A_40 : vector<2000x128xf32>
      %reduce_sum3A_46 = arith.constant dense<0.000000e+00> : vector<128xf32>
      %reduce_sum3A_47 = vector.multi_reduction <add>, %mul3A_45, %reduce_sum3A_46 [0] : vector<2000x128xf32> to vector<128xf32>
      %broadcast_in_dim3A_48 = vector.shape_cast %reduce_sum3A_47 : vector<128xf32> to vector<1x128xf32>
      %concatenate3A = tpu.concatenate %broadcast_in_dim3A, %broadcast_in_dim3A_48 in 0 : vector<1x128xf32>, vector<1x128xf32> -> vector<2x128xf32>
      %eq3A_49 = arith.constant 0 : i32
      %eq3A_50 = arith.cmpi eq, %arg1, %eq3A_49 : i32
      %convert_element_type3A_51 = arith.extui %eq3A_50 : i1 to i32
      %cond3A_52 = arith.constant 0 : i32
      %cond3A_53 = arith.cmpi ne, %convert_element_type3A_51, %cond3A_52 : i32
      scf.if %cond3A_53 {
        %broadcast_in_dim3A_64 = arith.constant 0.000000e+00 : f32
        %broadcast_in_dim3A_65 = vector.broadcast %broadcast_in_dim3A_64 : f32 to vector<2x128xf32>
        %swap3A_66 = arith.constant 0 : index
        %swap3A_67 = arith.constant 0 : index
        %swap3A_68 = vector.load %arg12[%swap3A_66, %swap3A_67] : memref<2x128xf32, #tpu.memory_space<vmem>>, vector<2x128xf32>
        tpu.vector_store %arg12[%swap3A_66, %swap3A_67], %broadcast_in_dim3A_65 {strides = array<i32>} : memref<2x128xf32, #tpu.memory_space<vmem>>, vector<2x128xf32>,
      } else {
      }
      %get3A_54 = arith.constant 0 : index
      %get3A_55 = arith.constant 0 : index
      %get3A_56 = vector.load %arg12[%get3A_54, %get3A_55] : memref<2x128xf32, #tpu.memory_space<vmem>>, vector<2x128xf32>
      %add3A_57 = arith.addf %get3A_56, %concatenate3A : vector<2x128xf32>
      %swap3A_58 = arith.constant 0 : index
      %swap3A_59 = arith.constant 0 : index
      %swap3A_60 = vector.load %arg12[%swap3A_58, %swap3A_59] : memref<2x128xf32, #tpu.memory_space<vmem>>, vector<2x128xf32>
      tpu.vector_store %arg12[%swap3A_58, %swap3A_59], %add3A_57 {strides = array<i32>} : memref<2x128xf32, #tpu.memory_space<vmem>>, vector<2x128xf32>,
      %swap3A_61 = arith.constant 0 : index
      %swap3A_62 = arith.constant 0 : index
      %swap3A_63 = vector.load %arg10[%swap3A_61, %swap3A_62] : memref<2000x128xf32, #tpu.memory_space<vmem>>, vector<2000x128xf32>
      tpu.vector_store %arg10[%swap3A_61, %swap3A_62], %add3A_40 {strides = array<i32>} : memref<2000x128xf32, #tpu.memory_space<vmem>>, vector<2000x128xf32>,
    } else {
    }
    %eq3A_2 = arith.constant 1 : i32
    %eq3A_3 = arith.cmpi eq, %arg0, %eq3A_2 : i32
    %convert_element_type3A_4 = arith.extui %eq3A_3 : i1 to i32
    %cond3A_5 = arith.constant 0 : i32
    %cond3A_6 = arith.cmpi ne, %convert_element_type3A_4, %cond3A_5 : i32
    scf.if %cond3A_6 {
      %get3A = arith.constant 0 : index
      %get3A_7 = arith.constant 0 : index
      %get3A_8 = vector.load %arg12[%get3A, %get3A_7] : memref<2x128xf32, #tpu.memory_space<vmem>>, vector<1x128xf32>
      %mul3A = arith.constant 9.99999974E-5 : f32
      %mul3A_9 = vector.broadcast %mul3A : f32 to vector<1x128xf32>
      %mul3A_10 = arith.mulf %get3A_8, %mul3A_9 : vector<1x128xf32>
      %get3A_11 = arith.constant 1 : index
      %get3A_12 = arith.constant 0 : index
      %get3A_13 = vector.load %arg12[%get3A_11, %get3A_12] : memref<2x128xf32, #tpu.memory_space<vmem>>, vector<1x128xf32>
      %mul3A_14 = arith.constant 9.99999974E-5 : f32
      %mul3A_15 = vector.broadcast %mul3A_14 : f32 to vector<1x128xf32>
      %mul3A_16 = arith.mulf %get3A_13, %mul3A_15 : vector<1x128xf32>
      %mul3A_17 = arith.mulf %mul3A_10, %mul3A_10 : vector<1x128xf32>
      %sub3A = arith.subf %mul3A_16, %mul3A_17 : vector<1x128xf32>
      %mul3A_18 = arith.constant 2000 : i32
      %mul3A_19 = arith.muli %arg1, %mul3A_18 : i32
      %get3A_20 = arith.index_cast %mul3A_19 : i32 to index
      %get3A_21 = arith.constant 0 : index
      %get3A_22 = vector.load %arg11[%get3A_20, %get3A_21] : memref<10000x128xf32, #tpu.memory_space<vmem>>, vector<2000x128xf32>
      %sub3A_23 = vector.broadcast %mul3A_10 : vector<1x128xf32> to vector<2000x128xf32>
      %sub3A_24 = arith.subf %get3A_22, %sub3A_23 : vector<2000x128xf32>
      %add3A = arith.constant 9.99999974E-6 : f32
      %add3A_25 = vector.broadcast %add3A : f32 to vector<1x128xf32>
      %add3A_26 = arith.addf %sub3A, %add3A_25 : vector<1x128xf32>
      %rsqrt3A = math.rsqrt %add3A_26 : vector<1x128xf32>
      %mul3A_27 = vector.broadcast %rsqrt3A : vector<1x128xf32> to vector<2000x128xf32>
      %mul3A_28 = arith.mulf %sub3A_24, %mul3A_27 : vector<2000x128xf32>
      %get3A_29 = arith.constant 0 : index
      %get3A_30 = arith.constant 0 : index
      %get3A_31 = vector.load %arg8[%get3A_29, %get3A_30] : memref<1x128xf32, #tpu.memory_space<vmem>>, vector<1x128xf32>
      %mul3A_32 = vector.broadcast %get3A_31 : vector<1x128xf32> to vector<2000x128xf32>
      %mul3A_33 = arith.mulf %mul3A_28, %mul3A_32 : vector<2000x128xf32>
      %get3A_34 = arith.constant 0 : index
      %get3A_35 = arith.constant 0 : index
      %get3A_36 = vector.load %arg9[%get3A_34, %get3A_35] : memref<1x128xf32, #tpu.memory_space<vmem>>, vector<1x128xf32>
      %add3A_37 = vector.broadcast %get3A_36 : vector<1x128xf32> to vector<2000x128xf32>
      %add3A_38 = arith.addf %mul3A_33, %add3A_37 : vector<2000x128xf32>
      %max3A = arith.constant 0.000000e+00 : f32
      %max3A_39 = vector.broadcast %max3A : f32 to vector<2000x128xf32>
      %max3A_40 = arith.maximumf %add3A_38, %max3A_39 : vector<2000x128xf32>
      %swap3A = arith.constant 0 : index
      %swap3A_41 = arith.constant 0 : index
      %swap3A_42 = vector.load %arg10[%swap3A, %swap3A_41] : memref<2000x128xf32, #tpu.memory_space<vmem>>, vector<2000x128xf32>
      tpu.vector_store %arg10[%swap3A, %swap3A_41], %max3A_40 {strides = array<i32>} : memref<2000x128xf32, #tpu.memory_space<vmem>>, vector<2000x128xf32>,
    } else {
    }
    return
  }
  func.func @transform_0(%arg0: i32, %arg1: i32) -> (i32, i32) {
    %c0_i32 = arith.constant 0 : i32
    %c0_i32_0 = arith.constant 0 : i32
    return %arg1, %c0_i32 : i32, i32
  }
  func.func @transform_1(%arg0: i32, %arg1: i32) -> (i32, i32, i32) {
    %c0_i32 = arith.constant 0 : i32
    %c0_i32_0 = arith.constant 0 : i32
    %c0_i32_1 = arith.constant 0 : i32
    return %c0_i32, %arg1, %c0_i32_0 : i32, i32, i32
  }
  func.func @transform_2(%arg0: i32, %arg1: i32) -> (i32, i32) {
    %c0_i32 = arith.constant 0 : i32
    %c0_i32_0 = arith.constant 0 : i32
    %c0_i32_1 = arith.constant 0 : i32
    return %c0_i32, %c0_i32_0 : i32, i32
  }
  func.func @transform_3(%arg0: i32, %arg1: i32) -> (i32, i32) {
    %c0_i32 = arith.constant 0 : i32
    %c0_i32_0 = arith.constant 0 : i32
    %c0_i32_1 = arith.constant 0 : i32
    return %c0_i32, %c0_i32_0 : i32, i32
  }
  func.func @transform_4(%arg0: i32, %arg1: i32) -> (i32, i32) {
    %c0_i32 = arith.constant 0 : i32
    %c0_i32_0 = arith.constant 0 : i32
    %c0_i32_1 = arith.constant 0 : i32
    return %c0_i32, %c0_i32_0 : i32, i32
  }
  func.func @transform_5(%arg0: i32, %arg1: i32) -> (i32, i32) {
    %c0_i32 = arith.constant 0 : i32
    %c0_i32_0 = arith.constant 0 : i32
    %c0_i32_1 = arith.constant 0 : i32
    return %c0_i32, %c0_i32_0 : i32, i32
  }
  func.func @transform_6(%arg0: i32, %arg1: i32) -> (i32, i32) {
    %c0_i32 = arith.constant 0 : i32
    %c0_i32_0 = arith.constant 0 : i32
    %c0_i32_1 = arith.constant 0 : i32
    return %c0_i32, %c0_i32_0 : i32, i32
  }
  func.func @transform_7(%arg0: i32, %arg1: i32) -> (i32, i32) {
    %c0_i32 = arith.constant 0 : i32
    %c0_i32_0 = arith.constant 0 : i32
    %c0_i32_1 = arith.constant 0 : i32
    return %c0_i32, %c0_i32_0 : i32, i32
  }
  func.func @transform_8(%arg0: i32, %arg1: i32) -> (i32, i32) {
    %c0_i32 = arith.constant 0 : i32
    %c0_i32_0 = arith.constant 0 : i32
    return %arg1, %c0_i32 : i32, i32
  }
}

module attributes {stable_mosaic.version = 14 : i64} {
  func.func @_mlp_soft_body(%arg0: i32, %arg1: i32, %arg2: memref<2000x128xf32, #tpu.memory_space<vmem>>, %arg3: memref<2x2000x128xf32, #tpu.memory_space<vmem>>, %arg4: memref<128x128xf32, #tpu.memory_space<vmem>>, %arg5: memref<1x128xf32, #tpu.memory_space<vmem>>, %arg6: memref<128x1xf32, #tpu.memory_space<vmem>>, %arg7: memref<1x1xf32, #tpu.memory_space<vmem>>, %arg8: memref<1x1xf32, #tpu.memory_space<vmem>>, %arg9: memref<1x1xf32, #tpu.memory_space<vmem>>, %arg10: memref<10000x1xi32, #tpu.memory_space<vmem>>, %arg11: memref<10000x1xf32, #tpu.memory_space<vmem>>, %arg12: memref<10000x1xf32, #tpu.memory_space<vmem>>, %arg13: memref<2x1xf32, #tpu.memory_space<vmem>>) attributes {dimension_semantics = [#tpu.dimension_semantics<arbitrary>, #tpu.dimension_semantics<arbitrary>], iteration_bounds = array<i64: 2, 5>, scalar_prefetch = 0 : i64, scratch_operands = 2 : i64, tpu.core_type = #tpu.core_type<tc>, window_params = [{transform_indices = @transform_0, window_bounds = array<i64: 2000, 128>}, {transform_indices = @transform_1, window_bounds = array<i64: 2, 2000, 128>}, {pipeline_mode = #tpu.pipeline_mode<synchronous>, transform_indices = @transform_2, window_bounds = array<i64: 128, 128>}, {pipeline_mode = #tpu.pipeline_mode<synchronous>, transform_indices = @transform_3, window_bounds = array<i64: 1, 128>}, {pipeline_mode = #tpu.pipeline_mode<synchronous>, transform_indices = @transform_4, window_bounds = array<i64: 128, 1>}, {pipeline_mode = #tpu.pipeline_mode<synchronous>, transform_indices = @transform_5, window_bounds = array<i64: 1, 1>}, {pipeline_mode = #tpu.pipeline_mode<synchronous>, transform_indices = @transform_6, window_bounds = array<i64: 1, 1>}, {pipeline_mode = #tpu.pipeline_mode<synchronous>, transform_indices = @transform_7, window_bounds = array<i64: 1, 1>}, {pipeline_mode = #tpu.pipeline_mode<synchronous>, transform_indices = @transform_8, window_bounds = array<i64: 10000, 1>}, {pipeline_mode = #tpu.pipeline_mode<synchronous>, transform_indices = @transform_9, window_bounds = array<i64: 10000, 1>}]} {
    %eq3A = arith.constant 0 : i32
    %eq3A_0 = arith.cmpi eq, %arg0, %eq3A : i32
    %convert_element_type3A = arith.extui %eq3A_0 : i1 to i32
    %cond3A = arith.constant 0 : i32
    %cond3A_1 = arith.cmpi ne, %convert_element_type3A, %cond3A : i32
    scf.if %cond3A_1 {
      %get3A = arith.constant 0 : index
      %get3A_9 = arith.constant 0 : index
      %get3A_10 = vector.load %arg2[%get3A, %get3A_9] : memref<2000x128xf32, #tpu.memory_space<vmem>>, vector<2000x128xf32>
      %get3A_11 = arith.constant 0 : index
      %get3A_12 = arith.constant 0 : index
      %get3A_13 = arith.constant 0 : index
      %get3A_14 = vector.load %arg3[%get3A_11, %get3A_12, %get3A_13] : memref<2x2000x128xf32, #tpu.memory_space<vmem>>, vector<1x2000x128xf32>
      %get3A_15 = vector.shape_cast %get3A_14 : vector<1x2000x128xf32> to vector<2000x128xf32>
      %add3A = arith.addf %get3A_10, %get3A_15 : vector<2000x128xf32>
      %get3A_16 = arith.constant 1 : index
      %get3A_17 = arith.constant 0 : index
      %get3A_18 = arith.constant 0 : index
      %get3A_19 = vector.load %arg3[%get3A_16, %get3A_17, %get3A_18] : memref<2x2000x128xf32, #tpu.memory_space<vmem>>, vector<1x2000x128xf32>
      %get3A_20 = vector.shape_cast %get3A_19 : vector<1x2000x128xf32> to vector<2000x128xf32>
      %add3A_21 = arith.addf %add3A, %get3A_20 : vector<2000x128xf32>
      %get3A_22 = arith.constant 0 : index
      %get3A_23 = arith.constant 0 : index
      %get3A_24 = vector.load %arg4[%get3A_22, %get3A_23] : memref<128x128xf32, #tpu.memory_space<vmem>>, vector<128x128xf32>
      %dot_general3A = arith.constant dense<0.000000e+00> : vector<2000x128xf32>
      %dot_general3A_25 = tpu.matmul %add3A_21, %get3A_24, %dot_general3A {dimension_numbers = #tpu.dot_dimension_numbers<[1], [0], [0], [1], [0, 0, 1, 1], [], []>, transpose_lhs_hint = false} : vector<2000x128xf32>, vector<128x128xf32>, vector<2000x128xf32> -> vector<2000x128xf32>
      %get3A_26 = arith.constant 0 : index
      %get3A_27 = arith.constant 0 : index
      %get3A_28 = vector.load %arg5[%get3A_26, %get3A_27] : memref<1x128xf32, #tpu.memory_space<vmem>>, vector<1x128xf32>
      %add3A_29 = vector.broadcast %get3A_28 : vector<1x128xf32> to vector<2000x128xf32>
      %add3A_30 = arith.addf %dot_general3A_25, %add3A_29 : vector<2000x128xf32>
      %max3A = arith.constant 0.000000e+00 : f32
      %max3A_31 = vector.broadcast %max3A : f32 to vector<2000x128xf32>
      %max3A_32 = arith.maximumf %add3A_30, %max3A_31 : vector<2000x128xf32>
      %get3A_33 = arith.constant 0 : index
      %get3A_34 = arith.constant 0 : index
      %get3A_35 = vector.load %arg6[%get3A_33, %get3A_34] : memref<128x1xf32, #tpu.memory_space<vmem>>, vector<128x1xf32>
      %dot_general3A_36 = arith.constant dense<0.000000e+00> : vector<2000x1xf32>
      %dot_general3A_37 = tpu.matmul %max3A_32, %get3A_35, %dot_general3A_36 {dimension_numbers = #tpu.dot_dimension_numbers<[1], [0], [0], [1], [0, 0, 1, 1], [], []>, transpose_lhs_hint = false} : vector<2000x128xf32>, vector<128x1xf32>, vector<2000x1xf32> -> vector<2000x1xf32>
      %get3A_38 = arith.constant 0 : index
      %get3A_39 = arith.constant 0 : index
      %get3A_40 = vector.load %arg7[%get3A_38, %get3A_39] : memref<1x1xf32, #tpu.memory_space<vmem>>, vector<1x1xf32>
      %add3A_41 = vector.broadcast %get3A_40 : vector<1x1xf32> to vector<2000x1xf32>
      %add3A_42 = arith.addf %dot_general3A_37, %add3A_41 : vector<2000x1xf32>
      %mul3A = arith.constant 2000 : i32
      %mul3A_43 = arith.muli %arg1, %mul3A : i32
      %swap3A = arith.index_cast %mul3A_43 : i32 to index
      %swap3A_44 = arith.constant 0 : index
      %swap3A_45 = vector.load %arg12[%swap3A, %swap3A_44] : memref<10000x1xf32, #tpu.memory_space<vmem>>, vector<2000x1xf32>
      tpu.vector_store %arg12[%swap3A, %swap3A_44], %add3A_42 {strides = array<i32>} : memref<10000x1xf32, #tpu.memory_space<vmem>>, vector<2000x1xf32>,
      %reduce_sum3A = arith.constant dense<0.000000e+00> : vector<1xf32>
      %reduce_sum3A_46 = vector.multi_reduction <add>, %add3A_42, %reduce_sum3A [0] : vector<2000x1xf32> to vector<1xf32>
      %broadcast_in_dim3A = vector.shape_cast %reduce_sum3A_46 : vector<1xf32> to vector<1x1xf32>
      %mul3A_47 = arith.mulf %add3A_42, %add3A_42 : vector<2000x1xf32>
      %reduce_sum3A_48 = arith.constant dense<0.000000e+00> : vector<1xf32>
      %reduce_sum3A_49 = vector.multi_reduction <add>, %mul3A_47, %reduce_sum3A_48 [0] : vector<2000x1xf32> to vector<1xf32>
      %broadcast_in_dim3A_50 = vector.shape_cast %reduce_sum3A_49 : vector<1xf32> to vector<1x1xf32>
      %concatenate3A = tpu.concatenate %broadcast_in_dim3A, %broadcast_in_dim3A_50 in 0 : vector<1x1xf32>, vector<1x1xf32> -> vector<2x1xf32>
      %eq3A_51 = arith.constant 0 : i32
      %eq3A_52 = arith.cmpi eq, %arg1, %eq3A_51 : i32
      %convert_element_type3A_53 = arith.extui %eq3A_52 : i1 to i32
      %cond3A_54 = arith.constant 0 : i32
      %cond3A_55 = arith.cmpi ne, %convert_element_type3A_53, %cond3A_54 : i32
      scf.if %cond3A_55 {
        %broadcast_in_dim3A_63 = arith.constant 0.000000e+00 : f32
        %broadcast_in_dim3A_64 = vector.broadcast %broadcast_in_dim3A_63 : f32 to vector<2x1xf32>
        %swap3A_65 = arith.constant 0 : index
        %swap3A_66 = arith.constant 0 : index
        %swap3A_67 = vector.load %arg13[%swap3A_65, %swap3A_66] : memref<2x1xf32, #tpu.memory_space<vmem>>, vector<2x1xf32>
        tpu.vector_store %arg13[%swap3A_65, %swap3A_66], %broadcast_in_dim3A_64 {strides = array<i32>} : memref<2x1xf32, #tpu.memory_space<vmem>>, vector<2x1xf32>,
      } else {
      }
      %get3A_56 = arith.constant 0 : index
      %get3A_57 = arith.constant 0 : index
      %get3A_58 = vector.load %arg13[%get3A_56, %get3A_57] : memref<2x1xf32, #tpu.memory_space<vmem>>, vector<2x1xf32>
      %add3A_59 = arith.addf %get3A_58, %concatenate3A : vector<2x1xf32>
      %swap3A_60 = arith.constant 0 : index
      %swap3A_61 = arith.constant 0 : index
      %swap3A_62 = vector.load %arg13[%swap3A_60, %swap3A_61] : memref<2x1xf32, #tpu.memory_space<vmem>>, vector<2x1xf32>
      tpu.vector_store %arg13[%swap3A_60, %swap3A_61], %add3A_59 {strides = array<i32>} : memref<2x1xf32, #tpu.memory_space<vmem>>, vector<2x1xf32>,
    } else {
    }
    %eq3A_2 = arith.constant 1 : i32
    %eq3A_3 = arith.cmpi eq, %arg0, %eq3A_2 : i32
    %eq3A_4 = arith.constant 0 : i32
    %eq3A_5 = arith.cmpi eq, %arg1, %eq3A_4 : i32
    %and3A = arith.andi %eq3A_3, %eq3A_5 : i1
    %convert_element_type3A_6 = arith.extui %and3A : i1 to i32
    %cond3A_7 = arith.constant 0 : i32
    %cond3A_8 = arith.cmpi ne, %convert_element_type3A_6, %cond3A_7 : i32
    scf.if %cond3A_8 {
      %get3A = arith.constant 0 : index
      %get3A_9 = arith.constant 0 : index
      %get3A_10 = vector.load %arg13[%get3A, %get3A_9] : memref<2x1xf32, #tpu.memory_space<vmem>>, vector<1x1xf32>
      %mul3A = arith.constant 9.99999974E-5 : f32
      %mul3A_11 = vector.broadcast %mul3A : f32 to vector<1x1xf32>
      %mul3A_12 = arith.mulf %get3A_10, %mul3A_11 : vector<1x1xf32>
      %get3A_13 = arith.constant 1 : index
      %get3A_14 = arith.constant 0 : index
      %get3A_15 = vector.load %arg13[%get3A_13, %get3A_14] : memref<2x1xf32, #tpu.memory_space<vmem>>, vector<1x1xf32>
      %mul3A_16 = arith.constant 9.99999974E-5 : f32
      %mul3A_17 = vector.broadcast %mul3A_16 : f32 to vector<1x1xf32>
      %mul3A_18 = arith.mulf %get3A_15, %mul3A_17 : vector<1x1xf32>
      %mul3A_19 = arith.mulf %mul3A_12, %mul3A_12 : vector<1x1xf32>
      %sub3A = arith.subf %mul3A_18, %mul3A_19 : vector<1x1xf32>
      %get3A_20 = arith.constant 0 : index
      %get3A_21 = arith.constant 0 : index
      %get3A_22 = vector.load %arg12[%get3A_20, %get3A_21] : memref<10000x1xf32, #tpu.memory_space<vmem>>, vector<10000x1xf32>
      %sub3A_23 = vector.broadcast %mul3A_12 : vector<1x1xf32> to vector<10000x1xf32>
      %sub3A_24 = arith.subf %get3A_22, %sub3A_23 : vector<10000x1xf32>
      %add3A = arith.constant 9.99999974E-6 : f32
      %add3A_25 = vector.broadcast %add3A : f32 to vector<1x1xf32>
      %add3A_26 = arith.addf %sub3A, %add3A_25 : vector<1x1xf32>
      %rsqrt3A = math.rsqrt %add3A_26 : vector<1x1xf32>
      %mul3A_27 = vector.broadcast %rsqrt3A : vector<1x1xf32> to vector<10000x1xf32>
      %mul3A_28 = arith.mulf %sub3A_24, %mul3A_27 : vector<10000x1xf32>
      %get3A_29 = arith.constant 0 : index
      %get3A_30 = arith.constant 0 : index
      %get3A_31 = vector.load %arg8[%get3A_29, %get3A_30] : memref<1x1xf32, #tpu.memory_space<vmem>>, vector<1x1xf32>
      %mul3A_32 = vector.broadcast %get3A_31 : vector<1x1xf32> to vector<10000x1xf32>
      %mul3A_33 = arith.mulf %mul3A_28, %mul3A_32 : vector<10000x1xf32>
      %get3A_34 = arith.constant 0 : index
      %get3A_35 = arith.constant 0 : index
      %get3A_36 = vector.load %arg9[%get3A_34, %get3A_35] : memref<1x1xf32, #tpu.memory_space<vmem>>, vector<1x1xf32>
      %add3A_37 = vector.broadcast %get3A_36 : vector<1x1xf32> to vector<10000x1xf32>
      %add3A_38 = arith.addf %mul3A_33, %add3A_37 : vector<10000x1xf32>
      %mul3A_39 = arith.constant 2.000000e-01 : f32
      %mul3A_40 = vector.broadcast %mul3A_39 : f32 to vector<10000x1xf32>
      %mul3A_41 = arith.mulf %add3A_38, %mul3A_40 : vector<10000x1xf32>
      %broadcast_in_dim3A = vector.shape_cast %mul3A_41 : vector<10000x1xf32> to vector<10000x1xf32>
      %broadcast_in_dim3A_42 = vector.broadcast %broadcast_in_dim3A : vector<10000x1xf32> to vector<10000x128xf32>
      %iota3A = tpu.iota {dimensions = array<i32: 1>} : vector<10000x128xi32>
      %get3A_43 = arith.constant 0 : index
      %get3A_44 = arith.constant 0 : index
      %get3A_45 = vector.load %arg10[%get3A_43, %get3A_44] : memref<10000x1xi32, #tpu.memory_space<vmem>>, vector<10000x1xi32>
      %eq3A_46 = vector.broadcast %get3A_45 : vector<10000x1xi32> to vector<10000x128xi32>
      %eq3A_47 = arith.cmpi eq, %eq3A_46, %iota3A : vector<10000x128xi32>
      %broadcast_in_dim3A_48 = arith.constant 0xFF800000 : f32
      %broadcast_in_dim3A_49 = vector.broadcast %broadcast_in_dim3A_48 : f32 to vector<10000x128xf32>
      %select_n3A = arith.select %eq3A_47, %broadcast_in_dim3A_42, %broadcast_in_dim3A_49 : vector<10000x128xi1>, vector<10000x128xf32>
      %reduce_max3A = arith.constant dense<0xFF800000> : vector<128xf32>
      %reduce_max3A_50 = vector.multi_reduction <maximumf>, %select_n3A, %reduce_max3A [0] : vector<10000x128xf32> to vector<128xf32>
      %broadcast_in_dim3A_51 = vector.shape_cast %reduce_max3A_50 : vector<128xf32> to vector<1x128xf32>
      %broadcast_in_dim3A_52 = vector.shape_cast %broadcast_in_dim3A_51 : vector<1x128xf32> to vector<1x128xf32>
      %broadcast_in_dim3A_53 = vector.broadcast %broadcast_in_dim3A_52 : vector<1x128xf32> to vector<10000x128xf32>
      %jit3A = arith.constant 0.000000e+00 : f32
      %broadcast_in_dim3A_54 = vector.broadcast %jit3A : f32 to vector<10000x128xf32>
      %select_n3A_55 = arith.select %eq3A_47, %broadcast_in_dim3A_53, %broadcast_in_dim3A_54 : vector<10000x128xi1>, vector<10000x128xf32>
      %reduce_sum3A = arith.constant dense<0.000000e+00> : vector<10000xf32>
      %reduce_sum3A_56 = vector.multi_reduction <add>, %select_n3A_55, %reduce_sum3A [1] : vector<10000x128xf32> to vector<10000xf32>
      %broadcast_in_dim3A_57 = vector.shape_cast %reduce_sum3A_56 : vector<10000xf32> to vector<10000x1xf32>
      %sub3A_58 = arith.subf %mul3A_41, %broadcast_in_dim3A_57 : vector<10000x1xf32>
      %exp3A = math.exp %sub3A_58 : vector<10000x1xf32>
      %broadcast_in_dim3A_59 = vector.shape_cast %exp3A : vector<10000x1xf32> to vector<10000x1xf32>
      %broadcast_in_dim3A_60 = vector.broadcast %broadcast_in_dim3A_59 : vector<10000x1xf32> to vector<10000x128xf32>
      %jit3A_61 = arith.constant 0.000000e+00 : f32
      %broadcast_in_dim3A_62 = vector.broadcast %jit3A_61 : f32 to vector<10000x128xf32>
      %select_n3A_63 = arith.select %eq3A_47, %broadcast_in_dim3A_60, %broadcast_in_dim3A_62 : vector<10000x128xi1>, vector<10000x128xf32>
      %reduce_sum3A_64 = arith.constant dense<0.000000e+00> : vector<128xf32>
      %reduce_sum3A_65 = vector.multi_reduction <add>, %select_n3A_63, %reduce_sum3A_64 [0] : vector<10000x128xf32> to vector<128xf32>
      %broadcast_in_dim3A_66 = vector.shape_cast %reduce_sum3A_65 : vector<128xf32> to vector<1x128xf32>
      %broadcast_in_dim3A_67 = vector.shape_cast %broadcast_in_dim3A_66 : vector<1x128xf32> to vector<1x128xf32>
      %broadcast_in_dim3A_68 = vector.broadcast %broadcast_in_dim3A_67 : vector<1x128xf32> to vector<10000x128xf32>
      %jit3A_69 = arith.constant 0.000000e+00 : f32
      %broadcast_in_dim3A_70 = vector.broadcast %jit3A_69 : f32 to vector<10000x128xf32>
      %select_n3A_71 = arith.select %eq3A_47, %broadcast_in_dim3A_68, %broadcast_in_dim3A_70 : vector<10000x128xi1>, vector<10000x128xf32>
      %reduce_sum3A_72 = arith.constant dense<0.000000e+00> : vector<10000xf32>
      %reduce_sum3A_73 = vector.multi_reduction <add>, %select_n3A_71, %reduce_sum3A_72 [1] : vector<10000x128xf32> to vector<10000xf32>
      %broadcast_in_dim3A_74 = vector.shape_cast %reduce_sum3A_73 : vector<10000xf32> to vector<10000x1xf32>
      %add3A_75 = arith.constant 1.000000e-16 : f32
      %add3A_76 = vector.broadcast %add3A_75 : f32 to vector<10000x1xf32>
      %add3A_77 = arith.addf %broadcast_in_dim3A_74, %add3A_76 : vector<10000x1xf32>
      %div3A = arith.divf %exp3A, %add3A_77 : vector<10000x1xf32>
      %swap3A = arith.constant 0 : index
      %swap3A_78 = arith.constant 0 : index
      %swap3A_79 = vector.load %arg11[%swap3A, %swap3A_78] : memref<10000x1xf32, #tpu.memory_space<vmem>>, vector<10000x1xf32>
      tpu.vector_store %arg11[%swap3A, %swap3A_78], %div3A {strides = array<i32>} : memref<10000x1xf32, #tpu.memory_space<vmem>>, vector<10000x1xf32>,
    } else {
    }
    return
  }
  func.func @transform_0(%arg0: i32, %arg1: i32) -> (i32, i32) {
    %c0_i32 = arith.constant 0 : i32
    %c0_i32_0 = arith.constant 0 : i32
    return %arg1, %c0_i32 : i32, i32
  }
  func.func @transform_1(%arg0: i32, %arg1: i32) -> (i32, i32, i32) {
    %c0_i32 = arith.constant 0 : i32
    %c0_i32_0 = arith.constant 0 : i32
    %c0_i32_1 = arith.constant 0 : i32
    return %c0_i32, %arg1, %c0_i32_0 : i32, i32, i32
  }
  func.func @transform_2(%arg0: i32, %arg1: i32) -> (i32, i32) {
    %c0_i32 = arith.constant 0 : i32
    %c0_i32_0 = arith.constant 0 : i32
    %c0_i32_1 = arith.constant 0 : i32
    return %c0_i32, %c0_i32_0 : i32, i32
  }
  func.func @transform_3(%arg0: i32, %arg1: i32) -> (i32, i32) {
    %c0_i32 = arith.constant 0 : i32
    %c0_i32_0 = arith.constant 0 : i32
    %c0_i32_1 = arith.constant 0 : i32
    return %c0_i32, %c0_i32_0 : i32, i32
  }
  func.func @transform_4(%arg0: i32, %arg1: i32) -> (i32, i32) {
    %c0_i32 = arith.constant 0 : i32
    %c0_i32_0 = arith.constant 0 : i32
    %c0_i32_1 = arith.constant 0 : i32
    return %c0_i32, %c0_i32_0 : i32, i32
  }
  func.func @transform_5(%arg0: i32, %arg1: i32) -> (i32, i32) {
    %c0_i32 = arith.constant 0 : i32
    %c0_i32_0 = arith.constant 0 : i32
    %c0_i32_1 = arith.constant 0 : i32
    return %c0_i32, %c0_i32_0 : i32, i32
  }
  func.func @transform_6(%arg0: i32, %arg1: i32) -> (i32, i32) {
    %c0_i32 = arith.constant 0 : i32
    %c0_i32_0 = arith.constant 0 : i32
    %c0_i32_1 = arith.constant 0 : i32
    return %c0_i32, %c0_i32_0 : i32, i32
  }
  func.func @transform_7(%arg0: i32, %arg1: i32) -> (i32, i32) {
    %c0_i32 = arith.constant 0 : i32
    %c0_i32_0 = arith.constant 0 : i32
    %c0_i32_1 = arith.constant 0 : i32
    return %c0_i32, %c0_i32_0 : i32, i32
  }
  func.func @transform_8(%arg0: i32, %arg1: i32) -> (i32, i32) {
    %c0_i32 = arith.constant 0 : i32
    %c0_i32_0 = arith.constant 0 : i32
    %c0_i32_1 = arith.constant 0 : i32
    return %c0_i32, %c0_i32_0 : i32, i32
  }
  func.func @transform_9(%arg0: i32, %arg1: i32) -> (i32, i32) {
    %c0_i32 = arith.constant 0 : i32
    %c0_i32_0 = arith.constant 0 : i32
    %c0_i32_1 = arith.constant 0 : i32
    return %c0_i32, %c0_i32_0 : i32, i32
  }
}

</mosaic_0001>

<sc_bundles>
// kernel: kernel.11.cloned.1.call-start
scs
__scs_entry_jumppad:
0x0: {  	(pc) =	sbr.rel $0x88, $3  }
0x1: {  	(tag) =	ssettag $0x0;
	lr =	simm.s32 $0x1  }
0x2: {  	[smem:$0x3F8C] =	sst lr;
	_ =	strace $0xD0000000  }
0x3: {  	_ = 	snop  }
0x4: {  	_ = 	snop  }
0x5: {  	_ = 	snop  }
0x6: {  	_ = 	snop  }
0x7: {  	_ = 	snop  }
__scs_overlays_trampoline_lowered:
0x8: {  	[smem:$0x3F9B] =	sst s0  }
0x9: {  	[smem:$0x3F9C] =	sst s1  }
0xa: {  	[smem:$0x3F9D] =	sst s2  }
0xb: {  	[smem:$0x3F9E] =	sst s3  }
0xc: {  	[smem:$0x3F9F] =	sst s4  }
0xd: {  	[smem:$0x3FA0] =	sst s5  }
0xe: {  	[smem:$0x3FA1] =	sst s6  }
0xf: {  	[smem:$0x3FA2] =	sst s7  }
0x10: {  	[smem:$0x3FA3] =	sst s8  }
0x11: {  	[smem:$0x3FA4] =	sst s9;
	s0 =	simm.s32 @!p0 $0x0  }
0x12: {  	s1 =	sld [smem:$0x3F8A];
	s0 =	simm.s32 @p0 $0x1  }
0x13: {  	[smem:$0x3FA5] =	sst s0;
	s0 =	simm.s32 @!p1 $0x0  }
0x14: {  	s2 =	sld [smem:$0x3F89];
	s0 =	simm.s32 @p1 $0x1  }
0x15: {  	[smem:$0x3FA6] =	sst s0;
	s0 =	simm.s32 @!p2 $0x0  }
0x16: {  	s3 =	sld [smem:$0x3FDB];
	s0 =	simm.s32 @p2 $0x1  }
0x17: {  	s4 =	simm.s32 $0x1BF5;
	[smem:$0x3FA8] =	sst s0  }
0x18: {  	s0 =	sld [smem:$0x3F8B];
	_ =	swait.ge [sflag:s4], $0x0  }
0x19: {  	s7 =	sld [smem:$0x3F8C]  }
0x1a: {  	s8 =	sadd.s32 $0xFFFFE003, lr  }
0x1b: {  	s9 =	sadd.s32 $0xFFFFFEF7, lr;
	s5 =	simm.s32 $0xFFFFFFFF;
	p2 =	slt.u32 s8, $0xFFFFF086  }
0x1c: {  	p1 =	slt.u32 s9, $0xF7A;
	s5 =	simm.s32 @!p2 $0x0  }
0x1d: {  	s5 =	simm.s32 @p1 $0x1;
	p0 =	seq.s32 s7, s2  }
0x1e: {  	s7 =	smul.u32 @!p0 $0xF7A, s2;
	p2 =	seq.s32 @!p0 s5, $0x0  }
0x1f: {  	s9 =	smul.u32 $0xF7A, s1;
	s8 =	simm.s32 @!p0 $0x1BF5;
	p2 =	por !p2, p0  }
0x20: {  	[sflag:s8] =	ssyncset.s32 @!p0 $0xFFFFF086;
	s6 =	sadd.s32 @!p0 s3, s7;
	s7 =	simm.s32 @!p0 $0x108  }
0x21: {  	s3 =	sadd.s32 s3, s9;
	s6 =	sadd.s32 @!p0 $0x88, s6;
	s7 =	simm.s32 @p2 $0x1082  }
0x22: {  	[simem:s7], [sflag:s8] =	dma.local @!p0 [hbm:s6], $0xF7A  }
0x23: {  	s9 =	sor.u32 $0xD0000000, s2;
	s6 =	simm.s32 $0x108;
	_ =	swait.ge @!p0 [sflag:s8], $0x0  }
0x24: {  	s3 =	sadd.s32 $0x88, s3;
	s6 =	simm.s32 @!p1 $0x1082;
	[sflag:s4] =	ssyncset.s32 $0xFFFFF086  }
0x25: {  	[simem:s6], [sflag:s4] =	dma.local [hbm:s3], $0xF7A  }
0x26: {  	[smem:$0x3F8C] =	sst s1;
	(tag) =	ssettag s2;
	_ =	strace s9  }
0x27: {  	s1 =	sld [smem:$0x3F9C]  }
0x28: {  	s2 =	sld [smem:$0x3F9D]  }
0x29: {  	s4 =	sld [smem:$0x3F9F]  }
0x2a: {  	p0 =	seq.s32 s5, $0x0;
	s5 =	sld [smem:$0x3FA0]  }
0x2b: {  	s6 =	sld [smem:$0x3FA1]  }
0x2c: {  	s7 =	sld [smem:$0x3FA2]  }
0x2d: {  	s3 =	simm.s32 $0x108;
	s8 =	sld [smem:$0x3FA3]  }
0x2e: {  	s3 =	simm.s32 @!p0 $0x1082;
	s9 =	sld [smem:$0x3FA4]  }
0x2f: {  	lr =	sadd.s32 s0, s3;
	s0 =	sld [smem:$0x3F9B]  }
0x30: {  	s3 =	sld [smem:$0x3F9E]  }
0x31: {  	[smem:$0x3FA7] =	sst s10  }
0x32: {  	s10 =	sld [smem:$0x3FA5];
	_ =	sdelay $0x3  }
0x33: {  	p0 =	seq.s32 s10, $0x1;
	s10 =	sld [smem:$0x3FA7];
	_ =	sdelay $0x3  }
0x34: {  	[smem:$0x3FA7] =	sst s10  }
0x35: {  	s10 =	sld [smem:$0x3FA6];
	_ =	sdelay $0x3  }
0x36: {  	p1 =	seq.s32 s10, $0x1;
	s10 =	sld [smem:$0x3FA7];
	_ =	sdelay $0x3  }
0x37: {  	[smem:$0x3FA7] =	sst s10  }
0x38: {  	s10 =	sld [smem:$0x3FA8]  }
0x39: {  	_ = 	snop;
	(pc) =	sbr.ind lr, $3  }
0x3a: {  	_ = 	snop  }
0x3b: {  	_ = 	snop  }
0x3c: {  	p2 =	seq.s32 s10, $0x1;
	s10 =	sld [smem:$0x3FA7]  }
0x3d: {  	_ =	shalt  }
0x3e: {  	_ =	shalt  }
0x3f: {  	_ =	shalt  }
0x40: {  	_ =	shalt  }
0x41: {  	_ =	shalt  }
0x42: {  	_ =	shalt  }
0x43: {  	_ =	shalt  }
0x44: {  	_ =	shalt  }
0x45: {  	_ =	shalt  }
0x46: {  	_ =	shalt  }
0x47: {  	_ =	shalt  }
0x48: {  	_ =	shalt  }
0x49: {  	_ =	shalt  }
0x4a: {  	_ =	shalt  }
0x4b: {  	_ =	shalt  }
0x4c: {  	_ =	shalt  }
0x4d: {  	_ =	shalt  }
0x4e: {  	_ =	shalt  }
0x4f: {  	_ =	shalt  }
0x50: {  	_ =	shalt  }
0x51: {  	_ =	shalt  }
0x52: {  	_ =	shalt  }
0x53: {  	_ =	shalt  }
0x54: {  	_ =	shalt  }
0x55: {  	_ =	shalt  }
0x56: {  	_ =	shalt  }
0x57: {  	_ =	shalt  }
0x58: {  	_ =	shalt  }
0x59: {  	_ =	shalt  }
0x5a: {  	_ =	shalt  }
0x5b: {  	_ =	shalt  }
0x5c: {  	_ =	shalt  }
0x5d: {  	_ =	shalt  }
0x5e: {  	_ =	shalt  }
0x5f: {  	_ =	shalt  }
0x60: {  	_ =	shalt  }
0x61: {  	_ =	shalt  }
0x62: {  	_ =	shalt  }
0x63: {  	_ =	shalt  }
0x64: {  	_ =	shalt  }
0x65: {  	_ =	shalt  }
0x66: {  	_ =	shalt  }
0x67: {  	_ =	shalt  }
0x68: {  	_ =	shalt  }
0x69: {  	_ =	shalt  }
0x6a: {  	_ =	shalt  }
0x6b: {  	_ =	shalt  }
0x6c: {  	_ =	shalt  }
0x6d: {  	_ =	shalt  }
0x6e: {  	_ =	shalt  }
0x6f: {  	_ =	shalt  }
0x70: {  	_ =	shalt  }
0x71: {  	_ =	shalt  }
0x72: {  	_ =	shalt  }
0x73: {  	_ =	shalt  }
0x74: {  	_ =	shalt  }
0x75: {  	_ =	shalt  }
0x76: {  	_ =	shalt  }
0x77: {  	_ =	shalt  }
0x78: {  	_ =	shalt  }
0x79: {  	_ =	shalt  }
0x7a: {  	_ =	shalt  }
0x7b: {  	_ =	shalt  }
0x7c: {  	_ =	shalt  }
0x7d: {  	_ =	shalt  }
0x7e: {  	_ =	shalt  }
0x7f: {  	_ =	shalt  }
0x80: {  	_ =	shalt  }
0x81: {  	_ =	shalt  }
0x82: {  	_ =	shalt  }
0x83: {  	_ =	shalt  }
0x84: {  	_ =	shalt  }
0x85: {  	_ =	shalt  }
0x86: {  	_ =	shalt  }
0x87: {  	_ =	shalt  }
.Lfunc_end0:
.L_simem_size_0:
called_computation.1_lowered:
.L_overlay_start_0:
0x88: {  	s2 =	sld [smem:$0x3FD9]  }
0x89: {  	s3 =	sld [smem:$0x3FFE];
	_ =	sdelay $0x1  }
0x8a: {  	s1 =	srdreg.scid  }
0x8b: {  	s0 =	sand.u32 $0x1, s1  }
0x8c: {  	s16 =	sshll.u32 s0, $0xA;
	s2 =	sadd.s32 s3, s2  }
0x8d: {  	s2 =	sadd.s32 s2, s16  }
0x8e: {  	[smem:$0x3FB3] =	sst s2  }
0x8f: {  	_ = 	snop  }
0x90: {  	(tm) =	ssettm $0x1  }
0x91: {  	s17 =	sld [smem:$0x3FFB];
	_ =	sdelay $0x3  }
0x92: {  	_ =	strace s17  }
0x93: {  	s2 =	sld [smem:$0x3FFC];
	_ =	sdelay $0x3  }
0x94: {  	_ =	strace s2  }
0x95: {  	s2 =	sld [smem:$0x3FFD];
	_ =	sdelay $0x3  }
0x96: {  	_ =	strace s2  }
0x97: {  	_ =	strace $0x8FFFFFFF  }
0x98: {  	s18 =	sld [smem:$0x3FDB];
	_ =	sdelay $0x1  }
0x99: {  	s19 =	simm.s32 $_scs_section_size  }
0x9a: {  	s4 =	simm.s32 $_size__tile_overlayer_lowered;
	s5 =	simm.s32 $_tile_overlayer_lowered  }
0x9b: {  	s22 =	simm.s32 $0x1BFF;
	s21 =	sshll.u32 s5, $0x1;
	s2 =	sadd.s32 s19, s18  }
0x9c: {  	s6 =	simm.s32 $0x0;
	s20 =	sshll.u32 s4, $0x1;
	s4 =	sadd.s32 s21, s2  }
0x9d: {  	[timem:s6], [sflag:s22] =	dma.local [hbm:s4], s20  }
0x9e: {  	_ =	swait.ge [sflag:s22], s20  }
0x9f: {  	s3 =	ssub.s32 $0x0, s20;
	[sflag:s22] =	ssyncset.done $0x0  }
0xa0: {  	[sflag:s22] =	ssyncadd.s32 s3;
	_ =	sdelay $0x1  }
0xa1: {  	s23 =	simm.s32 $0x1B8B  }
0xa2: {  	_ =	swait.ge [sflag:s23], $0x1  }
0xa3: {  	[sflag:s23] =	ssyncset.done $0x0  }
0xa4: {  	s25 =	simm.s32 $0x1B8E;
	s24 =	sld [smem:$0x3FFE];
	[sflag:s23] =	ssyncadd.s32 $0xFFFFFFFF  }
0xa5: {  	s26 =	simm.s32 $execute0_lowered;
	[smem:$0x3FD2] =	sst s25  }
0xa6: {  	s4 =	sshll.u32 s26, $0x1;
	_ =	strace $0x80000049;
	[dreg:$0x1] =	wrdreg $0xFFFFFFFF  }
0xa7: {  	s28 =	simm.s32 $_size_execute0_lowered;
	s2 =	sadd.s32 s2, s4;
	[dreg:$0x0] =	wrdreg $0x0  }
0xa8: {  	s4 =	sshll.u32 s28, $0x1;
	[dreg:$0x2] =	wrdreg s2  }
0xa9: {  	[dreg:$0x3] =	wrdreg s4  }
0xaa: {  	[dreg:$0x4] =	wrdreg $0xC0  }
0xab: {  	_ =	task [dreg:s6], $0x5FFFF  }
0xac: {  	[dreg:$0x1] =	wrdreg $0xFFFFFFFF  }
0xad: {  	[dreg:$0x0] =	wrdreg $0x60  }
0xae: {  	[dreg:$0x2] =	wrdreg s24  }
0xaf: {  	[dreg:$0x3] =	wrdreg $0xA8000  }
0xb0: {  	[dreg:$0x4] =	wrdreg $0x9  }
0xb1: {  	_ =	task.clear_ibuf [dreg:s6], $0x5FFFF;
	_ =	strace $0x90000049  }
0xb2: {  	s29 =	simm.s32 $0x9;
	_ =	strace $0x8000004B  }
0xb3: {  	_ =	swait.ge [sflag:s29], $0x1  }
0xb4: {  	[sflag:s29] =	ssyncadd.s32 $0xFFFFFFFF  }
0xb5: {  	_ =	strace $0x9000004B  }
0xb6: {  	_ =	sfence  }
0xb7: {  	s30 =	sld [smem:$0x0];
	_ =	sdelay $0x2  }
0xb8: {  	s31 =	sshll.u32 s1, $0xD;
	s1 =	sshrl.u32 s1, $0x2  }
0xb9: {  	s3 =	sand.u32 $0x4000, s31;
	s1 =	sadd.s32 s1, s30  }
0xba: {  	s0 =	sor.u32 s3, s0;
	s1 =	sshll.u32 s1, $0x11  }
0xbb: {  	s0 =	sor.u32 s1, s0  }
0xbc: {  	s0 =	sadd.s32 $0x8F2B, s0  }
0xbd: {  	[sflag:s0] =	ssyncadd.remote.s32 $0x1  }
0xbe: {  	_ =	sfence.sel $0xFFFF  }
0xbf: {  	[dreg:$0x0] =	wrdreg $0xFFFFFFFF;
	(pc) =	sbr.abs _section_cstart, $3  }
0xc0: {  	[dreg:$0x1] =	wrdreg $0xFFFFFFFF  }
0xc1: {  	_ =	task.clear_ibuf [dreg:s6], $0x2FFFF;
	_ =	strace $0x9FFFFFFF  }
0xc2: {  	(tm) =	ssettm $0x7FFFFFFF  }
0xc3: {  	_ =	shalt  }
tec
execute0_lowered:
.L_overlay_start_1:
0x0: {  	(tag) =	ssettag $0x1  }
0x1: {  	s0 =	rddreg [dreg:$0x0]  }
0x2: {  	s2 =	rddreg [dreg:$0x1]  }
0x3: {  	s3 =	simm.s32 $0x0;
	s9 =	stileid.u32;
	s5 =	srdreg.scid  }
0x4: {  	s21 =	simm.s32 $0x1400;
	s28 =	simm.s32 $0x1;
	s29 =	simm.s32 $0x2  }
0x5: {  	s30 =	simm.s32 $0x1380;
	s31 =	simm.s32 $0x2700;
	[smem:$0x7FF] =	sst s3  }
0x6: {  	s1 =	smul.u32 $0x4E000, s9;
	s4 =	sadd.s32 $0x18000, s0;
	s6 =	sadd.s32 $0x4000, s0  }
0x7: {  	s0 =	sadd.s32 $0x3F200, s0;
	s7 =	sand.u32 $0x1, s5;
	s25 =	sadd.s32 $0x128800, s2  }
0x8: {  	s8 =	sshll.u32 s9, $0x1;
	s26 =	sadd.s32 $0x12C800, s2;
	s13 =	sadd.s32 $0x130800, s2  }
0x9: {  	s18 =	smul.u32 $0x13800, s9;
	s15 =	sadd.s32 $0x138800, s2;
	p0 =	seq.s32 s9, $0xF  }
0xa: {  	_ =	strace $0x8000004A;
	s22 =	ssub.s32 $0x2, s7;
	[dreg:$0x6] =	wrdreg s25  }
0xb: {  	s11 =	sor.u32 s7, s8;
	s8 =	sadd.s32 $0x124800, s2;
	[dreg:$0x7] =	wrdreg s26  }
0xc: {  	s7 =	smul.u32 $0x139400, s7;
	s25 =	simm.s32 $0x2800;
	s26 =	simm.s32 $0x6800  }
0xd: {  	s1 =	sshrl.u32 s1, $0x2;
	s16 =	smul.u32 $0x500, s11;
	s14 =	sshrl.u32 s22, $0x1  }
0xe: {  	s17 =	smul.u32 $0x2800, s11;
	s5 =	sadd.s32 s1, s2;
	s1 =	ssub.s32 s22, s14  }
0xf: {  	s14 =	sadd.s32 $0x134800, s2;
	s18 =	sadd.s32 s18, s7;
	s7 =	sshrl.u32 s7, $0x3  }
0x10: {  	s22 =	simm.s32 $0x50000;
	s23 =	sadd.s32 $0x4000, s5;
	s24 =	sadd.s32 $0x8000, s5  }
0x11: {  	s10 =	sadd.s32 $0xC000, s5;
	s12 =	sadd.s32 $0x10000, s5;
	s16 =	sadd.s32 s6, s16  }
0x12: {  	s17 =	sshrl.u32 s17, $0x3;
	s18 =	sshrl.u32 s18, $0x3;
	[dreg:$0x3] =	wrdreg s23  }
0x13: {  	s20 =	smax.u32 s1, $0x1;
	s1 =	simm.s32 $0x0;
	[dreg:$0x4] =	wrdreg s24  }
0x14: {  	[dreg:$0x5] =	wrdreg s10;
	s6 =	sadd.s32 s6, s17;
	s18 =	sadd.s32 s0, s18  }
0x15: {  	s0 =	sadd.s32 s0, s7;
	s23 =	simm.s32 $0x3;
	s24 =	simm.s32 $0x80  }
0x16: {  	v0 =	vimm.f32 $0.0e+00;
	s17 =	sadd.s32 $0x280, s6;
	s19 =	sadd.s32 $0x24900, s0;
	s0 =	simm.s32 $0x2780  }
.LBB2_1:
0x17: {  	s6 =	simm.s32 $0x0;
	s7 =	simm.s32 $0x200  }
.LBB2_2:
0x18: {  	p1 =	sne.s32 s7, $0xFE00;
	[tilespmem:s6+$0x2870] =	vst v0  }
0x19: {  	[tilespmem:s6+$0x2800] =	vst v0  }
0x1a: {  	[tilespmem:s6+$0x2810] =	vst v0  }
.Ltmp0:
0x1b: {  	[tilespmem:s6+$0x2820] =	vst v0;
	(pc) =	sbr.rel @p1 .LBB2_2-.Ltmp0, $4  }
0x1c: {  	[tilespmem:s6+$0x2830] =	vst v0  }
0x1d: {  	[tilespmem:s6+$0x2840] =	vst v0  }
0x1e: {  	[tilespmem:s6+$0x2850] =	vst v0  }
0x1f: {  	[tilespmem:s6+$0x2860] =	vst v0;
	s6 =	sshra.s32 s7, $0x2;
	s7 =	sadd.s32 $0x200, s7  }
0x20: {  	[tilespmem:s6+$0x2870] =	vst v0  }
0x21: {  	[tilespmem:s6+$0x2800] =	vst v0  }
0x22: {  	[tilespmem:s6+$0x2810] =	vst v0  }
0x23: {  	[tilespmem:s6+$0x2820] =	vst v0  }
0x24: {  	[tilespmem:s6+$0x2830] =	vst v0  }
0x25: {  	[tilespmem:s6+$0x2840] =	vst v0  }
0x26: {  	[tilespmem:s6+$0x2850] =	vst v0  }
0x27: {  	[tilespmem:s6+$0x2860] =	vst v0;
	s6 =	simm.s32 @p0 $0x2800;
	s7 =	simm.s32 @p0 $0x3  }
0x28: {  	[spmem:s8] =	stream.linear.scatter @p0 [tilespmem:s6], [sflag:$0x3], $0x4000, $0x38;
	[tilespmem:$0x1E140] =	vst v63  }
0x29: {  	_ =	swait.ge @p0 [sflag:s7], $0x4000  }
0x2a: {  	[sflag:s7] =	ssyncset.done @p0 $0x0  }
0x2b: {  	s9 =	rddreg [dreg:$0x6];
	[sflag:s7] =	ssyncadd.s32 @p0 $0xFFFFC000  }
0x2c: {  	[spmem:s9] =	stream.linear.scatter @p0 [tilespmem:s6], [sflag:$0x3], $0x4000, $0x38;
	[tilespmem:$0x1E140] =	vst v63  }
0x2d: {  	_ =	swait.ge @p0 [sflag:s7], $0x4000  }
0x2e: {  	[sflag:s7] =	ssyncset.done @p0 $0x0  }
0x2f: {  	s9 =	rddreg [dreg:$0x7];
	[sflag:s7] =	ssyncadd.s32 @p0 $0xFFFFC000  }
0x30: {  	[spmem:s9] =	stream.linear.scatter @p0 [tilespmem:s6], [sflag:$0x3], $0x4000, $0x38;
	[tilespmem:$0x1E140] =	vst v63  }
0x31: {  	_ =	swait.ge @p0 [sflag:s7], $0x4000  }
0x32: {  	[sflag:s7] =	ssyncset.done @p0 $0x0  }
0x33: {  	[sflag:s7] =	ssyncadd.s32 @p0 $0xFFFFC000  }
0x34: {  	[spmem:s13] =	stream.linear.scatter @p0 [tilespmem:s6], [sflag:$0x3], $0x4000, $0x38;
	[tilespmem:$0x1E140] =	vst v63  }
0x35: {  	_ =	swait.ge @p0 [sflag:s7], $0x4000  }
0x36: {  	[sflag:s7] =	ssyncset.done @p0 $0x0  }
0x37: {  	[sflag:s7] =	ssyncadd.s32 @p0 $0xFFFFC000  }
0x38: {  	[spmem:s14] =	stream.linear.scatter @p0 [tilespmem:s6], [sflag:$0x3], $0x4000, $0x38;
	[tilespmem:$0x1E140] =	vst v63  }
0x39: {  	_ =	swait.ge @p0 [sflag:s7], $0x4000  }
0x3a: {  	[sflag:s7] =	ssyncset.done @p0 $0x0  }
0x3b: {  	[sflag:s7] =	ssyncadd.s32 @p0 $0xFFFFC000  }
0x3c: {  	[spmem:s15] =	stream.linear.scatter @p0 [tilespmem:s6], [sflag:$0x3], $0xC00, $0x38;
	[tilespmem:$0x1E140] =	vst v63  }
0x3d: {  	_ =	swait.ge @p0 [sflag:s7], $0xC00  }
0x3e: {  	[sflag:s7] =	ssyncset.done @p0 $0x0  }
0x3f: {  	s6 =	simm.s32 @!p0 $0x2800;
	[sflag:s7] =	ssyncadd.s32 @p0 $0xFFFFF400;
	s7 =	simm.s32 @!p0 $0x3  }
0x40: {  	[spmem:s5] =	stream.linear.scatter @!p0 [tilespmem:s6], [sflag:$0x3], $0x4000, $0x38;
	[tilespmem:$0x1E140] =	vst v63  }
0x41: {  	_ =	swait.ge @!p0 [sflag:s7], $0x4000  }
0x42: {  	[sflag:s7] =	ssyncset.done @!p0 $0x0  }
0x43: {  	s9 =	rddreg [dreg:$0x3];
	[sflag:s7] =	ssyncadd.s32 @!p0 $0xFFFFC000  }
0x44: {  	[spmem:s9] =	stream.linear.scatter @!p0 [tilespmem:s6], [sflag:$0x3], $0x4000, $0x38;
	[tilespmem:$0x1E140] =	vst v63  }
0x45: {  	_ =	swait.ge @!p0 [sflag:s7], $0x4000  }
0x46: {  	[sflag:s7] =	ssyncset.done @!p0 $0x0  }
0x47: {  	s9 =	rddreg [dreg:$0x4];
	[sflag:s7] =	ssyncadd.s32 @!p0 $0xFFFFC000  }
0x48: {  	[spmem:s9] =	stream.linear.scatter @!p0 [tilespmem:s6], [sflag:$0x3], $0x4000, $0x38;
	[tilespmem:$0x1E140] =	vst v63  }
0x49: {  	_ =	swait.ge @!p0 [sflag:s7], $0x4000  }
0x4a: {  	[sflag:s7] =	ssyncset.done @!p0 $0x0  }
0x4b: {  	s9 =	rddreg [dreg:$0x5];
	[sflag:s7] =	ssyncadd.s32 @!p0 $0xFFFFC000  }
0x4c: {  	[spmem:s9] =	stream.linear.scatter @!p0 [tilespmem:s6], [sflag:$0x3], $0x4000, $0x38;
	[tilespmem:$0x1E140] =	vst v63  }
0x4d: {  	_ =	swait.ge @!p0 [sflag:s7], $0x4000  }
0x4e: {  	[sflag:s7] =	ssyncset.done @!p0 $0x0  }
0x4f: {  	[sflag:s7] =	ssyncadd.s32 @!p0 $0xFFFFC000  }
0x50: {  	[spmem:s12] =	stream.linear.scatter @!p0 [tilespmem:s6], [sflag:$0x3], $0x3800, $0x38;
	[tilespmem:$0x1E140] =	vst v63  }
0x51: {  	_ =	swait.ge @!p0 [sflag:s7], $0x3800  }
0x52: {  	[sflag:s7] =	ssyncset.done @!p0 $0x0  }
0x53: {  	[sflag:s7] =	ssyncadd.s32 @!p0 $0xFFFFC800  }
0x54: {  	[tilespmem:s3], [sflag:$0x3] =	stream.strided.gather [hbm4b:s16+s21], $0x2800, s22, s21, $0x38;
	[tilespmem:$0x1E140] =	vst v63  }
0x55: {  	_ =	swait.ge [sflag:s23], $0x2800  }
0x56: {  	[sflag:s23] =	ssyncset.done $0x0  }
0x57: {  	[sflag:s23] =	ssyncadd.s32 $0xFFFFD800  }
0x58: {  	[tilespmem:s25], [sflag:$0x1] =	stream.indirect.gather [hbm4b:s4+s24], $0x80, s3, s24, $0xb8;
	[tilespmem:$0x1E140] =	vst v63  }
0x59: {  	s7 =	simm.s32 $0x80;
	[bflag:$0x0] =	sbarrier.arrive $0xFFFF  }
0x5a: {  	[tilespmem:s26], [sflag:$0x2] =	stream.indirect.gather [hbm4b:s4+s24], $0x80, s7, s24, $0xb8;
	[tilespmem:$0x1E140] =	vst v63  }
0x5b: {  	_ =	swait.ge [sflag:s28], $0x4000  }
0x5c: {  	[sflag:s28] =	ssyncset.done $0x0  }
0x5d: {  	s9 =	simm.s32 $0x1400;
	[sflag:s28] =	ssyncadd.s32 $0xFFFFC000  }
0x5e: {  	[spmem:s2] =	stream.indirect.scatter.add.f32 [tilespmem:s25], [sflag:$0x3], $0x80, s9, s24, $0xb8;
	[tilespmem:$0x1E140] =	vst v63  }
0x5f: {  	_ =	swait.ge [sflag:s23], $0x4000  }
0x60: {  	[sflag:s23] =	ssyncset.done $0x0  }
0x61: {  	s10 =	simm.s32 $0x100;
	[sflag:s23] =	ssyncadd.s32 $0xFFFFC000  }
0x62: {  	[tilespmem:s25], [sflag:$0x1] =	stream.indirect.gather [hbm4b:s4+s24], $0x80, s10, s24, $0xb8;
	[tilespmem:$0x1E140] =	vst v63  }
0x63: {  	_ =	swait.ge [sflag:s29], $0x4000  }
0x64: {  	[sflag:s29] =	ssyncset.done $0x0  }
0x65: {  	s11 =	simm.s32 $0x1480;
	[sflag:s29] =	ssyncadd.s32 $0xFFFFC000  }
0x66: {  	[spmem:s2] =	stream.indirect.scatter.add.f32 [tilespmem:s26], [sflag:$0x3], $0x80, s11, s24, $0xb8;
	[tilespmem:$0x1E140] =	vst v63  }
0x67: {  	_ =	swait.ge [sflag:s23], $0x4000  }
0x68: {  	s6 =	simm.s32 $0x200;
	s7 =	simm.s32 $0xC00;
	[sflag:s23] =	ssyncset.done $0x0  }
.LBB2_4:
0x69: {  	s9 =	sadd.s32 $0xFFFFFF80, s6  }
0x6a: {  	[sflag:s23] =	ssyncadd.s32 $0xFFFFC000;
	s10 =	smov.u32 s7;
	s11 =	sadd.s32 $0x400, s7  }
0x6b: {  	[tilespmem:s26], [sflag:$0x2] =	stream.indirect.gather [hbm4b:s4+s24], $0x80, s9, s24, $0xb8;
	[tilespmem:$0x1E140] =	vst v63  }
0x6c: {  	p1 =	sne.s32 s7, $0x4C00;
	_ =	swait.ge [sflag:s28], $0x4000  }
0x6d: {  	[sflag:s28] =	ssyncset.done $0x0  }
0x6e: {  	s7 =	sadd.s32 $0x1300, s6;
	[sflag:s28] =	ssyncadd.s32 $0xFFFFC000  }
0x6f: {  	[spmem:s2] =	stream.indirect.scatter.add.f32 [tilespmem:s25], [sflag:$0x3], $0x80, s7, s24, $0xb8;
	[tilespmem:$0x1E140] =	vst v63  }
0x70: {  	_ =	swait.ge [sflag:s23], $0x4000  }
0x71: {  	[sflag:s23] =	ssyncset.done $0x0  }
0x72: {  	[sflag:s23] =	ssyncadd.s32 $0xFFFFC000  }
0x73: {  	[tilespmem:s25], [sflag:$0x1] =	stream.indirect.gather [hbm4b:s4+s24], $0x80, s6, s24, $0xb8;
	[tilespmem:$0x1E140] =	vst v63  }
0x74: {  	_ =	swait.ge [sflag:s29], $0x4000  }
.Ltmp1:
0x75: {  	[sflag:s29] =	ssyncset.done $0x0;
	(pc) =	sbr.rel @p1 .LBB2_4-.Ltmp1, $4  }
0x76: {  	s6 =	sadd.s32 $0x1380, s6;
	[sflag:s29] =	ssyncadd.s32 $0xFFFFC000  }
0x77: {  	[spmem:s2] =	stream.indirect.scatter.add.f32 [tilespmem:s26], [sflag:$0x3], $0x80, s6, s24, $0xb8;
	[tilespmem:$0x1E140] =	vst v63  }
0x78: {  	_ =	swait.ge [sflag:s23], $0x4000  }
0x79: {  	s7 =	smov.u32 s11;
	s6 =	sshra.s32 s10, $0x2;
	[sflag:s23] =	ssyncset.done $0x0  }
0x7a: {  	s7 =	sadd.s32 $0xFFFFFF80, s6;
	[sflag:s23] =	ssyncadd.s32 $0xFFFFC000  }
0x7b: {  	[tilespmem:s26], [sflag:$0x2] =	stream.indirect.gather [hbm4b:s4+s24], $0x80, s7, s24, $0xb8;
	[tilespmem:$0x1E140] =	vst v63  }
0x7c: {  	_ =	swait.ge [sflag:s28], $0x4000  }
0x7d: {  	[sflag:s28] =	ssyncset.done $0x0  }
0x7e: {  	s10 =	sadd.s32 $0x1300, s6;
	[sflag:s28] =	ssyncadd.s32 $0xFFFFC000  }
0x7f: {  	[spmem:s2] =	stream.indirect.scatter.add.f32 [tilespmem:s25], [sflag:$0x3], $0x80, s10, s24, $0xb8;
	[tilespmem:$0x1E140] =	vst v63  }
0x80: {  	_ =	swait.ge [sflag:s23], $0x4000  }
0x81: {  	[sflag:s23] =	ssyncset.done $0x0  }
0x82: {  	[sflag:s23] =	ssyncadd.s32 $0xFFFFC000  }
0x83: {  	[tilespmem:s25], [sflag:$0x1] =	stream.indirect.gather [hbm4b:s4+s24], $0x80, s6, s24, $0xb8;
	[tilespmem:$0x1E140] =	vst v63  }
0x84: {  	_ =	swait.ge [sflag:s29], $0x4000  }
0x85: {  	[sflag:s29] =	ssyncset.done $0x0  }
0x86: {  	s11 =	sadd.s32 $0x1380, s6;
	[sflag:s29] =	ssyncadd.s32 $0xFFFFC000  }
0x87: {  	[spmem:s2] =	stream.indirect.scatter.add.f32 [tilespmem:s26], [sflag:$0x3], $0x80, s11, s24, $0xb8;
	[tilespmem:$0x1E140] =	vst v63  }
0x88: {  	_ =	swait.ge [sflag:s23], $0x4000  }
0x89: {  	[sflag:s23] =	ssyncset.done $0x0  }
0x8a: {  	[sflag:s23] =	ssyncadd.s32 $0xFFFFC000  }
0x8b: {  	[tilespmem:s26], [sflag:$0x2] =	stream.indirect.gather [hbm4b:s4+s24], $0x80, s30, s24, $0xb8;
	[tilespmem:$0x1E140] =	vst v63  }
0x8c: {  	_ =	swait.ge [sflag:s28], $0x4000  }
0x8d: {  	[sflag:s28] =	ssyncset.done $0x0  }
0x8e: {  	[sflag:s28] =	ssyncadd.s32 $0xFFFFC000  }
0x8f: {  	[spmem:s2] =	stream.indirect.scatter.add.f32 [tilespmem:s25], [sflag:$0x3], $0x80, s31, s24, $0xb8;
	[tilespmem:$0x1E140] =	vst v63  }
0x90: {  	_ =	swait.ge [sflag:s23], $0x4000  }
0x91: {  	[sflag:s23] =	ssyncset.done $0x0  }
0x92: {  	[sflag:s23] =	ssyncadd.s32 $0xFFFFC000  }
0x93: {  	_ =	swait.ge [sflag:s29], $0x4000  }
0x94: {  	[sflag:s29] =	ssyncset.done $0x0  }
0x95: {  	[sflag:s29] =	ssyncadd.s32 $0xFFFFC000  }
0x96: {  	[spmem:s2] =	stream.indirect.scatter.add.f32 [tilespmem:s26], [sflag:$0x3], $0x80, s0, s24, $0xb8;
	[tilespmem:$0x1E140] =	vst v63  }
0x97: {  	_ =	swait.ge [sflag:s23], $0x4000  }
0x98: {  	[sflag:s23] =	ssyncset.done $0x0  }
0x99: {  	[sflag:s23] =	ssyncadd.s32 $0xFFFFC000  }
0x9a: {  	[tilespmem:s3], [sflag:$0x3] =	stream.strided.gather [hbm4b:s17+s21], $0x2800, s22, s21, $0x38;
	[tilespmem:$0x1E140] =	vst v63  }
0x9b: {  	_ =	swait.ge [sflag:s23], $0x2800  }
0x9c: {  	[sflag:s23] =	ssyncset.done $0x0  }
0x9d: {  	[sflag:s23] =	ssyncadd.s32 $0xFFFFD800  }
0x9e: {  	[tilespmem:s25], [sflag:$0x1] =	stream.indirect.gather [hbm4b:s4+s24], $0x80, s3, s24, $0xb8;
	[tilespmem:$0x1E140] =	vst v63  }
0x9f: {  	s7 =	simm.s32 $0x80  }
0xa0: {  	[tilespmem:s26], [sflag:$0x2] =	stream.indirect.gather [hbm4b:s4+s24], $0x80, s7, s24, $0xb8;
	[tilespmem:$0x1E140] =	vst v63  }
0xa1: {  	_ =	swait.ge [sflag:s28], $0x4000  }
0xa2: {  	[sflag:s28] =	ssyncset.done $0x0  }
0xa3: {  	s9 =	simm.s32 $0x1400;
	[sflag:s28] =	ssyncadd.s32 $0xFFFFC000  }
0xa4: {  	[spmem:s2] =	stream.indirect.scatter.add.f32 [tilespmem:s25], [sflag:$0x3], $0x80, s9, s24, $0xb8;
	[tilespmem:$0x1E140] =	vst v63  }
0xa5: {  	_ =	swait.ge [sflag:s23], $0x4000  }
0xa6: {  	[sflag:s23] =	ssyncset.done $0x0  }
0xa7: {  	s10 =	simm.s32 $0x100;
	[sflag:s23] =	ssyncadd.s32 $0xFFFFC000  }
0xa8: {  	[tilespmem:s25], [sflag:$0x1] =	stream.indirect.gather [hbm4b:s4+s24], $0x80, s10, s24, $0xb8;
	[tilespmem:$0x1E140] =	vst v63  }
0xa9: {  	_ =	swait.ge [sflag:s29], $0x4000  }
0xaa: {  	[sflag:s29] =	ssyncset.done $0x0  }
0xab: {  	s11 =	simm.s32 $0x1480;
	[sflag:s29] =	ssyncadd.s32 $0xFFFFC000  }
0xac: {  	[spmem:s2] =	stream.indirect.scatter.add.f32 [tilespmem:s26], [sflag:$0x3], $0x80, s11, s24, $0xb8;
	[tilespmem:$0x1E140] =	vst v63  }
0xad: {  	_ =	swait.ge [sflag:s23], $0x4000  }
0xae: {  	s6 =	simm.s32 $0x200;
	s7 =	simm.s32 $0xC00;
	[sflag:s23] =	ssyncset.done $0x0  }
.LBB2_6:
0xaf: {  	s9 =	sadd.s32 $0xFFFFFF80, s6  }
0xb0: {  	[sflag:s23] =	ssyncadd.s32 $0xFFFFC000;
	s10 =	smov.u32 s7;
	s11 =	sadd.s32 $0x400, s7  }
0xb1: {  	[tilespmem:s26], [sflag:$0x2] =	stream.indirect.gather [hbm4b:s4+s24], $0x80, s9, s24, $0xb8;
	[tilespmem:$0x1E140] =	vst v63  }
0xb2: {  	p1 =	sne.s32 s7, $0x4C00;
	_ =	swait.ge [sflag:s28], $0x4000  }
0xb3: {  	[sflag:s28] =	ssyncset.done $0x0  }
0xb4: {  	s7 =	sadd.s32 $0x1300, s6;
	[sflag:s28] =	ssyncadd.s32 $0xFFFFC000  }
0xb5: {  	[spmem:s2] =	stream.indirect.scatter.add.f32 [tilespmem:s25], [sflag:$0x3], $0x80, s7, s24, $0xb8;
	[tilespmem:$0x1E140] =	vst v63  }
0xb6: {  	_ =	swait.ge [sflag:s23], $0x4000  }
0xb7: {  	[sflag:s23] =	ssyncset.done $0x0  }
0xb8: {  	[sflag:s23] =	ssyncadd.s32 $0xFFFFC000  }
0xb9: {  	[tilespmem:s25], [sflag:$0x1] =	stream.indirect.gather [hbm4b:s4+s24], $0x80, s6, s24, $0xb8;
	[tilespmem:$0x1E140] =	vst v63  }
0xba: {  	_ =	swait.ge [sflag:s29], $0x4000  }
.Ltmp2:
0xbb: {  	[sflag:s29] =	ssyncset.done $0x0;
	(pc) =	sbr.rel @p1 .LBB2_6-.Ltmp2, $4  }
0xbc: {  	s6 =	sadd.s32 $0x1380, s6;
	[sflag:s29] =	ssyncadd.s32 $0xFFFFC000  }
0xbd: {  	[spmem:s2] =	stream.indirect.scatter.add.f32 [tilespmem:s26], [sflag:$0x3], $0x80, s6, s24, $0xb8;
	[tilespmem:$0x1E140] =	vst v63  }
0xbe: {  	_ =	swait.ge [sflag:s23], $0x4000  }
0xbf: {  	s7 =	smov.u32 s11;
	s6 =	sshra.s32 s10, $0x2;
	[sflag:s23] =	ssyncset.done $0x0  }
0xc0: {  	s7 =	sadd.s32 $0xFFFFFF80, s6;
	[sflag:s23] =	ssyncadd.s32 $0xFFFFC000  }
0xc1: {  	[tilespmem:s26], [sflag:$0x2] =	stream.indirect.gather [hbm4b:s4+s24], $0x80, s7, s24, $0xb8;
	[tilespmem:$0x1E140] =	vst v63  }
0xc2: {  	_ =	swait.ge [sflag:s28], $0x4000  }
0xc3: {  	[sflag:s28] =	ssyncset.done $0x0  }
0xc4: {  	s10 =	sadd.s32 $0x1300, s6;
	[sflag:s28] =	ssyncadd.s32 $0xFFFFC000  }
0xc5: {  	[spmem:s2] =	stream.indirect.scatter.add.f32 [tilespmem:s25], [sflag:$0x3], $0x80, s10, s24, $0xb8;
	[tilespmem:$0x1E140] =	vst v63  }
0xc6: {  	_ =	swait.ge [sflag:s23], $0x4000  }
0xc7: {  	[sflag:s23] =	ssyncset.done $0x0  }
0xc8: {  	[sflag:s23] =	ssyncadd.s32 $0xFFFFC000  }
0xc9: {  	[tilespmem:s25], [sflag:$0x1] =	stream.indirect.gather [hbm4b:s4+s24], $0x80, s6, s24, $0xb8;
	[tilespmem:$0x1E140] =	vst v63  }
0xca: {  	_ =	swait.ge [sflag:s29], $0x4000  }
0xcb: {  	[sflag:s29] =	ssyncset.done $0x0  }
0xcc: {  	s11 =	sadd.s32 $0x1380, s6;
	[sflag:s29] =	ssyncadd.s32 $0xFFFFC000  }
0xcd: {  	[spmem:s2] =	stream.indirect.scatter.add.f32 [tilespmem:s26], [sflag:$0x3], $0x80, s11, s24, $0xb8;
	[tilespmem:$0x1E140] =	vst v63  }
0xce: {  	_ =	swait.ge [sflag:s23], $0x4000  }
0xcf: {  	[sflag:s23] =	ssyncset.done $0x0  }
0xd0: {  	[sflag:s23] =	ssyncadd.s32 $0xFFFFC000  }
0xd1: {  	[tilespmem:s26], [sflag:$0x2] =	stream.indirect.gather [hbm4b:s4+s24], $0x80, s30, s24, $0xb8;
	[tilespmem:$0x1E140] =	vst v63  }
0xd2: {  	_ =	swait.ge [sflag:s28], $0x4000  }
0xd3: {  	[sflag:s28] =	ssyncset.done $0x0  }
0xd4: {  	[sflag:s28] =	ssyncadd.s32 $0xFFFFC000  }
0xd5: {  	[spmem:s2] =	stream.indirect.scatter.add.f32 [tilespmem:s25], [sflag:$0x3], $0x80, s31, s24, $0xb8;
	[tilespmem:$0x1E140] =	vst v63  }
0xd6: {  	_ =	swait.ge [sflag:s23], $0x4000  }
0xd7: {  	[sflag:s23] =	ssyncset.done $0x0  }
0xd8: {  	[sflag:s23] =	ssyncadd.s32 $0xFFFFC000  }
0xd9: {  	_ =	swait.ge [sflag:s29], $0x4000  }
0xda: {  	[sflag:s29] =	ssyncset.done $0x0  }
0xdb: {  	[sflag:s29] =	ssyncadd.s32 $0xFFFFC000  }
0xdc: {  	[spmem:s2] =	stream.indirect.scatter.add.f32 [tilespmem:s26], [sflag:$0x3], $0x80, s0, s24, $0xb8;
	[tilespmem:$0x1E140] =	vst v63  }
0xdd: {  	_ =	swait.ge [sflag:s23], $0x4000  }
0xde: {  	[sflag:s23] =	ssyncset.done $0x0  }
0xdf: {  	[sflag:s23] =	ssyncadd.s32 $0xFFFFC000  }
0xe0: {  	s7 =	simm.s32 @p0 $0x1FC3;
	s6 =	sshrl.u32 @p0 s8, $0x3;
	[bflag:$0x0] =	sbarrier.arrive $0xFFFF  }
0xe1: {  	[hbm:s19], [sflag:s7] =	dma.local @p0 [spmem:s6], $0x2980  }
0xe2: {  	s6 =	simm.s32 @p0 $0x3  }
0xe3: {  	s1 =	sadd.s32 $0x1, s1;
	s7 =	stileid.u32;
	_ =	swait.ge @p0 [sflag:s6], $0x2980  }
0xe4: {  	p1 =	sne.s32 s1, s20;
	s7 =	sshll.u32 @!p0 s7, $0x6;
	[sflag:s6] =	ssyncset.done @p0 $0x0  }
0xe5: {  	[sflag:s6] =	ssyncadd.s32 @p0 $0xFFFFD680;
	s6 =	sor.u32 @!p0 $0x1C03, s7;
	s7 =	sshrl.u32 @!p0 s5, $0x3  }
0xe6: {  	[hbm:s18], [sflag:s6] =	dma.local @!p0 [spmem:s7], $0x2700  }
.Ltmp3:
0xe7: {  	_ = 	snop;
	(pc) =	sbr.rel @p1 .LBB2_1-.Ltmp3, $4  }
0xe8: {  	s6 =	simm.s32 @!p0 $0x3  }
0xe9: {  	_ =	swait.ge @!p0 [sflag:s6], $0x2700  }
0xea: {  	[sflag:s6] =	ssyncset.done @!p0 $0x0  }
0xeb: {  	[sflag:s6] =	ssyncadd.s32 @!p0 $0xFFFFD900  }
0xec: {  	_ =	sfence.sel $0x180000  }
0xed: {  	[bflag:$0x0] =	sbarrier.arrive $0xFFFF  }
0xee: {  	_ =	strace $0x9000004A  }
0xef: {  	s0 =	stileid.u32;
	[bflag:$0x2] =	sbarrier.arrive $0xFFFF  }
0xf0: {  	p0 =	sne.s32 s0, $0x0;
	s0 =	rddreg [dreg:$0x2]  }
0xf1: {  	s0 =	sadd.s32 @!p0 $0x100000, s0  }
0xf2: {  	[sflag:s0] =	ssyncadd.tile.s32 @!p0 $0x1;
	_ =	shalt  }
.Lfunc_end2:
_tile_overlayer_lowered:
.L_overlay_start_2:
0xf3: {  	(tag) =	ssettag $0x2  }
0xf4: {  	s0 =	rddreg [dreg:$0x0];
	s2 =	stileid.u32  }
0xf5: {  	s1 =	rddreg [dreg:$0x1];
	p0 =	sne.s32 s2, $0x0  }
0xf6: {  	s3 =	rddreg [dreg:$0x2];
	[bflag:$0x3] =	sbarrier.arrive $0xFFFF;
	s2 =	simm.s32 @!p0 $0x1C03  }
0xf7: {  	[timem:s3], [sflag:s2] =	dma.local @!p0 [hbm:s0], s1  }
0xf8: {  	s0 =	simm.s32 @!p0 $0x3  }
0xf9: {  	_ =	swait.ge @!p0 [sflag:s0], s1  }
0xfa: {  	s1 =	ssub.s32 @!p0 $0x0, s1;
	[sflag:s0] =	ssyncset.done @!p0 $0x0  }
0xfb: {  	[sflag:s0] =	ssyncadd.s32 @!p0 s1  }
0xfc: {  	[bflag:$0x3] =	sbarrier.arrive $0xFFFF  }
0xfd: {  	_ =	shalt  }

// kernel: kernel.14.cloned.1.call-start
scs
__scs_entry_jumppad:
0x0: {  	(pc) =	sbr.rel $0x88, $3  }
0x1: {  	(tag) =	ssettag $0x0;
	lr =	simm.s32 $0x1  }
0x2: {  	[smem:$0x3F8C] =	sst lr;
	_ =	strace $0xD0000000  }
0x3: {  	_ = 	snop  }
0x4: {  	_ = 	snop  }
0x5: {  	_ = 	snop  }
0x6: {  	_ = 	snop  }
0x7: {  	_ = 	snop  }
__scs_overlays_trampoline_lowered:
0x8: {  	[smem:$0x3F9B] =	sst s0  }
0x9: {  	[smem:$0x3F9C] =	sst s1  }
0xa: {  	[smem:$0x3F9D] =	sst s2  }
0xb: {  	[smem:$0x3F9E] =	sst s3  }
0xc: {  	[smem:$0x3F9F] =	sst s4  }
0xd: {  	[smem:$0x3FA0] =	sst s5  }
0xe: {  	[smem:$0x3FA1] =	sst s6  }
0xf: {  	[smem:$0x3FA2] =	sst s7  }
0x10: {  	[smem:$0x3FA3] =	sst s8  }
0x11: {  	[smem:$0x3FA4] =	sst s9;
	s0 =	simm.s32 @!p0 $0x0  }
0x12: {  	s1 =	sld [smem:$0x3F8A];
	s0 =	simm.s32 @p0 $0x1  }
0x13: {  	[smem:$0x3FA5] =	sst s0;
	s0 =	simm.s32 @!p1 $0x0  }
0x14: {  	s2 =	sld [smem:$0x3F89];
	s0 =	simm.s32 @p1 $0x1  }
0x15: {  	[smem:$0x3FA6] =	sst s0;
	s0 =	simm.s32 @!p2 $0x0  }
0x16: {  	s3 =	sld [smem:$0x3FDB];
	s0 =	simm.s32 @p2 $0x1  }
0x17: {  	s4 =	simm.s32 $0x1BF5;
	[smem:$0x3FA8] =	sst s0  }
0x18: {  	s0 =	sld [smem:$0x3F8B];
	_ =	swait.ge [sflag:s4], $0x0  }
0x19: {  	s7 =	sld [smem:$0x3F8C]  }
0x1a: {  	s8 =	sadd.s32 $0xFFFFE003, lr  }
0x1b: {  	s9 =	sadd.s32 $0xFFFFFEF7, lr;
	s5 =	simm.s32 $0xFFFFFFFF;
	p2 =	slt.u32 s8, $0xFFFFF086  }
0x1c: {  	p1 =	slt.u32 s9, $0xF7A;
	s5 =	simm.s32 @!p2 $0x0  }
0x1d: {  	s5 =	simm.s32 @p1 $0x1;
	p0 =	seq.s32 s7, s2  }
0x1e: {  	s7 =	smul.u32 @!p0 $0xF7A, s2;
	p2 =	seq.s32 @!p0 s5, $0x0  }
0x1f: {  	s9 =	smul.u32 $0xF7A, s1;
	s8 =	simm.s32 @!p0 $0x1BF5;
	p2 =	por !p2, p0  }
0x20: {  	[sflag:s8] =	ssyncset.s32 @!p0 $0xFFFFF086;
	s6 =	sadd.s32 @!p0 s3, s7;
	s7 =	simm.s32 @!p0 $0x108  }
0x21: {  	s3 =	sadd.s32 s3, s9;
	s6 =	sadd.s32 @!p0 $0x88, s6;
	s7 =	simm.s32 @p2 $0x1082  }
0x22: {  	[simem:s7], [sflag:s8] =	dma.local @!p0 [hbm:s6], $0xF7A  }
0x23: {  	s9 =	sor.u32 $0xD0000000, s2;
	s6 =	simm.s32 $0x108;
	_ =	swait.ge @!p0 [sflag:s8], $0x0  }
0x24: {  	s3 =	sadd.s32 $0x88, s3;
	s6 =	simm.s32 @!p1 $0x1082;
	[sflag:s4] =	ssyncset.s32 $0xFFFFF086  }
0x25: {  	[simem:s6], [sflag:s4] =	dma.local [hbm:s3], $0xF7A  }
0x26: {  	[smem:$0x3F8C] =	sst s1;
	(tag) =	ssettag s2;
	_ =	strace s9  }
0x27: {  	s1 =	sld [smem:$0x3F9C]  }
0x28: {  	s2 =	sld [smem:$0x3F9D]  }
0x29: {  	s4 =	sld [smem:$0x3F9F]  }
0x2a: {  	p0 =	seq.s32 s5, $0x0;
	s5 =	sld [smem:$0x3FA0]  }
0x2b: {  	s6 =	sld [smem:$0x3FA1]  }
0x2c: {  	s7 =	sld [smem:$0x3FA2]  }
0x2d: {  	s3 =	simm.s32 $0x108;
	s8 =	sld [smem:$0x3FA3]  }
0x2e: {  	s3 =	simm.s32 @!p0 $0x1082;
	s9 =	sld [smem:$0x3FA4]  }
0x2f: {  	lr =	sadd.s32 s0, s3;
	s0 =	sld [smem:$0x3F9B]  }
0x30: {  	s3 =	sld [smem:$0x3F9E]  }
0x31: {  	[smem:$0x3FA7] =	sst s10  }
0x32: {  	s10 =	sld [smem:$0x3FA5];
	_ =	sdelay $0x3  }
0x33: {  	p0 =	seq.s32 s10, $0x1;
	s10 =	sld [smem:$0x3FA7];
	_ =	sdelay $0x3  }
0x34: {  	[smem:$0x3FA7] =	sst s10  }
0x35: {  	s10 =	sld [smem:$0x3FA6];
	_ =	sdelay $0x3  }
0x36: {  	p1 =	seq.s32 s10, $0x1;
	s10 =	sld [smem:$0x3FA7];
	_ =	sdelay $0x3  }
0x37: {  	[smem:$0x3FA7] =	sst s10  }
0x38: {  	s10 =	sld [smem:$0x3FA8]  }
0x39: {  	_ = 	snop;
	(pc) =	sbr.ind lr, $3  }
0x3a: {  	_ = 	snop  }
0x3b: {  	_ = 	snop  }
0x3c: {  	p2 =	seq.s32 s10, $0x1;
	s10 =	sld [smem:$0x3FA7]  }
0x3d: {  	_ =	shalt  }
0x3e: {  	_ =	shalt  }
0x3f: {  	_ =	shalt  }
0x40: {  	_ =	shalt  }
0x41: {  	_ =	shalt  }
0x42: {  	_ =	shalt  }
0x43: {  	_ =	shalt  }
0x44: {  	_ =	shalt  }
0x45: {  	_ =	shalt  }
0x46: {  	_ =	shalt  }
0x47: {  	_ =	shalt  }
0x48: {  	_ =	shalt  }
0x49: {  	_ =	shalt  }
0x4a: {  	_ =	shalt  }
0x4b: {  	_ =	shalt  }
0x4c: {  	_ =	shalt  }
0x4d: {  	_ =	shalt  }
0x4e: {  	_ =	shalt  }
0x4f: {  	_ =	shalt  }
0x50: {  	_ =	shalt  }
0x51: {  	_ =	shalt  }
0x52: {  	_ =	shalt  }
0x53: {  	_ =	shalt  }
0x54: {  	_ =	shalt  }
0x55: {  	_ =	shalt  }
0x56: {  	_ =	shalt  }
0x57: {  	_ =	shalt  }
0x58: {  	_ =	shalt  }
0x59: {  	_ =	shalt  }
0x5a: {  	_ =	shalt  }
0x5b: {  	_ =	shalt  }
0x5c: {  	_ =	shalt  }
0x5d: {  	_ =	shalt  }
0x5e: {  	_ =	shalt  }
0x5f: {  	_ =	shalt  }
0x60: {  	_ =	shalt  }
0x61: {  	_ =	shalt  }
0x62: {  	_ =	shalt  }
0x63: {  	_ =	shalt  }
0x64: {  	_ =	shalt  }
0x65: {  	_ =	shalt  }
0x66: {  	_ =	shalt  }
0x67: {  	_ =	shalt  }
0x68: {  	_ =	shalt  }
0x69: {  	_ =	shalt  }
0x6a: {  	_ =	shalt  }
0x6b: {  	_ =	shalt  }
0x6c: {  	_ =	shalt  }
0x6d: {  	_ =	shalt  }
0x6e: {  	_ =	shalt  }
0x6f: {  	_ =	shalt  }
0x70: {  	_ =	shalt  }
0x71: {  	_ =	shalt  }
0x72: {  	_ =	shalt  }
0x73: {  	_ =	shalt  }
0x74: {  	_ =	shalt  }
0x75: {  	_ =	shalt  }
0x76: {  	_ =	shalt  }
0x77: {  	_ =	shalt  }
0x78: {  	_ =	shalt  }
0x79: {  	_ =	shalt  }
0x7a: {  	_ =	shalt  }
0x7b: {  	_ =	shalt  }
0x7c: {  	_ =	shalt  }
0x7d: {  	_ =	shalt  }
0x7e: {  	_ =	shalt  }
0x7f: {  	_ =	shalt  }
0x80: {  	_ =	shalt  }
0x81: {  	_ =	shalt  }
0x82: {  	_ =	shalt  }
0x83: {  	_ =	shalt  }
0x84: {  	_ =	shalt  }
0x85: {  	_ =	shalt  }
0x86: {  	_ =	shalt  }
0x87: {  	_ =	shalt  }
.Lfunc_end0:
.L_simem_size_0:
called_computation.2_lowered:
.L_overlay_start_0:
0x88: {  	s2 =	sld [smem:$0x3FD9]  }
0x89: {  	s3 =	sld [smem:$0x3FFE];
	_ =	sdelay $0x1  }
0x8a: {  	s1 =	srdreg.scid  }
0x8b: {  	s0 =	sand.u32 $0x1, s1  }
0x8c: {  	s16 =	sshll.u32 s0, $0xA;
	s2 =	sadd.s32 s3, s2  }
0x8d: {  	s2 =	sadd.s32 s2, s16  }
0x8e: {  	[smem:$0x3FB3] =	sst s2  }
0x8f: {  	_ = 	snop  }
0x90: {  	(tm) =	ssettm $0x1  }
0x91: {  	s17 =	sld [smem:$0x3FFB];
	_ =	sdelay $0x3  }
0x92: {  	_ =	strace s17  }
0x93: {  	s2 =	sld [smem:$0x3FFC];
	_ =	sdelay $0x3  }
0x94: {  	_ =	strace s2  }
0x95: {  	s2 =	sld [smem:$0x3FFD];
	_ =	sdelay $0x3  }
0x96: {  	_ =	strace s2  }
0x97: {  	_ =	strace $0x8FFFFFFF  }
0x98: {  	s18 =	sld [smem:$0x3FDB];
	_ =	sdelay $0x1  }
0x99: {  	s19 =	simm.s32 $_scs_section_size  }
0x9a: {  	s4 =	simm.s32 $_size__tile_overlayer_lowered;
	s5 =	simm.s32 $_tile_overlayer_lowered  }
0x9b: {  	s22 =	simm.s32 $0x1BFF;
	s21 =	sshll.u32 s5, $0x1;
	s2 =	sadd.s32 s19, s18  }
0x9c: {  	s6 =	simm.s32 $0x0;
	s20 =	sshll.u32 s4, $0x1;
	s4 =	sadd.s32 s21, s2  }
0x9d: {  	[timem:s6], [sflag:s22] =	dma.local [hbm:s4], s20  }
0x9e: {  	_ =	swait.ge [sflag:s22], s20  }
0x9f: {  	s3 =	ssub.s32 $0x0, s20;
	[sflag:s22] =	ssyncset.done $0x0  }
0xa0: {  	[sflag:s22] =	ssyncadd.s32 s3;
	_ =	sdelay $0x1  }
0xa1: {  	s23 =	simm.s32 $0x1B8B  }
0xa2: {  	_ =	swait.ge [sflag:s23], $0x1  }
0xa3: {  	[sflag:s23] =	ssyncset.done $0x0  }
0xa4: {  	s25 =	simm.s32 $0x1B8E;
	s24 =	sld [smem:$0x3FFE];
	[sflag:s23] =	ssyncadd.s32 $0xFFFFFFFF  }
0xa5: {  	s26 =	simm.s32 $execute0_lowered;
	[smem:$0x3FD2] =	sst s25  }
0xa6: {  	s4 =	sshll.u32 s26, $0x1;
	_ =	strace $0x8000004C;
	[dreg:$0x1] =	wrdreg $0xFFFFFFFF  }
0xa7: {  	s28 =	simm.s32 $_size_execute0_lowered;
	s2 =	sadd.s32 s2, s4;
	[dreg:$0x0] =	wrdreg $0x0  }
0xa8: {  	s4 =	sshll.u32 s28, $0x1;
	[dreg:$0x2] =	wrdreg s2  }
0xa9: {  	[dreg:$0x3] =	wrdreg s4  }
0xaa: {  	[dreg:$0x4] =	wrdreg $0xC0  }
0xab: {  	_ =	task [dreg:s6], $0x5FFFF  }
0xac: {  	[dreg:$0x1] =	wrdreg $0xFFFFFFFF  }
0xad: {  	[dreg:$0x0] =	wrdreg $0x60  }
0xae: {  	[dreg:$0x2] =	wrdreg s24  }
0xaf: {  	[dreg:$0x3] =	wrdreg $0xA8000  }
0xb0: {  	[dreg:$0x4] =	wrdreg $0x9  }
0xb1: {  	_ =	task.clear_ibuf [dreg:s6], $0x5FFFF;
	_ =	strace $0x9000004C  }
0xb2: {  	s29 =	simm.s32 $0x9;
	_ =	strace $0x8000004E  }
0xb3: {  	_ =	swait.ge [sflag:s29], $0x1  }
0xb4: {  	[sflag:s29] =	ssyncadd.s32 $0xFFFFFFFF  }
0xb5: {  	_ =	strace $0x9000004E  }
0xb6: {  	_ =	sfence  }
0xb7: {  	s30 =	sld [smem:$0x0];
	_ =	sdelay $0x2  }
0xb8: {  	s31 =	sshll.u32 s1, $0xD;
	s1 =	sshrl.u32 s1, $0x2  }
0xb9: {  	s3 =	sand.u32 $0x4000, s31;
	s1 =	sadd.s32 s1, s30  }
0xba: {  	s0 =	sor.u32 s3, s0;
	s1 =	sshll.u32 s1, $0x11  }
0xbb: {  	s0 =	sor.u32 s1, s0  }
0xbc: {  	s0 =	sadd.s32 $0x8F2B, s0  }
0xbd: {  	[sflag:s0] =	ssyncadd.remote.s32 $0x1  }
0xbe: {  	_ =	sfence.sel $0xFFFF  }
0xbf: {  	[dreg:$0x0] =	wrdreg $0xFFFFFFFF;
	(pc) =	sbr.abs _section_cstart, $3  }
0xc0: {  	[dreg:$0x1] =	wrdreg $0xFFFFFFFF  }
0xc1: {  	_ =	task.clear_ibuf [dreg:s6], $0x2FFFF;
	_ =	strace $0x9FFFFFFF  }
0xc2: {  	(tm) =	ssettm $0x7FFFFFFF  }
0xc3: {  	_ =	shalt  }
tec
execute0_lowered:
.L_overlay_start_1:
0x0: {  	(tag) =	ssettag $0x1  }
0x1: {  	s0 =	rddreg [dreg:$0x0]  }
0x2: {  	s2 =	rddreg [dreg:$0x1]  }
0x3: {  	s3 =	simm.s32 $0x0;
	s9 =	stileid.u32;
	s5 =	srdreg.scid  }
0x4: {  	s21 =	simm.s32 $0x1400;
	s28 =	simm.s32 $0x1;
	s29 =	simm.s32 $0x2  }
0x5: {  	s30 =	simm.s32 $0x1380;
	s31 =	simm.s32 $0x2700;
	[smem:$0x7FF] =	sst s3  }
0x6: {  	s1 =	smul.u32 $0x4E000, s9;
	s4 =	sadd.s32 $0x18000, s0;
	s6 =	sadd.s32 $0x4000, s0  }
0x7: {  	s0 =	sadd.s32 $0x3F200, s0;
	s7 =	sand.u32 $0x1, s5;
	s25 =	sadd.s32 $0x128800, s2  }
0x8: {  	s8 =	sshll.u32 s9, $0x1;
	s26 =	sadd.s32 $0x12C800, s2;
	s13 =	sadd.s32 $0x130800, s2  }
0x9: {  	s18 =	smul.u32 $0x13800, s9;
	s15 =	sadd.s32 $0x138800, s2;
	p0 =	seq.s32 s9, $0xF  }
0xa: {  	_ =	strace $0x8000004D;
	s22 =	ssub.s32 $0x2, s7;
	[dreg:$0x6] =	wrdreg s25  }
0xb: {  	s11 =	sor.u32 s7, s8;
	s8 =	sadd.s32 $0x124800, s2;
	[dreg:$0x7] =	wrdreg s26  }
0xc: {  	s7 =	smul.u32 $0x139400, s7;
	s25 =	simm.s32 $0x2800;
	s26 =	simm.s32 $0x6800  }
0xd: {  	s1 =	sshrl.u32 s1, $0x2;
	s16 =	smul.u32 $0x500, s11;
	s14 =	sshrl.u32 s22, $0x1  }
0xe: {  	s17 =	smul.u32 $0x2800, s11;
	s5 =	sadd.s32 s1, s2;
	s1 =	ssub.s32 s22, s14  }
0xf: {  	s14 =	sadd.s32 $0x134800, s2;
	s18 =	sadd.s32 s18, s7;
	s7 =	sshrl.u32 s7, $0x3  }
0x10: {  	s22 =	simm.s32 $0x50000;
	s23 =	sadd.s32 $0x4000, s5;
	s24 =	sadd.s32 $0x8000, s5  }
0x11: {  	s10 =	sadd.s32 $0xC000, s5;
	s12 =	sadd.s32 $0x10000, s5;
	s16 =	sadd.s32 s6, s16  }
0x12: {  	s17 =	sshrl.u32 s17, $0x3;
	s18 =	sshrl.u32 s18, $0x3;
	[dreg:$0x3] =	wrdreg s23  }
0x13: {  	s20 =	smax.u32 s1, $0x1;
	s1 =	simm.s32 $0x0;
	[dreg:$0x4] =	wrdreg s24  }
0x14: {  	[dreg:$0x5] =	wrdreg s10;
	s6 =	sadd.s32 s6, s17;
	s18 =	sadd.s32 s0, s18  }
0x15: {  	s0 =	sadd.s32 s0, s7;
	s23 =	simm.s32 $0x3;
	s24 =	simm.s32 $0x80  }
0x16: {  	v0 =	vimm.f32 $0.0e+00;
	s17 =	sadd.s32 $0x280, s6;
	s19 =	sadd.s32 $0x24900, s0;
	s0 =	simm.s32 $0x2780  }
.LBB2_1:
0x17: {  	s6 =	simm.s32 $0x0;
	s7 =	simm.s32 $0x200  }
.LBB2_2:
0x18: {  	p1 =	sne.s32 s7, $0xFE00;
	[tilespmem:s6+$0x2870] =	vst v0  }
0x19: {  	[tilespmem:s6+$0x2800] =	vst v0  }
0x1a: {  	[tilespmem:s6+$0x2810] =	vst v0  }
.Ltmp0:
0x1b: {  	[tilespmem:s6+$0x2820] =	vst v0;
	(pc) =	sbr.rel @p1 .LBB2_2-.Ltmp0, $4  }
0x1c: {  	[tilespmem:s6+$0x2830] =	vst v0  }
0x1d: {  	[tilespmem:s6+$0x2840] =	vst v0  }
0x1e: {  	[tilespmem:s6+$0x2850] =	vst v0  }
0x1f: {  	[tilespmem:s6+$0x2860] =	vst v0;
	s6 =	sshra.s32 s7, $0x2;
	s7 =	sadd.s32 $0x200, s7  }
0x20: {  	[tilespmem:s6+$0x2870] =	vst v0  }
0x21: {  	[tilespmem:s6+$0x2800] =	vst v0  }
0x22: {  	[tilespmem:s6+$0x2810] =	vst v0  }
0x23: {  	[tilespmem:s6+$0x2820] =	vst v0  }
0x24: {  	[tilespmem:s6+$0x2830] =	vst v0  }
0x25: {  	[tilespmem:s6+$0x2840] =	vst v0  }
0x26: {  	[tilespmem:s6+$0x2850] =	vst v0  }
0x27: {  	[tilespmem:s6+$0x2860] =	vst v0;
	s6 =	simm.s32 @p0 $0x2800;
	s7 =	simm.s32 @p0 $0x3  }
0x28: {  	[spmem:s8] =	stream.linear.scatter @p0 [tilespmem:s6], [sflag:$0x3], $0x4000, $0x38;
	[tilespmem:$0x1E140] =	vst v63  }
0x29: {  	_ =	swait.ge @p0 [sflag:s7], $0x4000  }
0x2a: {  	[sflag:s7] =	ssyncset.done @p0 $0x0  }
0x2b: {  	s9 =	rddreg [dreg:$0x6];
	[sflag:s7] =	ssyncadd.s32 @p0 $0xFFFFC000  }
0x2c: {  	[spmem:s9] =	stream.linear.scatter @p0 [tilespmem:s6], [sflag:$0x3], $0x4000, $0x38;
	[tilespmem:$0x1E140] =	vst v63  }
0x2d: {  	_ =	swait.ge @p0 [sflag:s7], $0x4000  }
0x2e: {  	[sflag:s7] =	ssyncset.done @p0 $0x0  }
0x2f: {  	s9 =	rddreg [dreg:$0x7];
	[sflag:s7] =	ssyncadd.s32 @p0 $0xFFFFC000  }
0x30: {  	[spmem:s9] =	stream.linear.scatter @p0 [tilespmem:s6], [sflag:$0x3], $0x4000, $0x38;
	[tilespmem:$0x1E140] =	vst v63  }
0x31: {  	_ =	swait.ge @p0 [sflag:s7], $0x4000  }
0x32: {  	[sflag:s7] =	ssyncset.done @p0 $0x0  }
0x33: {  	[sflag:s7] =	ssyncadd.s32 @p0 $0xFFFFC000  }
0x34: {  	[spmem:s13] =	stream.linear.scatter @p0 [tilespmem:s6], [sflag:$0x3], $0x4000, $0x38;
	[tilespmem:$0x1E140] =	vst v63  }
0x35: {  	_ =	swait.ge @p0 [sflag:s7], $0x4000  }
0x36: {  	[sflag:s7] =	ssyncset.done @p0 $0x0  }
0x37: {  	[sflag:s7] =	ssyncadd.s32 @p0 $0xFFFFC000  }
0x38: {  	[spmem:s14] =	stream.linear.scatter @p0 [tilespmem:s6], [sflag:$0x3], $0x4000, $0x38;
	[tilespmem:$0x1E140] =	vst v63  }
0x39: {  	_ =	swait.ge @p0 [sflag:s7], $0x4000  }
0x3a: {  	[sflag:s7] =	ssyncset.done @p0 $0x0  }
0x3b: {  	[sflag:s7] =	ssyncadd.s32 @p0 $0xFFFFC000  }
0x3c: {  	[spmem:s15] =	stream.linear.scatter @p0 [tilespmem:s6], [sflag:$0x3], $0xC00, $0x38;
	[tilespmem:$0x1E140] =	vst v63  }
0x3d: {  	_ =	swait.ge @p0 [sflag:s7], $0xC00  }
0x3e: {  	[sflag:s7] =	ssyncset.done @p0 $0x0  }
0x3f: {  	s6 =	simm.s32 @!p0 $0x2800;
	[sflag:s7] =	ssyncadd.s32 @p0 $0xFFFFF400;
	s7 =	simm.s32 @!p0 $0x3  }
0x40: {  	[spmem:s5] =	stream.linear.scatter @!p0 [tilespmem:s6], [sflag:$0x3], $0x4000, $0x38;
	[tilespmem:$0x1E140] =	vst v63  }
0x41: {  	_ =	swait.ge @!p0 [sflag:s7], $0x4000  }
0x42: {  	[sflag:s7] =	ssyncset.done @!p0 $0x0  }
0x43: {  	s9 =	rddreg [dreg:$0x3];
	[sflag:s7] =	ssyncadd.s32 @!p0 $0xFFFFC000  }
0x44: {  	[spmem:s9] =	stream.linear.scatter @!p0 [tilespmem:s6], [sflag:$0x3], $0x4000, $0x38;
	[tilespmem:$0x1E140] =	vst v63  }
0x45: {  	_ =	swait.ge @!p0 [sflag:s7], $0x4000  }
0x46: {  	[sflag:s7] =	ssyncset.done @!p0 $0x0  }
0x47: {  	s9 =	rddreg [dreg:$0x4];
	[sflag:s7] =	ssyncadd.s32 @!p0 $0xFFFFC000  }
0x48: {  	[spmem:s9] =	stream.linear.scatter @!p0 [tilespmem:s6], [sflag:$0x3], $0x4000, $0x38;
	[tilespmem:$0x1E140] =	vst v63  }
0x49: {  	_ =	swait.ge @!p0 [sflag:s7], $0x4000  }
0x4a: {  	[sflag:s7] =	ssyncset.done @!p0 $0x0  }
0x4b: {  	s9 =	rddreg [dreg:$0x5];
	[sflag:s7] =	ssyncadd.s32 @!p0 $0xFFFFC000  }
0x4c: {  	[spmem:s9] =	stream.linear.scatter @!p0 [tilespmem:s6], [sflag:$0x3], $0x4000, $0x38;
	[tilespmem:$0x1E140] =	vst v63  }
0x4d: {  	_ =	swait.ge @!p0 [sflag:s7], $0x4000  }
0x4e: {  	[sflag:s7] =	ssyncset.done @!p0 $0x0  }
0x4f: {  	[sflag:s7] =	ssyncadd.s32 @!p0 $0xFFFFC000  }
0x50: {  	[spmem:s12] =	stream.linear.scatter @!p0 [tilespmem:s6], [sflag:$0x3], $0x3800, $0x38;
	[tilespmem:$0x1E140] =	vst v63  }
0x51: {  	_ =	swait.ge @!p0 [sflag:s7], $0x3800  }
0x52: {  	[sflag:s7] =	ssyncset.done @!p0 $0x0  }
0x53: {  	[sflag:s7] =	ssyncadd.s32 @!p0 $0xFFFFC800  }
0x54: {  	[tilespmem:s3], [sflag:$0x3] =	stream.strided.gather [hbm4b:s16+s21], $0x2800, s22, s21, $0x38;
	[tilespmem:$0x1E140] =	vst v63  }
0x55: {  	_ =	swait.ge [sflag:s23], $0x2800  }
0x56: {  	[sflag:s23] =	ssyncset.done $0x0  }
0x57: {  	[sflag:s23] =	ssyncadd.s32 $0xFFFFD800  }
0x58: {  	[tilespmem:s25], [sflag:$0x1] =	stream.indirect.gather [hbm4b:s4+s24], $0x80, s3, s24, $0xb8;
	[tilespmem:$0x1E140] =	vst v63  }
0x59: {  	s7 =	simm.s32 $0x80;
	[bflag:$0x0] =	sbarrier.arrive $0xFFFF  }
0x5a: {  	[tilespmem:s26], [sflag:$0x2] =	stream.indirect.gather [hbm4b:s4+s24], $0x80, s7, s24, $0xb8;
	[tilespmem:$0x1E140] =	vst v63  }
0x5b: {  	_ =	swait.ge [sflag:s28], $0x4000  }
0x5c: {  	[sflag:s28] =	ssyncset.done $0x0  }
0x5d: {  	s9 =	simm.s32 $0x1400;
	[sflag:s28] =	ssyncadd.s32 $0xFFFFC000  }
0x5e: {  	[spmem:s2] =	stream.indirect.scatter.add.f32 [tilespmem:s25], [sflag:$0x3], $0x80, s9, s24, $0xb8;
	[tilespmem:$0x1E140] =	vst v63  }
0x5f: {  	_ =	swait.ge [sflag:s23], $0x4000  }
0x60: {  	[sflag:s23] =	ssyncset.done $0x0  }
0x61: {  	s10 =	simm.s32 $0x100;
	[sflag:s23] =	ssyncadd.s32 $0xFFFFC000  }
0x62: {  	[tilespmem:s25], [sflag:$0x1] =	stream.indirect.gather [hbm4b:s4+s24], $0x80, s10, s24, $0xb8;
	[tilespmem:$0x1E140] =	vst v63  }
0x63: {  	_ =	swait.ge [sflag:s29], $0x4000  }
0x64: {  	[sflag:s29] =	ssyncset.done $0x0  }
0x65: {  	s11 =	simm.s32 $0x1480;
	[sflag:s29] =	ssyncadd.s32 $0xFFFFC000  }
0x66: {  	[spmem:s2] =	stream.indirect.scatter.add.f32 [tilespmem:s26], [sflag:$0x3], $0x80, s11, s24, $0xb8;
	[tilespmem:$0x1E140] =	vst v63  }
0x67: {  	_ =	swait.ge [sflag:s23], $0x4000  }
0x68: {  	s6 =	simm.s32 $0x200;
	s7 =	simm.s32 $0xC00;
	[sflag:s23] =	ssyncset.done $0x0  }
.LBB2_4:
0x69: {  	s9 =	sadd.s32 $0xFFFFFF80, s6  }
0x6a: {  	[sflag:s23] =	ssyncadd.s32 $0xFFFFC000;
	s10 =	smov.u32 s7;
	s11 =	sadd.s32 $0x400, s7  }
0x6b: {  	[tilespmem:s26], [sflag:$0x2] =	stream.indirect.gather [hbm4b:s4+s24], $0x80, s9, s24, $0xb8;
	[tilespmem:$0x1E140] =	vst v63  }
0x6c: {  	p1 =	sne.s32 s7, $0x4C00;
	_ =	swait.ge [sflag:s28], $0x4000  }
0x6d: {  	[sflag:s28] =	ssyncset.done $0x0  }
0x6e: {  	s7 =	sadd.s32 $0x1300, s6;
	[sflag:s28] =	ssyncadd.s32 $0xFFFFC000  }
0x6f: {  	[spmem:s2] =	stream.indirect.scatter.add.f32 [tilespmem:s25], [sflag:$0x3], $0x80, s7, s24, $0xb8;
	[tilespmem:$0x1E140] =	vst v63  }
0x70: {  	_ =	swait.ge [sflag:s23], $0x4000  }
0x71: {  	[sflag:s23] =	ssyncset.done $0x0  }
0x72: {  	[sflag:s23] =	ssyncadd.s32 $0xFFFFC000  }
0x73: {  	[tilespmem:s25], [sflag:$0x1] =	stream.indirect.gather [hbm4b:s4+s24], $0x80, s6, s24, $0xb8;
	[tilespmem:$0x1E140] =	vst v63  }
0x74: {  	_ =	swait.ge [sflag:s29], $0x4000  }
.Ltmp1:
0x75: {  	[sflag:s29] =	ssyncset.done $0x0;
	(pc) =	sbr.rel @p1 .LBB2_4-.Ltmp1, $4  }
0x76: {  	s6 =	sadd.s32 $0x1380, s6;
	[sflag:s29] =	ssyncadd.s32 $0xFFFFC000  }
0x77: {  	[spmem:s2] =	stream.indirect.scatter.add.f32 [tilespmem:s26], [sflag:$0x3], $0x80, s6, s24, $0xb8;
	[tilespmem:$0x1E140] =	vst v63  }
0x78: {  	_ =	swait.ge [sflag:s23], $0x4000  }
0x79: {  	s7 =	smov.u32 s11;
	s6 =	sshra.s32 s10, $0x2;
	[sflag:s23] =	ssyncset.done $0x0  }
0x7a: {  	s7 =	sadd.s32 $0xFFFFFF80, s6;
	[sflag:s23] =	ssyncadd.s32 $0xFFFFC000  }
0x7b: {  	[tilespmem:s26], [sflag:$0x2] =	stream.indirect.gather [hbm4b:s4+s24], $0x80, s7, s24, $0xb8;
	[tilespmem:$0x1E140] =	vst v63  }
0x7c: {  	_ =	swait.ge [sflag:s28], $0x4000  }
0x7d: {  	[sflag:s28] =	ssyncset.done $0x0  }
0x7e: {  	s10 =	sadd.s32 $0x1300, s6;
	[sflag:s28] =	ssyncadd.s32 $0xFFFFC000  }
0x7f: {  	[spmem:s2] =	stream.indirect.scatter.add.f32 [tilespmem:s25], [sflag:$0x3], $0x80, s10, s24, $0xb8;
	[tilespmem:$0x1E140] =	vst v63  }
0x80: {  	_ =	swait.ge [sflag:s23], $0x4000  }
0x81: {  	[sflag:s23] =	ssyncset.done $0x0  }
0x82: {  	[sflag:s23] =	ssyncadd.s32 $0xFFFFC000  }
0x83: {  	[tilespmem:s25], [sflag:$0x1] =	stream.indirect.gather [hbm4b:s4+s24], $0x80, s6, s24, $0xb8;
	[tilespmem:$0x1E140] =	vst v63  }
0x84: {  	_ =	swait.ge [sflag:s29], $0x4000  }
0x85: {  	[sflag:s29] =	ssyncset.done $0x0  }
0x86: {  	s11 =	sadd.s32 $0x1380, s6;
	[sflag:s29] =	ssyncadd.s32 $0xFFFFC000  }
0x87: {  	[spmem:s2] =	stream.indirect.scatter.add.f32 [tilespmem:s26], [sflag:$0x3], $0x80, s11, s24, $0xb8;
	[tilespmem:$0x1E140] =	vst v63  }
0x88: {  	_ =	swait.ge [sflag:s23], $0x4000  }
0x89: {  	[sflag:s23] =	ssyncset.done $0x0  }
0x8a: {  	[sflag:s23] =	ssyncadd.s32 $0xFFFFC000  }
0x8b: {  	[tilespmem:s26], [sflag:$0x2] =	stream.indirect.gather [hbm4b:s4+s24], $0x80, s30, s24, $0xb8;
	[tilespmem:$0x1E140] =	vst v63  }
0x8c: {  	_ =	swait.ge [sflag:s28], $0x4000  }
0x8d: {  	[sflag:s28] =	ssyncset.done $0x0  }
0x8e: {  	[sflag:s28] =	ssyncadd.s32 $0xFFFFC000  }
0x8f: {  	[spmem:s2] =	stream.indirect.scatter.add.f32 [tilespmem:s25], [sflag:$0x3], $0x80, s31, s24, $0xb8;
	[tilespmem:$0x1E140] =	vst v63  }
0x90: {  	_ =	swait.ge [sflag:s23], $0x4000  }
0x91: {  	[sflag:s23] =	ssyncset.done $0x0  }
0x92: {  	[sflag:s23] =	ssyncadd.s32 $0xFFFFC000  }
0x93: {  	_ =	swait.ge [sflag:s29], $0x4000  }
0x94: {  	[sflag:s29] =	ssyncset.done $0x0  }
0x95: {  	[sflag:s29] =	ssyncadd.s32 $0xFFFFC000  }
0x96: {  	[spmem:s2] =	stream.indirect.scatter.add.f32 [tilespmem:s26], [sflag:$0x3], $0x80, s0, s24, $0xb8;
	[tilespmem:$0x1E140] =	vst v63  }
0x97: {  	_ =	swait.ge [sflag:s23], $0x4000  }
0x98: {  	[sflag:s23] =	ssyncset.done $0x0  }
0x99: {  	[sflag:s23] =	ssyncadd.s32 $0xFFFFC000  }
0x9a: {  	[tilespmem:s3], [sflag:$0x3] =	stream.strided.gather [hbm4b:s17+s21], $0x2800, s22, s21, $0x38;
	[tilespmem:$0x1E140] =	vst v63  }
0x9b: {  	_ =	swait.ge [sflag:s23], $0x2800  }
0x9c: {  	[sflag:s23] =	ssyncset.done $0x0  }
0x9d: {  	[sflag:s23] =	ssyncadd.s32 $0xFFFFD800  }
0x9e: {  	[tilespmem:s25], [sflag:$0x1] =	stream.indirect.gather [hbm4b:s4+s24], $0x80, s3, s24, $0xb8;
	[tilespmem:$0x1E140] =	vst v63  }
0x9f: {  	s7 =	simm.s32 $0x80  }
0xa0: {  	[tilespmem:s26], [sflag:$0x2] =	stream.indirect.gather [hbm4b:s4+s24], $0x80, s7, s24, $0xb8;
	[tilespmem:$0x1E140] =	vst v63  }
0xa1: {  	_ =	swait.ge [sflag:s28], $0x4000  }
0xa2: {  	[sflag:s28] =	ssyncset.done $0x0  }
0xa3: {  	s9 =	simm.s32 $0x1400;
	[sflag:s28] =	ssyncadd.s32 $0xFFFFC000  }
0xa4: {  	[spmem:s2] =	stream.indirect.scatter.add.f32 [tilespmem:s25], [sflag:$0x3], $0x80, s9, s24, $0xb8;
	[tilespmem:$0x1E140] =	vst v63  }
0xa5: {  	_ =	swait.ge [sflag:s23], $0x4000  }
0xa6: {  	[sflag:s23] =	ssyncset.done $0x0  }
0xa7: {  	s10 =	simm.s32 $0x100;
	[sflag:s23] =	ssyncadd.s32 $0xFFFFC000  }
0xa8: {  	[tilespmem:s25], [sflag:$0x1] =	stream.indirect.gather [hbm4b:s4+s24], $0x80, s10, s24, $0xb8;
	[tilespmem:$0x1E140] =	vst v63  }
0xa9: {  	_ =	swait.ge [sflag:s29], $0x4000  }
0xaa: {  	[sflag:s29] =	ssyncset.done $0x0  }
0xab: {  	s11 =	simm.s32 $0x1480;
	[sflag:s29] =	ssyncadd.s32 $0xFFFFC000  }
0xac: {  	[spmem:s2] =	stream.indirect.scatter.add.f32 [tilespmem:s26], [sflag:$0x3], $0x80, s11, s24, $0xb8;
	[tilespmem:$0x1E140] =	vst v63  }
0xad: {  	_ =	swait.ge [sflag:s23], $0x4000  }
0xae: {  	s6 =	simm.s32 $0x200;
	s7 =	simm.s32 $0xC00;
	[sflag:s23] =	ssyncset.done $0x0  }
.LBB2_6:
0xaf: {  	s9 =	sadd.s32 $0xFFFFFF80, s6  }
0xb0: {  	[sflag:s23] =	ssyncadd.s32 $0xFFFFC000;
	s10 =	smov.u32 s7;
	s11 =	sadd.s32 $0x400, s7  }
0xb1: {  	[tilespmem:s26], [sflag:$0x2] =	stream.indirect.gather [hbm4b:s4+s24], $0x80, s9, s24, $0xb8;
	[tilespmem:$0x1E140] =	vst v63  }
0xb2: {  	p1 =	sne.s32 s7, $0x4C00;
	_ =	swait.ge [sflag:s28], $0x4000  }
0xb3: {  	[sflag:s28] =	ssyncset.done $0x0  }
0xb4: {  	s7 =	sadd.s32 $0x1300, s6;
	[sflag:s28] =	ssyncadd.s32 $0xFFFFC000  }
0xb5: {  	[spmem:s2] =	stream.indirect.scatter.add.f32 [tilespmem:s25], [sflag:$0x3], $0x80, s7, s24, $0xb8;
	[tilespmem:$0x1E140] =	vst v63  }
0xb6: {  	_ =	swait.ge [sflag:s23], $0x4000  }
0xb7: {  	[sflag:s23] =	ssyncset.done $0x0  }
0xb8: {  	[sflag:s23] =	ssyncadd.s32 $0xFFFFC000  }
0xb9: {  	[tilespmem:s25], [sflag:$0x1] =	stream.indirect.gather [hbm4b:s4+s24], $0x80, s6, s24, $0xb8;
	[tilespmem:$0x1E140] =	vst v63  }
0xba: {  	_ =	swait.ge [sflag:s29], $0x4000  }
.Ltmp2:
0xbb: {  	[sflag:s29] =	ssyncset.done $0x0;
	(pc) =	sbr.rel @p1 .LBB2_6-.Ltmp2, $4  }
0xbc: {  	s6 =	sadd.s32 $0x1380, s6;
	[sflag:s29] =	ssyncadd.s32 $0xFFFFC000  }
0xbd: {  	[spmem:s2] =	stream.indirect.scatter.add.f32 [tilespmem:s26], [sflag:$0x3], $0x80, s6, s24, $0xb8;
	[tilespmem:$0x1E140] =	vst v63  }
0xbe: {  	_ =	swait.ge [sflag:s23], $0x4000  }
0xbf: {  	s7 =	smov.u32 s11;
	s6 =	sshra.s32 s10, $0x2;
	[sflag:s23] =	ssyncset.done $0x0  }
0xc0: {  	s7 =	sadd.s32 $0xFFFFFF80, s6;
	[sflag:s23] =	ssyncadd.s32 $0xFFFFC000  }
0xc1: {  	[tilespmem:s26], [sflag:$0x2] =	stream.indirect.gather [hbm4b:s4+s24], $0x80, s7, s24, $0xb8;
	[tilespmem:$0x1E140] =	vst v63  }
0xc2: {  	_ =	swait.ge [sflag:s28], $0x4000  }
0xc3: {  	[sflag:s28] =	ssyncset.done $0x0  }
0xc4: {  	s10 =	sadd.s32 $0x1300, s6;
	[sflag:s28] =	ssyncadd.s32 $0xFFFFC000  }
0xc5: {  	[spmem:s2] =	stream.indirect.scatter.add.f32 [tilespmem:s25], [sflag:$0x3], $0x80, s10, s24, $0xb8;
	[tilespmem:$0x1E140] =	vst v63  }
0xc6: {  	_ =	swait.ge [sflag:s23], $0x4000  }
0xc7: {  	[sflag:s23] =	ssyncset.done $0x0  }
0xc8: {  	[sflag:s23] =	ssyncadd.s32 $0xFFFFC000  }
0xc9: {  	[tilespmem:s25], [sflag:$0x1] =	stream.indirect.gather [hbm4b:s4+s24], $0x80, s6, s24, $0xb8;
	[tilespmem:$0x1E140] =	vst v63  }
0xca: {  	_ =	swait.ge [sflag:s29], $0x4000  }
0xcb: {  	[sflag:s29] =	ssyncset.done $0x0  }
0xcc: {  	s11 =	sadd.s32 $0x1380, s6;
	[sflag:s29] =	ssyncadd.s32 $0xFFFFC000  }
0xcd: {  	[spmem:s2] =	stream.indirect.scatter.add.f32 [tilespmem:s26], [sflag:$0x3], $0x80, s11, s24, $0xb8;
	[tilespmem:$0x1E140] =	vst v63  }
0xce: {  	_ =	swait.ge [sflag:s23], $0x4000  }
0xcf: {  	[sflag:s23] =	ssyncset.done $0x0  }
0xd0: {  	[sflag:s23] =	ssyncadd.s32 $0xFFFFC000  }
0xd1: {  	[tilespmem:s26], [sflag:$0x2] =	stream.indirect.gather [hbm4b:s4+s24], $0x80, s30, s24, $0xb8;
	[tilespmem:$0x1E140] =	vst v63  }
0xd2: {  	_ =	swait.ge [sflag:s28], $0x4000  }
0xd3: {  	[sflag:s28] =	ssyncset.done $0x0  }
0xd4: {  	[sflag:s28] =	ssyncadd.s32 $0xFFFFC000  }
0xd5: {  	[spmem:s2] =	stream.indirect.scatter.add.f32 [tilespmem:s25], [sflag:$0x3], $0x80, s31, s24, $0xb8;
	[tilespmem:$0x1E140] =	vst v63  }
0xd6: {  	_ =	swait.ge [sflag:s23], $0x4000  }
0xd7: {  	[sflag:s23] =	ssyncset.done $0x0  }
0xd8: {  	[sflag:s23] =	ssyncadd.s32 $0xFFFFC000  }
0xd9: {  	_ =	swait.ge [sflag:s29], $0x4000  }
0xda: {  	[sflag:s29] =	ssyncset.done $0x0  }
0xdb: {  	[sflag:s29] =	ssyncadd.s32 $0xFFFFC000  }
0xdc: {  	[spmem:s2] =	stream.indirect.scatter.add.f32 [tilespmem:s26], [sflag:$0x3], $0x80, s0, s24, $0xb8;
	[tilespmem:$0x1E140] =	vst v63  }
0xdd: {  	_ =	swait.ge [sflag:s23], $0x4000  }
0xde: {  	[sflag:s23] =	ssyncset.done $0x0  }
0xdf: {  	[sflag:s23] =	ssyncadd.s32 $0xFFFFC000  }
0xe0: {  	s7 =	simm.s32 @p0 $0x1FC3;
	s6 =	sshrl.u32 @p0 s8, $0x3;
	[bflag:$0x0] =	sbarrier.arrive $0xFFFF  }
0xe1: {  	[hbm:s19], [sflag:s7] =	dma.local @p0 [spmem:s6], $0x2980  }
0xe2: {  	s6 =	simm.s32 @p0 $0x3  }
0xe3: {  	s1 =	sadd.s32 $0x1, s1;
	s7 =	stileid.u32;
	_ =	swait.ge @p0 [sflag:s6], $0x2980  }
0xe4: {  	p1 =	sne.s32 s1, s20;
	s7 =	sshll.u32 @!p0 s7, $0x6;
	[sflag:s6] =	ssyncset.done @p0 $0x0  }
0xe5: {  	[sflag:s6] =	ssyncadd.s32 @p0 $0xFFFFD680;
	s6 =	sor.u32 @!p0 $0x1C03, s7;
	s7 =	sshrl.u32 @!p0 s5, $0x3  }
0xe6: {  	[hbm:s18], [sflag:s6] =	dma.local @!p0 [spmem:s7], $0x2700  }
.Ltmp3:
0xe7: {  	_ = 	snop;
	(pc) =	sbr.rel @p1 .LBB2_1-.Ltmp3, $4  }
0xe8: {  	s6 =	simm.s32 @!p0 $0x3  }
0xe9: {  	_ =	swait.ge @!p0 [sflag:s6], $0x2700  }
0xea: {  	[sflag:s6] =	ssyncset.done @!p0 $0x0  }
0xeb: {  	[sflag:s6] =	ssyncadd.s32 @!p0 $0xFFFFD900  }
0xec: {  	_ =	sfence.sel $0x180000  }
0xed: {  	[bflag:$0x0] =	sbarrier.arrive $0xFFFF  }
0xee: {  	_ =	strace $0x9000004D  }
0xef: {  	s0 =	stileid.u32;
	[bflag:$0x2] =	sbarrier.arrive $0xFFFF  }
0xf0: {  	p0 =	sne.s32 s0, $0x0;
	s0 =	rddreg [dreg:$0x2]  }
0xf1: {  	s0 =	sadd.s32 @!p0 $0x100000, s0  }
0xf2: {  	[sflag:s0] =	ssyncadd.tile.s32 @!p0 $0x1;
	_ =	shalt  }
.Lfunc_end2:
_tile_overlayer_lowered:
.L_overlay_start_2:
0xf3: {  	(tag) =	ssettag $0x2  }
0xf4: {  	s0 =	rddreg [dreg:$0x0];
	s2 =	stileid.u32  }
0xf5: {  	s1 =	rddreg [dreg:$0x1];
	p0 =	sne.s32 s2, $0x0  }
0xf6: {  	s3 =	rddreg [dreg:$0x2];
	[bflag:$0x3] =	sbarrier.arrive $0xFFFF;
	s2 =	simm.s32 @!p0 $0x1C03  }
0xf7: {  	[timem:s3], [sflag:s2] =	dma.local @!p0 [hbm:s0], s1  }
0xf8: {  	s0 =	simm.s32 @!p0 $0x3  }
0xf9: {  	_ =	swait.ge @!p0 [sflag:s0], s1  }
0xfa: {  	s1 =	ssub.s32 @!p0 $0x0, s1;
	[sflag:s0] =	ssyncset.done @!p0 $0x0  }
0xfb: {  	[sflag:s0] =	ssyncadd.s32 @!p0 s1  }
0xfc: {  	[bflag:$0x3] =	sbarrier.arrive $0xFFFF  }
0xfd: {  	_ =	shalt  }

// kernel: kernel.8.cloned.1.call-start
scs
__scs_entry_jumppad:
0x0: {  	(pc) =	sbr.rel $0x88, $3  }
0x1: {  	(tag) =	ssettag $0x0;
	lr =	simm.s32 $0x1  }
0x2: {  	[smem:$0x3F8C] =	sst lr;
	_ =	strace $0xD0000000  }
0x3: {  	_ = 	snop  }
0x4: {  	_ = 	snop  }
0x5: {  	_ = 	snop  }
0x6: {  	_ = 	snop  }
0x7: {  	_ = 	snop  }
__scs_overlays_trampoline_lowered:
0x8: {  	[smem:$0x3F9B] =	sst s0  }
0x9: {  	[smem:$0x3F9C] =	sst s1  }
0xa: {  	[smem:$0x3F9D] =	sst s2  }
0xb: {  	[smem:$0x3F9E] =	sst s3  }
0xc: {  	[smem:$0x3F9F] =	sst s4  }
0xd: {  	[smem:$0x3FA0] =	sst s5  }
0xe: {  	[smem:$0x3FA1] =	sst s6  }
0xf: {  	[smem:$0x3FA2] =	sst s7  }
0x10: {  	[smem:$0x3FA3] =	sst s8  }
0x11: {  	[smem:$0x3FA4] =	sst s9;
	s0 =	simm.s32 @!p0 $0x0  }
0x12: {  	s1 =	sld [smem:$0x3F8A];
	s0 =	simm.s32 @p0 $0x1  }
0x13: {  	[smem:$0x3FA5] =	sst s0;
	s0 =	simm.s32 @!p1 $0x0  }
0x14: {  	s2 =	sld [smem:$0x3F89];
	s0 =	simm.s32 @p1 $0x1  }
0x15: {  	[smem:$0x3FA6] =	sst s0;
	s0 =	simm.s32 @!p2 $0x0  }
0x16: {  	s3 =	sld [smem:$0x3FDB];
	s0 =	simm.s32 @p2 $0x1  }
0x17: {  	s4 =	simm.s32 $0x1BF5;
	[smem:$0x3FA8] =	sst s0  }
0x18: {  	s0 =	sld [smem:$0x3F8B];
	_ =	swait.ge [sflag:s4], $0x0  }
0x19: {  	s7 =	sld [smem:$0x3F8C]  }
0x1a: {  	s8 =	sadd.s32 $0xFFFFE003, lr  }
0x1b: {  	s9 =	sadd.s32 $0xFFFFFEF7, lr;
	s5 =	simm.s32 $0xFFFFFFFF;
	p2 =	slt.u32 s8, $0xFFFFF086  }
0x1c: {  	p1 =	slt.u32 s9, $0xF7A;
	s5 =	simm.s32 @!p2 $0x0  }
0x1d: {  	s5 =	simm.s32 @p1 $0x1;
	p0 =	seq.s32 s7, s2  }
0x1e: {  	s7 =	smul.u32 @!p0 $0xF7A, s2;
	p2 =	seq.s32 @!p0 s5, $0x0  }
0x1f: {  	s9 =	smul.u32 $0xF7A, s1;
	s8 =	simm.s32 @!p0 $0x1BF5;
	p2 =	por !p2, p0  }
0x20: {  	[sflag:s8] =	ssyncset.s32 @!p0 $0xFFFFF086;
	s6 =	sadd.s32 @!p0 s3, s7;
	s7 =	simm.s32 @!p0 $0x108  }
0x21: {  	s3 =	sadd.s32 s3, s9;
	s6 =	sadd.s32 @!p0 $0x88, s6;
	s7 =	simm.s32 @p2 $0x1082  }
0x22: {  	[simem:s7], [sflag:s8] =	dma.local @!p0 [hbm:s6], $0xF7A  }
0x23: {  	s9 =	sor.u32 $0xD0000000, s2;
	s6 =	simm.s32 $0x108;
	_ =	swait.ge @!p0 [sflag:s8], $0x0  }
0x24: {  	s3 =	sadd.s32 $0x88, s3;
	s6 =	simm.s32 @!p1 $0x1082;
	[sflag:s4] =	ssyncset.s32 $0xFFFFF086  }
0x25: {  	[simem:s6], [sflag:s4] =	dma.local [hbm:s3], $0xF7A  }
0x26: {  	[smem:$0x3F8C] =	sst s1;
	(tag) =	ssettag s2;
	_ =	strace s9  }
0x27: {  	s1 =	sld [smem:$0x3F9C]  }
0x28: {  	s2 =	sld [smem:$0x3F9D]  }
0x29: {  	s4 =	sld [smem:$0x3F9F]  }
0x2a: {  	p0 =	seq.s32 s5, $0x0;
	s5 =	sld [smem:$0x3FA0]  }
0x2b: {  	s6 =	sld [smem:$0x3FA1]  }
0x2c: {  	s7 =	sld [smem:$0x3FA2]  }
0x2d: {  	s3 =	simm.s32 $0x108;
	s8 =	sld [smem:$0x3FA3]  }
0x2e: {  	s3 =	simm.s32 @!p0 $0x1082;
	s9 =	sld [smem:$0x3FA4]  }
0x2f: {  	lr =	sadd.s32 s0, s3;
	s0 =	sld [smem:$0x3F9B]  }
0x30: {  	s3 =	sld [smem:$0x3F9E]  }
0x31: {  	[smem:$0x3FA7] =	sst s10  }
0x32: {  	s10 =	sld [smem:$0x3FA5];
	_ =	sdelay $0x3  }
0x33: {  	p0 =	seq.s32 s10, $0x1;
	s10 =	sld [smem:$0x3FA7];
	_ =	sdelay $0x3  }
0x34: {  	[smem:$0x3FA7] =	sst s10  }
0x35: {  	s10 =	sld [smem:$0x3FA6];
	_ =	sdelay $0x3  }
0x36: {  	p1 =	seq.s32 s10, $0x1;
	s10 =	sld [smem:$0x3FA7];
	_ =	sdelay $0x3  }
0x37: {  	[smem:$0x3FA7] =	sst s10  }
0x38: {  	s10 =	sld [smem:$0x3FA8]  }
0x39: {  	_ = 	snop;
	(pc) =	sbr.ind lr, $3  }
0x3a: {  	_ = 	snop  }
0x3b: {  	_ = 	snop  }
0x3c: {  	p2 =	seq.s32 s10, $0x1;
	s10 =	sld [smem:$0x3FA7]  }
0x3d: {  	_ =	shalt  }
0x3e: {  	_ =	shalt  }
0x3f: {  	_ =	shalt  }
0x40: {  	_ =	shalt  }
0x41: {  	_ =	shalt  }
0x42: {  	_ =	shalt  }
0x43: {  	_ =	shalt  }
0x44: {  	_ =	shalt  }
0x45: {  	_ =	shalt  }
0x46: {  	_ =	shalt  }
0x47: {  	_ =	shalt  }
0x48: {  	_ =	shalt  }
0x49: {  	_ =	shalt  }
0x4a: {  	_ =	shalt  }
0x4b: {  	_ =	shalt  }
0x4c: {  	_ =	shalt  }
0x4d: {  	_ =	shalt  }
0x4e: {  	_ =	shalt  }
0x4f: {  	_ =	shalt  }
0x50: {  	_ =	shalt  }
0x51: {  	_ =	shalt  }
0x52: {  	_ =	shalt  }
0x53: {  	_ =	shalt  }
0x54: {  	_ =	shalt  }
0x55: {  	_ =	shalt  }
0x56: {  	_ =	shalt  }
0x57: {  	_ =	shalt  }
0x58: {  	_ =	shalt  }
0x59: {  	_ =	shalt  }
0x5a: {  	_ =	shalt  }
0x5b: {  	_ =	shalt  }
0x5c: {  	_ =	shalt  }
0x5d: {  	_ =	shalt  }
0x5e: {  	_ =	shalt  }
0x5f: {  	_ =	shalt  }
0x60: {  	_ =	shalt  }
0x61: {  	_ =	shalt  }
0x62: {  	_ =	shalt  }
0x63: {  	_ =	shalt  }
0x64: {  	_ =	shalt  }
0x65: {  	_ =	shalt  }
0x66: {  	_ =	shalt  }
0x67: {  	_ =	shalt  }
0x68: {  	_ =	shalt  }
0x69: {  	_ =	shalt  }
0x6a: {  	_ =	shalt  }
0x6b: {  	_ =	shalt  }
0x6c: {  	_ =	shalt  }
0x6d: {  	_ =	shalt  }
0x6e: {  	_ =	shalt  }
0x6f: {  	_ =	shalt  }
0x70: {  	_ =	shalt  }
0x71: {  	_ =	shalt  }
0x72: {  	_ =	shalt  }
0x73: {  	_ =	shalt  }
0x74: {  	_ =	shalt  }
0x75: {  	_ =	shalt  }
0x76: {  	_ =	shalt  }
0x77: {  	_ =	shalt  }
0x78: {  	_ =	shalt  }
0x79: {  	_ =	shalt  }
0x7a: {  	_ =	shalt  }
0x7b: {  	_ =	shalt  }
0x7c: {  	_ =	shalt  }
0x7d: {  	_ =	shalt  }
0x7e: {  	_ =	shalt  }
0x7f: {  	_ =	shalt  }
0x80: {  	_ =	shalt  }
0x81: {  	_ =	shalt  }
0x82: {  	_ =	shalt  }
0x83: {  	_ =	shalt  }
0x84: {  	_ =	shalt  }
0x85: {  	_ =	shalt  }
0x86: {  	_ =	shalt  }
0x87: {  	_ =	shalt  }
.Lfunc_end0:
.L_simem_size_0:
called_computation_lowered:
.L_overlay_start_0:
0x88: {  	s2 =	sld [smem:$0x3FD9]  }
0x89: {  	s3 =	sld [smem:$0x3FFE];
	_ =	sdelay $0x1  }
0x8a: {  	s1 =	srdreg.scid  }
0x8b: {  	s0 =	sand.u32 $0x1, s1  }
0x8c: {  	s17 =	sshll.u32 s0, $0xA;
	s2 =	sadd.s32 s3, s2  }
0x8d: {  	s2 =	sadd.s32 s2, s17  }
0x8e: {  	[smem:$0x3FB3] =	sst s2  }
0x8f: {  	_ = 	snop  }
0x90: {  	s2 =	sld [smem:$0x3FC9];
	(tm) =	ssettm $0x1  }
0x91: {  	s18 =	sld [smem:$0x3FFB];
	_ =	sdelay $0x3  }
0x92: {  	_ =	strace s18  }
0x93: {  	s3 =	sld [smem:$0x3FFC];
	_ =	sdelay $0x3  }
0x94: {  	_ =	strace s3  }
0x95: {  	s3 =	sld [smem:$0x3FFD];
	_ =	sdelay $0x3  }
0x96: {  	_ =	strace s3  }
0x97: {  	_ =	strace $0x8FFFFFFF  }
0x98: {  	s19 =	sld [smem:$0x3FDB];
	_ =	sdelay $0x1  }
0x99: {  	s4 =	simm.s32 $_scs_section_size  }
0x9a: {  	s5 =	simm.s32 $_size__tile_overlayer_lowered;
	s6 =	simm.s32 $_tile_overlayer_lowered  }
0x9b: {  	s22 =	simm.s32 $0x1BFF;
	s21 =	sshll.u32 s6, $0x1;
	s3 =	sadd.s32 s4, s19  }
0x9c: {  	s7 =	simm.s32 $0x0;
	s20 =	sshll.u32 s5, $0x1;
	s5 =	sadd.s32 s21, s3  }
0x9d: {  	[timem:s7], [sflag:s22] =	dma.local [hbm:s5], s20  }
0x9e: {  	_ =	swait.ge [sflag:s22], s20  }
0x9f: {  	s4 =	ssub.s32 $0x0, s20;
	[sflag:s22] =	ssyncset.done $0x0  }
0xa0: {  	[sflag:s22] =	ssyncadd.s32 s4;
	_ =	sdelay $0x1  }
0xa1: {  	s23 =	simm.s32 $0x1B8B  }
0xa2: {  	_ =	swait.ge [sflag:s23], $0x1  }
0xa3: {  	[sflag:s23] =	ssyncset.done $0x0  }
0xa4: {  	s25 =	simm.s32 $0x1B8E;
	s24 =	sld [smem:$0x3FFE];
	[sflag:s23] =	ssyncadd.s32 $0xFFFFFFFF  }
0xa5: {  	s26 =	simm.s32 $execute0_lowered;
	[smem:$0x3FD2] =	sst s25  }
0xa6: {  	s5 =	sshll.u32 s26, $0x1;
	_ =	strace $0x80000046;
	[dreg:$0x1] =	wrdreg $0xFFFFFFFF  }
0xa7: {  	s28 =	simm.s32 $_size_execute0_lowered;
	s3 =	sadd.s32 s3, s5;
	[dreg:$0x0] =	wrdreg $0x0  }
0xa8: {  	s5 =	sshll.u32 s28, $0x1;
	[dreg:$0x2] =	wrdreg s3  }
0xa9: {  	[dreg:$0x3] =	wrdreg s5  }
0xaa: {  	[dreg:$0x4] =	wrdreg $0xC0  }
0xab: {  	_ =	task [dreg:s7], $0x5FFFF  }
0xac: {  	[dreg:$0x1] =	wrdreg $0xFFFFFFFF  }
0xad: {  	[dreg:$0x0] =	wrdreg $0x60  }
0xae: {  	[dreg:$0x2] =	wrdreg s2  }
0xaf: {  	[dreg:$0x3] =	wrdreg s24  }
0xb0: {  	[dreg:$0x4] =	wrdreg $0xA8000  }
0xb1: {  	[dreg:$0x5] =	wrdreg $0x9  }
0xb2: {  	_ =	task.clear_ibuf [dreg:s7], $0x6FFFF;
	_ =	strace $0x90000046  }
0xb3: {  	s29 =	simm.s32 $0x9;
	_ =	strace $0x80000048  }
0xb4: {  	_ =	swait.ge [sflag:s29], $0x1  }
0xb5: {  	[sflag:s29] =	ssyncadd.s32 $0xFFFFFFFF  }
0xb6: {  	_ =	strace $0x90000048  }
0xb7: {  	_ =	sfence  }
0xb8: {  	s30 =	sld [smem:$0x0];
	_ =	sdelay $0x2  }
0xb9: {  	s31 =	sshll.u32 s1, $0xD;
	s1 =	sshrl.u32 s1, $0x2  }
0xba: {  	s3 =	sand.u32 $0x4000, s31;
	s1 =	sadd.s32 s1, s30  }
0xbb: {  	s0 =	sor.u32 s3, s0;
	s1 =	sshll.u32 s1, $0x11  }
0xbc: {  	s0 =	sor.u32 s1, s0  }
0xbd: {  	s0 =	sadd.s32 $0x8F2B, s0  }
0xbe: {  	[sflag:s0] =	ssyncadd.remote.s32 $0x1  }
0xbf: {  	_ =	sfence.sel $0xFFFF  }
0xc0: {  	[dreg:$0x0] =	wrdreg $0xFFFFFFFF;
	(pc) =	sbr.abs _section_cstart, $3  }
0xc1: {  	[dreg:$0x1] =	wrdreg $0xFFFFFFFF  }
0xc2: {  	_ =	task.clear_ibuf [dreg:s7], $0x2FFFF;
	_ =	strace $0x9FFFFFFF  }
0xc3: {  	(tm) =	ssettm $0x7FFFFFFF  }
tec
execute0_lowered:
.L_overlay_start_1:
0x0: {  	(tag) =	ssettag $0x1  }
0x1: {  	s1 =	rddreg [dreg:$0x0]  }
0x2: {  	s0 =	rddreg [dreg:$0x1]  }
0x3: {  	s3 =	rddreg [dreg:$0x2];
	s4 =	simm.s32 $0x0;
	s9 =	stileid.u32  }
0x4: {  	s5 =	srdreg.scid;
	s21 =	simm.s32 $0x1400;
	s28 =	simm.s32 $0x1  }
0x5: {  	s29 =	simm.s32 $0x2;
	s30 =	simm.s32 $0x1380;
	s31 =	simm.s32 $0x2700  }
0x6: {  	[smem:$0x7FF] =	sst s4;
	s2 =	smul.u32 $0x4E000, s9;
	s6 =	sadd.s32 $0x4000, s0  }
0x7: {  	s0 =	sadd.s32 $0x18000, s0;
	s7 =	sand.u32 $0x1, s5;
	s25 =	sadd.s32 $0x128800, s3  }
0x8: {  	s8 =	sshll.u32 s9, $0x1;
	s26 =	sadd.s32 $0x12C800, s3;
	s13 =	sadd.s32 $0x130800, s3  }
0x9: {  	s18 =	smul.u32 $0x13800, s9;
	s15 =	sadd.s32 $0x138800, s3;
	p0 =	seq.s32 s9, $0xF  }
0xa: {  	_ =	strace $0x80000047;
	s22 =	ssub.s32 $0x2, s7;
	[dreg:$0x7] =	wrdreg s25  }
0xb: {  	s11 =	sor.u32 s7, s8;
	s8 =	sadd.s32 $0x124800, s3;
	[dreg:$0x8] =	wrdreg s26  }
0xc: {  	s7 =	smul.u32 $0x139400, s7;
	s25 =	simm.s32 $0x2800;
	s26 =	simm.s32 $0x6800  }
0xd: {  	s2 =	sshrl.u32 s2, $0x2;
	s16 =	smul.u32 $0x500, s11;
	s14 =	sshrl.u32 s22, $0x1  }
0xe: {  	s17 =	smul.u32 $0x2800, s11;
	s5 =	sadd.s32 s2, s3;
	s2 =	ssub.s32 s22, s14  }
0xf: {  	s14 =	sadd.s32 $0x134800, s3;
	s18 =	sadd.s32 s18, s7;
	s7 =	sshrl.u32 s7, $0x3  }
0x10: {  	s22 =	simm.s32 $0x50000;
	s23 =	sadd.s32 $0x4000, s5;
	s24 =	sadd.s32 $0x8000, s5  }
0x11: {  	s10 =	sadd.s32 $0xC000, s5;
	s12 =	sadd.s32 $0x10000, s5;
	s16 =	sadd.s32 s6, s16  }
0x12: {  	s17 =	sshrl.u32 s17, $0x3;
	s18 =	sshrl.u32 s18, $0x3;
	[dreg:$0x4] =	wrdreg s23  }
0x13: {  	s20 =	smax.u32 s2, $0x1;
	s2 =	simm.s32 $0x0;
	[dreg:$0x5] =	wrdreg s24  }
0x14: {  	[dreg:$0x6] =	wrdreg s10;
	s6 =	sadd.s32 s6, s17;
	s18 =	sadd.s32 s0, s18  }
0x15: {  	s0 =	sadd.s32 s0, s7;
	s23 =	simm.s32 $0x3;
	s24 =	simm.s32 $0x80  }
0x16: {  	v0 =	vimm.f32 $0.0e+00;
	s17 =	sadd.s32 $0x280, s6;
	s19 =	sadd.s32 $0x24900, s0;
	s0 =	simm.s32 $0x2780  }
.LBB2_1:
0x17: {  	s6 =	simm.s32 $0x0;
	s7 =	simm.s32 $0x200  }
.LBB2_2:
0x18: {  	p1 =	sne.s32 s7, $0xFE00;
	[tilespmem:s6+$0x2870] =	vst v0  }
0x19: {  	[tilespmem:s6+$0x2800] =	vst v0  }
0x1a: {  	[tilespmem:s6+$0x2810] =	vst v0  }
.Ltmp0:
0x1b: {  	[tilespmem:s6+$0x2820] =	vst v0;
	(pc) =	sbr.rel @p1 .LBB2_2-.Ltmp0, $4  }
0x1c: {  	[tilespmem:s6+$0x2830] =	vst v0  }
0x1d: {  	[tilespmem:s6+$0x2840] =	vst v0  }
0x1e: {  	[tilespmem:s6+$0x2850] =	vst v0  }
0x1f: {  	[tilespmem:s6+$0x2860] =	vst v0;
	s6 =	sshra.s32 s7, $0x2;
	s7 =	sadd.s32 $0x200, s7  }
0x20: {  	[tilespmem:s6+$0x2870] =	vst v0  }
0x21: {  	[tilespmem:s6+$0x2800] =	vst v0  }
0x22: {  	[tilespmem:s6+$0x2810] =	vst v0  }
0x23: {  	[tilespmem:s6+$0x2820] =	vst v0  }
0x24: {  	[tilespmem:s6+$0x2830] =	vst v0  }
0x25: {  	[tilespmem:s6+$0x2840] =	vst v0  }
0x26: {  	[tilespmem:s6+$0x2850] =	vst v0  }
0x27: {  	[tilespmem:s6+$0x2860] =	vst v0;
	s6 =	simm.s32 @p0 $0x2800;
	s7 =	simm.s32 @p0 $0x3  }
0x28: {  	[spmem:s8] =	stream.linear.scatter @p0 [tilespmem:s6], [sflag:$0x3], $0x4000, $0x38;
	[tilespmem:$0x1E140] =	vst v63  }
0x29: {  	_ =	swait.ge @p0 [sflag:s7], $0x4000  }
0x2a: {  	[sflag:s7] =	ssyncset.done @p0 $0x0  }
0x2b: {  	s9 =	rddreg [dreg:$0x7];
	[sflag:s7] =	ssyncadd.s32 @p0 $0xFFFFC000  }
0x2c: {  	[spmem:s9] =	stream.linear.scatter @p0 [tilespmem:s6], [sflag:$0x3], $0x4000, $0x38;
	[tilespmem:$0x1E140] =	vst v63  }
0x2d: {  	_ =	swait.ge @p0 [sflag:s7], $0x4000  }
0x2e: {  	[sflag:s7] =	ssyncset.done @p0 $0x0  }
0x2f: {  	s9 =	rddreg [dreg:$0x8];
	[sflag:s7] =	ssyncadd.s32 @p0 $0xFFFFC000  }
0x30: {  	[spmem:s9] =	stream.linear.scatter @p0 [tilespmem:s6], [sflag:$0x3], $0x4000, $0x38;
	[tilespmem:$0x1E140] =	vst v63  }
0x31: {  	_ =	swait.ge @p0 [sflag:s7], $0x4000  }
0x32: {  	[sflag:s7] =	ssyncset.done @p0 $0x0  }
0x33: {  	[sflag:s7] =	ssyncadd.s32 @p0 $0xFFFFC000  }
0x34: {  	[spmem:s13] =	stream.linear.scatter @p0 [tilespmem:s6], [sflag:$0x3], $0x4000, $0x38;
	[tilespmem:$0x1E140] =	vst v63  }
0x35: {  	_ =	swait.ge @p0 [sflag:s7], $0x4000  }
0x36: {  	[sflag:s7] =	ssyncset.done @p0 $0x0  }
0x37: {  	[sflag:s7] =	ssyncadd.s32 @p0 $0xFFFFC000  }
0x38: {  	[spmem:s14] =	stream.linear.scatter @p0 [tilespmem:s6], [sflag:$0x3], $0x4000, $0x38;
	[tilespmem:$0x1E140] =	vst v63  }
0x39: {  	_ =	swait.ge @p0 [sflag:s7], $0x4000  }
0x3a: {  	[sflag:s7] =	ssyncset.done @p0 $0x0  }
0x3b: {  	[sflag:s7] =	ssyncadd.s32 @p0 $0xFFFFC000  }
0x3c: {  	[spmem:s15] =	stream.linear.scatter @p0 [tilespmem:s6], [sflag:$0x3], $0xC00, $0x38;
	[tilespmem:$0x1E140] =	vst v63  }
0x3d: {  	_ =	swait.ge @p0 [sflag:s7], $0xC00  }
0x3e: {  	[sflag:s7] =	ssyncset.done @p0 $0x0  }
0x3f: {  	s6 =	simm.s32 @!p0 $0x2800;
	[sflag:s7] =	ssyncadd.s32 @p0 $0xFFFFF400;
	s7 =	simm.s32 @!p0 $0x3  }
0x40: {  	[spmem:s5] =	stream.linear.scatter @!p0 [tilespmem:s6], [sflag:$0x3], $0x4000, $0x38;
	[tilespmem:$0x1E140] =	vst v63  }
0x41: {  	_ =	swait.ge @!p0 [sflag:s7], $0x4000  }
0x42: {  	[sflag:s7] =	ssyncset.done @!p0 $0x0  }
0x43: {  	s9 =	rddreg [dreg:$0x4];
	[sflag:s7] =	ssyncadd.s32 @!p0 $0xFFFFC000  }
0x44: {  	[spmem:s9] =	stream.linear.scatter @!p0 [tilespmem:s6], [sflag:$0x3], $0x4000, $0x38;
	[tilespmem:$0x1E140] =	vst v63  }
0x45: {  	_ =	swait.ge @!p0 [sflag:s7], $0x4000  }
0x46: {  	[sflag:s7] =	ssyncset.done @!p0 $0x0  }
0x47: {  	s9 =	rddreg [dreg:$0x5];
	[sflag:s7] =	ssyncadd.s32 @!p0 $0xFFFFC000  }
0x48: {  	[spmem:s9] =	stream.linear.scatter @!p0 [tilespmem:s6], [sflag:$0x3], $0x4000, $0x38;
	[tilespmem:$0x1E140] =	vst v63  }
0x49: {  	_ =	swait.ge @!p0 [sflag:s7], $0x4000  }
0x4a: {  	[sflag:s7] =	ssyncset.done @!p0 $0x0  }
0x4b: {  	s9 =	rddreg [dreg:$0x6];
	[sflag:s7] =	ssyncadd.s32 @!p0 $0xFFFFC000  }
0x4c: {  	[spmem:s9] =	stream.linear.scatter @!p0 [tilespmem:s6], [sflag:$0x3], $0x4000, $0x38;
	[tilespmem:$0x1E140] =	vst v63  }
0x4d: {  	_ =	swait.ge @!p0 [sflag:s7], $0x4000  }
0x4e: {  	[sflag:s7] =	ssyncset.done @!p0 $0x0  }
0x4f: {  	[sflag:s7] =	ssyncadd.s32 @!p0 $0xFFFFC000  }
0x50: {  	[spmem:s12] =	stream.linear.scatter @!p0 [tilespmem:s6], [sflag:$0x3], $0x3800, $0x38;
	[tilespmem:$0x1E140] =	vst v63  }
0x51: {  	_ =	swait.ge @!p0 [sflag:s7], $0x3800  }
0x52: {  	[sflag:s7] =	ssyncset.done @!p0 $0x0  }
0x53: {  	[sflag:s7] =	ssyncadd.s32 @!p0 $0xFFFFC800  }
0x54: {  	[tilespmem:s4], [sflag:$0x3] =	stream.strided.gather [hbm4b:s16+s21], $0x2800, s22, s21, $0x38;
	[tilespmem:$0x1E140] =	vst v63  }
0x55: {  	_ =	swait.ge [sflag:s23], $0x2800  }
0x56: {  	[sflag:s23] =	ssyncset.done $0x0  }
0x57: {  	[sflag:s23] =	ssyncadd.s32 $0xFFFFD800  }
0x58: {  	[tilespmem:s25], [sflag:$0x1] =	stream.indirect.gather [hbm4b:s1+s24], $0x80, s4, s24, $0xb8;
	[tilespmem:$0x1E140] =	vst v63  }
0x59: {  	s7 =	simm.s32 $0x80;
	[bflag:$0x0] =	sbarrier.arrive $0xFFFF  }
0x5a: {  	[tilespmem:s26], [sflag:$0x2] =	stream.indirect.gather [hbm4b:s1+s24], $0x80, s7, s24, $0xb8;
	[tilespmem:$0x1E140] =	vst v63  }
0x5b: {  	_ =	swait.ge [sflag:s28], $0x4000  }
0x5c: {  	[sflag:s28] =	ssyncset.done $0x0  }
0x5d: {  	s9 =	simm.s32 $0x1400;
	[sflag:s28] =	ssyncadd.s32 $0xFFFFC000  }
0x5e: {  	[spmem:s3] =	stream.indirect.scatter.add.f32 [tilespmem:s25], [sflag:$0x3], $0x80, s9, s24, $0xb8;
	[tilespmem:$0x1E140] =	vst v63  }
0x5f: {  	_ =	swait.ge [sflag:s23], $0x4000  }
0x60: {  	[sflag:s23] =	ssyncset.done $0x0  }
0x61: {  	s10 =	simm.s32 $0x100;
	[sflag:s23] =	ssyncadd.s32 $0xFFFFC000  }
0x62: {  	[tilespmem:s25], [sflag:$0x1] =	stream.indirect.gather [hbm4b:s1+s24], $0x80, s10, s24, $0xb8;
	[tilespmem:$0x1E140] =	vst v63  }
0x63: {  	_ =	swait.ge [sflag:s29], $0x4000  }
0x64: {  	[sflag:s29] =	ssyncset.done $0x0  }
0x65: {  	s11 =	simm.s32 $0x1480;
	[sflag:s29] =	ssyncadd.s32 $0xFFFFC000  }
0x66: {  	[spmem:s3] =	stream.indirect.scatter.add.f32 [tilespmem:s26], [sflag:$0x3], $0x80, s11, s24, $0xb8;
	[tilespmem:$0x1E140] =	vst v63  }
0x67: {  	_ =	swait.ge [sflag:s23], $0x4000  }
0x68: {  	s6 =	simm.s32 $0x200;
	s7 =	simm.s32 $0xC00;
	[sflag:s23] =	ssyncset.done $0x0  }
.LBB2_4:
0x69: {  	s9 =	sadd.s32 $0xFFFFFF80, s6  }
0x6a: {  	[sflag:s23] =	ssyncadd.s32 $0xFFFFC000;
	s10 =	smov.u32 s7;
	s11 =	sadd.s32 $0x400, s7  }
0x6b: {  	[tilespmem:s26], [sflag:$0x2] =	stream.indirect.gather [hbm4b:s1+s24], $0x80, s9, s24, $0xb8;
	[tilespmem:$0x1E140] =	vst v63  }
0x6c: {  	p1 =	sne.s32 s7, $0x4C00;
	_ =	swait.ge [sflag:s28], $0x4000  }
0x6d: {  	[sflag:s28] =	ssyncset.done $0x0  }
0x6e: {  	s7 =	sadd.s32 $0x1300, s6;
	[sflag:s28] =	ssyncadd.s32 $0xFFFFC000  }
0x6f: {  	[spmem:s3] =	stream.indirect.scatter.add.f32 [tilespmem:s25], [sflag:$0x3], $0x80, s7, s24, $0xb8;
	[tilespmem:$0x1E140] =	vst v63  }
0x70: {  	_ =	swait.ge [sflag:s23], $0x4000  }
0x71: {  	[sflag:s23] =	ssyncset.done $0x0  }
0x72: {  	[sflag:s23] =	ssyncadd.s32 $0xFFFFC000  }
0x73: {  	[tilespmem:s25], [sflag:$0x1] =	stream.indirect.gather [hbm4b:s1+s24], $0x80, s6, s24, $0xb8;
	[tilespmem:$0x1E140] =	vst v63  }
0x74: {  	_ =	swait.ge [sflag:s29], $0x4000  }
.Ltmp1:
0x75: {  	[sflag:s29] =	ssyncset.done $0x0;
	(pc) =	sbr.rel @p1 .LBB2_4-.Ltmp1, $4  }
0x76: {  	s6 =	sadd.s32 $0x1380, s6;
	[sflag:s29] =	ssyncadd.s32 $0xFFFFC000  }
0x77: {  	[spmem:s3] =	stream.indirect.scatter.add.f32 [tilespmem:s26], [sflag:$0x3], $0x80, s6, s24, $0xb8;
	[tilespmem:$0x1E140] =	vst v63  }
0x78: {  	_ =	swait.ge [sflag:s23], $0x4000  }
0x79: {  	s7 =	smov.u32 s11;
	s6 =	sshra.s32 s10, $0x2;
	[sflag:s23] =	ssyncset.done $0x0  }
0x7a: {  	s7 =	sadd.s32 $0xFFFFFF80, s6;
	[sflag:s23] =	ssyncadd.s32 $0xFFFFC000  }
0x7b: {  	[tilespmem:s26], [sflag:$0x2] =	stream.indirect.gather [hbm4b:s1+s24], $0x80, s7, s24, $0xb8;
	[tilespmem:$0x1E140] =	vst v63  }
0x7c: {  	_ =	swait.ge [sflag:s28], $0x4000  }
0x7d: {  	[sflag:s28] =	ssyncset.done $0x0  }
0x7e: {  	s10 =	sadd.s32 $0x1300, s6;
	[sflag:s28] =	ssyncadd.s32 $0xFFFFC000  }
0x7f: {  	[spmem:s3] =	stream.indirect.scatter.add.f32 [tilespmem:s25], [sflag:$0x3], $0x80, s10, s24, $0xb8;
	[tilespmem:$0x1E140] =	vst v63  }
0x80: {  	_ =	swait.ge [sflag:s23], $0x4000  }
0x81: {  	[sflag:s23] =	ssyncset.done $0x0  }
0x82: {  	[sflag:s23] =	ssyncadd.s32 $0xFFFFC000  }
0x83: {  	[tilespmem:s25], [sflag:$0x1] =	stream.indirect.gather [hbm4b:s1+s24], $0x80, s6, s24, $0xb8;
	[tilespmem:$0x1E140] =	vst v63  }
0x84: {  	_ =	swait.ge [sflag:s29], $0x4000  }
0x85: {  	[sflag:s29] =	ssyncset.done $0x0  }
0x86: {  	s11 =	sadd.s32 $0x1380, s6;
	[sflag:s29] =	ssyncadd.s32 $0xFFFFC000  }
0x87: {  	[spmem:s3] =	stream.indirect.scatter.add.f32 [tilespmem:s26], [sflag:$0x3], $0x80, s11, s24, $0xb8;
	[tilespmem:$0x1E140] =	vst v63  }
0x88: {  	_ =	swait.ge [sflag:s23], $0x4000  }
0x89: {  	[sflag:s23] =	ssyncset.done $0x0  }
0x8a: {  	[sflag:s23] =	ssyncadd.s32 $0xFFFFC000  }
0x8b: {  	[tilespmem:s26], [sflag:$0x2] =	stream.indirect.gather [hbm4b:s1+s24], $0x80, s30, s24, $0xb8;
	[tilespmem:$0x1E140] =	vst v63  }
0x8c: {  	_ =	swait.ge [sflag:s28], $0x4000  }
0x8d: {  	[sflag:s28] =	ssyncset.done $0x0  }
0x8e: {  	[sflag:s28] =	ssyncadd.s32 $0xFFFFC000  }
0x8f: {  	[spmem:s3] =	stream.indirect.scatter.add.f32 [tilespmem:s25], [sflag:$0x3], $0x80, s31, s24, $0xb8;
	[tilespmem:$0x1E140] =	vst v63  }
0x90: {  	_ =	swait.ge [sflag:s23], $0x4000  }
0x91: {  	[sflag:s23] =	ssyncset.done $0x0  }
0x92: {  	[sflag:s23] =	ssyncadd.s32 $0xFFFFC000  }
0x93: {  	_ =	swait.ge [sflag:s29], $0x4000  }
0x94: {  	[sflag:s29] =	ssyncset.done $0x0  }
0x95: {  	[sflag:s29] =	ssyncadd.s32 $0xFFFFC000  }
0x96: {  	[spmem:s3] =	stream.indirect.scatter.add.f32 [tilespmem:s26], [sflag:$0x3], $0x80, s0, s24, $0xb8;
	[tilespmem:$0x1E140] =	vst v63  }
0x97: {  	_ =	swait.ge [sflag:s23], $0x4000  }
0x98: {  	[sflag:s23] =	ssyncset.done $0x0  }
0x99: {  	[sflag:s23] =	ssyncadd.s32 $0xFFFFC000  }
0x9a: {  	[tilespmem:s4], [sflag:$0x3] =	stream.strided.gather [hbm4b:s17+s21], $0x2800, s22, s21, $0x38;
	[tilespmem:$0x1E140] =	vst v63  }
0x9b: {  	_ =	swait.ge [sflag:s23], $0x2800  }
0x9c: {  	[sflag:s23] =	ssyncset.done $0x0  }
0x9d: {  	[sflag:s23] =	ssyncadd.s32 $0xFFFFD800  }
0x9e: {  	[tilespmem:s25], [sflag:$0x1] =	stream.indirect.gather [hbm4b:s1+s24], $0x80, s4, s24, $0xb8;
	[tilespmem:$0x1E140] =	vst v63  }
0x9f: {  	s7 =	simm.s32 $0x80  }
0xa0: {  	[tilespmem:s26], [sflag:$0x2] =	stream.indirect.gather [hbm4b:s1+s24], $0x80, s7, s24, $0xb8;
	[tilespmem:$0x1E140] =	vst v63  }
0xa1: {  	_ =	swait.ge [sflag:s28], $0x4000  }
0xa2: {  	[sflag:s28] =	ssyncset.done $0x0  }
0xa3: {  	s9 =	simm.s32 $0x1400;
	[sflag:s28] =	ssyncadd.s32 $0xFFFFC000  }
0xa4: {  	[spmem:s3] =	stream.indirect.scatter.add.f32 [tilespmem:s25], [sflag:$0x3], $0x80, s9, s24, $0xb8;
	[tilespmem:$0x1E140] =	vst v63  }
0xa5: {  	_ =	swait.ge [sflag:s23], $0x4000  }
0xa6: {  	[sflag:s23] =	ssyncset.done $0x0  }
0xa7: {  	s10 =	simm.s32 $0x100;
	[sflag:s23] =	ssyncadd.s32 $0xFFFFC000  }
0xa8: {  	[tilespmem:s25], [sflag:$0x1] =	stream.indirect.gather [hbm4b:s1+s24], $0x80, s10, s24, $0xb8;
	[tilespmem:$0x1E140] =	vst v63  }
0xa9: {  	_ =	swait.ge [sflag:s29], $0x4000  }
0xaa: {  	[sflag:s29] =	ssyncset.done $0x0  }
0xab: {  	s11 =	simm.s32 $0x1480;
	[sflag:s29] =	ssyncadd.s32 $0xFFFFC000  }
0xac: {  	[spmem:s3] =	stream.indirect.scatter.add.f32 [tilespmem:s26], [sflag:$0x3], $0x80, s11, s24, $0xb8;
	[tilespmem:$0x1E140] =	vst v63  }
0xad: {  	_ =	swait.ge [sflag:s23], $0x4000  }
0xae: {  	s6 =	simm.s32 $0x200;
	s7 =	simm.s32 $0xC00;
	[sflag:s23] =	ssyncset.done $0x0  }
.LBB2_6:
0xaf: {  	s9 =	sadd.s32 $0xFFFFFF80, s6  }
0xb0: {  	[sflag:s23] =	ssyncadd.s32 $0xFFFFC000;
	s10 =	smov.u32 s7;
	s11 =	sadd.s32 $0x400, s7  }
0xb1: {  	[tilespmem:s26], [sflag:$0x2] =	stream.indirect.gather [hbm4b:s1+s24], $0x80, s9, s24, $0xb8;
	[tilespmem:$0x1E140] =	vst v63  }
0xb2: {  	p1 =	sne.s32 s7, $0x4C00;
	_ =	swait.ge [sflag:s28], $0x4000  }
0xb3: {  	[sflag:s28] =	ssyncset.done $0x0  }
0xb4: {  	s7 =	sadd.s32 $0x1300, s6;
	[sflag:s28] =	ssyncadd.s32 $0xFFFFC000  }
0xb5: {  	[spmem:s3] =	stream.indirect.scatter.add.f32 [tilespmem:s25], [sflag:$0x3], $0x80, s7, s24, $0xb8;
	[tilespmem:$0x1E140] =	vst v63  }
0xb6: {  	_ =	swait.ge [sflag:s23], $0x4000  }
0xb7: {  	[sflag:s23] =	ssyncset.done $0x0  }
0xb8: {  	[sflag:s23] =	ssyncadd.s32 $0xFFFFC000  }
0xb9: {  	[tilespmem:s25], [sflag:$0x1] =	stream.indirect.gather [hbm4b:s1+s24], $0x80, s6, s24, $0xb8;
	[tilespmem:$0x1E140] =	vst v63  }
0xba: {  	_ =	swait.ge [sflag:s29], $0x4000  }
.Ltmp2:
0xbb: {  	[sflag:s29] =	ssyncset.done $0x0;
	(pc) =	sbr.rel @p1 .LBB2_6-.Ltmp2, $4  }
0xbc: {  	s6 =	sadd.s32 $0x1380, s6;
	[sflag:s29] =	ssyncadd.s32 $0xFFFFC000  }
0xbd: {  	[spmem:s3] =	stream.indirect.scatter.add.f32 [tilespmem:s26], [sflag:$0x3], $0x80, s6, s24, $0xb8;
	[tilespmem:$0x1E140] =	vst v63  }
0xbe: {  	_ =	swait.ge [sflag:s23], $0x4000  }
0xbf: {  	s7 =	smov.u32 s11;
	s6 =	sshra.s32 s10, $0x2;
	[sflag:s23] =	ssyncset.done $0x0  }
0xc0: {  	s7 =	sadd.s32 $0xFFFFFF80, s6;
	[sflag:s23] =	ssyncadd.s32 $0xFFFFC000  }
0xc1: {  	[tilespmem:s26], [sflag:$0x2] =	stream.indirect.gather [hbm4b:s1+s24], $0x80, s7, s24, $0xb8;
	[tilespmem:$0x1E140] =	vst v63  }
0xc2: {  	_ =	swait.ge [sflag:s28], $0x4000  }
0xc3: {  	[sflag:s28] =	ssyncset.done $0x0  }
0xc4: {  	s10 =	sadd.s32 $0x1300, s6;
	[sflag:s28] =	ssyncadd.s32 $0xFFFFC000  }
0xc5: {  	[spmem:s3] =	stream.indirect.scatter.add.f32 [tilespmem:s25], [sflag:$0x3], $0x80, s10, s24, $0xb8;
	[tilespmem:$0x1E140] =	vst v63  }
0xc6: {  	_ =	swait.ge [sflag:s23], $0x4000  }
0xc7: {  	[sflag:s23] =	ssyncset.done $0x0  }
0xc8: {  	[sflag:s23] =	ssyncadd.s32 $0xFFFFC000  }
0xc9: {  	[tilespmem:s25], [sflag:$0x1] =	stream.indirect.gather [hbm4b:s1+s24], $0x80, s6, s24, $0xb8;
	[tilespmem:$0x1E140] =	vst v63  }
0xca: {  	_ =	swait.ge [sflag:s29], $0x4000  }
0xcb: {  	[sflag:s29] =	ssyncset.done $0x0  }
0xcc: {  	s11 =	sadd.s32 $0x1380, s6;
	[sflag:s29] =	ssyncadd.s32 $0xFFFFC000  }
0xcd: {  	[spmem:s3] =	stream.indirect.scatter.add.f32 [tilespmem:s26], [sflag:$0x3], $0x80, s11, s24, $0xb8;
	[tilespmem:$0x1E140] =	vst v63  }
0xce: {  	_ =	swait.ge [sflag:s23], $0x4000  }
0xcf: {  	[sflag:s23] =	ssyncset.done $0x0  }
0xd0: {  	[sflag:s23] =	ssyncadd.s32 $0xFFFFC000  }
0xd1: {  	[tilespmem:s26], [sflag:$0x2] =	stream.indirect.gather [hbm4b:s1+s24], $0x80, s30, s24, $0xb8;
	[tilespmem:$0x1E140] =	vst v63  }
0xd2: {  	_ =	swait.ge [sflag:s28], $0x4000  }
0xd3: {  	[sflag:s28] =	ssyncset.done $0x0  }
0xd4: {  	[sflag:s28] =	ssyncadd.s32 $0xFFFFC000  }
0xd5: {  	[spmem:s3] =	stream.indirect.scatter.add.f32 [tilespmem:s25], [sflag:$0x3], $0x80, s31, s24, $0xb8;
	[tilespmem:$0x1E140] =	vst v63  }
0xd6: {  	_ =	swait.ge [sflag:s23], $0x4000  }
0xd7: {  	[sflag:s23] =	ssyncset.done $0x0  }
0xd8: {  	[sflag:s23] =	ssyncadd.s32 $0xFFFFC000  }
0xd9: {  	_ =	swait.ge [sflag:s29], $0x4000  }
0xda: {  	[sflag:s29] =	ssyncset.done $0x0  }
0xdb: {  	[sflag:s29] =	ssyncadd.s32 $0xFFFFC000  }
0xdc: {  	[spmem:s3] =	stream.indirect.scatter.add.f32 [tilespmem:s26], [sflag:$0x3], $0x80, s0, s24, $0xb8;
	[tilespmem:$0x1E140] =	vst v63  }
0xdd: {  	_ =	swait.ge [sflag:s23], $0x4000  }
0xde: {  	[sflag:s23] =	ssyncset.done $0x0  }
0xdf: {  	[sflag:s23] =	ssyncadd.s32 $0xFFFFC000  }
0xe0: {  	s7 =	simm.s32 @p0 $0x1FC3;
	s6 =	sshrl.u32 @p0 s8, $0x3;
	[bflag:$0x0] =	sbarrier.arrive $0xFFFF  }
0xe1: {  	[hbm:s19], [sflag:s7] =	dma.local @p0 [spmem:s6], $0x2980  }
0xe2: {  	s6 =	simm.s32 @p0 $0x3  }
0xe3: {  	s2 =	sadd.s32 $0x1, s2;
	s7 =	stileid.u32;
	_ =	swait.ge @p0 [sflag:s6], $0x2980  }
0xe4: {  	p1 =	sne.s32 s2, s20;
	s7 =	sshll.u32 @!p0 s7, $0x6;
	[sflag:s6] =	ssyncset.done @p0 $0x0  }
0xe5: {  	[sflag:s6] =	ssyncadd.s32 @p0 $0xFFFFD680;
	s6 =	sor.u32 @!p0 $0x1C03, s7;
	s7 =	sshrl.u32 @!p0 s5, $0x3  }
0xe6: {  	[hbm:s18], [sflag:s6] =	dma.local @!p0 [spmem:s7], $0x2700  }
.Ltmp3:
0xe7: {  	_ = 	snop;
	(pc) =	sbr.rel @p1 .LBB2_1-.Ltmp3, $4  }
0xe8: {  	s6 =	simm.s32 @!p0 $0x3  }
0xe9: {  	_ =	swait.ge @!p0 [sflag:s6], $0x2700  }
0xea: {  	[sflag:s6] =	ssyncset.done @!p0 $0x0  }
0xeb: {  	[sflag:s6] =	ssyncadd.s32 @!p0 $0xFFFFD900  }
0xec: {  	_ =	sfence.sel $0x180000  }
0xed: {  	[bflag:$0x0] =	sbarrier.arrive $0xFFFF  }
0xee: {  	_ =	strace $0x90000047  }
0xef: {  	s0 =	stileid.u32;
	[bflag:$0x2] =	sbarrier.arrive $0xFFFF  }
0xf0: {  	p0 =	sne.s32 s0, $0x0;
	s0 =	rddreg [dreg:$0x3]  }
0xf1: {  	s0 =	sadd.s32 @!p0 $0x100000, s0  }
0xf2: {  	[sflag:s0] =	ssyncadd.tile.s32 @!p0 $0x1;
	_ =	shalt  }
.Lfunc_end2:
_tile_overlayer_lowered:
.L_overlay_start_2:
0xf3: {  	(tag) =	ssettag $0x2  }
0xf4: {  	s0 =	rddreg [dreg:$0x0];
	s2 =	stileid.u32  }
0xf5: {  	s1 =	rddreg [dreg:$0x1];
	p0 =	sne.s32 s2, $0x0  }
0xf6: {  	s3 =	rddreg [dreg:$0x2];
	[bflag:$0x3] =	sbarrier.arrive $0xFFFF;
	s2 =	simm.s32 @!p0 $0x1C03  }
0xf7: {  	[timem:s3], [sflag:s2] =	dma.local @!p0 [hbm:s0], s1  }
0xf8: {  	s0 =	simm.s32 @!p0 $0x3  }
0xf9: {  	_ =	swait.ge @!p0 [sflag:s0], s1  }
0xfa: {  	s1 =	ssub.s32 @!p0 $0x0, s1;
	[sflag:s0] =	ssyncset.done @!p0 $0x0  }
0xfb: {  	[sflag:s0] =	ssyncadd.s32 @!p0 s1  }
0xfc: {  	[bflag:$0x3] =	sbarrier.arrive $0xFFFF  }
0xfd: {  	_ =	shalt  }

</sc_bundles>
